<compile_context>
chip_gen: v7x
topology: tpu7x:2x2x1
jax: 0.10.2.dev20260603
libtpu: 0.0.44.dev20260713+nightly
codegen_flags: <defaults>
</compile_context>

<pallas_src>
import functools

import jax
import jax.numpy as jnp
from jax import lax
from jax.experimental import pallas as pl
from jax.experimental.pallas import tpu as pltpu
from jax.experimental.pallas import tpu_sc as plsc

N, C, T, V = 8, 128, 16, 1024
K = 32
O = 256
NV = N * V
NVK = N * V * K
_HI = lax.Precision.HIGHEST
_MINT = int(-2**31)


def _mean_proj_body(x_ref, w_ref, xm_ref, a_ref, b_ref):
    xv = x_ref[0]
    xm = jnp.sum(xv, axis=1) * (1.0 / T)
    xm_ref[0] = xm
    w1 = w_ref[:, :C]
    wd = w_ref[:, C:] - w1
    dn = (((0,), (1,)), ((), ()))
    a_ref[0] = lax.dot_general(xm, w1, dn, precision=_HI,
                               preferred_element_type=jnp.float32)
    b_ref[0] = lax.dot_general(xm, wd, dn, precision=_HI,
                               preferred_element_type=jnp.float32)


def _mean_proj(x, w, interpret=False):
    return pl.pallas_call(
        _mean_proj_body,
        grid=(N,),
        in_specs=[
            pl.BlockSpec((1, C, T, V), lambda n: (n, 0, 0, 0)),
            pl.BlockSpec((O, 2 * C), lambda n: (0, 0)),
        ],
        out_specs=[
            pl.BlockSpec((1, C, V), lambda n: (n, 0, 0)),
            pl.BlockSpec((1, V, O), lambda n: (n, 0, 0)),
            pl.BlockSpec((1, V, O), lambda n: (n, 0, 0)),
        ],
        out_shape=[
            jax.ShapeDtypeStruct((N, C, V), jnp.float32),
            jax.ShapeDtypeStruct((N, V, O), jnp.float32),
            jax.ShapeDtypeStruct((N, V, O), jnp.float32),
        ],
        interpret=interpret,
    )(x, w)


_VB = 256


def _score_body(lhs_ref, rhs_ref, p_ref):
    lhsv = lhs_ref[0]
    rhsv = rhs_ref[0]
    d = lax.dot_general(lhsv, rhsv, (((0,), (0,)), ((), ())),
                        preferred_element_type=jnp.float32)
    inner = -2.0 * d
    xxr = jnp.sum(rhsv * rhsv, axis=0, keepdims=True)
    ones = jnp.full((C, 1), 1.0, jnp.float32)
    xxc = lax.dot_general(lhsv * lhsv, ones, (((0,), (0,)), ((), ())),
                          precision=_HI,
                          preferred_element_type=jnp.float32)
    q = (-xxc) - inner - xxr
    u = lax.bitcast_convert_type(q, jnp.int32)
    skey = jnp.where(u >= 0, u, u ^ jnp.int32(0x7FFFFFFF))

    def bis_cond(carry):
        bi, prefix, done = carry
        return jnp.logical_and(bi < 32, jnp.min(done) < 1)

    def bis(carry):
        bi, prefix, done = carry
        bit = lax.shift_left(jnp.int32(1), jnp.int32(31) - bi)
        cand = prefix ^ bit
        cnt = jnp.sum((skey >= cand).astype(jnp.int32), axis=1,
                      keepdims=True)
        prefix = jnp.where(cnt >= K, cand, prefix)
        return (bi + 1, prefix, done | (cnt == K).astype(jnp.int32))

    _, prefix, _ = lax.while_loop(
        bis_cond, bis,
        (jnp.int32(0), jnp.full((_VB, 1), _MINT, jnp.int32),
         jnp.zeros((_VB, 1), jnp.int32)))
    uo = jnp.where(prefix >= 0, prefix, prefix ^ jnp.int32(0x7FFFFFFF))
    t = lax.bitcast_convert_type(uo, jnp.float32)
    p_ref[0] = q - t


def _score(xm, nn=N, interpret=False):
    return pl.pallas_call(
        _score_body,
        grid=(nn, V // _VB),
        in_specs=[
            pl.BlockSpec((1, C, _VB), lambda n, b: (n, 0, b)),
            pl.BlockSpec((1, C, V), lambda n, b: (n, 0, 0)),
        ],
        out_specs=pl.BlockSpec((1, _VB, V), lambda n, b: (n, b, 0)),
        out_shape=jax.ShapeDtypeStruct((nn, V, V), jnp.float32),
        interpret=interpret,
    )(xm, xm)


def _make_sc_body(rpw):
  def _sc_gather_body(p_hbm, a_hbm, out_hbm, cnt_hbm,
                    pb0, pb1, ib0, ib1, gb0, gb1, rb0, rb1, cb,
                    sp0, sp1, sg0, sg1, so0, so1):
    cid = lax.axis_index("c")
    sid = lax.axis_index("s")
    wid = sid * 2 + cid
    base = wid * rpw
    nbase = (base // V) * V
    lane = lax.iota(jnp.int32, 16)

    def extract(pb, ib):
        def chunk4(k4, cc):
            for u in range(8):
                ck = k4 * 8 + u
                pv = pb[pl.ds(ck * 16, 16)]
                m = pv >= 0.0
                mi = jnp.where(m, jnp.int32(1), jnp.int32(0))
                cs = plsc.cumsum(mi)
                pos = cs + (cc - 1)
                valid = jnp.logical_and(m, pos < K)
                vals = lane + (ck * 16 + nbase)
                plsc.store_scatter(ib, [pos], vals, mask=valid)
                cb[pl.ds(ck * 16, 16)] += jnp.where(valid, 1.0, 0.0)
                cc = cc + plsc.all_reduce_population_count(m)
            return cc
        lax.fori_loop(0, 8, chunk4, jnp.zeros((16,), jnp.int32))

    def reduce_rows(gb, rb):
        def ocol(oc, _):
            va = [gb[r, pl.ds(oc * 16, 16)] for r in range(K)]
            mxa, mxb = va[0], va[1]
            ssa, ssb = va[0], va[1]
            for r in range(2, K, 2):
                mxa = jnp.maximum(mxa, va[r])
                ssa = ssa + va[r]
                mxb = jnp.maximum(mxb, va[r + 1])
                ssb = ssb + va[r + 1]
            rb[0, pl.ds(oc * 16, 16)] = jnp.maximum(mxa, mxb)
            rb[1, pl.ds(oc * 16, 16)] = ssa + ssb
            return 0
        lax.fori_loop(0, 16, ocol, 0)

    def zc(i, _):
        cb[pl.ds(i * 16, 16)] = jnp.zeros((16,), jnp.float32)
        return 0
    lax.fori_loop(0, V // 16, zc, 0)
    pltpu.async_copy(p_hbm.at[base], pb0, sp0)
    pltpu.async_copy(p_hbm.at[base + 1], pb1, sp1)

    def pair(i, _):
        r0 = i * 2
        r1 = r0 + 1
        pltpu.make_async_copy(p_hbm.at[base], pb0, sp0).wait()
        extract(pb0, ib0)
        g0 = pltpu.async_copy(a_hbm.at[ib0], gb0, sg0)
        pltpu.async_copy(p_hbm.at[base + jnp.minimum(r0 + 2, rpw - 1)],
                         pb0, sp0)
        pltpu.make_async_copy(p_hbm.at[base], pb1, sp1).wait()
        extract(pb1, ib1)
        g1 = pltpu.async_copy(a_hbm.at[ib1], gb1, sg1)
        pltpu.async_copy(p_hbm.at[base + jnp.minimum(r1 + 2, rpw - 1)],
                         pb1, sp1)
        g0.wait()

        @pl.when(i > 0)
        def _():
            pltpu.make_async_copy(rb0, out_hbm.at[base], so0).wait()
        reduce_rows(gb0, rb0)
        pltpu.async_copy(rb0, out_hbm.at[base + r0], so0)
        g1.wait()

        @pl.when(i > 0)
        def _():
            pltpu.make_async_copy(rb1, out_hbm.at[base], so1).wait()
        reduce_rows(gb1, rb1)
        pltpu.async_copy(rb1, out_hbm.at[base + r1], so1)
        return 0

    lax.fori_loop(0, rpw // 2, pair, 0)
    pltpu.make_async_copy(rb0, out_hbm.at[base], so0).wait()
    pltpu.make_async_copy(rb1, out_hbm.at[base], so1).wait()
    pltpu.make_async_copy(p_hbm.at[base], pb0, sp0).wait()
    pltpu.make_async_copy(p_hbm.at[base], pb1, sp1).wait()
    pltpu.sync_copy(cb, cnt_hbm.at[wid])
  return _sc_gather_body


def _sc_gather(p, a):
    nv = p.shape[0]
    mesh = plsc.VectorSubcoreMesh(core_axis_name="c", subcore_axis_name="s")
    fn = functools.partial(
        pl.kernel,
        mesh=mesh,
        compiler_params=pltpu.CompilerParams(needs_layout_passes=False),
        out_type=[jax.ShapeDtypeStruct((nv, 2, O), jnp.float32),
                  jax.ShapeDtypeStruct((32, V), jnp.float32)],
        scratch_types=[
            pltpu.VMEM((V,), jnp.float32),
            pltpu.VMEM((V,), jnp.float32),
            pltpu.VMEM((K,), jnp.int32),
            pltpu.VMEM((K,), jnp.int32),
            pltpu.VMEM((K, O), jnp.float32),
            pltpu.VMEM((K, O), jnp.float32),
            pltpu.VMEM((2, O), jnp.float32),
            pltpu.VMEM((2, O), jnp.float32),
            pltpu.VMEM((V,), jnp.float32),
            pltpu.SemaphoreType.DMA,
            pltpu.SemaphoreType.DMA,
            pltpu.SemaphoreType.DMA,
            pltpu.SemaphoreType.DMA,
            pltpu.SemaphoreType.DMA,
            pltpu.SemaphoreType.DMA,
        ],
    )(_make_sc_body(nv // 32))
    return fn(p, a)


_SB = 1024


def _stats_body(o_ref, b_ref, a_ref, c_ref, st_ref):
    sv = o_ref[:, 1, :]
    bv = b_ref[...]
    av = a_ref[...]
    cw = jnp.sum(c_ref[0], axis=0, keepdims=True)
    sq = lax.dot_general(cw, av * av, (((1,), (0,)), ((), ())),
                         precision=_HI,
                         preferred_element_type=jnp.float32)
    parts = jnp.concatenate([
        jnp.sum(sv, axis=0, keepdims=True),
        sq,
        jnp.sum(sv * bv, axis=0, keepdims=True),
        jnp.sum(bv, axis=0, keepdims=True),
        jnp.sum(bv * bv, axis=0, keepdims=True),
    ], axis=0)
    val = jnp.broadcast_to(parts[:, None, :], (5, 8, O))

    @pl.when(pl.program_id(0) == 0)
    def _():
        st_ref[...] = jnp.zeros((5, 8, O), jnp.float32)
    st_ref[...] += val


def _stats(out4, bm, a, cnts, nn=N, interpret=False):
    wpn = 32 // nn
    return pl.pallas_call(
        _stats_body,
        grid=(nn,),
        in_specs=[
            pl.BlockSpec((_SB, 2, O), lambda g: (g, 0, 0)),
            pl.BlockSpec((_SB, O), lambda g: (g, 0)),
            pl.BlockSpec((_SB, O), lambda g: (g, 0)),
            pl.BlockSpec((1, wpn, V), lambda g: (g, 0, 0)),
        ],
        out_specs=pl.BlockSpec((5, 8, O), lambda g: (0, 0, 0)),
        out_shape=jax.ShapeDtypeStruct((5, 8, O), jnp.float32),
        interpret=interpret,
    )(out4, bm, a, cnts.reshape(nn, wpn, V))


_FB = 128


def _final_body(o_ref, b_ref, st_ref, st2_ref, g_ref, be_ref, out_ref):
    st = st_ref[:, 0, :] + st2_ref[:, 0, :]
    inv_cnt = 1.0 / NVK
    mean = (st[0:1] + K * st[3:4]) * inv_cnt
    ey2 = (st[1:2] + 2.0 * st[2:3] + K * st[4:5]) * inv_cnt
    var = ey2 - mean * mean
    inv = lax.rsqrt(var + 1e-5)
    scale = g_ref[...] * inv
    shift = be_ref[...] - mean * scale
    mx = o_ref[:, 0, :]
    ysel = mx + b_ref[...]
    z = ysel * scale + shift
    act = jnp.where(z >= 0.0, z, 0.2 * z)
    eye = (lax.broadcasted_iota(jnp.int32, (_FB, _FB), 0) ==
           lax.broadcasted_iota(jnp.int32, (_FB, _FB), 1)).astype(jnp.float32)
    act_t = lax.dot_general(act, eye, (((0,), (0,)), ((), ())),
                            precision=_HI,
                            preferred_element_type=jnp.float32)
    out_ref[0] = jnp.broadcast_to(act_t[:, None, :], (O, T, _FB))


def _final(out4, bm, st, st2, gamma, beta, interpret=False):
    nb = V // _FB
    return pl.pallas_call(
        _final_body,
        grid=(N, nb),
        in_specs=[
            pl.BlockSpec((_FB, 2, O), lambda n, b: (n * nb + b, 0, 0)),
            pl.BlockSpec((_FB, O), lambda n, b: (n * nb + b, 0)),
            pl.BlockSpec((5, 8, O), lambda n, b: (0, 0, 0)),
            pl.BlockSpec((5, 8, O), lambda n, b: (0, 0, 0)),
            pl.BlockSpec((1, O), lambda n, b: (0, 0)),
            pl.BlockSpec((1, O), lambda n, b: (0, 0)),
        ],
        out_specs=pl.BlockSpec((1, O, T, _FB), lambda n, b: (n, 0, 0, b)),
        out_shape=jax.ShapeDtypeStruct((N, O, T, V), jnp.float32),
        interpret=interpret,
    )(out4, bm, st, st2, gamma, beta)


def kernel(x, W, gamma, beta):
    xm, a, bm = _mean_proj(x, W)
    nh = N // 2
    nvh = nh * V
    bm_f = bm.reshape(NV, O)
    outs = []
    sts = []
    for h in range(2):
        xm_h = xm[h * nh:(h + 1) * nh]
        a_h = a[h * nh:(h + 1) * nh].reshape(nvh, O)
        bm_h = bm[h * nh:(h + 1) * nh].reshape(nvh, O)
        p_h = _score(xm_h, nn=nh)
        out_h, cnt_h = _sc_gather(p_h.reshape(nvh, V), a_h)
        sts.append(_stats(out_h, bm_h, a_h, cnt_h, nn=nh))
        outs.append(out_h)
    out2 = jnp.concatenate(outs, axis=0)
    return _final(out2, bm_f, sts[0], sts[1],
                  gamma.reshape(1, O), beta.reshape(1, O))

# --- scband reference (transcript-rebuilt; emitter-appended) ---
"""Pipeline reference for scband-edge-conv-11759620457199 (READ-ONLY COPY).

The authoritative reference and input builder live on the scoring server;
editing this copy changes nothing except your own understanding.
"""

import jax, jax.numpy as jnp
import numpy as np

K_NEIGHBORS = 32

def setup_inputs(seed: int = 0) -> dict:
    key = jax.random.key(seed)
    k1, k2 = jax.random.split(key, 2)
    x = jax.random.normal(k1, (8, 128, 16, 1024), dtype=jnp.float32)
    # Conv2d(256 -> 256, kernel 1x1, bias=False), kaiming_normal fan_out: std = sqrt(2 / fan_out), fan_out = out_channels * 1 * 1 = 256
    W = jax.random.normal(k2, (256, 256), dtype=jnp.float32) * np.sqrt(2.0 / 256.0)
    # BatchNorm2d affine params, init: weight=1, bias=0
    gamma = jnp.ones((256,), dtype=jnp.float32)
    beta = jnp.zeros((256,), dtype=jnp.float32)
    return {"x": x, "W": W, "gamma": gamma, "beta": beta}

def reference(x, W, gamma, beta):
    k = K_NEIGHBORS
    N, C, T, V = x.shape
    # mean over temporal dim
    xm = x.mean(axis=2)  # [N, C, V]
    # knn: pairwise negative squared distances, topk over last dim
    xx = jnp.sum(xm ** 2, axis=1, keepdims=True)  # [N, 1, V]
    inner = -2.0 * jnp.einsum('ncv,ncw->nvw', xm, xm)  # [N, V, V]
    pairwise = -xx - inner - jnp.swapaxes(xx, 1, 2)  # [N, V, V]
    _, idx = jax.lax.top_k(pairwise, k)  # [N, V, k] int32
    # gather graph feature
    x_t = jnp.swapaxes(xm, 1, 2)  # [N, V, C]
    feature = jax.vmap(lambda xt, id_: xt[id_])(x_t, idx)  # [N, V, k, C]
    center = jnp.broadcast_to(x_t[:, :, None, :], (N, V, k, C))
    feat = jnp.concatenate([feature - center, center], axis=3)  # [N, V, k, 2C]
    # 1x1 conv (bias=False) == matmul over channel dim -> [N, O, V, k]
    y = jnp.einsum('nvki,oi->novk', feat, W)
    # BatchNorm2d (training-mode batch statistics, biased variance), eps=1e-5
    mean = y.mean(axis=(0, 2, 3), keepdims=True)
    var = y.var(axis=(0, 2, 3), keepdims=True)
    yn = (y - mean) / jnp.sqrt(var + 1e-5)
    yn = yn * gamma[None, :, None, None] + beta[None, :, None, None]
    # LeakyReLU(0.2)
    ya = jnp.where(yn >= 0, yn, 0.2 * yn)
    # max over neighbors k
    out = ya.max(axis=-1)  # [N, O, V]
    # repeat over temporal dim T
    out = jnp.broadcast_to(out[:, :, None, :], (N, out.shape[1], T, V))
    return out

if __name__ == "__main__":
    import jax
    _d = setup_inputs()
    print(jax.jit(kernel)(*tuple(_d.values())))

</pallas_src>

<mosaic_0001>
#map = affine_map<(d0, d1) -> (0, 0)>
#map1 = affine_map<(d0, d1) -> (0, 0, 0)>
module attributes {stable_mosaic.version = 14 : i64} {
  func.func @_sc_gather_body(%arg0: i32, %arg1: i32, %arg2: memref<4096x1024xf32, #tpu.memory_space<hbm>>, %arg3: memref<4096x256xf32, #tpu.memory_space<hbm>>, %arg4: memref<4096x2x256xf32, #tpu.memory_space<hbm>>, %arg5: memref<32x1024xf32, #tpu.memory_space<hbm>>, %arg6: memref<1024xf32, #tpu.memory_space<vmem>>, %arg7: memref<1024xf32, #tpu.memory_space<vmem>>, %arg8: memref<32xi32, #tpu.memory_space<vmem>>, %arg9: memref<32xi32, #tpu.memory_space<vmem>>, %arg10: memref<32x256xf32, #tpu.memory_space<vmem>>, %arg11: memref<32x256xf32, #tpu.memory_space<vmem>>, %arg12: memref<2x256xf32, #tpu.memory_space<vmem>>, %arg13: memref<2x256xf32, #tpu.memory_space<vmem>>, %arg14: memref<1024xf32, #tpu.memory_space<vmem>>, %arg15: memref<!tpu.dma_semaphore, #tpu.memory_space<semaphore_mem>>, %arg16: memref<!tpu.dma_semaphore, #tpu.memory_space<semaphore_mem>>, %arg17: memref<!tpu.dma_semaphore, #tpu.memory_space<semaphore_mem>>, %arg18: memref<!tpu.dma_semaphore, #tpu.memory_space<semaphore_mem>>, %arg19: memref<!tpu.dma_semaphore, #tpu.memory_space<semaphore_mem>>, %arg20: memref<!tpu.dma_semaphore, #tpu.memory_space<semaphore_mem>>) attributes {dimension_semantics = [#tpu.dimension_semantics<core_parallel>, #tpu.dimension_semantics<subcore_parallel>], iteration_bounds = array<i64: 2, 16>, scalar_prefetch = 0 : i64, scratch_operands = 15 : i64, tpu.core_type = #tpu.core_type<sc_vector_subcore>, window_params = [{transform_indices = #map}, {transform_indices = #map}, {transform_indices = #map1}, {transform_indices = #map}]} {
    %mul3A = arith.constant 2 : i32
    %mul3A_0 = arith.muli %arg1, %mul3A : i32
    %add3A = arith.addi %mul3A_0, %arg0 : i32
    %mul3A_1 = arith.constant 128 : i32
    %mul3A_2 = arith.muli %add3A, %mul3A_1 : i32
    %jit3A = arith.constant 1024 : i32
    %div3A = arith.divsi %mul3A_2, %jit3A : i32
    %sign3A = arith.constant 0 : i32
    %sign3A_3 = arith.cmpi sgt, %mul3A_2, %sign3A : i32
    %sign3A_4 = arith.extui %sign3A_3 : i1 to i32
    %sign3A_5 = arith.constant 0 : i32
    %sign3A_6 = arith.cmpi slt, %mul3A_2, %sign3A_5 : i32
    %sign3A_7 = arith.extui %sign3A_6 : i1 to i32
    %sign3A_8 = arith.subi %sign3A_4, %sign3A_7 : i32
    %sign3A_9 = arith.constant 0 : i32
    %sign3A_10 = arith.cmpi sgt, %jit3A, %sign3A_9 : i32
    %sign3A_11 = arith.extui %sign3A_10 : i1 to i32
    %sign3A_12 = arith.constant 0 : i32
    %sign3A_13 = arith.cmpi slt, %jit3A, %sign3A_12 : i32
    %sign3A_14 = arith.extui %sign3A_13 : i1 to i32
    %sign3A_15 = arith.subi %sign3A_11, %sign3A_14 : i32
    %ne3A = arith.cmpi ne, %sign3A_8, %sign3A_15 : i32
    %rem3A = arith.remsi %mul3A_2, %jit3A : i32
    %ne3A_16 = arith.constant 0 : i32
    %ne3A_17 = arith.cmpi ne, %rem3A, %ne3A_16 : i32
    %and3A = arith.andi %ne3A, %ne3A_17 : i1
    %sub3A = arith.constant 1 : i32
    %sub3A_18 = arith.subi %div3A, %sub3A : i32
    %select_n3A = arith.select %and3A, %sub3A_18, %div3A : i32
    %mul3A_19 = arith.constant 1024 : i32
    %mul3A_20 = arith.muli %select_n3A, %mul3A_19 : i32
    %iota3A = tpu.iota {dimensions = array<i32: 0>} : vector<16xi32>
    %scan3A = arith.constant 0 : i32
    %scan3A_21 = arith.constant 0 : i32
    %scan3A_22 = arith.constant 64 : i32
    %scan3A_23 = arith.addi %scan3A_21, %scan3A_22 : i32
    %scan3A_24 = arith.constant 1 : i32
    %scan3A_25 = scf.for %scan3A_74 = %scan3A_21 to %scan3A_23 step %scan3A_24 iter_args(%scan3A_75 = %scan3A) -> (i32)  : i32 {
      %broadcast_in_dim3A = arith.constant 0.000000e+00 : f32
      %broadcast_in_dim3A_76 = vector.broadcast %broadcast_in_dim3A : f32 to vector<16xf32>
      %mul3A_77 = arith.constant 16 : i32
      %mul3A_78 = arith.muli %scan3A_74, %mul3A_77 : i32
      %swap3A = arith.index_cast %mul3A_78 : i32 to index
      %swap3A_79 = tpu.vector_load %arg14[%swap3A] {strides = array<i32>} : memref<1024xf32, #tpu.memory_space<vmem>>, vector<16xf32>,
      tpu.vector_store %arg14[%swap3A], %broadcast_in_dim3A_76 {strides = array<i32>} : memref<1024xf32, #tpu.memory_space<vmem>>, vector<16xf32>,
      %scan3A_80 = arith.constant 0 : i32
      scf.yield %scan3A_80 : i32
    }
    %scan3A_26 = arith.constant 64 : i32
    %dma_start3A = arith.constant 0 : i32
    %dma_start3A_27 = tpu.memref_slice %arg2[%mul3A_2, %dma_start3A] : memref<4096x1024xf32, #tpu.memory_space<hbm>> -> memref<1x1024xf32, #tpu.memory_space<hbm>>
    %dma_start3A_28 = tpu.memref_squeeze %dma_start3A_27 : memref<1x1024xf32, #tpu.memory_space<hbm>> -> memref<1024xf32, #tpu.memory_space<hbm>>
    %dma_start3A_29 = arith.constant 0 : i32
    %dma_start3A_30 = tpu.memref_slice %arg2[%mul3A_2, %dma_start3A_29] : memref<4096x1024xf32, #tpu.memory_space<hbm>> -> memref<1x1024xf32, #tpu.memory_space<hbm>>
    %dma_start3A_31 = tpu.memref_squeeze %dma_start3A_30 : memref<1x1024xf32, #tpu.memory_space<hbm>> -> memref<1024xf32, #tpu.memory_space<hbm>>
    tpu.enqueue_dma source(%dma_start3A_31 : memref<1024xf32, #tpu.memory_space<hbm>>) target(%arg6 : memref<1024xf32, #tpu.memory_space<vmem>>) target_semaphore(%arg15 : memref<!tpu.dma_semaphore, #tpu.memory_space<semaphore_mem>>)
    %add3A_32 = arith.constant 1 : i32
    %add3A_33 = arith.addi %mul3A_2, %add3A_32 : i32
    %dma_start3A_34 = arith.constant 0 : i32
    %dma_start3A_35 = tpu.memref_slice %arg2[%add3A_33, %dma_start3A_34] : memref<4096x1024xf32, #tpu.memory_space<hbm>> -> memref<1x1024xf32, #tpu.memory_space<hbm>>
    %dma_start3A_36 = tpu.memref_squeeze %dma_start3A_35 : memref<1x1024xf32, #tpu.memory_space<hbm>> -> memref<1024xf32, #tpu.memory_space<hbm>>
    %dma_start3A_37 = arith.constant 0 : i32
    %dma_start3A_38 = tpu.memref_slice %arg2[%add3A_33, %dma_start3A_37] : memref<4096x1024xf32, #tpu.memory_space<hbm>> -> memref<1x1024xf32, #tpu.memory_space<hbm>>
    %dma_start3A_39 = tpu.memref_squeeze %dma_start3A_38 : memref<1x1024xf32, #tpu.memory_space<hbm>> -> memref<1024xf32, #tpu.memory_space<hbm>>
    tpu.enqueue_dma source(%dma_start3A_39 : memref<1024xf32, #tpu.memory_space<hbm>>) target(%arg7 : memref<1024xf32, #tpu.memory_space<vmem>>) target_semaphore(%arg16 : memref<!tpu.dma_semaphore, #tpu.memory_space<semaphore_mem>>)
    %scan3A_40 = arith.constant 0 : i32
    %scan3A_41 = arith.constant 0 : i32
    %scan3A_42 = arith.constant 64 : i32
    %scan3A_43 = arith.addi %scan3A_41, %scan3A_42 : i32
    %scan3A_44 = arith.constant 1 : i32
    %scan3A_45 = scf.for %scan3A_74 = %scan3A_41 to %scan3A_43 step %scan3A_44 iter_args(%scan3A_75 = %scan3A_40) -> (i32)  : i32 {
      %mul3A_76 = arith.constant 2 : i32
      %mul3A_77 = arith.muli %scan3A_74, %mul3A_76 : i32
      %add3A_78 = arith.constant 1 : i32
      %add3A_79 = arith.addi %mul3A_77, %add3A_78 : i32
      %dma_wait3A_80 = arith.constant 0 : i32
      %dma_wait3A_81 = tpu.memref_slice %arg2[%mul3A_2, %dma_wait3A_80] : memref<4096x1024xf32, #tpu.memory_space<hbm>> -> memref<1x1024xf32, #tpu.memory_space<hbm>>
      %dma_wait3A_82 = tpu.memref_squeeze %dma_wait3A_81 : memref<1x1024xf32, #tpu.memory_space<hbm>> -> memref<1024xf32, #tpu.memory_space<hbm>>
      %dma_wait3A_83 = arith.constant 0 : i32
      %dma_wait3A_84 = tpu.memref_slice %arg2[%mul3A_2, %dma_wait3A_83] : memref<4096x1024xf32, #tpu.memory_space<hbm>> -> memref<1x1024xf32, #tpu.memory_space<hbm>>
      %dma_wait3A_85 = tpu.memref_squeeze %dma_wait3A_84 : memref<1x1024xf32, #tpu.memory_space<hbm>> -> memref<1024xf32, #tpu.memory_space<hbm>>
      tpu.wait_dma2 semaphore(%arg15 : memref<!tpu.dma_semaphore, #tpu.memory_space<semaphore_mem>>) src(%dma_wait3A_85 : memref<1024xf32, #tpu.memory_space<hbm>>) dst(%arg6 : memref<1024xf32, #tpu.memory_space<vmem>>)
      %broadcast_in_dim3A = arith.constant 0 : i32
      %broadcast_in_dim3A_86 = vector.broadcast %broadcast_in_dim3A : i32 to vector<16xi32>
      %scan3A_87 = arith.constant 0 : i32
      %scan3A_88 = arith.constant 8 : i32
      %scan3A_89 = arith.addi %scan3A_87, %scan3A_88 : i32
      %scan3A_90 = arith.constant 1 : i32
      %scan3A_91 = scf.for %scan3A_180 = %scan3A_87 to %scan3A_89 step %scan3A_90 iter_args(%scan3A_181 = %broadcast_in_dim3A_86) -> (vector<16xi32>)  : i32 {
        %mul3A_182 = arith.constant 8 : i32
        %mul3A_183 = arith.muli %scan3A_180, %mul3A_182 : i32
        %add3A_184 = arith.constant 0 : i32
        %add3A_185 = arith.addi %mul3A_183, %add3A_184 : i32
        %mul3A_186 = arith.constant 16 : i32
        %mul3A_187 = arith.muli %add3A_185, %mul3A_186 : i32
        %get3A = arith.index_cast %mul3A_187 : i32 to index
        %get3A_188 = tpu.vector_load %arg6[%get3A] {strides = array<i32>} : memref<1024xf32, #tpu.memory_space<vmem>>, vector<16xf32>,
        %ge3A = arith.constant 0.000000e+00 : f32
        %ge3A_189 = vector.broadcast %ge3A : f32 to vector<16xf32>
        %ge3A_190 = arith.cmpf oge, %get3A_188, %ge3A_189 : vector<16xf32>
        %jit3A_191 = arith.constant 1 : i32
        %jit3A_192 = arith.constant 0 : i32
        %broadcast_in_dim3A_193 = vector.broadcast %jit3A_191 : i32 to vector<16xi32>
        %broadcast_in_dim3A_194 = vector.broadcast %jit3A_192 : i32 to vector<16xi32>
        %select_n3A_195 = arith.select %ge3A_190, %broadcast_in_dim3A_193, %broadcast_in_dim3A_194 : vector<16xi1>, vector<16xi32>
        %broadcast_in_dim3A_196 = arith.constant true
        %broadcast_in_dim3A_197 = vector.broadcast %broadcast_in_dim3A_196 : i1 to vector<16xi1>
        %masked_cumsum3A = tpu.scan <sum>, %select_n3A_195 masked %broadcast_in_dim3A_197 : vector<16xi32>, vector<16xi1> -> vector<16xi32>
        %sub3A_198 = arith.constant 1 : i32
        %sub3A_199 = vector.broadcast %sub3A_198 : i32 to vector<16xi32>
        %sub3A_200 = arith.subi %scan3A_181, %sub3A_199 : vector<16xi32>
        %add3A_201 = arith.addi %masked_cumsum3A, %sub3A_200 : vector<16xi32>
        %lt3A = arith.constant 32 : i32
        %lt3A_202 = vector.broadcast %lt3A : i32 to vector<16xi32>
        %lt3A_203 = arith.cmpi slt, %add3A_201, %lt3A_202 : vector<16xi32>
        %and3A_204 = arith.andi %ge3A_190, %lt3A_203 : vector<16xi1>
        %mul3A_205 = arith.constant 16 : i32
        %mul3A_206 = arith.muli %add3A_185, %mul3A_205 : i32
        %add3A_207 = arith.addi %mul3A_206, %mul3A_20 : i32
        %add3A_208 = vector.broadcast %add3A_207 : i32 to vector<16xi32>
        %add3A_209 = arith.addi %iota3A, %add3A_208 : vector<16xi32>
        tpu.vector_store_idx %arg8[%add3A_201], %add3A_209 masked %and3A_204 : memref<32xi32, #tpu.memory_space<vmem>>[vector<16xi32>], vector<16xi32>, vector<16xi1>
        %mul3A_210 = arith.constant 16 : i32
        %mul3A_211 = arith.muli %add3A_185, %mul3A_210 : i32
        %get3A_212 = arith.index_cast %mul3A_211 : i32 to index
        %get3A_213 = tpu.vector_load %arg14[%get3A_212] {strides = array<i32>} : memref<1024xf32, #tpu.memory_space<vmem>>, vector<16xf32>,
        %jit3A_214 = arith.constant 1.000000e+00 : f32
        %jit3A_215 = arith.constant 0.000000e+00 : f32
        %broadcast_in_dim3A_216 = vector.broadcast %jit3A_214 : f32 to vector<16xf32>
        %broadcast_in_dim3A_217 = vector.broadcast %jit3A_215 : f32 to vector<16xf32>
        %select_n3A_218 = arith.select %and3A_204, %broadcast_in_dim3A_216, %broadcast_in_dim3A_217 : vector<16xi1>, vector<16xf32>
        %add3A_219 = arith.addf %get3A_213, %select_n3A_218 : vector<16xf32>
        %swap3A = arith.index_cast %mul3A_211 : i32 to index
        %swap3A_220 = tpu.vector_load %arg14[%swap3A] {strides = array<i32>} : memref<1024xf32, #tpu.memory_space<vmem>>, vector<16xf32>,
        tpu.vector_store %arg14[%swap3A], %add3A_219 {strides = array<i32>} : memref<1024xf32, #tpu.memory_space<vmem>>, vector<16xf32>,
        %all_reduce_population_count3A = tpu.all_reduce %ge3A_190 {dim = 0 : i64, kind = #tpu.reduction_kind<sum>} : vector<16xi1> -> vector<16xi32>
        %add3A_221 = arith.addi %scan3A_181, %all_reduce_population_count3A : vector<16xi32>
        %mul3A_222 = arith.constant 8 : i32
        %mul3A_223 = arith.muli %scan3A_180, %mul3A_222 : i32
        %add3A_224 = arith.constant 1 : i32
        %add3A_225 = arith.addi %mul3A_223, %add3A_224 : i32
        %mul3A_226 = arith.constant 16 : i32
        %mul3A_227 = arith.muli %add3A_225, %mul3A_226 : i32
        %get3A_228 = arith.index_cast %mul3A_227 : i32 to index
        %get3A_229 = tpu.vector_load %arg6[%get3A_228] {strides = array<i32>} : memref<1024xf32, #tpu.memory_space<vmem>>, vector<16xf32>,
        %ge3A_230 = arith.constant 0.000000e+00 : f32
        %ge3A_231 = vector.broadcast %ge3A_230 : f32 to vector<16xf32>
        %ge3A_232 = arith.cmpf oge, %get3A_229, %ge3A_231 : vector<16xf32>
        %jit3A_233 = arith.constant 1 : i32
        %jit3A_234 = arith.constant 0 : i32
        %broadcast_in_dim3A_235 = vector.broadcast %jit3A_233 : i32 to vector<16xi32>
        %broadcast_in_dim3A_236 = vector.broadcast %jit3A_234 : i32 to vector<16xi32>
        %select_n3A_237 = arith.select %ge3A_232, %broadcast_in_dim3A_235, %broadcast_in_dim3A_236 : vector<16xi1>, vector<16xi32>
        %broadcast_in_dim3A_238 = arith.constant true
        %broadcast_in_dim3A_239 = vector.broadcast %broadcast_in_dim3A_238 : i1 to vector<16xi1>
        %masked_cumsum3A_240 = tpu.scan <sum>, %select_n3A_237 masked %broadcast_in_dim3A_239 : vector<16xi32>, vector<16xi1> -> vector<16xi32>
        %sub3A_241 = arith.constant 1 : i32
        %sub3A_242 = vector.broadcast %sub3A_241 : i32 to vector<16xi32>
        %sub3A_243 = arith.subi %add3A_221, %sub3A_242 : vector<16xi32>
        %add3A_244 = arith.addi %masked_cumsum3A_240, %sub3A_243 : vector<16xi32>
        %lt3A_245 = arith.constant 32 : i32
        %lt3A_246 = vector.broadcast %lt3A_245 : i32 to vector<16xi32>
        %lt3A_247 = arith.cmpi slt, %add3A_244, %lt3A_246 : vector<16xi32>
        %and3A_248 = arith.andi %ge3A_232, %lt3A_247 : vector<16xi1>
        %mul3A_249 = arith.constant 16 : i32
        %mul3A_250 = arith.muli %add3A_225, %mul3A_249 : i32
        %add3A_251 = arith.addi %mul3A_250, %mul3A_20 : i32
        %add3A_252 = vector.broadcast %add3A_251 : i32 to vector<16xi32>
        %add3A_253 = arith.addi %iota3A, %add3A_252 : vector<16xi32>
        tpu.vector_store_idx %arg8[%add3A_244], %add3A_253 masked %and3A_248 : memref<32xi32, #tpu.memory_space<vmem>>[vector<16xi32>], vector<16xi32>, vector<16xi1>
        %mul3A_254 = arith.constant 16 : i32
        %mul3A_255 = arith.muli %add3A_225, %mul3A_254 : i32
        %get3A_256 = arith.index_cast %mul3A_255 : i32 to index
        %get3A_257 = tpu.vector_load %arg14[%get3A_256] {strides = array<i32>} : memref<1024xf32, #tpu.memory_space<vmem>>, vector<16xf32>,
        %jit3A_258 = arith.constant 1.000000e+00 : f32
        %jit3A_259 = arith.constant 0.000000e+00 : f32
        %broadcast_in_dim3A_260 = vector.broadcast %jit3A_258 : f32 to vector<16xf32>
        %broadcast_in_dim3A_261 = vector.broadcast %jit3A_259 : f32 to vector<16xf32>
        %select_n3A_262 = arith.select %and3A_248, %broadcast_in_dim3A_260, %broadcast_in_dim3A_261 : vector<16xi1>, vector<16xf32>
        %add3A_263 = arith.addf %get3A_257, %select_n3A_262 : vector<16xf32>
        %swap3A_264 = arith.index_cast %mul3A_255 : i32 to index
        %swap3A_265 = tpu.vector_load %arg14[%swap3A_264] {strides = array<i32>} : memref<1024xf32, #tpu.memory_space<vmem>>, vector<16xf32>,
        tpu.vector_store %arg14[%swap3A_264], %add3A_263 {strides = array<i32>} : memref<1024xf32, #tpu.memory_space<vmem>>, vector<16xf32>,
        %all_reduce_population_count3A_266 = tpu.all_reduce %ge3A_232 {dim = 0 : i64, kind = #tpu.reduction_kind<sum>} : vector<16xi1> -> vector<16xi32>
        %add3A_267 = arith.addi %add3A_221, %all_reduce_population_count3A_266 : vector<16xi32>
        %mul3A_268 = arith.constant 8 : i32
        %mul3A_269 = arith.muli %scan3A_180, %mul3A_268 : i32
        %add3A_270 = arith.constant 2 : i32
        %add3A_271 = arith.addi %mul3A_269, %add3A_270 : i32
        %mul3A_272 = arith.constant 16 : i32
        %mul3A_273 = arith.muli %add3A_271, %mul3A_272 : i32
        %get3A_274 = arith.index_cast %mul3A_273 : i32 to index
        %get3A_275 = tpu.vector_load %arg6[%get3A_274] {strides = array<i32>} : memref<1024xf32, #tpu.memory_space<vmem>>, vector<16xf32>,
        %ge3A_276 = arith.constant 0.000000e+00 : f32
        %ge3A_277 = vector.broadcast %ge3A_276 : f32 to vector<16xf32>
        %ge3A_278 = arith.cmpf oge, %get3A_275, %ge3A_277 : vector<16xf32>
        %jit3A_279 = arith.constant 1 : i32
        %jit3A_280 = arith.constant 0 : i32
        %broadcast_in_dim3A_281 = vector.broadcast %jit3A_279 : i32 to vector<16xi32>
        %broadcast_in_dim3A_282 = vector.broadcast %jit3A_280 : i32 to vector<16xi32>
        %select_n3A_283 = arith.select %ge3A_278, %broadcast_in_dim3A_281, %broadcast_in_dim3A_282 : vector<16xi1>, vector<16xi32>
        %broadcast_in_dim3A_284 = arith.constant true
        %broadcast_in_dim3A_285 = vector.broadcast %broadcast_in_dim3A_284 : i1 to vector<16xi1>
        %masked_cumsum3A_286 = tpu.scan <sum>, %select_n3A_283 masked %broadcast_in_dim3A_285 : vector<16xi32>, vector<16xi1> -> vector<16xi32>
        %sub3A_287 = arith.constant 1 : i32
        %sub3A_288 = vector.broadcast %sub3A_287 : i32 to vector<16xi32>
        %sub3A_289 = arith.subi %add3A_267, %sub3A_288 : vector<16xi32>
        %add3A_290 = arith.addi %masked_cumsum3A_286, %sub3A_289 : vector<16xi32>
        %lt3A_291 = arith.constant 32 : i32
        %lt3A_292 = vector.broadcast %lt3A_291 : i32 to vector<16xi32>
        %lt3A_293 = arith.cmpi slt, %add3A_290, %lt3A_292 : vector<16xi32>
        %and3A_294 = arith.andi %ge3A_278, %lt3A_293 : vector<16xi1>
        %mul3A_295 = arith.constant 16 : i32
        %mul3A_296 = arith.muli %add3A_271, %mul3A_295 : i32
        %add3A_297 = arith.addi %mul3A_296, %mul3A_20 : i32
        %add3A_298 = vector.broadcast %add3A_297 : i32 to vector<16xi32>
        %add3A_299 = arith.addi %iota3A, %add3A_298 : vector<16xi32>
        tpu.vector_store_idx %arg8[%add3A_290], %add3A_299 masked %and3A_294 : memref<32xi32, #tpu.memory_space<vmem>>[vector<16xi32>], vector<16xi32>, vector<16xi1>
        %mul3A_300 = arith.constant 16 : i32
        %mul3A_301 = arith.muli %add3A_271, %mul3A_300 : i32
        %get3A_302 = arith.index_cast %mul3A_301 : i32 to index
        %get3A_303 = tpu.vector_load %arg14[%get3A_302] {strides = array<i32>} : memref<1024xf32, #tpu.memory_space<vmem>>, vector<16xf32>,
        %jit3A_304 = arith.constant 1.000000e+00 : f32
        %jit3A_305 = arith.constant 0.000000e+00 : f32
        %broadcast_in_dim3A_306 = vector.broadcast %jit3A_304 : f32 to vector<16xf32>
        %broadcast_in_dim3A_307 = vector.broadcast %jit3A_305 : f32 to vector<16xf32>
        %select_n3A_308 = arith.select %and3A_294, %broadcast_in_dim3A_306, %broadcast_in_dim3A_307 : vector<16xi1>, vector<16xf32>
        %add3A_309 = arith.addf %get3A_303, %select_n3A_308 : vector<16xf32>
        %swap3A_310 = arith.index_cast %mul3A_301 : i32 to index
        %swap3A_311 = tpu.vector_load %arg14[%swap3A_310] {strides = array<i32>} : memref<1024xf32, #tpu.memory_space<vmem>>, vector<16xf32>,
        tpu.vector_store %arg14[%swap3A_310], %add3A_309 {strides = array<i32>} : memref<1024xf32, #tpu.memory_space<vmem>>, vector<16xf32>,
        %all_reduce_population_count3A_312 = tpu.all_reduce %ge3A_278 {dim = 0 : i64, kind = #tpu.reduction_kind<sum>} : vector<16xi1> -> vector<16xi32>
        %add3A_313 = arith.addi %add3A_267, %all_reduce_population_count3A_312 : vector<16xi32>
        %mul3A_314 = arith.constant 8 : i32
        %mul3A_315 = arith.muli %scan3A_180, %mul3A_314 : i32
        %add3A_316 = arith.constant 3 : i32
        %add3A_317 = arith.addi %mul3A_315, %add3A_316 : i32
        %mul3A_318 = arith.constant 16 : i32
        %mul3A_319 = arith.muli %add3A_317, %mul3A_318 : i32
        %get3A_320 = arith.index_cast %mul3A_319 : i32 to index
        %get3A_321 = tpu.vector_load %arg6[%get3A_320] {strides = array<i32>} : memref<1024xf32, #tpu.memory_space<vmem>>, vector<16xf32>,
        %ge3A_322 = arith.constant 0.000000e+00 : f32
        %ge3A_323 = vector.broadcast %ge3A_322 : f32 to vector<16xf32>
        %ge3A_324 = arith.cmpf oge, %get3A_321, %ge3A_323 : vector<16xf32>
        %jit3A_325 = arith.constant 1 : i32
        %jit3A_326 = arith.constant 0 : i32
        %broadcast_in_dim3A_327 = vector.broadcast %jit3A_325 : i32 to vector<16xi32>
        %broadcast_in_dim3A_328 = vector.broadcast %jit3A_326 : i32 to vector<16xi32>
        %select_n3A_329 = arith.select %ge3A_324, %broadcast_in_dim3A_327, %broadcast_in_dim3A_328 : vector<16xi1>, vector<16xi32>
        %broadcast_in_dim3A_330 = arith.constant true
        %broadcast_in_dim3A_331 = vector.broadcast %broadcast_in_dim3A_330 : i1 to vector<16xi1>
        %masked_cumsum3A_332 = tpu.scan <sum>, %select_n3A_329 masked %broadcast_in_dim3A_331 : vector<16xi32>, vector<16xi1> -> vector<16xi32>
        %sub3A_333 = arith.constant 1 : i32
        %sub3A_334 = vector.broadcast %sub3A_333 : i32 to vector<16xi32>
        %sub3A_335 = arith.subi %add3A_313, %sub3A_334 : vector<16xi32>
        %add3A_336 = arith.addi %masked_cumsum3A_332, %sub3A_335 : vector<16xi32>
        %lt3A_337 = arith.constant 32 : i32
        %lt3A_338 = vector.broadcast %lt3A_337 : i32 to vector<16xi32>
        %lt3A_339 = arith.cmpi slt, %add3A_336, %lt3A_338 : vector<16xi32>
        %and3A_340 = arith.andi %ge3A_324, %lt3A_339 : vector<16xi1>
        %mul3A_341 = arith.constant 16 : i32
        %mul3A_342 = arith.muli %add3A_317, %mul3A_341 : i32
        %add3A_343 = arith.addi %mul3A_342, %mul3A_20 : i32
        %add3A_344 = vector.broadcast %add3A_343 : i32 to vector<16xi32>
        %add3A_345 = arith.addi %iota3A, %add3A_344 : vector<16xi32>
        tpu.vector_store_idx %arg8[%add3A_336], %add3A_345 masked %and3A_340 : memref<32xi32, #tpu.memory_space<vmem>>[vector<16xi32>], vector<16xi32>, vector<16xi1>
        %mul3A_346 = arith.constant 16 : i32
        %mul3A_347 = arith.muli %add3A_317, %mul3A_346 : i32
        %get3A_348 = arith.index_cast %mul3A_347 : i32 to index
        %get3A_349 = tpu.vector_load %arg14[%get3A_348] {strides = array<i32>} : memref<1024xf32, #tpu.memory_space<vmem>>, vector<16xf32>,
        %jit3A_350 = arith.constant 1.000000e+00 : f32
        %jit3A_351 = arith.constant 0.000000e+00 : f32
        %broadcast_in_dim3A_352 = vector.broadcast %jit3A_350 : f32 to vector<16xf32>
        %broadcast_in_dim3A_353 = vector.broadcast %jit3A_351 : f32 to vector<16xf32>
        %select_n3A_354 = arith.select %and3A_340, %broadcast_in_dim3A_352, %broadcast_in_dim3A_353 : vector<16xi1>, vector<16xf32>
        %add3A_355 = arith.addf %get3A_349, %select_n3A_354 : vector<16xf32>
        %swap3A_356 = arith.index_cast %mul3A_347 : i32 to index
        %swap3A_357 = tpu.vector_load %arg14[%swap3A_356] {strides = array<i32>} : memref<1024xf32, #tpu.memory_space<vmem>>, vector<16xf32>,
        tpu.vector_store %arg14[%swap3A_356], %add3A_355 {strides = array<i32>} : memref<1024xf32, #tpu.memory_space<vmem>>, vector<16xf32>,
        %all_reduce_population_count3A_358 = tpu.all_reduce %ge3A_324 {dim = 0 : i64, kind = #tpu.reduction_kind<sum>} : vector<16xi1> -> vector<16xi32>
        %add3A_359 = arith.addi %add3A_313, %all_reduce_population_count3A_358 : vector<16xi32>
        %mul3A_360 = arith.constant 8 : i32
        %mul3A_361 = arith.muli %scan3A_180, %mul3A_360 : i32
        %add3A_362 = arith.constant 4 : i32
        %add3A_363 = arith.addi %mul3A_361, %add3A_362 : i32
        %mul3A_364 = arith.constant 16 : i32
        %mul3A_365 = arith.muli %add3A_363, %mul3A_364 : i32
        %get3A_366 = arith.index_cast %mul3A_365 : i32 to index
        %get3A_367 = tpu.vector_load %arg6[%get3A_366] {strides = array<i32>} : memref<1024xf32, #tpu.memory_space<vmem>>, vector<16xf32>,
        %ge3A_368 = arith.constant 0.000000e+00 : f32
        %ge3A_369 = vector.broadcast %ge3A_368 : f32 to vector<16xf32>
        %ge3A_370 = arith.cmpf oge, %get3A_367, %ge3A_369 : vector<16xf32>
        %jit3A_371 = arith.constant 1 : i32
        %jit3A_372 = arith.constant 0 : i32
        %broadcast_in_dim3A_373 = vector.broadcast %jit3A_371 : i32 to vector<16xi32>
        %broadcast_in_dim3A_374 = vector.broadcast %jit3A_372 : i32 to vector<16xi32>
        %select_n3A_375 = arith.select %ge3A_370, %broadcast_in_dim3A_373, %broadcast_in_dim3A_374 : vector<16xi1>, vector<16xi32>
        %broadcast_in_dim3A_376 = arith.constant true
        %broadcast_in_dim3A_377 = vector.broadcast %broadcast_in_dim3A_376 : i1 to vector<16xi1>
        %masked_cumsum3A_378 = tpu.scan <sum>, %select_n3A_375 masked %broadcast_in_dim3A_377 : vector<16xi32>, vector<16xi1> -> vector<16xi32>
        %sub3A_379 = arith.constant 1 : i32
        %sub3A_380 = vector.broadcast %sub3A_379 : i32 to vector<16xi32>
        %sub3A_381 = arith.subi %add3A_359, %sub3A_380 : vector<16xi32>
        %add3A_382 = arith.addi %masked_cumsum3A_378, %sub3A_381 : vector<16xi32>
        %lt3A_383 = arith.constant 32 : i32
        %lt3A_384 = vector.broadcast %lt3A_383 : i32 to vector<16xi32>
        %lt3A_385 = arith.cmpi slt, %add3A_382, %lt3A_384 : vector<16xi32>
        %and3A_386 = arith.andi %ge3A_370, %lt3A_385 : vector<16xi1>
        %mul3A_387 = arith.constant 16 : i32
        %mul3A_388 = arith.muli %add3A_363, %mul3A_387 : i32
        %add3A_389 = arith.addi %mul3A_388, %mul3A_20 : i32
        %add3A_390 = vector.broadcast %add3A_389 : i32 to vector<16xi32>
        %add3A_391 = arith.addi %iota3A, %add3A_390 : vector<16xi32>
        tpu.vector_store_idx %arg8[%add3A_382], %add3A_391 masked %and3A_386 : memref<32xi32, #tpu.memory_space<vmem>>[vector<16xi32>], vector<16xi32>, vector<16xi1>
        %mul3A_392 = arith.constant 16 : i32
        %mul3A_393 = arith.muli %add3A_363, %mul3A_392 : i32
        %get3A_394 = arith.index_cast %mul3A_393 : i32 to index
        %get3A_395 = tpu.vector_load %arg14[%get3A_394] {strides = array<i32>} : memref<1024xf32, #tpu.memory_space<vmem>>, vector<16xf32>,
        %jit3A_396 = arith.constant 1.000000e+00 : f32
        %jit3A_397 = arith.constant 0.000000e+00 : f32
        %broadcast_in_dim3A_398 = vector.broadcast %jit3A_396 : f32 to vector<16xf32>
        %broadcast_in_dim3A_399 = vector.broadcast %jit3A_397 : f32 to vector<16xf32>
        %select_n3A_400 = arith.select %and3A_386, %broadcast_in_dim3A_398, %broadcast_in_dim3A_399 : vector<16xi1>, vector<16xf32>
        %add3A_401 = arith.addf %get3A_395, %select_n3A_400 : vector<16xf32>
        %swap3A_402 = arith.index_cast %mul3A_393 : i32 to index
        %swap3A_403 = tpu.vector_load %arg14[%swap3A_402] {strides = array<i32>} : memref<1024xf32, #tpu.memory_space<vmem>>, vector<16xf32>,
        tpu.vector_store %arg14[%swap3A_402], %add3A_401 {strides = array<i32>} : memref<1024xf32, #tpu.memory_space<vmem>>, vector<16xf32>,
        %all_reduce_population_count3A_404 = tpu.all_reduce %ge3A_370 {dim = 0 : i64, kind = #tpu.reduction_kind<sum>} : vector<16xi1> -> vector<16xi32>
        %add3A_405 = arith.addi %add3A_359, %all_reduce_population_count3A_404 : vector<16xi32>
        %mul3A_406 = arith.constant 8 : i32
        %mul3A_407 = arith.muli %scan3A_180, %mul3A_406 : i32
        %add3A_408 = arith.constant 5 : i32
        %add3A_409 = arith.addi %mul3A_407, %add3A_408 : i32
        %mul3A_410 = arith.constant 16 : i32
        %mul3A_411 = arith.muli %add3A_409, %mul3A_410 : i32
        %get3A_412 = arith.index_cast %mul3A_411 : i32 to index
        %get3A_413 = tpu.vector_load %arg6[%get3A_412] {strides = array<i32>} : memref<1024xf32, #tpu.memory_space<vmem>>, vector<16xf32>,
        %ge3A_414 = arith.constant 0.000000e+00 : f32
        %ge3A_415 = vector.broadcast %ge3A_414 : f32 to vector<16xf32>
        %ge3A_416 = arith.cmpf oge, %get3A_413, %ge3A_415 : vector<16xf32>
        %jit3A_417 = arith.constant 1 : i32
        %jit3A_418 = arith.constant 0 : i32
        %broadcast_in_dim3A_419 = vector.broadcast %jit3A_417 : i32 to vector<16xi32>
        %broadcast_in_dim3A_420 = vector.broadcast %jit3A_418 : i32 to vector<16xi32>
        %select_n3A_421 = arith.select %ge3A_416, %broadcast_in_dim3A_419, %broadcast_in_dim3A_420 : vector<16xi1>, vector<16xi32>
        %broadcast_in_dim3A_422 = arith.constant true
        %broadcast_in_dim3A_423 = vector.broadcast %broadcast_in_dim3A_422 : i1 to vector<16xi1>
        %masked_cumsum3A_424 = tpu.scan <sum>, %select_n3A_421 masked %broadcast_in_dim3A_423 : vector<16xi32>, vector<16xi1> -> vector<16xi32>
        %sub3A_425 = arith.constant 1 : i32
        %sub3A_426 = vector.broadcast %sub3A_425 : i32 to vector<16xi32>
        %sub3A_427 = arith.subi %add3A_405, %sub3A_426 : vector<16xi32>
        %add3A_428 = arith.addi %masked_cumsum3A_424, %sub3A_427 : vector<16xi32>
        %lt3A_429 = arith.constant 32 : i32
        %lt3A_430 = vector.broadcast %lt3A_429 : i32 to vector<16xi32>
        %lt3A_431 = arith.cmpi slt, %add3A_428, %lt3A_430 : vector<16xi32>
        %and3A_432 = arith.andi %ge3A_416, %lt3A_431 : vector<16xi1>
        %mul3A_433 = arith.constant 16 : i32
        %mul3A_434 = arith.muli %add3A_409, %mul3A_433 : i32
        %add3A_435 = arith.addi %mul3A_434, %mul3A_20 : i32
        %add3A_436 = vector.broadcast %add3A_435 : i32 to vector<16xi32>
        %add3A_437 = arith.addi %iota3A, %add3A_436 : vector<16xi32>
        tpu.vector_store_idx %arg8[%add3A_428], %add3A_437 masked %and3A_432 : memref<32xi32, #tpu.memory_space<vmem>>[vector<16xi32>], vector<16xi32>, vector<16xi1>
        %mul3A_438 = arith.constant 16 : i32
        %mul3A_439 = arith.muli %add3A_409, %mul3A_438 : i32
        %get3A_440 = arith.index_cast %mul3A_439 : i32 to index
        %get3A_441 = tpu.vector_load %arg14[%get3A_440] {strides = array<i32>} : memref<1024xf32, #tpu.memory_space<vmem>>, vector<16xf32>,
        %jit3A_442 = arith.constant 1.000000e+00 : f32
        %jit3A_443 = arith.constant 0.000000e+00 : f32
        %broadcast_in_dim3A_444 = vector.broadcast %jit3A_442 : f32 to vector<16xf32>
        %broadcast_in_dim3A_445 = vector.broadcast %jit3A_443 : f32 to vector<16xf32>
        %select_n3A_446 = arith.select %and3A_432, %broadcast_in_dim3A_444, %broadcast_in_dim3A_445 : vector<16xi1>, vector<16xf32>
        %add3A_447 = arith.addf %get3A_441, %select_n3A_446 : vector<16xf32>
        %swap3A_448 = arith.index_cast %mul3A_439 : i32 to index
        %swap3A_449 = tpu.vector_load %arg14[%swap3A_448] {strides = array<i32>} : memref<1024xf32, #tpu.memory_space<vmem>>, vector<16xf32>,
        tpu.vector_store %arg14[%swap3A_448], %add3A_447 {strides = array<i32>} : memref<1024xf32, #tpu.memory_space<vmem>>, vector<16xf32>,
        %all_reduce_population_count3A_450 = tpu.all_reduce %ge3A_416 {dim = 0 : i64, kind = #tpu.reduction_kind<sum>} : vector<16xi1> -> vector<16xi32>
        %add3A_451 = arith.addi %add3A_405, %all_reduce_population_count3A_450 : vector<16xi32>
        %mul3A_452 = arith.constant 8 : i32
        %mul3A_453 = arith.muli %scan3A_180, %mul3A_452 : i32
        %add3A_454 = arith.constant 6 : i32
        %add3A_455 = arith.addi %mul3A_453, %add3A_454 : i32
        %mul3A_456 = arith.constant 16 : i32
        %mul3A_457 = arith.muli %add3A_455, %mul3A_456 : i32
        %get3A_458 = arith.index_cast %mul3A_457 : i32 to index
        %get3A_459 = tpu.vector_load %arg6[%get3A_458] {strides = array<i32>} : memref<1024xf32, #tpu.memory_space<vmem>>, vector<16xf32>,
        %ge3A_460 = arith.constant 0.000000e+00 : f32
        %ge3A_461 = vector.broadcast %ge3A_460 : f32 to vector<16xf32>
        %ge3A_462 = arith.cmpf oge, %get3A_459, %ge3A_461 : vector<16xf32>
        %jit3A_463 = arith.constant 1 : i32
        %jit3A_464 = arith.constant 0 : i32
        %broadcast_in_dim3A_465 = vector.broadcast %jit3A_463 : i32 to vector<16xi32>
        %broadcast_in_dim3A_466 = vector.broadcast %jit3A_464 : i32 to vector<16xi32>
        %select_n3A_467 = arith.select %ge3A_462, %broadcast_in_dim3A_465, %broadcast_in_dim3A_466 : vector<16xi1>, vector<16xi32>
        %broadcast_in_dim3A_468 = arith.constant true
        %broadcast_in_dim3A_469 = vector.broadcast %broadcast_in_dim3A_468 : i1 to vector<16xi1>
        %masked_cumsum3A_470 = tpu.scan <sum>, %select_n3A_467 masked %broadcast_in_dim3A_469 : vector<16xi32>, vector<16xi1> -> vector<16xi32>
        %sub3A_471 = arith.constant 1 : i32
        %sub3A_472 = vector.broadcast %sub3A_471 : i32 to vector<16xi32>
        %sub3A_473 = arith.subi %add3A_451, %sub3A_472 : vector<16xi32>
        %add3A_474 = arith.addi %masked_cumsum3A_470, %sub3A_473 : vector<16xi32>
        %lt3A_475 = arith.constant 32 : i32
        %lt3A_476 = vector.broadcast %lt3A_475 : i32 to vector<16xi32>
        %lt3A_477 = arith.cmpi slt, %add3A_474, %lt3A_476 : vector<16xi32>
        %and3A_478 = arith.andi %ge3A_462, %lt3A_477 : vector<16xi1>
        %mul3A_479 = arith.constant 16 : i32
        %mul3A_480 = arith.muli %add3A_455, %mul3A_479 : i32
        %add3A_481 = arith.addi %mul3A_480, %mul3A_20 : i32
        %add3A_482 = vector.broadcast %add3A_481 : i32 to vector<16xi32>
        %add3A_483 = arith.addi %iota3A, %add3A_482 : vector<16xi32>
        tpu.vector_store_idx %arg8[%add3A_474], %add3A_483 masked %and3A_478 : memref<32xi32, #tpu.memory_space<vmem>>[vector<16xi32>], vector<16xi32>, vector<16xi1>
        %mul3A_484 = arith.constant 16 : i32
        %mul3A_485 = arith.muli %add3A_455, %mul3A_484 : i32
        %get3A_486 = arith.index_cast %mul3A_485 : i32 to index
        %get3A_487 = tpu.vector_load %arg14[%get3A_486] {strides = array<i32>} : memref<1024xf32, #tpu.memory_space<vmem>>, vector<16xf32>,
        %jit3A_488 = arith.constant 1.000000e+00 : f32
        %jit3A_489 = arith.constant 0.000000e+00 : f32
        %broadcast_in_dim3A_490 = vector.broadcast %jit3A_488 : f32 to vector<16xf32>
        %broadcast_in_dim3A_491 = vector.broadcast %jit3A_489 : f32 to vector<16xf32>
        %select_n3A_492 = arith.select %and3A_478, %broadcast_in_dim3A_490, %broadcast_in_dim3A_491 : vector<16xi1>, vector<16xf32>
        %add3A_493 = arith.addf %get3A_487, %select_n3A_492 : vector<16xf32>
        %swap3A_494 = arith.index_cast %mul3A_485 : i32 to index
        %swap3A_495 = tpu.vector_load %arg14[%swap3A_494] {strides = array<i32>} : memref<1024xf32, #tpu.memory_space<vmem>>, vector<16xf32>,
        tpu.vector_store %arg14[%swap3A_494], %add3A_493 {strides = array<i32>} : memref<1024xf32, #tpu.memory_space<vmem>>, vector<16xf32>,
        %all_reduce_population_count3A_496 = tpu.all_reduce %ge3A_462 {dim = 0 : i64, kind = #tpu.reduction_kind<sum>} : vector<16xi1> -> vector<16xi32>
        %add3A_497 = arith.addi %add3A_451, %all_reduce_population_count3A_496 : vector<16xi32>
        %mul3A_498 = arith.constant 8 : i32
        %mul3A_499 = arith.muli %scan3A_180, %mul3A_498 : i32
        %add3A_500 = arith.constant 7 : i32
        %add3A_501 = arith.addi %mul3A_499, %add3A_500 : i32
        %mul3A_502 = arith.constant 16 : i32
        %mul3A_503 = arith.muli %add3A_501, %mul3A_502 : i32
        %get3A_504 = arith.index_cast %mul3A_503 : i32 to index
        %get3A_505 = tpu.vector_load %arg6[%get3A_504] {strides = array<i32>} : memref<1024xf32, #tpu.memory_space<vmem>>, vector<16xf32>,
        %ge3A_506 = arith.constant 0.000000e+00 : f32
        %ge3A_507 = vector.broadcast %ge3A_506 : f32 to vector<16xf32>
        %ge3A_508 = arith.cmpf oge, %get3A_505, %ge3A_507 : vector<16xf32>
        %jit3A_509 = arith.constant 1 : i32
        %jit3A_510 = arith.constant 0 : i32
        %broadcast_in_dim3A_511 = vector.broadcast %jit3A_509 : i32 to vector<16xi32>
        %broadcast_in_dim3A_512 = vector.broadcast %jit3A_510 : i32 to vector<16xi32>
        %select_n3A_513 = arith.select %ge3A_508, %broadcast_in_dim3A_511, %broadcast_in_dim3A_512 : vector<16xi1>, vector<16xi32>
        %broadcast_in_dim3A_514 = arith.constant true
        %broadcast_in_dim3A_515 = vector.broadcast %broadcast_in_dim3A_514 : i1 to vector<16xi1>
        %masked_cumsum3A_516 = tpu.scan <sum>, %select_n3A_513 masked %broadcast_in_dim3A_515 : vector<16xi32>, vector<16xi1> -> vector<16xi32>
        %sub3A_517 = arith.constant 1 : i32
        %sub3A_518 = vector.broadcast %sub3A_517 : i32 to vector<16xi32>
        %sub3A_519 = arith.subi %add3A_497, %sub3A_518 : vector<16xi32>
        %add3A_520 = arith.addi %masked_cumsum3A_516, %sub3A_519 : vector<16xi32>
        %lt3A_521 = arith.constant 32 : i32
        %lt3A_522 = vector.broadcast %lt3A_521 : i32 to vector<16xi32>
        %lt3A_523 = arith.cmpi slt, %add3A_520, %lt3A_522 : vector<16xi32>
        %and3A_524 = arith.andi %ge3A_508, %lt3A_523 : vector<16xi1>
        %mul3A_525 = arith.constant 16 : i32
        %mul3A_526 = arith.muli %add3A_501, %mul3A_525 : i32
        %add3A_527 = arith.addi %mul3A_526, %mul3A_20 : i32
        %add3A_528 = vector.broadcast %add3A_527 : i32 to vector<16xi32>
        %add3A_529 = arith.addi %iota3A, %add3A_528 : vector<16xi32>
        tpu.vector_store_idx %arg8[%add3A_520], %add3A_529 masked %and3A_524 : memref<32xi32, #tpu.memory_space<vmem>>[vector<16xi32>], vector<16xi32>, vector<16xi1>
        %mul3A_530 = arith.constant 16 : i32
        %mul3A_531 = arith.muli %add3A_501, %mul3A_530 : i32
        %get3A_532 = arith.index_cast %mul3A_531 : i32 to index
        %get3A_533 = tpu.vector_load %arg14[%get3A_532] {strides = array<i32>} : memref<1024xf32, #tpu.memory_space<vmem>>, vector<16xf32>,
        %jit3A_534 = arith.constant 1.000000e+00 : f32
        %jit3A_535 = arith.constant 0.000000e+00 : f32
        %broadcast_in_dim3A_536 = vector.broadcast %jit3A_534 : f32 to vector<16xf32>
        %broadcast_in_dim3A_537 = vector.broadcast %jit3A_535 : f32 to vector<16xf32>
        %select_n3A_538 = arith.select %and3A_524, %broadcast_in_dim3A_536, %broadcast_in_dim3A_537 : vector<16xi1>, vector<16xf32>
        %add3A_539 = arith.addf %get3A_533, %select_n3A_538 : vector<16xf32>
        %swap3A_540 = arith.index_cast %mul3A_531 : i32 to index
        %swap3A_541 = tpu.vector_load %arg14[%swap3A_540] {strides = array<i32>} : memref<1024xf32, #tpu.memory_space<vmem>>, vector<16xf32>,
        tpu.vector_store %arg14[%swap3A_540], %add3A_539 {strides = array<i32>} : memref<1024xf32, #tpu.memory_space<vmem>>, vector<16xf32>,
        %all_reduce_population_count3A_542 = tpu.all_reduce %ge3A_508 {dim = 0 : i64, kind = #tpu.reduction_kind<sum>} : vector<16xi1> -> vector<16xi32>
        %add3A_543 = arith.addi %add3A_497, %all_reduce_population_count3A_542 : vector<16xi32>
        scf.yield %add3A_543 : vector<16xi32>
      }
      %scan3A_92 = arith.constant 8 : i32
      %dma_start3A_93 = arith.constant 0 : i32
      %dma_start3A_94 = arith.constant 0 : i32
      %dma_start3A_95 = tpu.memref_slice %arg3[%dma_start3A_93, %dma_start3A_94] : memref<4096x256xf32, #tpu.memory_space<hbm>> -> memref<4096x256xf32, #tpu.memory_space<hbm>>
      tpu.enqueue_indirect_dma source(%dma_start3A_95 : memref<4096x256xf32, #tpu.memory_space<hbm>>) target(%arg10 : memref<32x256xf32, #tpu.memory_space<vmem>>) offsets(%arg8 : memref<32xi32, #tpu.memory_space<vmem>>) semaphore(%arg17 : memref<!tpu.dma_semaphore, #tpu.memory_space<semaphore_mem>>)
      %add3A_96 = arith.constant 2 : i32
      %add3A_97 = arith.addi %mul3A_77, %add3A_96 : i32
      %min3A = arith.constant 127 : i32
      %min3A_98 = arith.minsi %add3A_97, %min3A : i32
      %add3A_99 = arith.addi %mul3A_2, %min3A_98 : i32
      %dma_start3A_100 = arith.constant 0 : i32
      %dma_start3A_101 = tpu.memref_slice %arg2[%add3A_99, %dma_start3A_100] : memref<4096x1024xf32, #tpu.memory_space<hbm>> -> memref<1x1024xf32, #tpu.memory_space<hbm>>
      %dma_start3A_102 = tpu.memref_squeeze %dma_start3A_101 : memref<1x1024xf32, #tpu.memory_space<hbm>> -> memref<1024xf32, #tpu.memory_space<hbm>>
      %dma_start3A_103 = arith.constant 0 : i32
      %dma_start3A_104 = tpu.memref_slice %arg2[%add3A_99, %dma_start3A_103] : memref<4096x1024xf32, #tpu.memory_space<hbm>> -> memref<1x1024xf32, #tpu.memory_space<hbm>>
      %dma_start3A_105 = tpu.memref_squeeze %dma_start3A_104 : memref<1x1024xf32, #tpu.memory_space<hbm>> -> memref<1024xf32, #tpu.memory_space<hbm>>
      tpu.enqueue_dma source(%dma_start3A_105 : memref<1024xf32, #tpu.memory_space<hbm>>) target(%arg6 : memref<1024xf32, #tpu.memory_space<vmem>>) target_semaphore(%arg15 : memref<!tpu.dma_semaphore, #tpu.memory_space<semaphore_mem>>)
      %dma_wait3A_106 = arith.constant 0 : i32
      %dma_wait3A_107 = tpu.memref_slice %arg2[%mul3A_2, %dma_wait3A_106] : memref<4096x1024xf32, #tpu.memory_space<hbm>> -> memref<1x1024xf32, #tpu.memory_space<hbm>>
      %dma_wait3A_108 = tpu.memref_squeeze %dma_wait3A_107 : memref<1x1024xf32, #tpu.memory_space<hbm>> -> memref<1024xf32, #tpu.memory_space<hbm>>
      %dma_wait3A_109 = arith.constant 0 : i32
      %dma_wait3A_110 = tpu.memref_slice %arg2[%mul3A_2, %dma_wait3A_109] : memref<4096x1024xf32, #tpu.memory_space<hbm>> -> memref<1x1024xf32, #tpu.memory_space<hbm>>
      %dma_wait3A_111 = tpu.memref_squeeze %dma_wait3A_110 : memref<1x1024xf32, #tpu.memory_space<hbm>> -> memref<1024xf32, #tpu.memory_space<hbm>>
      tpu.wait_dma2 semaphore(%arg16 : memref<!tpu.dma_semaphore, #tpu.memory_space<semaphore_mem>>) src(%dma_wait3A_111 : memref<1024xf32, #tpu.memory_space<hbm>>) dst(%arg7 : memref<1024xf32, #tpu.memory_space<vmem>>)
      %broadcast_in_dim3A_112 = arith.constant 0 : i32
      %broadcast_in_dim3A_113 = vector.broadcast %broadcast_in_dim3A_112 : i32 to vector<16xi32>
      %scan3A_114 = arith.constant 0 : i32
      %scan3A_115 = arith.constant 8 : i32
      %scan3A_116 = arith.addi %scan3A_114, %scan3A_115 : i32
      %scan3A_117 = arith.constant 1 : i32
      %scan3A_118 = scf.for %scan3A_180 = %scan3A_114 to %scan3A_116 step %scan3A_117 iter_args(%scan3A_181 = %broadcast_in_dim3A_113) -> (vector<16xi32>)  : i32 {
        %mul3A_182 = arith.constant 8 : i32
        %mul3A_183 = arith.muli %scan3A_180, %mul3A_182 : i32
        %add3A_184 = arith.constant 0 : i32
        %add3A_185 = arith.addi %mul3A_183, %add3A_184 : i32
        %mul3A_186 = arith.constant 16 : i32
        %mul3A_187 = arith.muli %add3A_185, %mul3A_186 : i32
        %get3A = arith.index_cast %mul3A_187 : i32 to index
        %get3A_188 = tpu.vector_load %arg7[%get3A] {strides = array<i32>} : memref<1024xf32, #tpu.memory_space<vmem>>, vector<16xf32>,
        %ge3A = arith.constant 0.000000e+00 : f32
        %ge3A_189 = vector.broadcast %ge3A : f32 to vector<16xf32>
        %ge3A_190 = arith.cmpf oge, %get3A_188, %ge3A_189 : vector<16xf32>
        %jit3A_191 = arith.constant 1 : i32
        %jit3A_192 = arith.constant 0 : i32
        %broadcast_in_dim3A_193 = vector.broadcast %jit3A_191 : i32 to vector<16xi32>
        %broadcast_in_dim3A_194 = vector.broadcast %jit3A_192 : i32 to vector<16xi32>
        %select_n3A_195 = arith.select %ge3A_190, %broadcast_in_dim3A_193, %broadcast_in_dim3A_194 : vector<16xi1>, vector<16xi32>
        %broadcast_in_dim3A_196 = arith.constant true
        %broadcast_in_dim3A_197 = vector.broadcast %broadcast_in_dim3A_196 : i1 to vector<16xi1>
        %masked_cumsum3A = tpu.scan <sum>, %select_n3A_195 masked %broadcast_in_dim3A_197 : vector<16xi32>, vector<16xi1> -> vector<16xi32>
        %sub3A_198 = arith.constant 1 : i32
        %sub3A_199 = vector.broadcast %sub3A_198 : i32 to vector<16xi32>
        %sub3A_200 = arith.subi %scan3A_181, %sub3A_199 : vector<16xi32>
        %add3A_201 = arith.addi %masked_cumsum3A, %sub3A_200 : vector<16xi32>
        %lt3A = arith.constant 32 : i32
        %lt3A_202 = vector.broadcast %lt3A : i32 to vector<16xi32>
        %lt3A_203 = arith.cmpi slt, %add3A_201, %lt3A_202 : vector<16xi32>
        %and3A_204 = arith.andi %ge3A_190, %lt3A_203 : vector<16xi1>
        %mul3A_205 = arith.constant 16 : i32
        %mul3A_206 = arith.muli %add3A_185, %mul3A_205 : i32
        %add3A_207 = arith.addi %mul3A_206, %mul3A_20 : i32
        %add3A_208 = vector.broadcast %add3A_207 : i32 to vector<16xi32>
        %add3A_209 = arith.addi %iota3A, %add3A_208 : vector<16xi32>
        tpu.vector_store_idx %arg9[%add3A_201], %add3A_209 masked %and3A_204 : memref<32xi32, #tpu.memory_space<vmem>>[vector<16xi32>], vector<16xi32>, vector<16xi1>
        %mul3A_210 = arith.constant 16 : i32
        %mul3A_211 = arith.muli %add3A_185, %mul3A_210 : i32
        %get3A_212 = arith.index_cast %mul3A_211 : i32 to index
        %get3A_213 = tpu.vector_load %arg14[%get3A_212] {strides = array<i32>} : memref<1024xf32, #tpu.memory_space<vmem>>, vector<16xf32>,
        %jit3A_214 = arith.constant 1.000000e+00 : f32
        %jit3A_215 = arith.constant 0.000000e+00 : f32
        %broadcast_in_dim3A_216 = vector.broadcast %jit3A_214 : f32 to vector<16xf32>
        %broadcast_in_dim3A_217 = vector.broadcast %jit3A_215 : f32 to vector<16xf32>
        %select_n3A_218 = arith.select %and3A_204, %broadcast_in_dim3A_216, %broadcast_in_dim3A_217 : vector<16xi1>, vector<16xf32>
        %add3A_219 = arith.addf %get3A_213, %select_n3A_218 : vector<16xf32>
        %swap3A = arith.index_cast %mul3A_211 : i32 to index
        %swap3A_220 = tpu.vector_load %arg14[%swap3A] {strides = array<i32>} : memref<1024xf32, #tpu.memory_space<vmem>>, vector<16xf32>,
        tpu.vector_store %arg14[%swap3A], %add3A_219 {strides = array<i32>} : memref<1024xf32, #tpu.memory_space<vmem>>, vector<16xf32>,
        %all_reduce_population_count3A = tpu.all_reduce %ge3A_190 {dim = 0 : i64, kind = #tpu.reduction_kind<sum>} : vector<16xi1> -> vector<16xi32>
        %add3A_221 = arith.addi %scan3A_181, %all_reduce_population_count3A : vector<16xi32>
        %mul3A_222 = arith.constant 8 : i32
        %mul3A_223 = arith.muli %scan3A_180, %mul3A_222 : i32
        %add3A_224 = arith.constant 1 : i32
        %add3A_225 = arith.addi %mul3A_223, %add3A_224 : i32
        %mul3A_226 = arith.constant 16 : i32
        %mul3A_227 = arith.muli %add3A_225, %mul3A_226 : i32
        %get3A_228 = arith.index_cast %mul3A_227 : i32 to index
        %get3A_229 = tpu.vector_load %arg7[%get3A_228] {strides = array<i32>} : memref<1024xf32, #tpu.memory_space<vmem>>, vector<16xf32>,
        %ge3A_230 = arith.constant 0.000000e+00 : f32
        %ge3A_231 = vector.broadcast %ge3A_230 : f32 to vector<16xf32>
        %ge3A_232 = arith.cmpf oge, %get3A_229, %ge3A_231 : vector<16xf32>
        %jit3A_233 = arith.constant 1 : i32
        %jit3A_234 = arith.constant 0 : i32
        %broadcast_in_dim3A_235 = vector.broadcast %jit3A_233 : i32 to vector<16xi32>
        %broadcast_in_dim3A_236 = vector.broadcast %jit3A_234 : i32 to vector<16xi32>
        %select_n3A_237 = arith.select %ge3A_232, %broadcast_in_dim3A_235, %broadcast_in_dim3A_236 : vector<16xi1>, vector<16xi32>
        %broadcast_in_dim3A_238 = arith.constant true
        %broadcast_in_dim3A_239 = vector.broadcast %broadcast_in_dim3A_238 : i1 to vector<16xi1>
        %masked_cumsum3A_240 = tpu.scan <sum>, %select_n3A_237 masked %broadcast_in_dim3A_239 : vector<16xi32>, vector<16xi1> -> vector<16xi32>
        %sub3A_241 = arith.constant 1 : i32
        %sub3A_242 = vector.broadcast %sub3A_241 : i32 to vector<16xi32>
        %sub3A_243 = arith.subi %add3A_221, %sub3A_242 : vector<16xi32>
        %add3A_244 = arith.addi %masked_cumsum3A_240, %sub3A_243 : vector<16xi32>
        %lt3A_245 = arith.constant 32 : i32
        %lt3A_246 = vector.broadcast %lt3A_245 : i32 to vector<16xi32>
        %lt3A_247 = arith.cmpi slt, %add3A_244, %lt3A_246 : vector<16xi32>
        %and3A_248 = arith.andi %ge3A_232, %lt3A_247 : vector<16xi1>
        %mul3A_249 = arith.constant 16 : i32
        %mul3A_250 = arith.muli %add3A_225, %mul3A_249 : i32
        %add3A_251 = arith.addi %mul3A_250, %mul3A_20 : i32
        %add3A_252 = vector.broadcast %add3A_251 : i32 to vector<16xi32>
        %add3A_253 = arith.addi %iota3A, %add3A_252 : vector<16xi32>
        tpu.vector_store_idx %arg9[%add3A_244], %add3A_253 masked %and3A_248 : memref<32xi32, #tpu.memory_space<vmem>>[vector<16xi32>], vector<16xi32>, vector<16xi1>
        %mul3A_254 = arith.constant 16 : i32
        %mul3A_255 = arith.muli %add3A_225, %mul3A_254 : i32
        %get3A_256 = arith.index_cast %mul3A_255 : i32 to index
        %get3A_257 = tpu.vector_load %arg14[%get3A_256] {strides = array<i32>} : memref<1024xf32, #tpu.memory_space<vmem>>, vector<16xf32>,
        %jit3A_258 = arith.constant 1.000000e+00 : f32
        %jit3A_259 = arith.constant 0.000000e+00 : f32
        %broadcast_in_dim3A_260 = vector.broadcast %jit3A_258 : f32 to vector<16xf32>
        %broadcast_in_dim3A_261 = vector.broadcast %jit3A_259 : f32 to vector<16xf32>
        %select_n3A_262 = arith.select %and3A_248, %broadcast_in_dim3A_260, %broadcast_in_dim3A_261 : vector<16xi1>, vector<16xf32>
        %add3A_263 = arith.addf %get3A_257, %select_n3A_262 : vector<16xf32>
        %swap3A_264 = arith.index_cast %mul3A_255 : i32 to index
        %swap3A_265 = tpu.vector_load %arg14[%swap3A_264] {strides = array<i32>} : memref<1024xf32, #tpu.memory_space<vmem>>, vector<16xf32>,
        tpu.vector_store %arg14[%swap3A_264], %add3A_263 {strides = array<i32>} : memref<1024xf32, #tpu.memory_space<vmem>>, vector<16xf32>,
        %all_reduce_population_count3A_266 = tpu.all_reduce %ge3A_232 {dim = 0 : i64, kind = #tpu.reduction_kind<sum>} : vector<16xi1> -> vector<16xi32>
        %add3A_267 = arith.addi %add3A_221, %all_reduce_population_count3A_266 : vector<16xi32>
        %mul3A_268 = arith.constant 8 : i32
        %mul3A_269 = arith.muli %scan3A_180, %mul3A_268 : i32
        %add3A_270 = arith.constant 2 : i32
        %add3A_271 = arith.addi %mul3A_269, %add3A_270 : i32
        %mul3A_272 = arith.constant 16 : i32
        %mul3A_273 = arith.muli %add3A_271, %mul3A_272 : i32
        %get3A_274 = arith.index_cast %mul3A_273 : i32 to index
        %get3A_275 = tpu.vector_load %arg7[%get3A_274] {strides = array<i32>} : memref<1024xf32, #tpu.memory_space<vmem>>, vector<16xf32>,
        %ge3A_276 = arith.constant 0.000000e+00 : f32
        %ge3A_277 = vector.broadcast %ge3A_276 : f32 to vector<16xf32>
        %ge3A_278 = arith.cmpf oge, %get3A_275, %ge3A_277 : vector<16xf32>
        %jit3A_279 = arith.constant 1 : i32
        %jit3A_280 = arith.constant 0 : i32
        %broadcast_in_dim3A_281 = vector.broadcast %jit3A_279 : i32 to vector<16xi32>
        %broadcast_in_dim3A_282 = vector.broadcast %jit3A_280 : i32 to vector<16xi32>
        %select_n3A_283 = arith.select %ge3A_278, %broadcast_in_dim3A_281, %broadcast_in_dim3A_282 : vector<16xi1>, vector<16xi32>
        %broadcast_in_dim3A_284 = arith.constant true
        %broadcast_in_dim3A_285 = vector.broadcast %broadcast_in_dim3A_284 : i1 to vector<16xi1>
        %masked_cumsum3A_286 = tpu.scan <sum>, %select_n3A_283 masked %broadcast_in_dim3A_285 : vector<16xi32>, vector<16xi1> -> vector<16xi32>
        %sub3A_287 = arith.constant 1 : i32
        %sub3A_288 = vector.broadcast %sub3A_287 : i32 to vector<16xi32>
        %sub3A_289 = arith.subi %add3A_267, %sub3A_288 : vector<16xi32>
        %add3A_290 = arith.addi %masked_cumsum3A_286, %sub3A_289 : vector<16xi32>
        %lt3A_291 = arith.constant 32 : i32
        %lt3A_292 = vector.broadcast %lt3A_291 : i32 to vector<16xi32>
        %lt3A_293 = arith.cmpi slt, %add3A_290, %lt3A_292 : vector<16xi32>
        %and3A_294 = arith.andi %ge3A_278, %lt3A_293 : vector<16xi1>
        %mul3A_295 = arith.constant 16 : i32
        %mul3A_296 = arith.muli %add3A_271, %mul3A_295 : i32
        %add3A_297 = arith.addi %mul3A_296, %mul3A_20 : i32
        %add3A_298 = vector.broadcast %add3A_297 : i32 to vector<16xi32>
        %add3A_299 = arith.addi %iota3A, %add3A_298 : vector<16xi32>
        tpu.vector_store_idx %arg9[%add3A_290], %add3A_299 masked %and3A_294 : memref<32xi32, #tpu.memory_space<vmem>>[vector<16xi32>], vector<16xi32>, vector<16xi1>
        %mul3A_300 = arith.constant 16 : i32
        %mul3A_301 = arith.muli %add3A_271, %mul3A_300 : i32
        %get3A_302 = arith.index_cast %mul3A_301 : i32 to index
        %get3A_303 = tpu.vector_load %arg14[%get3A_302] {strides = array<i32>} : memref<1024xf32, #tpu.memory_space<vmem>>, vector<16xf32>,
        %jit3A_304 = arith.constant 1.000000e+00 : f32
        %jit3A_305 = arith.constant 0.000000e+00 : f32
        %broadcast_in_dim3A_306 = vector.broadcast %jit3A_304 : f32 to vector<16xf32>
        %broadcast_in_dim3A_307 = vector.broadcast %jit3A_305 : f32 to vector<16xf32>
        %select_n3A_308 = arith.select %and3A_294, %broadcast_in_dim3A_306, %broadcast_in_dim3A_307 : vector<16xi1>, vector<16xf32>
        %add3A_309 = arith.addf %get3A_303, %select_n3A_308 : vector<16xf32>
        %swap3A_310 = arith.index_cast %mul3A_301 : i32 to index
        %swap3A_311 = tpu.vector_load %arg14[%swap3A_310] {strides = array<i32>} : memref<1024xf32, #tpu.memory_space<vmem>>, vector<16xf32>,
        tpu.vector_store %arg14[%swap3A_310], %add3A_309 {strides = array<i32>} : memref<1024xf32, #tpu.memory_space<vmem>>, vector<16xf32>,
        %all_reduce_population_count3A_312 = tpu.all_reduce %ge3A_278 {dim = 0 : i64, kind = #tpu.reduction_kind<sum>} : vector<16xi1> -> vector<16xi32>
        %add3A_313 = arith.addi %add3A_267, %all_reduce_population_count3A_312 : vector<16xi32>
        %mul3A_314 = arith.constant 8 : i32
        %mul3A_315 = arith.muli %scan3A_180, %mul3A_314 : i32
        %add3A_316 = arith.constant 3 : i32
        %add3A_317 = arith.addi %mul3A_315, %add3A_316 : i32
        %mul3A_318 = arith.constant 16 : i32
        %mul3A_319 = arith.muli %add3A_317, %mul3A_318 : i32
        %get3A_320 = arith.index_cast %mul3A_319 : i32 to index
        %get3A_321 = tpu.vector_load %arg7[%get3A_320] {strides = array<i32>} : memref<1024xf32, #tpu.memory_space<vmem>>, vector<16xf32>,
        %ge3A_322 = arith.constant 0.000000e+00 : f32
        %ge3A_323 = vector.broadcast %ge3A_322 : f32 to vector<16xf32>
        %ge3A_324 = arith.cmpf oge, %get3A_321, %ge3A_323 : vector<16xf32>
        %jit3A_325 = arith.constant 1 : i32
        %jit3A_326 = arith.constant 0 : i32
        %broadcast_in_dim3A_327 = vector.broadcast %jit3A_325 : i32 to vector<16xi32>
        %broadcast_in_dim3A_328 = vector.broadcast %jit3A_326 : i32 to vector<16xi32>
        %select_n3A_329 = arith.select %ge3A_324, %broadcast_in_dim3A_327, %broadcast_in_dim3A_328 : vector<16xi1>, vector<16xi32>
        %broadcast_in_dim3A_330 = arith.constant true
        %broadcast_in_dim3A_331 = vector.broadcast %broadcast_in_dim3A_330 : i1 to vector<16xi1>
        %masked_cumsum3A_332 = tpu.scan <sum>, %select_n3A_329 masked %broadcast_in_dim3A_331 : vector<16xi32>, vector<16xi1> -> vector<16xi32>
        %sub3A_333 = arith.constant 1 : i32
        %sub3A_334 = vector.broadcast %sub3A_333 : i32 to vector<16xi32>
        %sub3A_335 = arith.subi %add3A_313, %sub3A_334 : vector<16xi32>
        %add3A_336 = arith.addi %masked_cumsum3A_332, %sub3A_335 : vector<16xi32>
        %lt3A_337 = arith.constant 32 : i32
        %lt3A_338 = vector.broadcast %lt3A_337 : i32 to vector<16xi32>
        %lt3A_339 = arith.cmpi slt, %add3A_336, %lt3A_338 : vector<16xi32>
        %and3A_340 = arith.andi %ge3A_324, %lt3A_339 : vector<16xi1>
        %mul3A_341 = arith.constant 16 : i32
        %mul3A_342 = arith.muli %add3A_317, %mul3A_341 : i32
        %add3A_343 = arith.addi %mul3A_342, %mul3A_20 : i32
        %add3A_344 = vector.broadcast %add3A_343 : i32 to vector<16xi32>
        %add3A_345 = arith.addi %iota3A, %add3A_344 : vector<16xi32>
        tpu.vector_store_idx %arg9[%add3A_336], %add3A_345 masked %and3A_340 : memref<32xi32, #tpu.memory_space<vmem>>[vector<16xi32>], vector<16xi32>, vector<16xi1>
        %mul3A_346 = arith.constant 16 : i32
        %mul3A_347 = arith.muli %add3A_317, %mul3A_346 : i32
        %get3A_348 = arith.index_cast %mul3A_347 : i32 to index
        %get3A_349 = tpu.vector_load %arg14[%get3A_348] {strides = array<i32>} : memref<1024xf32, #tpu.memory_space<vmem>>, vector<16xf32>,
        %jit3A_350 = arith.constant 1.000000e+00 : f32
        %jit3A_351 = arith.constant 0.000000e+00 : f32
        %broadcast_in_dim3A_352 = vector.broadcast %jit3A_350 : f32 to vector<16xf32>
        %broadcast_in_dim3A_353 = vector.broadcast %jit3A_351 : f32 to vector<16xf32>
        %select_n3A_354 = arith.select %and3A_340, %broadcast_in_dim3A_352, %broadcast_in_dim3A_353 : vector<16xi1>, vector<16xf32>
        %add3A_355 = arith.addf %get3A_349, %select_n3A_354 : vector<16xf32>
        %swap3A_356 = arith.index_cast %mul3A_347 : i32 to index
        %swap3A_357 = tpu.vector_load %arg14[%swap3A_356] {strides = array<i32>} : memref<1024xf32, #tpu.memory_space<vmem>>, vector<16xf32>,
        tpu.vector_store %arg14[%swap3A_356], %add3A_355 {strides = array<i32>} : memref<1024xf32, #tpu.memory_space<vmem>>, vector<16xf32>,
        %all_reduce_population_count3A_358 = tpu.all_reduce %ge3A_324 {dim = 0 : i64, kind = #tpu.reduction_kind<sum>} : vector<16xi1> -> vector<16xi32>
        %add3A_359 = arith.addi %add3A_313, %all_reduce_population_count3A_358 : vector<16xi32>
        %mul3A_360 = arith.constant 8 : i32
        %mul3A_361 = arith.muli %scan3A_180, %mul3A_360 : i32
        %add3A_362 = arith.constant 4 : i32
        %add3A_363 = arith.addi %mul3A_361, %add3A_362 : i32
        %mul3A_364 = arith.constant 16 : i32
        %mul3A_365 = arith.muli %add3A_363, %mul3A_364 : i32
        %get3A_366 = arith.index_cast %mul3A_365 : i32 to index
        %get3A_367 = tpu.vector_load %arg7[%get3A_366] {strides = array<i32>} : memref<1024xf32, #tpu.memory_space<vmem>>, vector<16xf32>,
        %ge3A_368 = arith.constant 0.000000e+00 : f32
        %ge3A_369 = vector.broadcast %ge3A_368 : f32 to vector<16xf32>
        %ge3A_370 = arith.cmpf oge, %get3A_367, %ge3A_369 : vector<16xf32>
        %jit3A_371 = arith.constant 1 : i32
        %jit3A_372 = arith.constant 0 : i32
        %broadcast_in_dim3A_373 = vector.broadcast %jit3A_371 : i32 to vector<16xi32>
        %broadcast_in_dim3A_374 = vector.broadcast %jit3A_372 : i32 to vector<16xi32>
        %select_n3A_375 = arith.select %ge3A_370, %broadcast_in_dim3A_373, %broadcast_in_dim3A_374 : vector<16xi1>, vector<16xi32>
        %broadcast_in_dim3A_376 = arith.constant true
        %broadcast_in_dim3A_377 = vector.broadcast %broadcast_in_dim3A_376 : i1 to vector<16xi1>
        %masked_cumsum3A_378 = tpu.scan <sum>, %select_n3A_375 masked %broadcast_in_dim3A_377 : vector<16xi32>, vector<16xi1> -> vector<16xi32>
        %sub3A_379 = arith.constant 1 : i32
        %sub3A_380 = vector.broadcast %sub3A_379 : i32 to vector<16xi32>
        %sub3A_381 = arith.subi %add3A_359, %sub3A_380 : vector<16xi32>
        %add3A_382 = arith.addi %masked_cumsum3A_378, %sub3A_381 : vector<16xi32>
        %lt3A_383 = arith.constant 32 : i32
        %lt3A_384 = vector.broadcast %lt3A_383 : i32 to vector<16xi32>
        %lt3A_385 = arith.cmpi slt, %add3A_382, %lt3A_384 : vector<16xi32>
        %and3A_386 = arith.andi %ge3A_370, %lt3A_385 : vector<16xi1>
        %mul3A_387 = arith.constant 16 : i32
        %mul3A_388 = arith.muli %add3A_363, %mul3A_387 : i32
        %add3A_389 = arith.addi %mul3A_388, %mul3A_20 : i32
        %add3A_390 = vector.broadcast %add3A_389 : i32 to vector<16xi32>
        %add3A_391 = arith.addi %iota3A, %add3A_390 : vector<16xi32>
        tpu.vector_store_idx %arg9[%add3A_382], %add3A_391 masked %and3A_386 : memref<32xi32, #tpu.memory_space<vmem>>[vector<16xi32>], vector<16xi32>, vector<16xi1>
        %mul3A_392 = arith.constant 16 : i32
        %mul3A_393 = arith.muli %add3A_363, %mul3A_392 : i32
        %get3A_394 = arith.index_cast %mul3A_393 : i32 to index
        %get3A_395 = tpu.vector_load %arg14[%get3A_394] {strides = array<i32>} : memref<1024xf32, #tpu.memory_space<vmem>>, vector<16xf32>,
        %jit3A_396 = arith.constant 1.000000e+00 : f32
        %jit3A_397 = arith.constant 0.000000e+00 : f32
        %broadcast_in_dim3A_398 = vector.broadcast %jit3A_396 : f32 to vector<16xf32>
        %broadcast_in_dim3A_399 = vector.broadcast %jit3A_397 : f32 to vector<16xf32>
        %select_n3A_400 = arith.select %and3A_386, %broadcast_in_dim3A_398, %broadcast_in_dim3A_399 : vector<16xi1>, vector<16xf32>
        %add3A_401 = arith.addf %get3A_395, %select_n3A_400 : vector<16xf32>
        %swap3A_402 = arith.index_cast %mul3A_393 : i32 to index
        %swap3A_403 = tpu.vector_load %arg14[%swap3A_402] {strides = array<i32>} : memref<1024xf32, #tpu.memory_space<vmem>>, vector<16xf32>,
        tpu.vector_store %arg14[%swap3A_402], %add3A_401 {strides = array<i32>} : memref<1024xf32, #tpu.memory_space<vmem>>, vector<16xf32>,
        %all_reduce_population_count3A_404 = tpu.all_reduce %ge3A_370 {dim = 0 : i64, kind = #tpu.reduction_kind<sum>} : vector<16xi1> -> vector<16xi32>
        %add3A_405 = arith.addi %add3A_359, %all_reduce_population_count3A_404 : vector<16xi32>
        %mul3A_406 = arith.constant 8 : i32
        %mul3A_407 = arith.muli %scan3A_180, %mul3A_406 : i32
        %add3A_408 = arith.constant 5 : i32
        %add3A_409 = arith.addi %mul3A_407, %add3A_408 : i32
        %mul3A_410 = arith.constant 16 : i32
        %mul3A_411 = arith.muli %add3A_409, %mul3A_410 : i32
        %get3A_412 = arith.index_cast %mul3A_411 : i32 to index
        %get3A_413 = tpu.vector_load %arg7[%get3A_412] {strides = array<i32>} : memref<1024xf32, #tpu.memory_space<vmem>>, vector<16xf32>,
        %ge3A_414 = arith.constant 0.000000e+00 : f32
        %ge3A_415 = vector.broadcast %ge3A_414 : f32 to vector<16xf32>
        %ge3A_416 = arith.cmpf oge, %get3A_413, %ge3A_415 : vector<16xf32>
        %jit3A_417 = arith.constant 1 : i32
        %jit3A_418 = arith.constant 0 : i32
        %broadcast_in_dim3A_419 = vector.broadcast %jit3A_417 : i32 to vector<16xi32>
        %broadcast_in_dim3A_420 = vector.broadcast %jit3A_418 : i32 to vector<16xi32>
        %select_n3A_421 = arith.select %ge3A_416, %broadcast_in_dim3A_419, %broadcast_in_dim3A_420 : vector<16xi1>, vector<16xi32>
        %broadcast_in_dim3A_422 = arith.constant true
        %broadcast_in_dim3A_423 = vector.broadcast %broadcast_in_dim3A_422 : i1 to vector<16xi1>
        %masked_cumsum3A_424 = tpu.scan <sum>, %select_n3A_421 masked %broadcast_in_dim3A_423 : vector<16xi32>, vector<16xi1> -> vector<16xi32>
        %sub3A_425 = arith.constant 1 : i32
        %sub3A_426 = vector.broadcast %sub3A_425 : i32 to vector<16xi32>
        %sub3A_427 = arith.subi %add3A_405, %sub3A_426 : vector<16xi32>
        %add3A_428 = arith.addi %masked_cumsum3A_424, %sub3A_427 : vector<16xi32>
        %lt3A_429 = arith.constant 32 : i32
        %lt3A_430 = vector.broadcast %lt3A_429 : i32 to vector<16xi32>
        %lt3A_431 = arith.cmpi slt, %add3A_428, %lt3A_430 : vector<16xi32>
        %and3A_432 = arith.andi %ge3A_416, %lt3A_431 : vector<16xi1>
        %mul3A_433 = arith.constant 16 : i32
        %mul3A_434 = arith.muli %add3A_409, %mul3A_433 : i32
        %add3A_435 = arith.addi %mul3A_434, %mul3A_20 : i32
        %add3A_436 = vector.broadcast %add3A_435 : i32 to vector<16xi32>
        %add3A_437 = arith.addi %iota3A, %add3A_436 : vector<16xi32>
        tpu.vector_store_idx %arg9[%add3A_428], %add3A_437 masked %and3A_432 : memref<32xi32, #tpu.memory_space<vmem>>[vector<16xi32>], vector<16xi32>, vector<16xi1>
        %mul3A_438 = arith.constant 16 : i32
        %mul3A_439 = arith.muli %add3A_409, %mul3A_438 : i32
        %get3A_440 = arith.index_cast %mul3A_439 : i32 to index
        %get3A_441 = tpu.vector_load %arg14[%get3A_440] {strides = array<i32>} : memref<1024xf32, #tpu.memory_space<vmem>>, vector<16xf32>,
        %jit3A_442 = arith.constant 1.000000e+00 : f32
        %jit3A_443 = arith.constant 0.000000e+00 : f32
        %broadcast_in_dim3A_444 = vector.broadcast %jit3A_442 : f32 to vector<16xf32>
        %broadcast_in_dim3A_445 = vector.broadcast %jit3A_443 : f32 to vector<16xf32>
        %select_n3A_446 = arith.select %and3A_432, %broadcast_in_dim3A_444, %broadcast_in_dim3A_445 : vector<16xi1>, vector<16xf32>
        %add3A_447 = arith.addf %get3A_441, %select_n3A_446 : vector<16xf32>
        %swap3A_448 = arith.index_cast %mul3A_439 : i32 to index
        %swap3A_449 = tpu.vector_load %arg14[%swap3A_448] {strides = array<i32>} : memref<1024xf32, #tpu.memory_space<vmem>>, vector<16xf32>,
        tpu.vector_store %arg14[%swap3A_448], %add3A_447 {strides = array<i32>} : memref<1024xf32, #tpu.memory_space<vmem>>, vector<16xf32>,
        %all_reduce_population_count3A_450 = tpu.all_reduce %ge3A_416 {dim = 0 : i64, kind = #tpu.reduction_kind<sum>} : vector<16xi1> -> vector<16xi32>
        %add3A_451 = arith.addi %add3A_405, %all_reduce_population_count3A_450 : vector<16xi32>
        %mul3A_452 = arith.constant 8 : i32
        %mul3A_453 = arith.muli %scan3A_180, %mul3A_452 : i32
        %add3A_454 = arith.constant 6 : i32
        %add3A_455 = arith.addi %mul3A_453, %add3A_454 : i32
        %mul3A_456 = arith.constant 16 : i32
        %mul3A_457 = arith.muli %add3A_455, %mul3A_456 : i32
        %get3A_458 = arith.index_cast %mul3A_457 : i32 to index
        %get3A_459 = tpu.vector_load %arg7[%get3A_458] {strides = array<i32>} : memref<1024xf32, #tpu.memory_space<vmem>>, vector<16xf32>,
        %ge3A_460 = arith.constant 0.000000e+00 : f32
        %ge3A_461 = vector.broadcast %ge3A_460 : f32 to vector<16xf32>
        %ge3A_462 = arith.cmpf oge, %get3A_459, %ge3A_461 : vector<16xf32>
        %jit3A_463 = arith.constant 1 : i32
        %jit3A_464 = arith.constant 0 : i32
        %broadcast_in_dim3A_465 = vector.broadcast %jit3A_463 : i32 to vector<16xi32>
        %broadcast_in_dim3A_466 = vector.broadcast %jit3A_464 : i32 to vector<16xi32>
        %select_n3A_467 = arith.select %ge3A_462, %broadcast_in_dim3A_465, %broadcast_in_dim3A_466 : vector<16xi1>, vector<16xi32>
        %broadcast_in_dim3A_468 = arith.constant true
        %broadcast_in_dim3A_469 = vector.broadcast %broadcast_in_dim3A_468 : i1 to vector<16xi1>
        %masked_cumsum3A_470 = tpu.scan <sum>, %select_n3A_467 masked %broadcast_in_dim3A_469 : vector<16xi32>, vector<16xi1> -> vector<16xi32>
        %sub3A_471 = arith.constant 1 : i32
        %sub3A_472 = vector.broadcast %sub3A_471 : i32 to vector<16xi32>
        %sub3A_473 = arith.subi %add3A_451, %sub3A_472 : vector<16xi32>
        %add3A_474 = arith.addi %masked_cumsum3A_470, %sub3A_473 : vector<16xi32>
        %lt3A_475 = arith.constant 32 : i32
        %lt3A_476 = vector.broadcast %lt3A_475 : i32 to vector<16xi32>
        %lt3A_477 = arith.cmpi slt, %add3A_474, %lt3A_476 : vector<16xi32>
        %and3A_478 = arith.andi %ge3A_462, %lt3A_477 : vector<16xi1>
        %mul3A_479 = arith.constant 16 : i32
        %mul3A_480 = arith.muli %add3A_455, %mul3A_479 : i32
        %add3A_481 = arith.addi %mul3A_480, %mul3A_20 : i32
        %add3A_482 = vector.broadcast %add3A_481 : i32 to vector<16xi32>
        %add3A_483 = arith.addi %iota3A, %add3A_482 : vector<16xi32>
        tpu.vector_store_idx %arg9[%add3A_474], %add3A_483 masked %and3A_478 : memref<32xi32, #tpu.memory_space<vmem>>[vector<16xi32>], vector<16xi32>, vector<16xi1>
        %mul3A_484 = arith.constant 16 : i32
        %mul3A_485 = arith.muli %add3A_455, %mul3A_484 : i32
        %get3A_486 = arith.index_cast %mul3A_485 : i32 to index
        %get3A_487 = tpu.vector_load %arg14[%get3A_486] {strides = array<i32>} : memref<1024xf32, #tpu.memory_space<vmem>>, vector<16xf32>,
        %jit3A_488 = arith.constant 1.000000e+00 : f32
        %jit3A_489 = arith.constant 0.000000e+00 : f32
        %broadcast_in_dim3A_490 = vector.broadcast %jit3A_488 : f32 to vector<16xf32>
        %broadcast_in_dim3A_491 = vector.broadcast %jit3A_489 : f32 to vector<16xf32>
        %select_n3A_492 = arith.select %and3A_478, %broadcast_in_dim3A_490, %broadcast_in_dim3A_491 : vector<16xi1>, vector<16xf32>
        %add3A_493 = arith.addf %get3A_487, %select_n3A_492 : vector<16xf32>
        %swap3A_494 = arith.index_cast %mul3A_485 : i32 to index
        %swap3A_495 = tpu.vector_load %arg14[%swap3A_494] {strides = array<i32>} : memref<1024xf32, #tpu.memory_space<vmem>>, vector<16xf32>,
        tpu.vector_store %arg14[%swap3A_494], %add3A_493 {strides = array<i32>} : memref<1024xf32, #tpu.memory_space<vmem>>, vector<16xf32>,
        %all_reduce_population_count3A_496 = tpu.all_reduce %ge3A_462 {dim = 0 : i64, kind = #tpu.reduction_kind<sum>} : vector<16xi1> -> vector<16xi32>
        %add3A_497 = arith.addi %add3A_451, %all_reduce_population_count3A_496 : vector<16xi32>
        %mul3A_498 = arith.constant 8 : i32
        %mul3A_499 = arith.muli %scan3A_180, %mul3A_498 : i32
        %add3A_500 = arith.constant 7 : i32
        %add3A_501 = arith.addi %mul3A_499, %add3A_500 : i32
        %mul3A_502 = arith.constant 16 : i32
        %mul3A_503 = arith.muli %add3A_501, %mul3A_502 : i32
        %get3A_504 = arith.index_cast %mul3A_503 : i32 to index
        %get3A_505 = tpu.vector_load %arg7[%get3A_504] {strides = array<i32>} : memref<1024xf32, #tpu.memory_space<vmem>>, vector<16xf32>,
        %ge3A_506 = arith.constant 0.000000e+00 : f32
        %ge3A_507 = vector.broadcast %ge3A_506 : f32 to vector<16xf32>
        %ge3A_508 = arith.cmpf oge, %get3A_505, %ge3A_507 : vector<16xf32>
        %jit3A_509 = arith.constant 1 : i32
        %jit3A_510 = arith.constant 0 : i32
        %broadcast_in_dim3A_511 = vector.broadcast %jit3A_509 : i32 to vector<16xi32>
        %broadcast_in_dim3A_512 = vector.broadcast %jit3A_510 : i32 to vector<16xi32>
        %select_n3A_513 = arith.select %ge3A_508, %broadcast_in_dim3A_511, %broadcast_in_dim3A_512 : vector<16xi1>, vector<16xi32>
        %broadcast_in_dim3A_514 = arith.constant true
        %broadcast_in_dim3A_515 = vector.broadcast %broadcast_in_dim3A_514 : i1 to vector<16xi1>
        %masked_cumsum3A_516 = tpu.scan <sum>, %select_n3A_513 masked %broadcast_in_dim3A_515 : vector<16xi32>, vector<16xi1> -> vector<16xi32>
        %sub3A_517 = arith.constant 1 : i32
        %sub3A_518 = vector.broadcast %sub3A_517 : i32 to vector<16xi32>
        %sub3A_519 = arith.subi %add3A_497, %sub3A_518 : vector<16xi32>
        %add3A_520 = arith.addi %masked_cumsum3A_516, %sub3A_519 : vector<16xi32>
        %lt3A_521 = arith.constant 32 : i32
        %lt3A_522 = vector.broadcast %lt3A_521 : i32 to vector<16xi32>
        %lt3A_523 = arith.cmpi slt, %add3A_520, %lt3A_522 : vector<16xi32>
        %and3A_524 = arith.andi %ge3A_508, %lt3A_523 : vector<16xi1>
        %mul3A_525 = arith.constant 16 : i32
        %mul3A_526 = arith.muli %add3A_501, %mul3A_525 : i32
        %add3A_527 = arith.addi %mul3A_526, %mul3A_20 : i32
        %add3A_528 = vector.broadcast %add3A_527 : i32 to vector<16xi32>
        %add3A_529 = arith.addi %iota3A, %add3A_528 : vector<16xi32>
        tpu.vector_store_idx %arg9[%add3A_520], %add3A_529 masked %and3A_524 : memref<32xi32, #tpu.memory_space<vmem>>[vector<16xi32>], vector<16xi32>, vector<16xi1>
        %mul3A_530 = arith.constant 16 : i32
        %mul3A_531 = arith.muli %add3A_501, %mul3A_530 : i32
        %get3A_532 = arith.index_cast %mul3A_531 : i32 to index
        %get3A_533 = tpu.vector_load %arg14[%get3A_532] {strides = array<i32>} : memref<1024xf32, #tpu.memory_space<vmem>>, vector<16xf32>,
        %jit3A_534 = arith.constant 1.000000e+00 : f32
        %jit3A_535 = arith.constant 0.000000e+00 : f32
        %broadcast_in_dim3A_536 = vector.broadcast %jit3A_534 : f32 to vector<16xf32>
        %broadcast_in_dim3A_537 = vector.broadcast %jit3A_535 : f32 to vector<16xf32>
        %select_n3A_538 = arith.select %and3A_524, %broadcast_in_dim3A_536, %broadcast_in_dim3A_537 : vector<16xi1>, vector<16xf32>
        %add3A_539 = arith.addf %get3A_533, %select_n3A_538 : vector<16xf32>
        %swap3A_540 = arith.index_cast %mul3A_531 : i32 to index
        %swap3A_541 = tpu.vector_load %arg14[%swap3A_540] {strides = array<i32>} : memref<1024xf32, #tpu.memory_space<vmem>>, vector<16xf32>,
        tpu.vector_store %arg14[%swap3A_540], %add3A_539 {strides = array<i32>} : memref<1024xf32, #tpu.memory_space<vmem>>, vector<16xf32>,
        %all_reduce_population_count3A_542 = tpu.all_reduce %ge3A_508 {dim = 0 : i64, kind = #tpu.reduction_kind<sum>} : vector<16xi1> -> vector<16xi32>
        %add3A_543 = arith.addi %add3A_497, %all_reduce_population_count3A_542 : vector<16xi32>
        scf.yield %add3A_543 : vector<16xi32>
      }
      %scan3A_119 = arith.constant 8 : i32
      %dma_start3A_120 = arith.constant 0 : i32
      %dma_start3A_121 = arith.constant 0 : i32
      %dma_start3A_122 = tpu.memref_slice %arg3[%dma_start3A_120, %dma_start3A_121] : memref<4096x256xf32, #tpu.memory_space<hbm>> -> memref<4096x256xf32, #tpu.memory_space<hbm>>
      tpu.enqueue_indirect_dma source(%dma_start3A_122 : memref<4096x256xf32, #tpu.memory_space<hbm>>) target(%arg11 : memref<32x256xf32, #tpu.memory_space<vmem>>) offsets(%arg9 : memref<32xi32, #tpu.memory_space<vmem>>) semaphore(%arg18 : memref<!tpu.dma_semaphore, #tpu.memory_space<semaphore_mem>>)
      %add3A_123 = arith.constant 2 : i32
      %add3A_124 = arith.addi %add3A_79, %add3A_123 : i32
      %min3A_125 = arith.constant 127 : i32
      %min3A_126 = arith.minsi %add3A_124, %min3A_125 : i32
      %add3A_127 = arith.addi %mul3A_2, %min3A_126 : i32
      %dma_start3A_128 = arith.constant 0 : i32
      %dma_start3A_129 = tpu.memref_slice %arg2[%add3A_127, %dma_start3A_128] : memref<4096x1024xf32, #tpu.memory_space<hbm>> -> memref<1x1024xf32, #tpu.memory_space<hbm>>
      %dma_start3A_130 = tpu.memref_squeeze %dma_start3A_129 : memref<1x1024xf32, #tpu.memory_space<hbm>> -> memref<1024xf32, #tpu.memory_space<hbm>>
      %dma_start3A_131 = arith.constant 0 : i32
      %dma_start3A_132 = tpu.memref_slice %arg2[%add3A_127, %dma_start3A_131] : memref<4096x1024xf32, #tpu.memory_space<hbm>> -> memref<1x1024xf32, #tpu.memory_space<hbm>>
      %dma_start3A_133 = tpu.memref_squeeze %dma_start3A_132 : memref<1x1024xf32, #tpu.memory_space<hbm>> -> memref<1024xf32, #tpu.memory_space<hbm>>
      tpu.enqueue_dma source(%dma_start3A_133 : memref<1024xf32, #tpu.memory_space<hbm>>) target(%arg7 : memref<1024xf32, #tpu.memory_space<vmem>>) target_semaphore(%arg16 : memref<!tpu.dma_semaphore, #tpu.memory_space<semaphore_mem>>)
      %dma_wait3A_134 = arith.constant 0 : i32
      %dma_wait3A_135 = arith.constant 0 : i32
      %dma_wait3A_136 = tpu.memref_slice %arg3[%dma_wait3A_134, %dma_wait3A_135] : memref<4096x256xf32, #tpu.memory_space<hbm>> -> memref<4096x256xf32, #tpu.memory_space<hbm>>
      tpu.wait_indirect_dma semaphore(%arg17 : memref<!tpu.dma_semaphore, #tpu.memory_space<semaphore_mem>>) src(%dma_wait3A_136 : memref<4096x256xf32, #tpu.memory_space<hbm>>) dst(%arg10 : memref<32x256xf32, #tpu.memory_space<vmem>>)
      %gt3A = arith.constant 0 : i32
      %gt3A_137 = arith.cmpi sgt, %scan3A_74, %gt3A : i32
      %convert_element_type3A = arith.extui %gt3A_137 : i1 to i32
      %cond3A = arith.constant 0 : i32
      %cond3A_138 = arith.cmpi ne, %convert_element_type3A, %cond3A : i32
      scf.if %cond3A_138 {
        %dma_wait3A_180 = arith.constant 0 : i32
        %dma_wait3A_181 = arith.constant 0 : i32
        %dma_wait3A_182 = tpu.memref_slice %arg4[%mul3A_2, %dma_wait3A_180, %dma_wait3A_181] : memref<4096x2x256xf32, #tpu.memory_space<hbm>> -> memref<1x2x256xf32, #tpu.memory_space<hbm>>
        %dma_wait3A_183 = tpu.memref_squeeze %dma_wait3A_182 : memref<1x2x256xf32, #tpu.memory_space<hbm>> -> memref<2x256xf32, #tpu.memory_space<hbm>>
        %dma_wait3A_184 = arith.constant 0 : i32
        %dma_wait3A_185 = arith.constant 0 : i32
        %dma_wait3A_186 = tpu.memref_slice %arg4[%mul3A_2, %dma_wait3A_184, %dma_wait3A_185] : memref<4096x2x256xf32, #tpu.memory_space<hbm>> -> memref<1x2x256xf32, #tpu.memory_space<hbm>>
        %dma_wait3A_187 = tpu.memref_squeeze %dma_wait3A_186 : memref<1x2x256xf32, #tpu.memory_space<hbm>> -> memref<2x256xf32, #tpu.memory_space<hbm>>
        tpu.wait_dma2 semaphore(%arg19 : memref<!tpu.dma_semaphore, #tpu.memory_space<semaphore_mem>>) src(%arg12 : memref<2x256xf32, #tpu.memory_space<vmem>>) dst(%dma_wait3A_187 : memref<2x256xf32, #tpu.memory_space<hbm>>)
      } else {
      }
      %scan3A_139 = arith.constant 0 : i32
      %scan3A_140 = arith.constant 0 : i32
      %scan3A_141 = arith.constant 16 : i32
      %scan3A_142 = arith.addi %scan3A_140, %scan3A_141 : i32
      %scan3A_143 = arith.constant 1 : i32
      %scan3A_144 = scf.for %scan3A_180 = %scan3A_140 to %scan3A_142 step %scan3A_143 iter_args(%scan3A_181 = %scan3A_139) -> (i32)  : i32 {
        %mul3A_182 = arith.constant 16 : i32
        %mul3A_183 = arith.muli %scan3A_180, %mul3A_182 : i32
        %get3A = arith.constant 0 : i32
        %get3A_184 = arith.index_cast %get3A : i32 to index
        %get3A_185 = arith.index_cast %mul3A_183 : i32 to index
        %get3A_186 = tpu.vector_load %arg10[%get3A_184, %get3A_185] {strides = array<i32>} : memref<32x256xf32, #tpu.memory_space<vmem>>, vector<16xf32>,
        %mul3A_187 = arith.constant 16 : i32
        %mul3A_188 = arith.muli %scan3A_180, %mul3A_187 : i32
        %get3A_189 = arith.constant 1 : i32
        %get3A_190 = arith.index_cast %get3A_189 : i32 to index
        %get3A_191 = arith.index_cast %mul3A_188 : i32 to index
        %get3A_192 = tpu.vector_load %arg10[%get3A_190, %get3A_191] {strides = array<i32>} : memref<32x256xf32, #tpu.memory_space<vmem>>, vector<16xf32>,
        %mul3A_193 = arith.constant 16 : i32
        %mul3A_194 = arith.muli %scan3A_180, %mul3A_193 : i32
        %get3A_195 = arith.constant 2 : i32
        %get3A_196 = arith.index_cast %get3A_195 : i32 to index
        %get3A_197 = arith.index_cast %mul3A_194 : i32 to index
        %get3A_198 = tpu.vector_load %arg10[%get3A_196, %get3A_197] {strides = array<i32>} : memref<32x256xf32, #tpu.memory_space<vmem>>, vector<16xf32>,
        %mul3A_199 = arith.constant 16 : i32
        %mul3A_200 = arith.muli %scan3A_180, %mul3A_199 : i32
        %get3A_201 = arith.constant 3 : i32
        %get3A_202 = arith.index_cast %get3A_201 : i32 to index
        %get3A_203 = arith.index_cast %mul3A_200 : i32 to index
        %get3A_204 = tpu.vector_load %arg10[%get3A_202, %get3A_203] {strides = array<i32>} : memref<32x256xf32, #tpu.memory_space<vmem>>, vector<16xf32>,
        %mul3A_205 = arith.constant 16 : i32
        %mul3A_206 = arith.muli %scan3A_180, %mul3A_205 : i32
        %get3A_207 = arith.constant 4 : i32
        %get3A_208 = arith.index_cast %get3A_207 : i32 to index
        %get3A_209 = arith.index_cast %mul3A_206 : i32 to index
        %get3A_210 = tpu.vector_load %arg10[%get3A_208, %get3A_209] {strides = array<i32>} : memref<32x256xf32, #tpu.memory_space<vmem>>, vector<16xf32>,
        %mul3A_211 = arith.constant 16 : i32
        %mul3A_212 = arith.muli %scan3A_180, %mul3A_211 : i32
        %get3A_213 = arith.constant 5 : i32
        %get3A_214 = arith.index_cast %get3A_213 : i32 to index
        %get3A_215 = arith.index_cast %mul3A_212 : i32 to index
        %get3A_216 = tpu.vector_load %arg10[%get3A_214, %get3A_215] {strides = array<i32>} : memref<32x256xf32, #tpu.memory_space<vmem>>, vector<16xf32>,
        %mul3A_217 = arith.constant 16 : i32
        %mul3A_218 = arith.muli %scan3A_180, %mul3A_217 : i32
        %get3A_219 = arith.constant 6 : i32
        %get3A_220 = arith.index_cast %get3A_219 : i32 to index
        %get3A_221 = arith.index_cast %mul3A_218 : i32 to index
        %get3A_222 = tpu.vector_load %arg10[%get3A_220, %get3A_221] {strides = array<i32>} : memref<32x256xf32, #tpu.memory_space<vmem>>, vector<16xf32>,
        %mul3A_223 = arith.constant 16 : i32
        %mul3A_224 = arith.muli %scan3A_180, %mul3A_223 : i32
        %get3A_225 = arith.constant 7 : i32
        %get3A_226 = arith.index_cast %get3A_225 : i32 to index
        %get3A_227 = arith.index_cast %mul3A_224 : i32 to index
        %get3A_228 = tpu.vector_load %arg10[%get3A_226, %get3A_227] {strides = array<i32>} : memref<32x256xf32, #tpu.memory_space<vmem>>, vector<16xf32>,
        %mul3A_229 = arith.constant 16 : i32
        %mul3A_230 = arith.muli %scan3A_180, %mul3A_229 : i32
        %get3A_231 = arith.constant 8 : i32
        %get3A_232 = arith.index_cast %get3A_231 : i32 to index
        %get3A_233 = arith.index_cast %mul3A_230 : i32 to index
        %get3A_234 = tpu.vector_load %arg10[%get3A_232, %get3A_233] {strides = array<i32>} : memref<32x256xf32, #tpu.memory_space<vmem>>, vector<16xf32>,
        %mul3A_235 = arith.constant 16 : i32
        %mul3A_236 = arith.muli %scan3A_180, %mul3A_235 : i32
        %get3A_237 = arith.constant 9 : i32
        %get3A_238 = arith.index_cast %get3A_237 : i32 to index
        %get3A_239 = arith.index_cast %mul3A_236 : i32 to index
        %get3A_240 = tpu.vector_load %arg10[%get3A_238, %get3A_239] {strides = array<i32>} : memref<32x256xf32, #tpu.memory_space<vmem>>, vector<16xf32>,
        %mul3A_241 = arith.constant 16 : i32
        %mul3A_242 = arith.muli %scan3A_180, %mul3A_241 : i32
        %get3A_243 = arith.constant 10 : i32
        %get3A_244 = arith.index_cast %get3A_243 : i32 to index
        %get3A_245 = arith.index_cast %mul3A_242 : i32 to index
        %get3A_246 = tpu.vector_load %arg10[%get3A_244, %get3A_245] {strides = array<i32>} : memref<32x256xf32, #tpu.memory_space<vmem>>, vector<16xf32>,
        %mul3A_247 = arith.constant 16 : i32
        %mul3A_248 = arith.muli %scan3A_180, %mul3A_247 : i32
        %get3A_249 = arith.constant 11 : i32
        %get3A_250 = arith.index_cast %get3A_249 : i32 to index
        %get3A_251 = arith.index_cast %mul3A_248 : i32 to index
        %get3A_252 = tpu.vector_load %arg10[%get3A_250, %get3A_251] {strides = array<i32>} : memref<32x256xf32, #tpu.memory_space<vmem>>, vector<16xf32>,
        %mul3A_253 = arith.constant 16 : i32
        %mul3A_254 = arith.muli %scan3A_180, %mul3A_253 : i32
        %get3A_255 = arith.constant 12 : i32
        %get3A_256 = arith.index_cast %get3A_255 : i32 to index
        %get3A_257 = arith.index_cast %mul3A_254 : i32 to index
        %get3A_258 = tpu.vector_load %arg10[%get3A_256, %get3A_257] {strides = array<i32>} : memref<32x256xf32, #tpu.memory_space<vmem>>, vector<16xf32>,
        %mul3A_259 = arith.constant 16 : i32
        %mul3A_260 = arith.muli %scan3A_180, %mul3A_259 : i32
        %get3A_261 = arith.constant 13 : i32
        %get3A_262 = arith.index_cast %get3A_261 : i32 to index
        %get3A_263 = arith.index_cast %mul3A_260 : i32 to index
        %get3A_264 = tpu.vector_load %arg10[%get3A_262, %get3A_263] {strides = array<i32>} : memref<32x256xf32, #tpu.memory_space<vmem>>, vector<16xf32>,
        %mul3A_265 = arith.constant 16 : i32
        %mul3A_266 = arith.muli %scan3A_180, %mul3A_265 : i32
        %get3A_267 = arith.constant 14 : i32
        %get3A_268 = arith.index_cast %get3A_267 : i32 to index
        %get3A_269 = arith.index_cast %mul3A_266 : i32 to index
        %get3A_270 = tpu.vector_load %arg10[%get3A_268, %get3A_269] {strides = array<i32>} : memref<32x256xf32, #tpu.memory_space<vmem>>, vector<16xf32>,
        %mul3A_271 = arith.constant 16 : i32
        %mul3A_272 = arith.muli %scan3A_180, %mul3A_271 : i32
        %get3A_273 = arith.constant 15 : i32
        %get3A_274 = arith.index_cast %get3A_273 : i32 to index
        %get3A_275 = arith.index_cast %mul3A_272 : i32 to index
        %get3A_276 = tpu.vector_load %arg10[%get3A_274, %get3A_275] {strides = array<i32>} : memref<32x256xf32, #tpu.memory_space<vmem>>, vector<16xf32>,
        %mul3A_277 = arith.constant 16 : i32
        %mul3A_278 = arith.muli %scan3A_180, %mul3A_277 : i32
        %get3A_279 = arith.constant 16 : i32
        %get3A_280 = arith.index_cast %get3A_279 : i32 to index
        %get3A_281 = arith.index_cast %mul3A_278 : i32 to index
        %get3A_282 = tpu.vector_load %arg10[%get3A_280, %get3A_281] {strides = array<i32>} : memref<32x256xf32, #tpu.memory_space<vmem>>, vector<16xf32>,
        %mul3A_283 = arith.constant 16 : i32
        %mul3A_284 = arith.muli %scan3A_180, %mul3A_283 : i32
        %get3A_285 = arith.constant 17 : i32
        %get3A_286 = arith.index_cast %get3A_285 : i32 to index
        %get3A_287 = arith.index_cast %mul3A_284 : i32 to index
        %get3A_288 = tpu.vector_load %arg10[%get3A_286, %get3A_287] {strides = array<i32>} : memref<32x256xf32, #tpu.memory_space<vmem>>, vector<16xf32>,
        %mul3A_289 = arith.constant 16 : i32
        %mul3A_290 = arith.muli %scan3A_180, %mul3A_289 : i32
        %get3A_291 = arith.constant 18 : i32
        %get3A_292 = arith.index_cast %get3A_291 : i32 to index
        %get3A_293 = arith.index_cast %mul3A_290 : i32 to index
        %get3A_294 = tpu.vector_load %arg10[%get3A_292, %get3A_293] {strides = array<i32>} : memref<32x256xf32, #tpu.memory_space<vmem>>, vector<16xf32>,
        %mul3A_295 = arith.constant 16 : i32
        %mul3A_296 = arith.muli %scan3A_180, %mul3A_295 : i32
        %get3A_297 = arith.constant 19 : i32
        %get3A_298 = arith.index_cast %get3A_297 : i32 to index
        %get3A_299 = arith.index_cast %mul3A_296 : i32 to index
        %get3A_300 = tpu.vector_load %arg10[%get3A_298, %get3A_299] {strides = array<i32>} : memref<32x256xf32, #tpu.memory_space<vmem>>, vector<16xf32>,
        %mul3A_301 = arith.constant 16 : i32
        %mul3A_302 = arith.muli %scan3A_180, %mul3A_301 : i32
        %get3A_303 = arith.constant 20 : i32
        %get3A_304 = arith.index_cast %get3A_303 : i32 to index
        %get3A_305 = arith.index_cast %mul3A_302 : i32 to index
        %get3A_306 = tpu.vector_load %arg10[%get3A_304, %get3A_305] {strides = array<i32>} : memref<32x256xf32, #tpu.memory_space<vmem>>, vector<16xf32>,
        %mul3A_307 = arith.constant 16 : i32
        %mul3A_308 = arith.muli %scan3A_180, %mul3A_307 : i32
        %get3A_309 = arith.constant 21 : i32
        %get3A_310 = arith.index_cast %get3A_309 : i32 to index
        %get3A_311 = arith.index_cast %mul3A_308 : i32 to index
        %get3A_312 = tpu.vector_load %arg10[%get3A_310, %get3A_311] {strides = array<i32>} : memref<32x256xf32, #tpu.memory_space<vmem>>, vector<16xf32>,
        %mul3A_313 = arith.constant 16 : i32
        %mul3A_314 = arith.muli %scan3A_180, %mul3A_313 : i32
        %get3A_315 = arith.constant 22 : i32
        %get3A_316 = arith.index_cast %get3A_315 : i32 to index
        %get3A_317 = arith.index_cast %mul3A_314 : i32 to index
        %get3A_318 = tpu.vector_load %arg10[%get3A_316, %get3A_317] {strides = array<i32>} : memref<32x256xf32, #tpu.memory_space<vmem>>, vector<16xf32>,
        %mul3A_319 = arith.constant 16 : i32
        %mul3A_320 = arith.muli %scan3A_180, %mul3A_319 : i32
        %get3A_321 = arith.constant 23 : i32
        %get3A_322 = arith.index_cast %get3A_321 : i32 to index
        %get3A_323 = arith.index_cast %mul3A_320 : i32 to index
        %get3A_324 = tpu.vector_load %arg10[%get3A_322, %get3A_323] {strides = array<i32>} : memref<32x256xf32, #tpu.memory_space<vmem>>, vector<16xf32>,
        %mul3A_325 = arith.constant 16 : i32
        %mul3A_326 = arith.muli %scan3A_180, %mul3A_325 : i32
        %get3A_327 = arith.constant 24 : i32
        %get3A_328 = arith.index_cast %get3A_327 : i32 to index
        %get3A_329 = arith.index_cast %mul3A_326 : i32 to index
        %get3A_330 = tpu.vector_load %arg10[%get3A_328, %get3A_329] {strides = array<i32>} : memref<32x256xf32, #tpu.memory_space<vmem>>, vector<16xf32>,
        %mul3A_331 = arith.constant 16 : i32
        %mul3A_332 = arith.muli %scan3A_180, %mul3A_331 : i32
        %get3A_333 = arith.constant 25 : i32
        %get3A_334 = arith.index_cast %get3A_333 : i32 to index
        %get3A_335 = arith.index_cast %mul3A_332 : i32 to index
        %get3A_336 = tpu.vector_load %arg10[%get3A_334, %get3A_335] {strides = array<i32>} : memref<32x256xf32, #tpu.memory_space<vmem>>, vector<16xf32>,
        %mul3A_337 = arith.constant 16 : i32
        %mul3A_338 = arith.muli %scan3A_180, %mul3A_337 : i32
        %get3A_339 = arith.constant 26 : i32
        %get3A_340 = arith.index_cast %get3A_339 : i32 to index
        %get3A_341 = arith.index_cast %mul3A_338 : i32 to index
        %get3A_342 = tpu.vector_load %arg10[%get3A_340, %get3A_341] {strides = array<i32>} : memref<32x256xf32, #tpu.memory_space<vmem>>, vector<16xf32>,
        %mul3A_343 = arith.constant 16 : i32
        %mul3A_344 = arith.muli %scan3A_180, %mul3A_343 : i32
        %get3A_345 = arith.constant 27 : i32
        %get3A_346 = arith.index_cast %get3A_345 : i32 to index
        %get3A_347 = arith.index_cast %mul3A_344 : i32 to index
        %get3A_348 = tpu.vector_load %arg10[%get3A_346, %get3A_347] {strides = array<i32>} : memref<32x256xf32, #tpu.memory_space<vmem>>, vector<16xf32>,
        %mul3A_349 = arith.constant 16 : i32
        %mul3A_350 = arith.muli %scan3A_180, %mul3A_349 : i32
        %get3A_351 = arith.constant 28 : i32
        %get3A_352 = arith.index_cast %get3A_351 : i32 to index
        %get3A_353 = arith.index_cast %mul3A_350 : i32 to index
        %get3A_354 = tpu.vector_load %arg10[%get3A_352, %get3A_353] {strides = array<i32>} : memref<32x256xf32, #tpu.memory_space<vmem>>, vector<16xf32>,
        %mul3A_355 = arith.constant 16 : i32
        %mul3A_356 = arith.muli %scan3A_180, %mul3A_355 : i32
        %get3A_357 = arith.constant 29 : i32
        %get3A_358 = arith.index_cast %get3A_357 : i32 to index
        %get3A_359 = arith.index_cast %mul3A_356 : i32 to index
        %get3A_360 = tpu.vector_load %arg10[%get3A_358, %get3A_359] {strides = array<i32>} : memref<32x256xf32, #tpu.memory_space<vmem>>, vector<16xf32>,
        %mul3A_361 = arith.constant 16 : i32
        %mul3A_362 = arith.muli %scan3A_180, %mul3A_361 : i32
        %get3A_363 = arith.constant 30 : i32
        %get3A_364 = arith.index_cast %get3A_363 : i32 to index
        %get3A_365 = arith.index_cast %mul3A_362 : i32 to index
        %get3A_366 = tpu.vector_load %arg10[%get3A_364, %get3A_365] {strides = array<i32>} : memref<32x256xf32, #tpu.memory_space<vmem>>, vector<16xf32>,
        %mul3A_367 = arith.constant 16 : i32
        %mul3A_368 = arith.muli %scan3A_180, %mul3A_367 : i32
        %get3A_369 = arith.constant 31 : i32
        %get3A_370 = arith.index_cast %get3A_369 : i32 to index
        %get3A_371 = arith.index_cast %mul3A_368 : i32 to index
        %get3A_372 = tpu.vector_load %arg10[%get3A_370, %get3A_371] {strides = array<i32>} : memref<32x256xf32, #tpu.memory_space<vmem>>, vector<16xf32>,
        %max3A = arith.maximumf %get3A_186, %get3A_198 : vector<16xf32>
        %add3A_373 = arith.addf %get3A_186, %get3A_198 : vector<16xf32>
        %max3A_374 = arith.maximumf %get3A_192, %get3A_204 : vector<16xf32>
        %add3A_375 = arith.addf %get3A_192, %get3A_204 : vector<16xf32>
        %max3A_376 = arith.maximumf %max3A, %get3A_210 : vector<16xf32>
        %add3A_377 = arith.addf %add3A_373, %get3A_210 : vector<16xf32>
        %max3A_378 = arith.maximumf %max3A_374, %get3A_216 : vector<16xf32>
        %add3A_379 = arith.addf %add3A_375, %get3A_216 : vector<16xf32>
        %max3A_380 = arith.maximumf %max3A_376, %get3A_222 : vector<16xf32>
        %add3A_381 = arith.addf %add3A_377, %get3A_222 : vector<16xf32>
        %max3A_382 = arith.maximumf %max3A_378, %get3A_228 : vector<16xf32>
        %add3A_383 = arith.addf %add3A_379, %get3A_228 : vector<16xf32>
        %max3A_384 = arith.maximumf %max3A_380, %get3A_234 : vector<16xf32>
        %add3A_385 = arith.addf %add3A_381, %get3A_234 : vector<16xf32>
        %max3A_386 = arith.maximumf %max3A_382, %get3A_240 : vector<16xf32>
        %add3A_387 = arith.addf %add3A_383, %get3A_240 : vector<16xf32>
        %max3A_388 = arith.maximumf %max3A_384, %get3A_246 : vector<16xf32>
        %add3A_389 = arith.addf %add3A_385, %get3A_246 : vector<16xf32>
        %max3A_390 = arith.maximumf %max3A_386, %get3A_252 : vector<16xf32>
        %add3A_391 = arith.addf %add3A_387, %get3A_252 : vector<16xf32>
        %max3A_392 = arith.maximumf %max3A_388, %get3A_258 : vector<16xf32>
        %add3A_393 = arith.addf %add3A_389, %get3A_258 : vector<16xf32>
        %max3A_394 = arith.maximumf %max3A_390, %get3A_264 : vector<16xf32>
        %add3A_395 = arith.addf %add3A_391, %get3A_264 : vector<16xf32>
        %max3A_396 = arith.maximumf %max3A_392, %get3A_270 : vector<16xf32>
        %add3A_397 = arith.addf %add3A_393, %get3A_270 : vector<16xf32>
        %max3A_398 = arith.maximumf %max3A_394, %get3A_276 : vector<16xf32>
        %add3A_399 = arith.addf %add3A_395, %get3A_276 : vector<16xf32>
        %max3A_400 = arith.maximumf %max3A_396, %get3A_282 : vector<16xf32>
        %add3A_401 = arith.addf %add3A_397, %get3A_282 : vector<16xf32>
        %max3A_402 = arith.maximumf %max3A_398, %get3A_288 : vector<16xf32>
        %add3A_403 = arith.addf %add3A_399, %get3A_288 : vector<16xf32>
        %max3A_404 = arith.maximumf %max3A_400, %get3A_294 : vector<16xf32>
        %add3A_405 = arith.addf %add3A_401, %get3A_294 : vector<16xf32>
        %max3A_406 = arith.maximumf %max3A_402, %get3A_300 : vector<16xf32>
        %add3A_407 = arith.addf %add3A_403, %get3A_300 : vector<16xf32>
        %max3A_408 = arith.maximumf %max3A_404, %get3A_306 : vector<16xf32>
        %add3A_409 = arith.addf %add3A_405, %get3A_306 : vector<16xf32>
        %max3A_410 = arith.maximumf %max3A_406, %get3A_312 : vector<16xf32>
        %add3A_411 = arith.addf %add3A_407, %get3A_312 : vector<16xf32>
        %max3A_412 = arith.maximumf %max3A_408, %get3A_318 : vector<16xf32>
        %add3A_413 = arith.addf %add3A_409, %get3A_318 : vector<16xf32>
        %max3A_414 = arith.maximumf %max3A_410, %get3A_324 : vector<16xf32>
        %add3A_415 = arith.addf %add3A_411, %get3A_324 : vector<16xf32>
        %max3A_416 = arith.maximumf %max3A_412, %get3A_330 : vector<16xf32>
        %add3A_417 = arith.addf %add3A_413, %get3A_330 : vector<16xf32>
        %max3A_418 = arith.maximumf %max3A_414, %get3A_336 : vector<16xf32>
        %add3A_419 = arith.addf %add3A_415, %get3A_336 : vector<16xf32>
        %max3A_420 = arith.maximumf %max3A_416, %get3A_342 : vector<16xf32>
        %add3A_421 = arith.addf %add3A_417, %get3A_342 : vector<16xf32>
        %max3A_422 = arith.maximumf %max3A_418, %get3A_348 : vector<16xf32>
        %add3A_423 = arith.addf %add3A_419, %get3A_348 : vector<16xf32>
        %max3A_424 = arith.maximumf %max3A_420, %get3A_354 : vector<16xf32>
        %add3A_425 = arith.addf %add3A_421, %get3A_354 : vector<16xf32>
        %max3A_426 = arith.maximumf %max3A_422, %get3A_360 : vector<16xf32>
        %add3A_427 = arith.addf %add3A_423, %get3A_360 : vector<16xf32>
        %max3A_428 = arith.maximumf %max3A_424, %get3A_366 : vector<16xf32>
        %add3A_429 = arith.addf %add3A_425, %get3A_366 : vector<16xf32>
        %max3A_430 = arith.maximumf %max3A_426, %get3A_372 : vector<16xf32>
        %add3A_431 = arith.addf %add3A_427, %get3A_372 : vector<16xf32>
        %max3A_432 = arith.maximumf %max3A_428, %max3A_430 : vector<16xf32>
        %mul3A_433 = arith.constant 16 : i32
        %mul3A_434 = arith.muli %scan3A_180, %mul3A_433 : i32
        %swap3A = arith.constant 0 : i32
        %swap3A_435 = arith.index_cast %swap3A : i32 to index
        %swap3A_436 = arith.index_cast %mul3A_434 : i32 to index
        %swap3A_437 = tpu.vector_load %arg12[%swap3A_435, %swap3A_436] {strides = array<i32>} : memref<2x256xf32, #tpu.memory_space<vmem>>, vector<16xf32>,
        tpu.vector_store %arg12[%swap3A_435, %swap3A_436], %max3A_432 {strides = array<i32>} : memref<2x256xf32, #tpu.memory_space<vmem>>, vector<16xf32>,
        %add3A_438 = arith.addf %add3A_429, %add3A_431 : vector<16xf32>
        %mul3A_439 = arith.constant 16 : i32
        %mul3A_440 = arith.muli %scan3A_180, %mul3A_439 : i32
        %swap3A_441 = arith.constant 1 : i32
        %swap3A_442 = arith.index_cast %swap3A_441 : i32 to index
        %swap3A_443 = arith.index_cast %mul3A_440 : i32 to index
        %swap3A_444 = tpu.vector_load %arg12[%swap3A_442, %swap3A_443] {strides = array<i32>} : memref<2x256xf32, #tpu.memory_space<vmem>>, vector<16xf32>,
        tpu.vector_store %arg12[%swap3A_442, %swap3A_443], %add3A_438 {strides = array<i32>} : memref<2x256xf32, #tpu.memory_space<vmem>>, vector<16xf32>,
        %scan3A_445 = arith.constant 0 : i32
        scf.yield %scan3A_445 : i32
      }
      %scan3A_145 = arith.constant 16 : i32
      %add3A_146 = arith.addi %mul3A_2, %mul3A_77 : i32
      %dma_start3A_147 = arith.constant 0 : i32
      %dma_start3A_148 = arith.constant 0 : i32
      %dma_start3A_149 = tpu.memref_slice %arg4[%add3A_146, %dma_start3A_147, %dma_start3A_148] : memref<4096x2x256xf32, #tpu.memory_space<hbm>> -> memref<1x2x256xf32, #tpu.memory_space<hbm>>
      %dma_start3A_150 = tpu.memref_squeeze %dma_start3A_149 : memref<1x2x256xf32, #tpu.memory_space<hbm>> -> memref<2x256xf32, #tpu.memory_space<hbm>>
      %dma_start3A_151 = arith.constant 0 : i32
      %dma_start3A_152 = arith.constant 0 : i32
      %dma_start3A_153 = tpu.memref_slice %arg4[%add3A_146, %dma_start3A_151, %dma_start3A_152] : memref<4096x2x256xf32, #tpu.memory_space<hbm>> -> memref<1x2x256xf32, #tpu.memory_space<hbm>>
      %dma_start3A_154 = tpu.memref_squeeze %dma_start3A_153 : memref<1x2x256xf32, #tpu.memory_space<hbm>> -> memref<2x256xf32, #tpu.memory_space<hbm>>
      tpu.enqueue_dma source(%arg12 : memref<2x256xf32, #tpu.memory_space<vmem>>) target(%dma_start3A_154 : memref<2x256xf32, #tpu.memory_space<hbm>>) target_semaphore(%arg19 : memref<!tpu.dma_semaphore, #tpu.memory_space<semaphore_mem>>)
      %dma_wait3A_155 = arith.constant 0 : i32
      %dma_wait3A_156 = arith.constant 0 : i32
      %dma_wait3A_157 = tpu.memref_slice %arg3[%dma_wait3A_155, %dma_wait3A_156] : memref<4096x256xf32, #tpu.memory_space<hbm>> -> memref<4096x256xf32, #tpu.memory_space<hbm>>
      tpu.wait_indirect_dma semaphore(%arg18 : memref<!tpu.dma_semaphore, #tpu.memory_space<semaphore_mem>>) src(%dma_wait3A_157 : memref<4096x256xf32, #tpu.memory_space<hbm>>) dst(%arg11 : memref<32x256xf32, #tpu.memory_space<vmem>>)
      %gt3A_158 = arith.constant 0 : i32
      %gt3A_159 = arith.cmpi sgt, %scan3A_74, %gt3A_158 : i32
      %convert_element_type3A_160 = arith.extui %gt3A_159 : i1 to i32
      %cond3A_161 = arith.constant 0 : i32
      %cond3A_162 = arith.cmpi ne, %convert_element_type3A_160, %cond3A_161 : i32
      scf.if %cond3A_162 {
        %dma_wait3A_180 = arith.constant 0 : i32
        %dma_wait3A_181 = arith.constant 0 : i32
        %dma_wait3A_182 = tpu.memref_slice %arg4[%mul3A_2, %dma_wait3A_180, %dma_wait3A_181] : memref<4096x2x256xf32, #tpu.memory_space<hbm>> -> memref<1x2x256xf32, #tpu.memory_space<hbm>>
        %dma_wait3A_183 = tpu.memref_squeeze %dma_wait3A_182 : memref<1x2x256xf32, #tpu.memory_space<hbm>> -> memref<2x256xf32, #tpu.memory_space<hbm>>
        %dma_wait3A_184 = arith.constant 0 : i32
        %dma_wait3A_185 = arith.constant 0 : i32
        %dma_wait3A_186 = tpu.memref_slice %arg4[%mul3A_2, %dma_wait3A_184, %dma_wait3A_185] : memref<4096x2x256xf32, #tpu.memory_space<hbm>> -> memref<1x2x256xf32, #tpu.memory_space<hbm>>
        %dma_wait3A_187 = tpu.memref_squeeze %dma_wait3A_186 : memref<1x2x256xf32, #tpu.memory_space<hbm>> -> memref<2x256xf32, #tpu.memory_space<hbm>>
        tpu.wait_dma2 semaphore(%arg20 : memref<!tpu.dma_semaphore, #tpu.memory_space<semaphore_mem>>) src(%arg13 : memref<2x256xf32, #tpu.memory_space<vmem>>) dst(%dma_wait3A_187 : memref<2x256xf32, #tpu.memory_space<hbm>>)
      } else {
      }
      %scan3A_163 = arith.constant 0 : i32
      %scan3A_164 = arith.constant 0 : i32
      %scan3A_165 = arith.constant 16 : i32
      %scan3A_166 = arith.addi %scan3A_164, %scan3A_165 : i32
      %scan3A_167 = arith.constant 1 : i32
      %scan3A_168 = scf.for %scan3A_180 = %scan3A_164 to %scan3A_166 step %scan3A_167 iter_args(%scan3A_181 = %scan3A_163) -> (i32)  : i32 {
        %mul3A_182 = arith.constant 16 : i32
        %mul3A_183 = arith.muli %scan3A_180, %mul3A_182 : i32
        %get3A = arith.constant 0 : i32
        %get3A_184 = arith.index_cast %get3A : i32 to index
        %get3A_185 = arith.index_cast %mul3A_183 : i32 to index
        %get3A_186 = tpu.vector_load %arg11[%get3A_184, %get3A_185] {strides = array<i32>} : memref<32x256xf32, #tpu.memory_space<vmem>>, vector<16xf32>,
        %mul3A_187 = arith.constant 16 : i32
        %mul3A_188 = arith.muli %scan3A_180, %mul3A_187 : i32
        %get3A_189 = arith.constant 1 : i32
        %get3A_190 = arith.index_cast %get3A_189 : i32 to index
        %get3A_191 = arith.index_cast %mul3A_188 : i32 to index
        %get3A_192 = tpu.vector_load %arg11[%get3A_190, %get3A_191] {strides = array<i32>} : memref<32x256xf32, #tpu.memory_space<vmem>>, vector<16xf32>,
        %mul3A_193 = arith.constant 16 : i32
        %mul3A_194 = arith.muli %scan3A_180, %mul3A_193 : i32
        %get3A_195 = arith.constant 2 : i32
        %get3A_196 = arith.index_cast %get3A_195 : i32 to index
        %get3A_197 = arith.index_cast %mul3A_194 : i32 to index
        %get3A_198 = tpu.vector_load %arg11[%get3A_196, %get3A_197] {strides = array<i32>} : memref<32x256xf32, #tpu.memory_space<vmem>>, vector<16xf32>,
        %mul3A_199 = arith.constant 16 : i32
        %mul3A_200 = arith.muli %scan3A_180, %mul3A_199 : i32
        %get3A_201 = arith.constant 3 : i32
        %get3A_202 = arith.index_cast %get3A_201 : i32 to index
        %get3A_203 = arith.index_cast %mul3A_200 : i32 to index
        %get3A_204 = tpu.vector_load %arg11[%get3A_202, %get3A_203] {strides = array<i32>} : memref<32x256xf32, #tpu.memory_space<vmem>>, vector<16xf32>,
        %mul3A_205 = arith.constant 16 : i32
        %mul3A_206 = arith.muli %scan3A_180, %mul3A_205 : i32
        %get3A_207 = arith.constant 4 : i32
        %get3A_208 = arith.index_cast %get3A_207 : i32 to index
        %get3A_209 = arith.index_cast %mul3A_206 : i32 to index
        %get3A_210 = tpu.vector_load %arg11[%get3A_208, %get3A_209] {strides = array<i32>} : memref<32x256xf32, #tpu.memory_space<vmem>>, vector<16xf32>,
        %mul3A_211 = arith.constant 16 : i32
        %mul3A_212 = arith.muli %scan3A_180, %mul3A_211 : i32
        %get3A_213 = arith.constant 5 : i32
        %get3A_214 = arith.index_cast %get3A_213 : i32 to index
        %get3A_215 = arith.index_cast %mul3A_212 : i32 to index
        %get3A_216 = tpu.vector_load %arg11[%get3A_214, %get3A_215] {strides = array<i32>} : memref<32x256xf32, #tpu.memory_space<vmem>>, vector<16xf32>,
        %mul3A_217 = arith.constant 16 : i32
        %mul3A_218 = arith.muli %scan3A_180, %mul3A_217 : i32
        %get3A_219 = arith.constant 6 : i32
        %get3A_220 = arith.index_cast %get3A_219 : i32 to index
        %get3A_221 = arith.index_cast %mul3A_218 : i32 to index
        %get3A_222 = tpu.vector_load %arg11[%get3A_220, %get3A_221] {strides = array<i32>} : memref<32x256xf32, #tpu.memory_space<vmem>>, vector<16xf32>,
        %mul3A_223 = arith.constant 16 : i32
        %mul3A_224 = arith.muli %scan3A_180, %mul3A_223 : i32
        %get3A_225 = arith.constant 7 : i32
        %get3A_226 = arith.index_cast %get3A_225 : i32 to index
        %get3A_227 = arith.index_cast %mul3A_224 : i32 to index
        %get3A_228 = tpu.vector_load %arg11[%get3A_226, %get3A_227] {strides = array<i32>} : memref<32x256xf32, #tpu.memory_space<vmem>>, vector<16xf32>,
        %mul3A_229 = arith.constant 16 : i32
        %mul3A_230 = arith.muli %scan3A_180, %mul3A_229 : i32
        %get3A_231 = arith.constant 8 : i32
        %get3A_232 = arith.index_cast %get3A_231 : i32 to index
        %get3A_233 = arith.index_cast %mul3A_230 : i32 to index
        %get3A_234 = tpu.vector_load %arg11[%get3A_232, %get3A_233] {strides = array<i32>} : memref<32x256xf32, #tpu.memory_space<vmem>>, vector<16xf32>,
        %mul3A_235 = arith.constant 16 : i32
        %mul3A_236 = arith.muli %scan3A_180, %mul3A_235 : i32
        %get3A_237 = arith.constant 9 : i32
        %get3A_238 = arith.index_cast %get3A_237 : i32 to index
        %get3A_239 = arith.index_cast %mul3A_236 : i32 to index
        %get3A_240 = tpu.vector_load %arg11[%get3A_238, %get3A_239] {strides = array<i32>} : memref<32x256xf32, #tpu.memory_space<vmem>>, vector<16xf32>,
        %mul3A_241 = arith.constant 16 : i32
        %mul3A_242 = arith.muli %scan3A_180, %mul3A_241 : i32
        %get3A_243 = arith.constant 10 : i32
        %get3A_244 = arith.index_cast %get3A_243 : i32 to index
        %get3A_245 = arith.index_cast %mul3A_242 : i32 to index
        %get3A_246 = tpu.vector_load %arg11[%get3A_244, %get3A_245] {strides = array<i32>} : memref<32x256xf32, #tpu.memory_space<vmem>>, vector<16xf32>,
        %mul3A_247 = arith.constant 16 : i32
        %mul3A_248 = arith.muli %scan3A_180, %mul3A_247 : i32
        %get3A_249 = arith.constant 11 : i32
        %get3A_250 = arith.index_cast %get3A_249 : i32 to index
        %get3A_251 = arith.index_cast %mul3A_248 : i32 to index
        %get3A_252 = tpu.vector_load %arg11[%get3A_250, %get3A_251] {strides = array<i32>} : memref<32x256xf32, #tpu.memory_space<vmem>>, vector<16xf32>,
        %mul3A_253 = arith.constant 16 : i32
        %mul3A_254 = arith.muli %scan3A_180, %mul3A_253 : i32
        %get3A_255 = arith.constant 12 : i32
        %get3A_256 = arith.index_cast %get3A_255 : i32 to index
        %get3A_257 = arith.index_cast %mul3A_254 : i32 to index
        %get3A_258 = tpu.vector_load %arg11[%get3A_256, %get3A_257] {strides = array<i32>} : memref<32x256xf32, #tpu.memory_space<vmem>>, vector<16xf32>,
        %mul3A_259 = arith.constant 16 : i32
        %mul3A_260 = arith.muli %scan3A_180, %mul3A_259 : i32
        %get3A_261 = arith.constant 13 : i32
        %get3A_262 = arith.index_cast %get3A_261 : i32 to index
        %get3A_263 = arith.index_cast %mul3A_260 : i32 to index
        %get3A_264 = tpu.vector_load %arg11[%get3A_262, %get3A_263] {strides = array<i32>} : memref<32x256xf32, #tpu.memory_space<vmem>>, vector<16xf32>,
        %mul3A_265 = arith.constant 16 : i32
        %mul3A_266 = arith.muli %scan3A_180, %mul3A_265 : i32
        %get3A_267 = arith.constant 14 : i32
        %get3A_268 = arith.index_cast %get3A_267 : i32 to index
        %get3A_269 = arith.index_cast %mul3A_266 : i32 to index
        %get3A_270 = tpu.vector_load %arg11[%get3A_268, %get3A_269] {strides = array<i32>} : memref<32x256xf32, #tpu.memory_space<vmem>>, vector<16xf32>,
        %mul3A_271 = arith.constant 16 : i32
        %mul3A_272 = arith.muli %scan3A_180, %mul3A_271 : i32
        %get3A_273 = arith.constant 15 : i32
        %get3A_274 = arith.index_cast %get3A_273 : i32 to index
        %get3A_275 = arith.index_cast %mul3A_272 : i32 to index
        %get3A_276 = tpu.vector_load %arg11[%get3A_274, %get3A_275] {strides = array<i32>} : memref<32x256xf32, #tpu.memory_space<vmem>>, vector<16xf32>,
        %mul3A_277 = arith.constant 16 : i32
        %mul3A_278 = arith.muli %scan3A_180, %mul3A_277 : i32
        %get3A_279 = arith.constant 16 : i32
        %get3A_280 = arith.index_cast %get3A_279 : i32 to index
        %get3A_281 = arith.index_cast %mul3A_278 : i32 to index
        %get3A_282 = tpu.vector_load %arg11[%get3A_280, %get3A_281] {strides = array<i32>} : memref<32x256xf32, #tpu.memory_space<vmem>>, vector<16xf32>,
        %mul3A_283 = arith.constant 16 : i32
        %mul3A_284 = arith.muli %scan3A_180, %mul3A_283 : i32
        %get3A_285 = arith.constant 17 : i32
        %get3A_286 = arith.index_cast %get3A_285 : i32 to index
        %get3A_287 = arith.index_cast %mul3A_284 : i32 to index
        %get3A_288 = tpu.vector_load %arg11[%get3A_286, %get3A_287] {strides = array<i32>} : memref<32x256xf32, #tpu.memory_space<vmem>>, vector<16xf32>,
        %mul3A_289 = arith.constant 16 : i32
        %mul3A_290 = arith.muli %scan3A_180, %mul3A_289 : i32
        %get3A_291 = arith.constant 18 : i32
        %get3A_292 = arith.index_cast %get3A_291 : i32 to index
        %get3A_293 = arith.index_cast %mul3A_290 : i32 to index
        %get3A_294 = tpu.vector_load %arg11[%get3A_292, %get3A_293] {strides = array<i32>} : memref<32x256xf32, #tpu.memory_space<vmem>>, vector<16xf32>,
        %mul3A_295 = arith.constant 16 : i32
        %mul3A_296 = arith.muli %scan3A_180, %mul3A_295 : i32
        %get3A_297 = arith.constant 19 : i32
        %get3A_298 = arith.index_cast %get3A_297 : i32 to index
        %get3A_299 = arith.index_cast %mul3A_296 : i32 to index
        %get3A_300 = tpu.vector_load %arg11[%get3A_298, %get3A_299] {strides = array<i32>} : memref<32x256xf32, #tpu.memory_space<vmem>>, vector<16xf32>,
        %mul3A_301 = arith.constant 16 : i32
        %mul3A_302 = arith.muli %scan3A_180, %mul3A_301 : i32
        %get3A_303 = arith.constant 20 : i32
        %get3A_304 = arith.index_cast %get3A_303 : i32 to index
        %get3A_305 = arith.index_cast %mul3A_302 : i32 to index
        %get3A_306 = tpu.vector_load %arg11[%get3A_304, %get3A_305] {strides = array<i32>} : memref<32x256xf32, #tpu.memory_space<vmem>>, vector<16xf32>,
        %mul3A_307 = arith.constant 16 : i32
        %mul3A_308 = arith.muli %scan3A_180, %mul3A_307 : i32
        %get3A_309 = arith.constant 21 : i32
        %get3A_310 = arith.index_cast %get3A_309 : i32 to index
        %get3A_311 = arith.index_cast %mul3A_308 : i32 to index
        %get3A_312 = tpu.vector_load %arg11[%get3A_310, %get3A_311] {strides = array<i32>} : memref<32x256xf32, #tpu.memory_space<vmem>>, vector<16xf32>,
        %mul3A_313 = arith.constant 16 : i32
        %mul3A_314 = arith.muli %scan3A_180, %mul3A_313 : i32
        %get3A_315 = arith.constant 22 : i32
        %get3A_316 = arith.index_cast %get3A_315 : i32 to index
        %get3A_317 = arith.index_cast %mul3A_314 : i32 to index
        %get3A_318 = tpu.vector_load %arg11[%get3A_316, %get3A_317] {strides = array<i32>} : memref<32x256xf32, #tpu.memory_space<vmem>>, vector<16xf32>,
        %mul3A_319 = arith.constant 16 : i32
        %mul3A_320 = arith.muli %scan3A_180, %mul3A_319 : i32
        %get3A_321 = arith.constant 23 : i32
        %get3A_322 = arith.index_cast %get3A_321 : i32 to index
        %get3A_323 = arith.index_cast %mul3A_320 : i32 to index
        %get3A_324 = tpu.vector_load %arg11[%get3A_322, %get3A_323] {strides = array<i32>} : memref<32x256xf32, #tpu.memory_space<vmem>>, vector<16xf32>,
        %mul3A_325 = arith.constant 16 : i32
        %mul3A_326 = arith.muli %scan3A_180, %mul3A_325 : i32
        %get3A_327 = arith.constant 24 : i32
        %get3A_328 = arith.index_cast %get3A_327 : i32 to index
        %get3A_329 = arith.index_cast %mul3A_326 : i32 to index
        %get3A_330 = tpu.vector_load %arg11[%get3A_328, %get3A_329] {strides = array<i32>} : memref<32x256xf32, #tpu.memory_space<vmem>>, vector<16xf32>,
        %mul3A_331 = arith.constant 16 : i32
        %mul3A_332 = arith.muli %scan3A_180, %mul3A_331 : i32
        %get3A_333 = arith.constant 25 : i32
        %get3A_334 = arith.index_cast %get3A_333 : i32 to index
        %get3A_335 = arith.index_cast %mul3A_332 : i32 to index
        %get3A_336 = tpu.vector_load %arg11[%get3A_334, %get3A_335] {strides = array<i32>} : memref<32x256xf32, #tpu.memory_space<vmem>>, vector<16xf32>,
        %mul3A_337 = arith.constant 16 : i32
        %mul3A_338 = arith.muli %scan3A_180, %mul3A_337 : i32
        %get3A_339 = arith.constant 26 : i32
        %get3A_340 = arith.index_cast %get3A_339 : i32 to index
        %get3A_341 = arith.index_cast %mul3A_338 : i32 to index
        %get3A_342 = tpu.vector_load %arg11[%get3A_340, %get3A_341] {strides = array<i32>} : memref<32x256xf32, #tpu.memory_space<vmem>>, vector<16xf32>,
        %mul3A_343 = arith.constant 16 : i32
        %mul3A_344 = arith.muli %scan3A_180, %mul3A_343 : i32
        %get3A_345 = arith.constant 27 : i32
        %get3A_346 = arith.index_cast %get3A_345 : i32 to index
        %get3A_347 = arith.index_cast %mul3A_344 : i32 to index
        %get3A_348 = tpu.vector_load %arg11[%get3A_346, %get3A_347] {strides = array<i32>} : memref<32x256xf32, #tpu.memory_space<vmem>>, vector<16xf32>,
        %mul3A_349 = arith.constant 16 : i32
        %mul3A_350 = arith.muli %scan3A_180, %mul3A_349 : i32
        %get3A_351 = arith.constant 28 : i32
        %get3A_352 = arith.index_cast %get3A_351 : i32 to index
        %get3A_353 = arith.index_cast %mul3A_350 : i32 to index
        %get3A_354 = tpu.vector_load %arg11[%get3A_352, %get3A_353] {strides = array<i32>} : memref<32x256xf32, #tpu.memory_space<vmem>>, vector<16xf32>,
        %mul3A_355 = arith.constant 16 : i32
        %mul3A_356 = arith.muli %scan3A_180, %mul3A_355 : i32
        %get3A_357 = arith.constant 29 : i32
        %get3A_358 = arith.index_cast %get3A_357 : i32 to index
        %get3A_359 = arith.index_cast %mul3A_356 : i32 to index
        %get3A_360 = tpu.vector_load %arg11[%get3A_358, %get3A_359] {strides = array<i32>} : memref<32x256xf32, #tpu.memory_space<vmem>>, vector<16xf32>,
        %mul3A_361 = arith.constant 16 : i32
        %mul3A_362 = arith.muli %scan3A_180, %mul3A_361 : i32
        %get3A_363 = arith.constant 30 : i32
        %get3A_364 = arith.index_cast %get3A_363 : i32 to index
        %get3A_365 = arith.index_cast %mul3A_362 : i32 to index
        %get3A_366 = tpu.vector_load %arg11[%get3A_364, %get3A_365] {strides = array<i32>} : memref<32x256xf32, #tpu.memory_space<vmem>>, vector<16xf32>,
        %mul3A_367 = arith.constant 16 : i32
        %mul3A_368 = arith.muli %scan3A_180, %mul3A_367 : i32
        %get3A_369 = arith.constant 31 : i32
        %get3A_370 = arith.index_cast %get3A_369 : i32 to index
        %get3A_371 = arith.index_cast %mul3A_368 : i32 to index
        %get3A_372 = tpu.vector_load %arg11[%get3A_370, %get3A_371] {strides = array<i32>} : memref<32x256xf32, #tpu.memory_space<vmem>>, vector<16xf32>,
        %max3A = arith.maximumf %get3A_186, %get3A_198 : vector<16xf32>
        %add3A_373 = arith.addf %get3A_186, %get3A_198 : vector<16xf32>
        %max3A_374 = arith.maximumf %get3A_192, %get3A_204 : vector<16xf32>
        %add3A_375 = arith.addf %get3A_192, %get3A_204 : vector<16xf32>
        %max3A_376 = arith.maximumf %max3A, %get3A_210 : vector<16xf32>
        %add3A_377 = arith.addf %add3A_373, %get3A_210 : vector<16xf32>
        %max3A_378 = arith.maximumf %max3A_374, %get3A_216 : vector<16xf32>
        %add3A_379 = arith.addf %add3A_375, %get3A_216 : vector<16xf32>
        %max3A_380 = arith.maximumf %max3A_376, %get3A_222 : vector<16xf32>
        %add3A_381 = arith.addf %add3A_377, %get3A_222 : vector<16xf32>
        %max3A_382 = arith.maximumf %max3A_378, %get3A_228 : vector<16xf32>
        %add3A_383 = arith.addf %add3A_379, %get3A_228 : vector<16xf32>
        %max3A_384 = arith.maximumf %max3A_380, %get3A_234 : vector<16xf32>
        %add3A_385 = arith.addf %add3A_381, %get3A_234 : vector<16xf32>
        %max3A_386 = arith.maximumf %max3A_382, %get3A_240 : vector<16xf32>
        %add3A_387 = arith.addf %add3A_383, %get3A_240 : vector<16xf32>
        %max3A_388 = arith.maximumf %max3A_384, %get3A_246 : vector<16xf32>
        %add3A_389 = arith.addf %add3A_385, %get3A_246 : vector<16xf32>
        %max3A_390 = arith.maximumf %max3A_386, %get3A_252 : vector<16xf32>
        %add3A_391 = arith.addf %add3A_387, %get3A_252 : vector<16xf32>
        %max3A_392 = arith.maximumf %max3A_388, %get3A_258 : vector<16xf32>
        %add3A_393 = arith.addf %add3A_389, %get3A_258 : vector<16xf32>
        %max3A_394 = arith.maximumf %max3A_390, %get3A_264 : vector<16xf32>
        %add3A_395 = arith.addf %add3A_391, %get3A_264 : vector<16xf32>
        %max3A_396 = arith.maximumf %max3A_392, %get3A_270 : vector<16xf32>
        %add3A_397 = arith.addf %add3A_393, %get3A_270 : vector<16xf32>
        %max3A_398 = arith.maximumf %max3A_394, %get3A_276 : vector<16xf32>
        %add3A_399 = arith.addf %add3A_395, %get3A_276 : vector<16xf32>
        %max3A_400 = arith.maximumf %max3A_396, %get3A_282 : vector<16xf32>
        %add3A_401 = arith.addf %add3A_397, %get3A_282 : vector<16xf32>
        %max3A_402 = arith.maximumf %max3A_398, %get3A_288 : vector<16xf32>
        %add3A_403 = arith.addf %add3A_399, %get3A_288 : vector<16xf32>
        %max3A_404 = arith.maximumf %max3A_400, %get3A_294 : vector<16xf32>
        %add3A_405 = arith.addf %add3A_401, %get3A_294 : vector<16xf32>
        %max3A_406 = arith.maximumf %max3A_402, %get3A_300 : vector<16xf32>
        %add3A_407 = arith.addf %add3A_403, %get3A_300 : vector<16xf32>
        %max3A_408 = arith.maximumf %max3A_404, %get3A_306 : vector<16xf32>
        %add3A_409 = arith.addf %add3A_405, %get3A_306 : vector<16xf32>
        %max3A_410 = arith.maximumf %max3A_406, %get3A_312 : vector<16xf32>
        %add3A_411 = arith.addf %add3A_407, %get3A_312 : vector<16xf32>
        %max3A_412 = arith.maximumf %max3A_408, %get3A_318 : vector<16xf32>
        %add3A_413 = arith.addf %add3A_409, %get3A_318 : vector<16xf32>
        %max3A_414 = arith.maximumf %max3A_410, %get3A_324 : vector<16xf32>
        %add3A_415 = arith.addf %add3A_411, %get3A_324 : vector<16xf32>
        %max3A_416 = arith.maximumf %max3A_412, %get3A_330 : vector<16xf32>
        %add3A_417 = arith.addf %add3A_413, %get3A_330 : vector<16xf32>
        %max3A_418 = arith.maximumf %max3A_414, %get3A_336 : vector<16xf32>
        %add3A_419 = arith.addf %add3A_415, %get3A_336 : vector<16xf32>
        %max3A_420 = arith.maximumf %max3A_416, %get3A_342 : vector<16xf32>
        %add3A_421 = arith.addf %add3A_417, %get3A_342 : vector<16xf32>
        %max3A_422 = arith.maximumf %max3A_418, %get3A_348 : vector<16xf32>
        %add3A_423 = arith.addf %add3A_419, %get3A_348 : vector<16xf32>
        %max3A_424 = arith.maximumf %max3A_420, %get3A_354 : vector<16xf32>
        %add3A_425 = arith.addf %add3A_421, %get3A_354 : vector<16xf32>
        %max3A_426 = arith.maximumf %max3A_422, %get3A_360 : vector<16xf32>
        %add3A_427 = arith.addf %add3A_423, %get3A_360 : vector<16xf32>
        %max3A_428 = arith.maximumf %max3A_424, %get3A_366 : vector<16xf32>
        %add3A_429 = arith.addf %add3A_425, %get3A_366 : vector<16xf32>
        %max3A_430 = arith.maximumf %max3A_426, %get3A_372 : vector<16xf32>
        %add3A_431 = arith.addf %add3A_427, %get3A_372 : vector<16xf32>
        %max3A_432 = arith.maximumf %max3A_428, %max3A_430 : vector<16xf32>
        %mul3A_433 = arith.constant 16 : i32
        %mul3A_434 = arith.muli %scan3A_180, %mul3A_433 : i32
        %swap3A = arith.constant 0 : i32
        %swap3A_435 = arith.index_cast %swap3A : i32 to index
        %swap3A_436 = arith.index_cast %mul3A_434 : i32 to index
        %swap3A_437 = tpu.vector_load %arg13[%swap3A_435, %swap3A_436] {strides = array<i32>} : memref<2x256xf32, #tpu.memory_space<vmem>>, vector<16xf32>,
        tpu.vector_store %arg13[%swap3A_435, %swap3A_436], %max3A_432 {strides = array<i32>} : memref<2x256xf32, #tpu.memory_space<vmem>>, vector<16xf32>,
        %add3A_438 = arith.addf %add3A_429, %add3A_431 : vector<16xf32>
        %mul3A_439 = arith.constant 16 : i32
        %mul3A_440 = arith.muli %scan3A_180, %mul3A_439 : i32
        %swap3A_441 = arith.constant 1 : i32
        %swap3A_442 = arith.index_cast %swap3A_441 : i32 to index
        %swap3A_443 = arith.index_cast %mul3A_440 : i32 to index
        %swap3A_444 = tpu.vector_load %arg13[%swap3A_442, %swap3A_443] {strides = array<i32>} : memref<2x256xf32, #tpu.memory_space<vmem>>, vector<16xf32>,
        tpu.vector_store %arg13[%swap3A_442, %swap3A_443], %add3A_438 {strides = array<i32>} : memref<2x256xf32, #tpu.memory_space<vmem>>, vector<16xf32>,
        %scan3A_445 = arith.constant 0 : i32
        scf.yield %scan3A_445 : i32
      }
      %scan3A_169 = arith.constant 16 : i32
      %add3A_170 = arith.addi %mul3A_2, %add3A_79 : i32
      %dma_start3A_171 = arith.constant 0 : i32
      %dma_start3A_172 = arith.constant 0 : i32
      %dma_start3A_173 = tpu.memref_slice %arg4[%add3A_170, %dma_start3A_171, %dma_start3A_172] : memref<4096x2x256xf32, #tpu.memory_space<hbm>> -> memref<1x2x256xf32, #tpu.memory_space<hbm>>
      %dma_start3A_174 = tpu.memref_squeeze %dma_start3A_173 : memref<1x2x256xf32, #tpu.memory_space<hbm>> -> memref<2x256xf32, #tpu.memory_space<hbm>>
      %dma_start3A_175 = arith.constant 0 : i32
      %dma_start3A_176 = arith.constant 0 : i32
      %dma_start3A_177 = tpu.memref_slice %arg4[%add3A_170, %dma_start3A_175, %dma_start3A_176] : memref<4096x2x256xf32, #tpu.memory_space<hbm>> -> memref<1x2x256xf32, #tpu.memory_space<hbm>>
      %dma_start3A_178 = tpu.memref_squeeze %dma_start3A_177 : memref<1x2x256xf32, #tpu.memory_space<hbm>> -> memref<2x256xf32, #tpu.memory_space<hbm>>
      tpu.enqueue_dma source(%arg13 : memref<2x256xf32, #tpu.memory_space<vmem>>) target(%dma_start3A_178 : memref<2x256xf32, #tpu.memory_space<hbm>>) target_semaphore(%arg20 : memref<!tpu.dma_semaphore, #tpu.memory_space<semaphore_mem>>)
      %scan3A_179 = arith.constant 0 : i32
      scf.yield %scan3A_179 : i32
    }
    %scan3A_46 = arith.constant 64 : i32
    %dma_wait3A = arith.constant 0 : i32
    %dma_wait3A_47 = arith.constant 0 : i32
    %dma_wait3A_48 = tpu.memref_slice %arg4[%mul3A_2, %dma_wait3A, %dma_wait3A_47] : memref<4096x2x256xf32, #tpu.memory_space<hbm>> -> memref<1x2x256xf32, #tpu.memory_space<hbm>>
    %dma_wait3A_49 = tpu.memref_squeeze %dma_wait3A_48 : memref<1x2x256xf32, #tpu.memory_space<hbm>> -> memref<2x256xf32, #tpu.memory_space<hbm>>
    %dma_wait3A_50 = arith.constant 0 : i32
    %dma_wait3A_51 = arith.constant 0 : i32
    %dma_wait3A_52 = tpu.memref_slice %arg4[%mul3A_2, %dma_wait3A_50, %dma_wait3A_51] : memref<4096x2x256xf32, #tpu.memory_space<hbm>> -> memref<1x2x256xf32, #tpu.memory_space<hbm>>
    %dma_wait3A_53 = tpu.memref_squeeze %dma_wait3A_52 : memref<1x2x256xf32, #tpu.memory_space<hbm>> -> memref<2x256xf32, #tpu.memory_space<hbm>>
    tpu.wait_dma2 semaphore(%arg19 : memref<!tpu.dma_semaphore, #tpu.memory_space<semaphore_mem>>) src(%arg12 : memref<2x256xf32, #tpu.memory_space<vmem>>) dst(%dma_wait3A_53 : memref<2x256xf32, #tpu.memory_space<hbm>>)
    %dma_wait3A_54 = arith.constant 0 : i32
    %dma_wait3A_55 = arith.constant 0 : i32
    %dma_wait3A_56 = tpu.memref_slice %arg4[%mul3A_2, %dma_wait3A_54, %dma_wait3A_55] : memref<4096x2x256xf32, #tpu.memory_space<hbm>> -> memref<1x2x256xf32, #tpu.memory_space<hbm>>
    %dma_wait3A_57 = tpu.memref_squeeze %dma_wait3A_56 : memref<1x2x256xf32, #tpu.memory_space<hbm>> -> memref<2x256xf32, #tpu.memory_space<hbm>>
    %dma_wait3A_58 = arith.constant 0 : i32
    %dma_wait3A_59 = arith.constant 0 : i32
    %dma_wait3A_60 = tpu.memref_slice %arg4[%mul3A_2, %dma_wait3A_58, %dma_wait3A_59] : memref<4096x2x256xf32, #tpu.memory_space<hbm>> -> memref<1x2x256xf32, #tpu.memory_space<hbm>>
    %dma_wait3A_61 = tpu.memref_squeeze %dma_wait3A_60 : memref<1x2x256xf32, #tpu.memory_space<hbm>> -> memref<2x256xf32, #tpu.memory_space<hbm>>
    tpu.wait_dma2 semaphore(%arg20 : memref<!tpu.dma_semaphore, #tpu.memory_space<semaphore_mem>>) src(%arg13 : memref<2x256xf32, #tpu.memory_space<vmem>>) dst(%dma_wait3A_61 : memref<2x256xf32, #tpu.memory_space<hbm>>)
    %dma_wait3A_62 = arith.constant 0 : i32
    %dma_wait3A_63 = tpu.memref_slice %arg2[%mul3A_2, %dma_wait3A_62] : memref<4096x1024xf32, #tpu.memory_space<hbm>> -> memref<1x1024xf32, #tpu.memory_space<hbm>>
    %dma_wait3A_64 = tpu.memref_squeeze %dma_wait3A_63 : memref<1x1024xf32, #tpu.memory_space<hbm>> -> memref<1024xf32, #tpu.memory_space<hbm>>
    %dma_wait3A_65 = arith.constant 0 : i32
    %dma_wait3A_66 = tpu.memref_slice %arg2[%mul3A_2, %dma_wait3A_65] : memref<4096x1024xf32, #tpu.memory_space<hbm>> -> memref<1x1024xf32, #tpu.memory_space<hbm>>
    %dma_wait3A_67 = tpu.memref_squeeze %dma_wait3A_66 : memref<1x1024xf32, #tpu.memory_space<hbm>> -> memref<1024xf32, #tpu.memory_space<hbm>>
    tpu.wait_dma2 semaphore(%arg15 : memref<!tpu.dma_semaphore, #tpu.memory_space<semaphore_mem>>) src(%dma_wait3A_67 : memref<1024xf32, #tpu.memory_space<hbm>>) dst(%arg6 : memref<1024xf32, #tpu.memory_space<vmem>>)
    %dma_wait3A_68 = arith.constant 0 : i32
    %dma_wait3A_69 = tpu.memref_slice %arg2[%mul3A_2, %dma_wait3A_68] : memref<4096x1024xf32, #tpu.memory_space<hbm>> -> memref<1x1024xf32, #tpu.memory_space<hbm>>
    %dma_wait3A_70 = tpu.memref_squeeze %dma_wait3A_69 : memref<1x1024xf32, #tpu.memory_space<hbm>> -> memref<1024xf32, #tpu.memory_space<hbm>>
    %dma_wait3A_71 = arith.constant 0 : i32
    %dma_wait3A_72 = tpu.memref_slice %arg2[%mul3A_2, %dma_wait3A_71] : memref<4096x1024xf32, #tpu.memory_space<hbm>> -> memref<1x1024xf32, #tpu.memory_space<hbm>>
    %dma_wait3A_73 = tpu.memref_squeeze %dma_wait3A_72 : memref<1x1024xf32, #tpu.memory_space<hbm>> -> memref<1024xf32, #tpu.memory_space<hbm>>
    tpu.wait_dma2 semaphore(%arg16 : memref<!tpu.dma_semaphore, #tpu.memory_space<semaphore_mem>>) src(%dma_wait3A_73 : memref<1024xf32, #tpu.memory_space<hbm>>) dst(%arg7 : memref<1024xf32, #tpu.memory_space<vmem>>)
    "tpu.region"() ({
      %run_scoped3A = tpu.sem_alloc : memref<!tpu.dma_semaphore, #tpu.memory_space<semaphore_mem>>
      %dma_start3A_74 = arith.constant 0 : i32
      %dma_start3A_75 = tpu.memref_slice %arg5[%add3A, %dma_start3A_74] : memref<32x1024xf32, #tpu.memory_space<hbm>> -> memref<1x1024xf32, #tpu.memory_space<hbm>>
      %dma_start3A_76 = tpu.memref_squeeze %dma_start3A_75 : memref<1x1024xf32, #tpu.memory_space<hbm>> -> memref<1024xf32, #tpu.memory_space<hbm>>
      %dma_start3A_77 = arith.constant 0 : i32
      %dma_start3A_78 = tpu.memref_slice %arg5[%add3A, %dma_start3A_77] : memref<32x1024xf32, #tpu.memory_space<hbm>> -> memref<1x1024xf32, #tpu.memory_space<hbm>>
      %dma_start3A_79 = tpu.memref_squeeze %dma_start3A_78 : memref<1x1024xf32, #tpu.memory_space<hbm>> -> memref<1024xf32, #tpu.memory_space<hbm>>
      tpu.enqueue_dma source(%arg14 : memref<1024xf32, #tpu.memory_space<vmem>>) target(%dma_start3A_79 : memref<1024xf32, #tpu.memory_space<hbm>>) target_semaphore(%run_scoped3A : memref<!tpu.dma_semaphore, #tpu.memory_space<semaphore_mem>>)
      %dma_wait3A_80 = arith.constant 0 : i32
      %dma_wait3A_81 = tpu.memref_slice %arg5[%add3A, %dma_wait3A_80] : memref<32x1024xf32, #tpu.memory_space<hbm>> -> memref<1x1024xf32, #tpu.memory_space<hbm>>
      %dma_wait3A_82 = tpu.memref_squeeze %dma_wait3A_81 : memref<1x1024xf32, #tpu.memory_space<hbm>> -> memref<1024xf32, #tpu.memory_space<hbm>>
      %dma_wait3A_83 = arith.constant 0 : i32
      %dma_wait3A_84 = tpu.memref_slice %arg5[%add3A, %dma_wait3A_83] : memref<32x1024xf32, #tpu.memory_space<hbm>> -> memref<1x1024xf32, #tpu.memory_space<hbm>>
      %dma_wait3A_85 = tpu.memref_squeeze %dma_wait3A_84 : memref<1x1024xf32, #tpu.memory_space<hbm>> -> memref<1024xf32, #tpu.memory_space<hbm>>
      tpu.wait_dma2 semaphore(%run_scoped3A : memref<!tpu.dma_semaphore, #tpu.memory_space<semaphore_mem>>) src(%arg14 : memref<1024xf32, #tpu.memory_space<vmem>>) dst(%dma_wait3A_85 : memref<1024xf32, #tpu.memory_space<hbm>>)
      tpu.yield
    }) : () -> ()
    return
  }
}

#map = affine_map<(d0, d1) -> (0, 0)>
#map1 = affine_map<(d0, d1) -> (0, 0, 0)>
module attributes {stable_mosaic.version = 14 : i64} {
  func.func @_sc_gather_body(%arg0: i32, %arg1: i32, %arg2: memref<4096x1024xf32, #tpu.memory_space<hbm>>, %arg3: memref<4096x256xf32, #tpu.memory_space<hbm>>, %arg4: memref<4096x2x256xf32, #tpu.memory_space<hbm>>, %arg5: memref<32x1024xf32, #tpu.memory_space<hbm>>, %arg6: memref<1024xf32, #tpu.memory_space<vmem>>, %arg7: memref<1024xf32, #tpu.memory_space<vmem>>, %arg8: memref<32xi32, #tpu.memory_space<vmem>>, %arg9: memref<32xi32, #tpu.memory_space<vmem>>, %arg10: memref<32x256xf32, #tpu.memory_space<vmem>>, %arg11: memref<32x256xf32, #tpu.memory_space<vmem>>, %arg12: memref<2x256xf32, #tpu.memory_space<vmem>>, %arg13: memref<2x256xf32, #tpu.memory_space<vmem>>, %arg14: memref<1024xf32, #tpu.memory_space<vmem>>, %arg15: memref<!tpu.dma_semaphore, #tpu.memory_space<semaphore_mem>>, %arg16: memref<!tpu.dma_semaphore, #tpu.memory_space<semaphore_mem>>, %arg17: memref<!tpu.dma_semaphore, #tpu.memory_space<semaphore_mem>>, %arg18: memref<!tpu.dma_semaphore, #tpu.memory_space<semaphore_mem>>, %arg19: memref<!tpu.dma_semaphore, #tpu.memory_space<semaphore_mem>>, %arg20: memref<!tpu.dma_semaphore, #tpu.memory_space<semaphore_mem>>) attributes {dimension_semantics = [#tpu.dimension_semantics<core_parallel>, #tpu.dimension_semantics<subcore_parallel>], iteration_bounds = array<i64: 2, 16>, scalar_prefetch = 0 : i64, scratch_operands = 15 : i64, tpu.core_type = #tpu.core_type<sc_vector_subcore>, window_params = [{transform_indices = #map}, {transform_indices = #map}, {transform_indices = #map1}, {transform_indices = #map}]} {
    %mul3A = arith.constant 2 : i32
    %mul3A_0 = arith.muli %arg1, %mul3A : i32
    %add3A = arith.addi %mul3A_0, %arg0 : i32
    %mul3A_1 = arith.constant 128 : i32
    %mul3A_2 = arith.muli %add3A, %mul3A_1 : i32
    %jit3A = arith.constant 1024 : i32
    %div3A = arith.divsi %mul3A_2, %jit3A : i32
    %sign3A = arith.constant 0 : i32
    %sign3A_3 = arith.cmpi sgt, %mul3A_2, %sign3A : i32
    %sign3A_4 = arith.extui %sign3A_3 : i1 to i32
    %sign3A_5 = arith.constant 0 : i32
    %sign3A_6 = arith.cmpi slt, %mul3A_2, %sign3A_5 : i32
    %sign3A_7 = arith.extui %sign3A_6 : i1 to i32
    %sign3A_8 = arith.subi %sign3A_4, %sign3A_7 : i32
    %sign3A_9 = arith.constant 0 : i32
    %sign3A_10 = arith.cmpi sgt, %jit3A, %sign3A_9 : i32
    %sign3A_11 = arith.extui %sign3A_10 : i1 to i32
    %sign3A_12 = arith.constant 0 : i32
    %sign3A_13 = arith.cmpi slt, %jit3A, %sign3A_12 : i32
    %sign3A_14 = arith.extui %sign3A_13 : i1 to i32
    %sign3A_15 = arith.subi %sign3A_11, %sign3A_14 : i32
    %ne3A = arith.cmpi ne, %sign3A_8, %sign3A_15 : i32
    %rem3A = arith.remsi %mul3A_2, %jit3A : i32
    %ne3A_16 = arith.constant 0 : i32
    %ne3A_17 = arith.cmpi ne, %rem3A, %ne3A_16 : i32
    %and3A = arith.andi %ne3A, %ne3A_17 : i1
    %sub3A = arith.constant 1 : i32
    %sub3A_18 = arith.subi %div3A, %sub3A : i32
    %select_n3A = arith.select %and3A, %sub3A_18, %div3A : i32
    %mul3A_19 = arith.constant 1024 : i32
    %mul3A_20 = arith.muli %select_n3A, %mul3A_19 : i32
    %iota3A = tpu.iota {dimensions = array<i32: 0>} : vector<16xi32>
    %scan3A = arith.constant 0 : i32
    %scan3A_21 = arith.constant 0 : i32
    %scan3A_22 = arith.constant 64 : i32
    %scan3A_23 = arith.addi %scan3A_21, %scan3A_22 : i32
    %scan3A_24 = arith.constant 1 : i32
    %scan3A_25 = scf.for %scan3A_74 = %scan3A_21 to %scan3A_23 step %scan3A_24 iter_args(%scan3A_75 = %scan3A) -> (i32)  : i32 {
      %broadcast_in_dim3A = arith.constant 0.000000e+00 : f32
      %broadcast_in_dim3A_76 = vector.broadcast %broadcast_in_dim3A : f32 to vector<16xf32>
      %mul3A_77 = arith.constant 16 : i32
      %mul3A_78 = arith.muli %scan3A_74, %mul3A_77 : i32
      %swap3A = arith.index_cast %mul3A_78 : i32 to index
      %swap3A_79 = tpu.vector_load %arg14[%swap3A] {strides = array<i32>} : memref<1024xf32, #tpu.memory_space<vmem>>, vector<16xf32>,
      tpu.vector_store %arg14[%swap3A], %broadcast_in_dim3A_76 {strides = array<i32>} : memref<1024xf32, #tpu.memory_space<vmem>>, vector<16xf32>,
      %scan3A_80 = arith.constant 0 : i32
      scf.yield %scan3A_80 : i32
    }
    %scan3A_26 = arith.constant 64 : i32
    %dma_start3A = arith.constant 0 : i32
    %dma_start3A_27 = tpu.memref_slice %arg2[%mul3A_2, %dma_start3A] : memref<4096x1024xf32, #tpu.memory_space<hbm>> -> memref<1x1024xf32, #tpu.memory_space<hbm>>
    %dma_start3A_28 = tpu.memref_squeeze %dma_start3A_27 : memref<1x1024xf32, #tpu.memory_space<hbm>> -> memref<1024xf32, #tpu.memory_space<hbm>>
    %dma_start3A_29 = arith.constant 0 : i32
    %dma_start3A_30 = tpu.memref_slice %arg2[%mul3A_2, %dma_start3A_29] : memref<4096x1024xf32, #tpu.memory_space<hbm>> -> memref<1x1024xf32, #tpu.memory_space<hbm>>
    %dma_start3A_31 = tpu.memref_squeeze %dma_start3A_30 : memref<1x1024xf32, #tpu.memory_space<hbm>> -> memref<1024xf32, #tpu.memory_space<hbm>>
    tpu.enqueue_dma source(%dma_start3A_31 : memref<1024xf32, #tpu.memory_space<hbm>>) target(%arg6 : memref<1024xf32, #tpu.memory_space<vmem>>) target_semaphore(%arg15 : memref<!tpu.dma_semaphore, #tpu.memory_space<semaphore_mem>>)
    %add3A_32 = arith.constant 1 : i32
    %add3A_33 = arith.addi %mul3A_2, %add3A_32 : i32
    %dma_start3A_34 = arith.constant 0 : i32
    %dma_start3A_35 = tpu.memref_slice %arg2[%add3A_33, %dma_start3A_34] : memref<4096x1024xf32, #tpu.memory_space<hbm>> -> memref<1x1024xf32, #tpu.memory_space<hbm>>
    %dma_start3A_36 = tpu.memref_squeeze %dma_start3A_35 : memref<1x1024xf32, #tpu.memory_space<hbm>> -> memref<1024xf32, #tpu.memory_space<hbm>>
    %dma_start3A_37 = arith.constant 0 : i32
    %dma_start3A_38 = tpu.memref_slice %arg2[%add3A_33, %dma_start3A_37] : memref<4096x1024xf32, #tpu.memory_space<hbm>> -> memref<1x1024xf32, #tpu.memory_space<hbm>>
    %dma_start3A_39 = tpu.memref_squeeze %dma_start3A_38 : memref<1x1024xf32, #tpu.memory_space<hbm>> -> memref<1024xf32, #tpu.memory_space<hbm>>
    tpu.enqueue_dma source(%dma_start3A_39 : memref<1024xf32, #tpu.memory_space<hbm>>) target(%arg7 : memref<1024xf32, #tpu.memory_space<vmem>>) target_semaphore(%arg16 : memref<!tpu.dma_semaphore, #tpu.memory_space<semaphore_mem>>)
    %scan3A_40 = arith.constant 0 : i32
    %scan3A_41 = arith.constant 0 : i32
    %scan3A_42 = arith.constant 64 : i32
    %scan3A_43 = arith.addi %scan3A_41, %scan3A_42 : i32
    %scan3A_44 = arith.constant 1 : i32
    %scan3A_45 = scf.for %scan3A_74 = %scan3A_41 to %scan3A_43 step %scan3A_44 iter_args(%scan3A_75 = %scan3A_40) -> (i32)  : i32 {
      %mul3A_76 = arith.constant 2 : i32
      %mul3A_77 = arith.muli %scan3A_74, %mul3A_76 : i32
      %add3A_78 = arith.constant 1 : i32
      %add3A_79 = arith.addi %mul3A_77, %add3A_78 : i32
      %dma_wait3A_80 = arith.constant 0 : i32
      %dma_wait3A_81 = tpu.memref_slice %arg2[%mul3A_2, %dma_wait3A_80] : memref<4096x1024xf32, #tpu.memory_space<hbm>> -> memref<1x1024xf32, #tpu.memory_space<hbm>>
      %dma_wait3A_82 = tpu.memref_squeeze %dma_wait3A_81 : memref<1x1024xf32, #tpu.memory_space<hbm>> -> memref<1024xf32, #tpu.memory_space<hbm>>
      %dma_wait3A_83 = arith.constant 0 : i32
      %dma_wait3A_84 = tpu.memref_slice %arg2[%mul3A_2, %dma_wait3A_83] : memref<4096x1024xf32, #tpu.memory_space<hbm>> -> memref<1x1024xf32, #tpu.memory_space<hbm>>
      %dma_wait3A_85 = tpu.memref_squeeze %dma_wait3A_84 : memref<1x1024xf32, #tpu.memory_space<hbm>> -> memref<1024xf32, #tpu.memory_space<hbm>>
      tpu.wait_dma2 semaphore(%arg15 : memref<!tpu.dma_semaphore, #tpu.memory_space<semaphore_mem>>) src(%dma_wait3A_85 : memref<1024xf32, #tpu.memory_space<hbm>>) dst(%arg6 : memref<1024xf32, #tpu.memory_space<vmem>>)
      %broadcast_in_dim3A = arith.constant 0 : i32
      %broadcast_in_dim3A_86 = vector.broadcast %broadcast_in_dim3A : i32 to vector<16xi32>
      %scan3A_87 = arith.constant 0 : i32
      %scan3A_88 = arith.constant 8 : i32
      %scan3A_89 = arith.addi %scan3A_87, %scan3A_88 : i32
      %scan3A_90 = arith.constant 1 : i32
      %scan3A_91 = scf.for %scan3A_180 = %scan3A_87 to %scan3A_89 step %scan3A_90 iter_args(%scan3A_181 = %broadcast_in_dim3A_86) -> (vector<16xi32>)  : i32 {
        %mul3A_182 = arith.constant 8 : i32
        %mul3A_183 = arith.muli %scan3A_180, %mul3A_182 : i32
        %add3A_184 = arith.constant 0 : i32
        %add3A_185 = arith.addi %mul3A_183, %add3A_184 : i32
        %mul3A_186 = arith.constant 16 : i32
        %mul3A_187 = arith.muli %add3A_185, %mul3A_186 : i32
        %get3A = arith.index_cast %mul3A_187 : i32 to index
        %get3A_188 = tpu.vector_load %arg6[%get3A] {strides = array<i32>} : memref<1024xf32, #tpu.memory_space<vmem>>, vector<16xf32>,
        %ge3A = arith.constant 0.000000e+00 : f32
        %ge3A_189 = vector.broadcast %ge3A : f32 to vector<16xf32>
        %ge3A_190 = arith.cmpf oge, %get3A_188, %ge3A_189 : vector<16xf32>
        %jit3A_191 = arith.constant 1 : i32
        %jit3A_192 = arith.constant 0 : i32
        %broadcast_in_dim3A_193 = vector.broadcast %jit3A_191 : i32 to vector<16xi32>
        %broadcast_in_dim3A_194 = vector.broadcast %jit3A_192 : i32 to vector<16xi32>
        %select_n3A_195 = arith.select %ge3A_190, %broadcast_in_dim3A_193, %broadcast_in_dim3A_194 : vector<16xi1>, vector<16xi32>
        %broadcast_in_dim3A_196 = arith.constant true
        %broadcast_in_dim3A_197 = vector.broadcast %broadcast_in_dim3A_196 : i1 to vector<16xi1>
        %masked_cumsum3A = tpu.scan <sum>, %select_n3A_195 masked %broadcast_in_dim3A_197 : vector<16xi32>, vector<16xi1> -> vector<16xi32>
        %sub3A_198 = arith.constant 1 : i32
        %sub3A_199 = vector.broadcast %sub3A_198 : i32 to vector<16xi32>
        %sub3A_200 = arith.subi %scan3A_181, %sub3A_199 : vector<16xi32>
        %add3A_201 = arith.addi %masked_cumsum3A, %sub3A_200 : vector<16xi32>
        %lt3A = arith.constant 32 : i32
        %lt3A_202 = vector.broadcast %lt3A : i32 to vector<16xi32>
        %lt3A_203 = arith.cmpi slt, %add3A_201, %lt3A_202 : vector<16xi32>
        %and3A_204 = arith.andi %ge3A_190, %lt3A_203 : vector<16xi1>
        %mul3A_205 = arith.constant 16 : i32
        %mul3A_206 = arith.muli %add3A_185, %mul3A_205 : i32
        %add3A_207 = arith.addi %mul3A_206, %mul3A_20 : i32
        %add3A_208 = vector.broadcast %add3A_207 : i32 to vector<16xi32>
        %add3A_209 = arith.addi %iota3A, %add3A_208 : vector<16xi32>
        tpu.vector_store_idx %arg8[%add3A_201], %add3A_209 masked %and3A_204 : memref<32xi32, #tpu.memory_space<vmem>>[vector<16xi32>], vector<16xi32>, vector<16xi1>
        %mul3A_210 = arith.constant 16 : i32
        %mul3A_211 = arith.muli %add3A_185, %mul3A_210 : i32
        %get3A_212 = arith.index_cast %mul3A_211 : i32 to index
        %get3A_213 = tpu.vector_load %arg14[%get3A_212] {strides = array<i32>} : memref<1024xf32, #tpu.memory_space<vmem>>, vector<16xf32>,
        %jit3A_214 = arith.constant 1.000000e+00 : f32
        %jit3A_215 = arith.constant 0.000000e+00 : f32
        %broadcast_in_dim3A_216 = vector.broadcast %jit3A_214 : f32 to vector<16xf32>
        %broadcast_in_dim3A_217 = vector.broadcast %jit3A_215 : f32 to vector<16xf32>
        %select_n3A_218 = arith.select %and3A_204, %broadcast_in_dim3A_216, %broadcast_in_dim3A_217 : vector<16xi1>, vector<16xf32>
        %add3A_219 = arith.addf %get3A_213, %select_n3A_218 : vector<16xf32>
        %swap3A = arith.index_cast %mul3A_211 : i32 to index
        %swap3A_220 = tpu.vector_load %arg14[%swap3A] {strides = array<i32>} : memref<1024xf32, #tpu.memory_space<vmem>>, vector<16xf32>,
        tpu.vector_store %arg14[%swap3A], %add3A_219 {strides = array<i32>} : memref<1024xf32, #tpu.memory_space<vmem>>, vector<16xf32>,
        %all_reduce_population_count3A = tpu.all_reduce %ge3A_190 {dim = 0 : i64, kind = #tpu.reduction_kind<sum>} : vector<16xi1> -> vector<16xi32>
        %add3A_221 = arith.addi %scan3A_181, %all_reduce_population_count3A : vector<16xi32>
        %mul3A_222 = arith.constant 8 : i32
        %mul3A_223 = arith.muli %scan3A_180, %mul3A_222 : i32
        %add3A_224 = arith.constant 1 : i32
        %add3A_225 = arith.addi %mul3A_223, %add3A_224 : i32
        %mul3A_226 = arith.constant 16 : i32
        %mul3A_227 = arith.muli %add3A_225, %mul3A_226 : i32
        %get3A_228 = arith.index_cast %mul3A_227 : i32 to index
        %get3A_229 = tpu.vector_load %arg6[%get3A_228] {strides = array<i32>} : memref<1024xf32, #tpu.memory_space<vmem>>, vector<16xf32>,
        %ge3A_230 = arith.constant 0.000000e+00 : f32
        %ge3A_231 = vector.broadcast %ge3A_230 : f32 to vector<16xf32>
        %ge3A_232 = arith.cmpf oge, %get3A_229, %ge3A_231 : vector<16xf32>
        %jit3A_233 = arith.constant 1 : i32
        %jit3A_234 = arith.constant 0 : i32
        %broadcast_in_dim3A_235 = vector.broadcast %jit3A_233 : i32 to vector<16xi32>
        %broadcast_in_dim3A_236 = vector.broadcast %jit3A_234 : i32 to vector<16xi32>
        %select_n3A_237 = arith.select %ge3A_232, %broadcast_in_dim3A_235, %broadcast_in_dim3A_236 : vector<16xi1>, vector<16xi32>
        %broadcast_in_dim3A_238 = arith.constant true
        %broadcast_in_dim3A_239 = vector.broadcast %broadcast_in_dim3A_238 : i1 to vector<16xi1>
        %masked_cumsum3A_240 = tpu.scan <sum>, %select_n3A_237 masked %broadcast_in_dim3A_239 : vector<16xi32>, vector<16xi1> -> vector<16xi32>
        %sub3A_241 = arith.constant 1 : i32
        %sub3A_242 = vector.broadcast %sub3A_241 : i32 to vector<16xi32>
        %sub3A_243 = arith.subi %add3A_221, %sub3A_242 : vector<16xi32>
        %add3A_244 = arith.addi %masked_cumsum3A_240, %sub3A_243 : vector<16xi32>
        %lt3A_245 = arith.constant 32 : i32
        %lt3A_246 = vector.broadcast %lt3A_245 : i32 to vector<16xi32>
        %lt3A_247 = arith.cmpi slt, %add3A_244, %lt3A_246 : vector<16xi32>
        %and3A_248 = arith.andi %ge3A_232, %lt3A_247 : vector<16xi1>
        %mul3A_249 = arith.constant 16 : i32
        %mul3A_250 = arith.muli %add3A_225, %mul3A_249 : i32
        %add3A_251 = arith.addi %mul3A_250, %mul3A_20 : i32
        %add3A_252 = vector.broadcast %add3A_251 : i32 to vector<16xi32>
        %add3A_253 = arith.addi %iota3A, %add3A_252 : vector<16xi32>
        tpu.vector_store_idx %arg8[%add3A_244], %add3A_253 masked %and3A_248 : memref<32xi32, #tpu.memory_space<vmem>>[vector<16xi32>], vector<16xi32>, vector<16xi1>
        %mul3A_254 = arith.constant 16 : i32
        %mul3A_255 = arith.muli %add3A_225, %mul3A_254 : i32
        %get3A_256 = arith.index_cast %mul3A_255 : i32 to index
        %get3A_257 = tpu.vector_load %arg14[%get3A_256] {strides = array<i32>} : memref<1024xf32, #tpu.memory_space<vmem>>, vector<16xf32>,
        %jit3A_258 = arith.constant 1.000000e+00 : f32
        %jit3A_259 = arith.constant 0.000000e+00 : f32
        %broadcast_in_dim3A_260 = vector.broadcast %jit3A_258 : f32 to vector<16xf32>
        %broadcast_in_dim3A_261 = vector.broadcast %jit3A_259 : f32 to vector<16xf32>
        %select_n3A_262 = arith.select %and3A_248, %broadcast_in_dim3A_260, %broadcast_in_dim3A_261 : vector<16xi1>, vector<16xf32>
        %add3A_263 = arith.addf %get3A_257, %select_n3A_262 : vector<16xf32>
        %swap3A_264 = arith.index_cast %mul3A_255 : i32 to index
        %swap3A_265 = tpu.vector_load %arg14[%swap3A_264] {strides = array<i32>} : memref<1024xf32, #tpu.memory_space<vmem>>, vector<16xf32>,
        tpu.vector_store %arg14[%swap3A_264], %add3A_263 {strides = array<i32>} : memref<1024xf32, #tpu.memory_space<vmem>>, vector<16xf32>,
        %all_reduce_population_count3A_266 = tpu.all_reduce %ge3A_232 {dim = 0 : i64, kind = #tpu.reduction_kind<sum>} : vector<16xi1> -> vector<16xi32>
        %add3A_267 = arith.addi %add3A_221, %all_reduce_population_count3A_266 : vector<16xi32>
        %mul3A_268 = arith.constant 8 : i32
        %mul3A_269 = arith.muli %scan3A_180, %mul3A_268 : i32
        %add3A_270 = arith.constant 2 : i32
        %add3A_271 = arith.addi %mul3A_269, %add3A_270 : i32
        %mul3A_272 = arith.constant 16 : i32
        %mul3A_273 = arith.muli %add3A_271, %mul3A_272 : i32
        %get3A_274 = arith.index_cast %mul3A_273 : i32 to index
        %get3A_275 = tpu.vector_load %arg6[%get3A_274] {strides = array<i32>} : memref<1024xf32, #tpu.memory_space<vmem>>, vector<16xf32>,
        %ge3A_276 = arith.constant 0.000000e+00 : f32
        %ge3A_277 = vector.broadcast %ge3A_276 : f32 to vector<16xf32>
        %ge3A_278 = arith.cmpf oge, %get3A_275, %ge3A_277 : vector<16xf32>
        %jit3A_279 = arith.constant 1 : i32
        %jit3A_280 = arith.constant 0 : i32
        %broadcast_in_dim3A_281 = vector.broadcast %jit3A_279 : i32 to vector<16xi32>
        %broadcast_in_dim3A_282 = vector.broadcast %jit3A_280 : i32 to vector<16xi32>
        %select_n3A_283 = arith.select %ge3A_278, %broadcast_in_dim3A_281, %broadcast_in_dim3A_282 : vector<16xi1>, vector<16xi32>
        %broadcast_in_dim3A_284 = arith.constant true
        %broadcast_in_dim3A_285 = vector.broadcast %broadcast_in_dim3A_284 : i1 to vector<16xi1>
        %masked_cumsum3A_286 = tpu.scan <sum>, %select_n3A_283 masked %broadcast_in_dim3A_285 : vector<16xi32>, vector<16xi1> -> vector<16xi32>
        %sub3A_287 = arith.constant 1 : i32
        %sub3A_288 = vector.broadcast %sub3A_287 : i32 to vector<16xi32>
        %sub3A_289 = arith.subi %add3A_267, %sub3A_288 : vector<16xi32>
        %add3A_290 = arith.addi %masked_cumsum3A_286, %sub3A_289 : vector<16xi32>
        %lt3A_291 = arith.constant 32 : i32
        %lt3A_292 = vector.broadcast %lt3A_291 : i32 to vector<16xi32>
        %lt3A_293 = arith.cmpi slt, %add3A_290, %lt3A_292 : vector<16xi32>
        %and3A_294 = arith.andi %ge3A_278, %lt3A_293 : vector<16xi1>
        %mul3A_295 = arith.constant 16 : i32
        %mul3A_296 = arith.muli %add3A_271, %mul3A_295 : i32
        %add3A_297 = arith.addi %mul3A_296, %mul3A_20 : i32
        %add3A_298 = vector.broadcast %add3A_297 : i32 to vector<16xi32>
        %add3A_299 = arith.addi %iota3A, %add3A_298 : vector<16xi32>
        tpu.vector_store_idx %arg8[%add3A_290], %add3A_299 masked %and3A_294 : memref<32xi32, #tpu.memory_space<vmem>>[vector<16xi32>], vector<16xi32>, vector<16xi1>
        %mul3A_300 = arith.constant 16 : i32
        %mul3A_301 = arith.muli %add3A_271, %mul3A_300 : i32
        %get3A_302 = arith.index_cast %mul3A_301 : i32 to index
        %get3A_303 = tpu.vector_load %arg14[%get3A_302] {strides = array<i32>} : memref<1024xf32, #tpu.memory_space<vmem>>, vector<16xf32>,
        %jit3A_304 = arith.constant 1.000000e+00 : f32
        %jit3A_305 = arith.constant 0.000000e+00 : f32
        %broadcast_in_dim3A_306 = vector.broadcast %jit3A_304 : f32 to vector<16xf32>
        %broadcast_in_dim3A_307 = vector.broadcast %jit3A_305 : f32 to vector<16xf32>
        %select_n3A_308 = arith.select %and3A_294, %broadcast_in_dim3A_306, %broadcast_in_dim3A_307 : vector<16xi1>, vector<16xf32>
        %add3A_309 = arith.addf %get3A_303, %select_n3A_308 : vector<16xf32>
        %swap3A_310 = arith.index_cast %mul3A_301 : i32 to index
        %swap3A_311 = tpu.vector_load %arg14[%swap3A_310] {strides = array<i32>} : memref<1024xf32, #tpu.memory_space<vmem>>, vector<16xf32>,
        tpu.vector_store %arg14[%swap3A_310], %add3A_309 {strides = array<i32>} : memref<1024xf32, #tpu.memory_space<vmem>>, vector<16xf32>,
        %all_reduce_population_count3A_312 = tpu.all_reduce %ge3A_278 {dim = 0 : i64, kind = #tpu.reduction_kind<sum>} : vector<16xi1> -> vector<16xi32>
        %add3A_313 = arith.addi %add3A_267, %all_reduce_population_count3A_312 : vector<16xi32>
        %mul3A_314 = arith.constant 8 : i32
        %mul3A_315 = arith.muli %scan3A_180, %mul3A_314 : i32
        %add3A_316 = arith.constant 3 : i32
        %add3A_317 = arith.addi %mul3A_315, %add3A_316 : i32
        %mul3A_318 = arith.constant 16 : i32
        %mul3A_319 = arith.muli %add3A_317, %mul3A_318 : i32
        %get3A_320 = arith.index_cast %mul3A_319 : i32 to index
        %get3A_321 = tpu.vector_load %arg6[%get3A_320] {strides = array<i32>} : memref<1024xf32, #tpu.memory_space<vmem>>, vector<16xf32>,
        %ge3A_322 = arith.constant 0.000000e+00 : f32
        %ge3A_323 = vector.broadcast %ge3A_322 : f32 to vector<16xf32>
        %ge3A_324 = arith.cmpf oge, %get3A_321, %ge3A_323 : vector<16xf32>
        %jit3A_325 = arith.constant 1 : i32
        %jit3A_326 = arith.constant 0 : i32
        %broadcast_in_dim3A_327 = vector.broadcast %jit3A_325 : i32 to vector<16xi32>
        %broadcast_in_dim3A_328 = vector.broadcast %jit3A_326 : i32 to vector<16xi32>
        %select_n3A_329 = arith.select %ge3A_324, %broadcast_in_dim3A_327, %broadcast_in_dim3A_328 : vector<16xi1>, vector<16xi32>
        %broadcast_in_dim3A_330 = arith.constant true
        %broadcast_in_dim3A_331 = vector.broadcast %broadcast_in_dim3A_330 : i1 to vector<16xi1>
        %masked_cumsum3A_332 = tpu.scan <sum>, %select_n3A_329 masked %broadcast_in_dim3A_331 : vector<16xi32>, vector<16xi1> -> vector<16xi32>
        %sub3A_333 = arith.constant 1 : i32
        %sub3A_334 = vector.broadcast %sub3A_333 : i32 to vector<16xi32>
        %sub3A_335 = arith.subi %add3A_313, %sub3A_334 : vector<16xi32>
        %add3A_336 = arith.addi %masked_cumsum3A_332, %sub3A_335 : vector<16xi32>
        %lt3A_337 = arith.constant 32 : i32
        %lt3A_338 = vector.broadcast %lt3A_337 : i32 to vector<16xi32>
        %lt3A_339 = arith.cmpi slt, %add3A_336, %lt3A_338 : vector<16xi32>
        %and3A_340 = arith.andi %ge3A_324, %lt3A_339 : vector<16xi1>
        %mul3A_341 = arith.constant 16 : i32
        %mul3A_342 = arith.muli %add3A_317, %mul3A_341 : i32
        %add3A_343 = arith.addi %mul3A_342, %mul3A_20 : i32
        %add3A_344 = vector.broadcast %add3A_343 : i32 to vector<16xi32>
        %add3A_345 = arith.addi %iota3A, %add3A_344 : vector<16xi32>
        tpu.vector_store_idx %arg8[%add3A_336], %add3A_345 masked %and3A_340 : memref<32xi32, #tpu.memory_space<vmem>>[vector<16xi32>], vector<16xi32>, vector<16xi1>
        %mul3A_346 = arith.constant 16 : i32
        %mul3A_347 = arith.muli %add3A_317, %mul3A_346 : i32
        %get3A_348 = arith.index_cast %mul3A_347 : i32 to index
        %get3A_349 = tpu.vector_load %arg14[%get3A_348] {strides = array<i32>} : memref<1024xf32, #tpu.memory_space<vmem>>, vector<16xf32>,
        %jit3A_350 = arith.constant 1.000000e+00 : f32
        %jit3A_351 = arith.constant 0.000000e+00 : f32
        %broadcast_in_dim3A_352 = vector.broadcast %jit3A_350 : f32 to vector<16xf32>
        %broadcast_in_dim3A_353 = vector.broadcast %jit3A_351 : f32 to vector<16xf32>
        %select_n3A_354 = arith.select %and3A_340, %broadcast_in_dim3A_352, %broadcast_in_dim3A_353 : vector<16xi1>, vector<16xf32>
        %add3A_355 = arith.addf %get3A_349, %select_n3A_354 : vector<16xf32>
        %swap3A_356 = arith.index_cast %mul3A_347 : i32 to index
        %swap3A_357 = tpu.vector_load %arg14[%swap3A_356] {strides = array<i32>} : memref<1024xf32, #tpu.memory_space<vmem>>, vector<16xf32>,
        tpu.vector_store %arg14[%swap3A_356], %add3A_355 {strides = array<i32>} : memref<1024xf32, #tpu.memory_space<vmem>>, vector<16xf32>,
        %all_reduce_population_count3A_358 = tpu.all_reduce %ge3A_324 {dim = 0 : i64, kind = #tpu.reduction_kind<sum>} : vector<16xi1> -> vector<16xi32>
        %add3A_359 = arith.addi %add3A_313, %all_reduce_population_count3A_358 : vector<16xi32>
        %mul3A_360 = arith.constant 8 : i32
        %mul3A_361 = arith.muli %scan3A_180, %mul3A_360 : i32
        %add3A_362 = arith.constant 4 : i32
        %add3A_363 = arith.addi %mul3A_361, %add3A_362 : i32
        %mul3A_364 = arith.constant 16 : i32
        %mul3A_365 = arith.muli %add3A_363, %mul3A_364 : i32
        %get3A_366 = arith.index_cast %mul3A_365 : i32 to index
        %get3A_367 = tpu.vector_load %arg6[%get3A_366] {strides = array<i32>} : memref<1024xf32, #tpu.memory_space<vmem>>, vector<16xf32>,
        %ge3A_368 = arith.constant 0.000000e+00 : f32
        %ge3A_369 = vector.broadcast %ge3A_368 : f32 to vector<16xf32>
        %ge3A_370 = arith.cmpf oge, %get3A_367, %ge3A_369 : vector<16xf32>
        %jit3A_371 = arith.constant 1 : i32
        %jit3A_372 = arith.constant 0 : i32
        %broadcast_in_dim3A_373 = vector.broadcast %jit3A_371 : i32 to vector<16xi32>
        %broadcast_in_dim3A_374 = vector.broadcast %jit3A_372 : i32 to vector<16xi32>
        %select_n3A_375 = arith.select %ge3A_370, %broadcast_in_dim3A_373, %broadcast_in_dim3A_374 : vector<16xi1>, vector<16xi32>
        %broadcast_in_dim3A_376 = arith.constant true
        %broadcast_in_dim3A_377 = vector.broadcast %broadcast_in_dim3A_376 : i1 to vector<16xi1>
        %masked_cumsum3A_378 = tpu.scan <sum>, %select_n3A_375 masked %broadcast_in_dim3A_377 : vector<16xi32>, vector<16xi1> -> vector<16xi32>
        %sub3A_379 = arith.constant 1 : i32
        %sub3A_380 = vector.broadcast %sub3A_379 : i32 to vector<16xi32>
        %sub3A_381 = arith.subi %add3A_359, %sub3A_380 : vector<16xi32>
        %add3A_382 = arith.addi %masked_cumsum3A_378, %sub3A_381 : vector<16xi32>
        %lt3A_383 = arith.constant 32 : i32
        %lt3A_384 = vector.broadcast %lt3A_383 : i32 to vector<16xi32>
        %lt3A_385 = arith.cmpi slt, %add3A_382, %lt3A_384 : vector<16xi32>
        %and3A_386 = arith.andi %ge3A_370, %lt3A_385 : vector<16xi1>
        %mul3A_387 = arith.constant 16 : i32
        %mul3A_388 = arith.muli %add3A_363, %mul3A_387 : i32
        %add3A_389 = arith.addi %mul3A_388, %mul3A_20 : i32
        %add3A_390 = vector.broadcast %add3A_389 : i32 to vector<16xi32>
        %add3A_391 = arith.addi %iota3A, %add3A_390 : vector<16xi32>
        tpu.vector_store_idx %arg8[%add3A_382], %add3A_391 masked %and3A_386 : memref<32xi32, #tpu.memory_space<vmem>>[vector<16xi32>], vector<16xi32>, vector<16xi1>
        %mul3A_392 = arith.constant 16 : i32
        %mul3A_393 = arith.muli %add3A_363, %mul3A_392 : i32
        %get3A_394 = arith.index_cast %mul3A_393 : i32 to index
        %get3A_395 = tpu.vector_load %arg14[%get3A_394] {strides = array<i32>} : memref<1024xf32, #tpu.memory_space<vmem>>, vector<16xf32>,
        %jit3A_396 = arith.constant 1.000000e+00 : f32
        %jit3A_397 = arith.constant 0.000000e+00 : f32
        %broadcast_in_dim3A_398 = vector.broadcast %jit3A_396 : f32 to vector<16xf32>
        %broadcast_in_dim3A_399 = vector.broadcast %jit3A_397 : f32 to vector<16xf32>
        %select_n3A_400 = arith.select %and3A_386, %broadcast_in_dim3A_398, %broadcast_in_dim3A_399 : vector<16xi1>, vector<16xf32>
        %add3A_401 = arith.addf %get3A_395, %select_n3A_400 : vector<16xf32>
        %swap3A_402 = arith.index_cast %mul3A_393 : i32 to index
        %swap3A_403 = tpu.vector_load %arg14[%swap3A_402] {strides = array<i32>} : memref<1024xf32, #tpu.memory_space<vmem>>, vector<16xf32>,
        tpu.vector_store %arg14[%swap3A_402], %add3A_401 {strides = array<i32>} : memref<1024xf32, #tpu.memory_space<vmem>>, vector<16xf32>,
        %all_reduce_population_count3A_404 = tpu.all_reduce %ge3A_370 {dim = 0 : i64, kind = #tpu.reduction_kind<sum>} : vector<16xi1> -> vector<16xi32>
        %add3A_405 = arith.addi %add3A_359, %all_reduce_population_count3A_404 : vector<16xi32>
        %mul3A_406 = arith.constant 8 : i32
        %mul3A_407 = arith.muli %scan3A_180, %mul3A_406 : i32
        %add3A_408 = arith.constant 5 : i32
        %add3A_409 = arith.addi %mul3A_407, %add3A_408 : i32
        %mul3A_410 = arith.constant 16 : i32
        %mul3A_411 = arith.muli %add3A_409, %mul3A_410 : i32
        %get3A_412 = arith.index_cast %mul3A_411 : i32 to index
        %get3A_413 = tpu.vector_load %arg6[%get3A_412] {strides = array<i32>} : memref<1024xf32, #tpu.memory_space<vmem>>, vector<16xf32>,
        %ge3A_414 = arith.constant 0.000000e+00 : f32
        %ge3A_415 = vector.broadcast %ge3A_414 : f32 to vector<16xf32>
        %ge3A_416 = arith.cmpf oge, %get3A_413, %ge3A_415 : vector<16xf32>
        %jit3A_417 = arith.constant 1 : i32
        %jit3A_418 = arith.constant 0 : i32
        %broadcast_in_dim3A_419 = vector.broadcast %jit3A_417 : i32 to vector<16xi32>
        %broadcast_in_dim3A_420 = vector.broadcast %jit3A_418 : i32 to vector<16xi32>
        %select_n3A_421 = arith.select %ge3A_416, %broadcast_in_dim3A_419, %broadcast_in_dim3A_420 : vector<16xi1>, vector<16xi32>
        %broadcast_in_dim3A_422 = arith.constant true
        %broadcast_in_dim3A_423 = vector.broadcast %broadcast_in_dim3A_422 : i1 to vector<16xi1>
        %masked_cumsum3A_424 = tpu.scan <sum>, %select_n3A_421 masked %broadcast_in_dim3A_423 : vector<16xi32>, vector<16xi1> -> vector<16xi32>
        %sub3A_425 = arith.constant 1 : i32
        %sub3A_426 = vector.broadcast %sub3A_425 : i32 to vector<16xi32>
        %sub3A_427 = arith.subi %add3A_405, %sub3A_426 : vector<16xi32>
        %add3A_428 = arith.addi %masked_cumsum3A_424, %sub3A_427 : vector<16xi32>
        %lt3A_429 = arith.constant 32 : i32
        %lt3A_430 = vector.broadcast %lt3A_429 : i32 to vector<16xi32>
        %lt3A_431 = arith.cmpi slt, %add3A_428, %lt3A_430 : vector<16xi32>
        %and3A_432 = arith.andi %ge3A_416, %lt3A_431 : vector<16xi1>
        %mul3A_433 = arith.constant 16 : i32
        %mul3A_434 = arith.muli %add3A_409, %mul3A_433 : i32
        %add3A_435 = arith.addi %mul3A_434, %mul3A_20 : i32
        %add3A_436 = vector.broadcast %add3A_435 : i32 to vector<16xi32>
        %add3A_437 = arith.addi %iota3A, %add3A_436 : vector<16xi32>
        tpu.vector_store_idx %arg8[%add3A_428], %add3A_437 masked %and3A_432 : memref<32xi32, #tpu.memory_space<vmem>>[vector<16xi32>], vector<16xi32>, vector<16xi1>
        %mul3A_438 = arith.constant 16 : i32
        %mul3A_439 = arith.muli %add3A_409, %mul3A_438 : i32
        %get3A_440 = arith.index_cast %mul3A_439 : i32 to index
        %get3A_441 = tpu.vector_load %arg14[%get3A_440] {strides = array<i32>} : memref<1024xf32, #tpu.memory_space<vmem>>, vector<16xf32>,
        %jit3A_442 = arith.constant 1.000000e+00 : f32
        %jit3A_443 = arith.constant 0.000000e+00 : f32
        %broadcast_in_dim3A_444 = vector.broadcast %jit3A_442 : f32 to vector<16xf32>
        %broadcast_in_dim3A_445 = vector.broadcast %jit3A_443 : f32 to vector<16xf32>
        %select_n3A_446 = arith.select %and3A_432, %broadcast_in_dim3A_444, %broadcast_in_dim3A_445 : vector<16xi1>, vector<16xf32>
        %add3A_447 = arith.addf %get3A_441, %select_n3A_446 : vector<16xf32>
        %swap3A_448 = arith.index_cast %mul3A_439 : i32 to index
        %swap3A_449 = tpu.vector_load %arg14[%swap3A_448] {strides = array<i32>} : memref<1024xf32, #tpu.memory_space<vmem>>, vector<16xf32>,
        tpu.vector_store %arg14[%swap3A_448], %add3A_447 {strides = array<i32>} : memref<1024xf32, #tpu.memory_space<vmem>>, vector<16xf32>,
        %all_reduce_population_count3A_450 = tpu.all_reduce %ge3A_416 {dim = 0 : i64, kind = #tpu.reduction_kind<sum>} : vector<16xi1> -> vector<16xi32>
        %add3A_451 = arith.addi %add3A_405, %all_reduce_population_count3A_450 : vector<16xi32>
        %mul3A_452 = arith.constant 8 : i32
        %mul3A_453 = arith.muli %scan3A_180, %mul3A_452 : i32
        %add3A_454 = arith.constant 6 : i32
        %add3A_455 = arith.addi %mul3A_453, %add3A_454 : i32
        %mul3A_456 = arith.constant 16 : i32
        %mul3A_457 = arith.muli %add3A_455, %mul3A_456 : i32
        %get3A_458 = arith.index_cast %mul3A_457 : i32 to index
        %get3A_459 = tpu.vector_load %arg6[%get3A_458] {strides = array<i32>} : memref<1024xf32, #tpu.memory_space<vmem>>, vector<16xf32>,
        %ge3A_460 = arith.constant 0.000000e+00 : f32
        %ge3A_461 = vector.broadcast %ge3A_460 : f32 to vector<16xf32>
        %ge3A_462 = arith.cmpf oge, %get3A_459, %ge3A_461 : vector<16xf32>
        %jit3A_463 = arith.constant 1 : i32
        %jit3A_464 = arith.constant 0 : i32
        %broadcast_in_dim3A_465 = vector.broadcast %jit3A_463 : i32 to vector<16xi32>
        %broadcast_in_dim3A_466 = vector.broadcast %jit3A_464 : i32 to vector<16xi32>
        %select_n3A_467 = arith.select %ge3A_462, %broadcast_in_dim3A_465, %broadcast_in_dim3A_466 : vector<16xi1>, vector<16xi32>
        %broadcast_in_dim3A_468 = arith.constant true
        %broadcast_in_dim3A_469 = vector.broadcast %broadcast_in_dim3A_468 : i1 to vector<16xi1>
        %masked_cumsum3A_470 = tpu.scan <sum>, %select_n3A_467 masked %broadcast_in_dim3A_469 : vector<16xi32>, vector<16xi1> -> vector<16xi32>
        %sub3A_471 = arith.constant 1 : i32
        %sub3A_472 = vector.broadcast %sub3A_471 : i32 to vector<16xi32>
        %sub3A_473 = arith.subi %add3A_451, %sub3A_472 : vector<16xi32>
        %add3A_474 = arith.addi %masked_cumsum3A_470, %sub3A_473 : vector<16xi32>
        %lt3A_475 = arith.constant 32 : i32
        %lt3A_476 = vector.broadcast %lt3A_475 : i32 to vector<16xi32>
        %lt3A_477 = arith.cmpi slt, %add3A_474, %lt3A_476 : vector<16xi32>
        %and3A_478 = arith.andi %ge3A_462, %lt3A_477 : vector<16xi1>
        %mul3A_479 = arith.constant 16 : i32
        %mul3A_480 = arith.muli %add3A_455, %mul3A_479 : i32
        %add3A_481 = arith.addi %mul3A_480, %mul3A_20 : i32
        %add3A_482 = vector.broadcast %add3A_481 : i32 to vector<16xi32>
        %add3A_483 = arith.addi %iota3A, %add3A_482 : vector<16xi32>
        tpu.vector_store_idx %arg8[%add3A_474], %add3A_483 masked %and3A_478 : memref<32xi32, #tpu.memory_space<vmem>>[vector<16xi32>], vector<16xi32>, vector<16xi1>
        %mul3A_484 = arith.constant 16 : i32
        %mul3A_485 = arith.muli %add3A_455, %mul3A_484 : i32
        %get3A_486 = arith.index_cast %mul3A_485 : i32 to index
        %get3A_487 = tpu.vector_load %arg14[%get3A_486] {strides = array<i32>} : memref<1024xf32, #tpu.memory_space<vmem>>, vector<16xf32>,
        %jit3A_488 = arith.constant 1.000000e+00 : f32
        %jit3A_489 = arith.constant 0.000000e+00 : f32
        %broadcast_in_dim3A_490 = vector.broadcast %jit3A_488 : f32 to vector<16xf32>
        %broadcast_in_dim3A_491 = vector.broadcast %jit3A_489 : f32 to vector<16xf32>
        %select_n3A_492 = arith.select %and3A_478, %broadcast_in_dim3A_490, %broadcast_in_dim3A_491 : vector<16xi1>, vector<16xf32>
        %add3A_493 = arith.addf %get3A_487, %select_n3A_492 : vector<16xf32>
        %swap3A_494 = arith.index_cast %mul3A_485 : i32 to index
        %swap3A_495 = tpu.vector_load %arg14[%swap3A_494] {strides = array<i32>} : memref<1024xf32, #tpu.memory_space<vmem>>, vector<16xf32>,
        tpu.vector_store %arg14[%swap3A_494], %add3A_493 {strides = array<i32>} : memref<1024xf32, #tpu.memory_space<vmem>>, vector<16xf32>,
        %all_reduce_population_count3A_496 = tpu.all_reduce %ge3A_462 {dim = 0 : i64, kind = #tpu.reduction_kind<sum>} : vector<16xi1> -> vector<16xi32>
        %add3A_497 = arith.addi %add3A_451, %all_reduce_population_count3A_496 : vector<16xi32>
        %mul3A_498 = arith.constant 8 : i32
        %mul3A_499 = arith.muli %scan3A_180, %mul3A_498 : i32
        %add3A_500 = arith.constant 7 : i32
        %add3A_501 = arith.addi %mul3A_499, %add3A_500 : i32
        %mul3A_502 = arith.constant 16 : i32
        %mul3A_503 = arith.muli %add3A_501, %mul3A_502 : i32
        %get3A_504 = arith.index_cast %mul3A_503 : i32 to index
        %get3A_505 = tpu.vector_load %arg6[%get3A_504] {strides = array<i32>} : memref<1024xf32, #tpu.memory_space<vmem>>, vector<16xf32>,
        %ge3A_506 = arith.constant 0.000000e+00 : f32
        %ge3A_507 = vector.broadcast %ge3A_506 : f32 to vector<16xf32>
        %ge3A_508 = arith.cmpf oge, %get3A_505, %ge3A_507 : vector<16xf32>
        %jit3A_509 = arith.constant 1 : i32
        %jit3A_510 = arith.constant 0 : i32
        %broadcast_in_dim3A_511 = vector.broadcast %jit3A_509 : i32 to vector<16xi32>
        %broadcast_in_dim3A_512 = vector.broadcast %jit3A_510 : i32 to vector<16xi32>
        %select_n3A_513 = arith.select %ge3A_508, %broadcast_in_dim3A_511, %broadcast_in_dim3A_512 : vector<16xi1>, vector<16xi32>
        %broadcast_in_dim3A_514 = arith.constant true
        %broadcast_in_dim3A_515 = vector.broadcast %broadcast_in_dim3A_514 : i1 to vector<16xi1>
        %masked_cumsum3A_516 = tpu.scan <sum>, %select_n3A_513 masked %broadcast_in_dim3A_515 : vector<16xi32>, vector<16xi1> -> vector<16xi32>
        %sub3A_517 = arith.constant 1 : i32
        %sub3A_518 = vector.broadcast %sub3A_517 : i32 to vector<16xi32>
        %sub3A_519 = arith.subi %add3A_497, %sub3A_518 : vector<16xi32>
        %add3A_520 = arith.addi %masked_cumsum3A_516, %sub3A_519 : vector<16xi32>
        %lt3A_521 = arith.constant 32 : i32
        %lt3A_522 = vector.broadcast %lt3A_521 : i32 to vector<16xi32>
        %lt3A_523 = arith.cmpi slt, %add3A_520, %lt3A_522 : vector<16xi32>
        %and3A_524 = arith.andi %ge3A_508, %lt3A_523 : vector<16xi1>
        %mul3A_525 = arith.constant 16 : i32
        %mul3A_526 = arith.muli %add3A_501, %mul3A_525 : i32
        %add3A_527 = arith.addi %mul3A_526, %mul3A_20 : i32
        %add3A_528 = vector.broadcast %add3A_527 : i32 to vector<16xi32>
        %add3A_529 = arith.addi %iota3A, %add3A_528 : vector<16xi32>
        tpu.vector_store_idx %arg8[%add3A_520], %add3A_529 masked %and3A_524 : memref<32xi32, #tpu.memory_space<vmem>>[vector<16xi32>], vector<16xi32>, vector<16xi1>
        %mul3A_530 = arith.constant 16 : i32
        %mul3A_531 = arith.muli %add3A_501, %mul3A_530 : i32
        %get3A_532 = arith.index_cast %mul3A_531 : i32 to index
        %get3A_533 = tpu.vector_load %arg14[%get3A_532] {strides = array<i32>} : memref<1024xf32, #tpu.memory_space<vmem>>, vector<16xf32>,
        %jit3A_534 = arith.constant 1.000000e+00 : f32
        %jit3A_535 = arith.constant 0.000000e+00 : f32
        %broadcast_in_dim3A_536 = vector.broadcast %jit3A_534 : f32 to vector<16xf32>
        %broadcast_in_dim3A_537 = vector.broadcast %jit3A_535 : f32 to vector<16xf32>
        %select_n3A_538 = arith.select %and3A_524, %broadcast_in_dim3A_536, %broadcast_in_dim3A_537 : vector<16xi1>, vector<16xf32>
        %add3A_539 = arith.addf %get3A_533, %select_n3A_538 : vector<16xf32>
        %swap3A_540 = arith.index_cast %mul3A_531 : i32 to index
        %swap3A_541 = tpu.vector_load %arg14[%swap3A_540] {strides = array<i32>} : memref<1024xf32, #tpu.memory_space<vmem>>, vector<16xf32>,
        tpu.vector_store %arg14[%swap3A_540], %add3A_539 {strides = array<i32>} : memref<1024xf32, #tpu.memory_space<vmem>>, vector<16xf32>,
        %all_reduce_population_count3A_542 = tpu.all_reduce %ge3A_508 {dim = 0 : i64, kind = #tpu.reduction_kind<sum>} : vector<16xi1> -> vector<16xi32>
        %add3A_543 = arith.addi %add3A_497, %all_reduce_population_count3A_542 : vector<16xi32>
        scf.yield %add3A_543 : vector<16xi32>
      }
      %scan3A_92 = arith.constant 8 : i32
      %dma_start3A_93 = arith.constant 0 : i32
      %dma_start3A_94 = arith.constant 0 : i32
      %dma_start3A_95 = tpu.memref_slice %arg3[%dma_start3A_93, %dma_start3A_94] : memref<4096x256xf32, #tpu.memory_space<hbm>> -> memref<4096x256xf32, #tpu.memory_space<hbm>>
      tpu.enqueue_indirect_dma source(%dma_start3A_95 : memref<4096x256xf32, #tpu.memory_space<hbm>>) target(%arg10 : memref<32x256xf32, #tpu.memory_space<vmem>>) offsets(%arg8 : memref<32xi32, #tpu.memory_space<vmem>>) semaphore(%arg17 : memref<!tpu.dma_semaphore, #tpu.memory_space<semaphore_mem>>)
      %add3A_96 = arith.constant 2 : i32
      %add3A_97 = arith.addi %mul3A_77, %add3A_96 : i32
      %min3A = arith.constant 127 : i32
      %min3A_98 = arith.minsi %add3A_97, %min3A : i32
      %add3A_99 = arith.addi %mul3A_2, %min3A_98 : i32
      %dma_start3A_100 = arith.constant 0 : i32
      %dma_start3A_101 = tpu.memref_slice %arg2[%add3A_99, %dma_start3A_100] : memref<4096x1024xf32, #tpu.memory_space<hbm>> -> memref<1x1024xf32, #tpu.memory_space<hbm>>
      %dma_start3A_102 = tpu.memref_squeeze %dma_start3A_101 : memref<1x1024xf32, #tpu.memory_space<hbm>> -> memref<1024xf32, #tpu.memory_space<hbm>>
      %dma_start3A_103 = arith.constant 0 : i32
      %dma_start3A_104 = tpu.memref_slice %arg2[%add3A_99, %dma_start3A_103] : memref<4096x1024xf32, #tpu.memory_space<hbm>> -> memref<1x1024xf32, #tpu.memory_space<hbm>>
      %dma_start3A_105 = tpu.memref_squeeze %dma_start3A_104 : memref<1x1024xf32, #tpu.memory_space<hbm>> -> memref<1024xf32, #tpu.memory_space<hbm>>
      tpu.enqueue_dma source(%dma_start3A_105 : memref<1024xf32, #tpu.memory_space<hbm>>) target(%arg6 : memref<1024xf32, #tpu.memory_space<vmem>>) target_semaphore(%arg15 : memref<!tpu.dma_semaphore, #tpu.memory_space<semaphore_mem>>)
      %dma_wait3A_106 = arith.constant 0 : i32
      %dma_wait3A_107 = tpu.memref_slice %arg2[%mul3A_2, %dma_wait3A_106] : memref<4096x1024xf32, #tpu.memory_space<hbm>> -> memref<1x1024xf32, #tpu.memory_space<hbm>>
      %dma_wait3A_108 = tpu.memref_squeeze %dma_wait3A_107 : memref<1x1024xf32, #tpu.memory_space<hbm>> -> memref<1024xf32, #tpu.memory_space<hbm>>
      %dma_wait3A_109 = arith.constant 0 : i32
      %dma_wait3A_110 = tpu.memref_slice %arg2[%mul3A_2, %dma_wait3A_109] : memref<4096x1024xf32, #tpu.memory_space<hbm>> -> memref<1x1024xf32, #tpu.memory_space<hbm>>
      %dma_wait3A_111 = tpu.memref_squeeze %dma_wait3A_110 : memref<1x1024xf32, #tpu.memory_space<hbm>> -> memref<1024xf32, #tpu.memory_space<hbm>>
      tpu.wait_dma2 semaphore(%arg16 : memref<!tpu.dma_semaphore, #tpu.memory_space<semaphore_mem>>) src(%dma_wait3A_111 : memref<1024xf32, #tpu.memory_space<hbm>>) dst(%arg7 : memref<1024xf32, #tpu.memory_space<vmem>>)
      %broadcast_in_dim3A_112 = arith.constant 0 : i32
      %broadcast_in_dim3A_113 = vector.broadcast %broadcast_in_dim3A_112 : i32 to vector<16xi32>
      %scan3A_114 = arith.constant 0 : i32
      %scan3A_115 = arith.constant 8 : i32
      %scan3A_116 = arith.addi %scan3A_114, %scan3A_115 : i32
      %scan3A_117 = arith.constant 1 : i32
      %scan3A_118 = scf.for %scan3A_180 = %scan3A_114 to %scan3A_116 step %scan3A_117 iter_args(%scan3A_181 = %broadcast_in_dim3A_113) -> (vector<16xi32>)  : i32 {
        %mul3A_182 = arith.constant 8 : i32
        %mul3A_183 = arith.muli %scan3A_180, %mul3A_182 : i32
        %add3A_184 = arith.constant 0 : i32
        %add3A_185 = arith.addi %mul3A_183, %add3A_184 : i32
        %mul3A_186 = arith.constant 16 : i32
        %mul3A_187 = arith.muli %add3A_185, %mul3A_186 : i32
        %get3A = arith.index_cast %mul3A_187 : i32 to index
        %get3A_188 = tpu.vector_load %arg7[%get3A] {strides = array<i32>} : memref<1024xf32, #tpu.memory_space<vmem>>, vector<16xf32>,
        %ge3A = arith.constant 0.000000e+00 : f32
        %ge3A_189 = vector.broadcast %ge3A : f32 to vector<16xf32>
        %ge3A_190 = arith.cmpf oge, %get3A_188, %ge3A_189 : vector<16xf32>
        %jit3A_191 = arith.constant 1 : i32
        %jit3A_192 = arith.constant 0 : i32
        %broadcast_in_dim3A_193 = vector.broadcast %jit3A_191 : i32 to vector<16xi32>
        %broadcast_in_dim3A_194 = vector.broadcast %jit3A_192 : i32 to vector<16xi32>
        %select_n3A_195 = arith.select %ge3A_190, %broadcast_in_dim3A_193, %broadcast_in_dim3A_194 : vector<16xi1>, vector<16xi32>
        %broadcast_in_dim3A_196 = arith.constant true
        %broadcast_in_dim3A_197 = vector.broadcast %broadcast_in_dim3A_196 : i1 to vector<16xi1>
        %masked_cumsum3A = tpu.scan <sum>, %select_n3A_195 masked %broadcast_in_dim3A_197 : vector<16xi32>, vector<16xi1> -> vector<16xi32>
        %sub3A_198 = arith.constant 1 : i32
        %sub3A_199 = vector.broadcast %sub3A_198 : i32 to vector<16xi32>
        %sub3A_200 = arith.subi %scan3A_181, %sub3A_199 : vector<16xi32>
        %add3A_201 = arith.addi %masked_cumsum3A, %sub3A_200 : vector<16xi32>
        %lt3A = arith.constant 32 : i32
        %lt3A_202 = vector.broadcast %lt3A : i32 to vector<16xi32>
        %lt3A_203 = arith.cmpi slt, %add3A_201, %lt3A_202 : vector<16xi32>
        %and3A_204 = arith.andi %ge3A_190, %lt3A_203 : vector<16xi1>
        %mul3A_205 = arith.constant 16 : i32
        %mul3A_206 = arith.muli %add3A_185, %mul3A_205 : i32
        %add3A_207 = arith.addi %mul3A_206, %mul3A_20 : i32
        %add3A_208 = vector.broadcast %add3A_207 : i32 to vector<16xi32>
        %add3A_209 = arith.addi %iota3A, %add3A_208 : vector<16xi32>
        tpu.vector_store_idx %arg9[%add3A_201], %add3A_209 masked %and3A_204 : memref<32xi32, #tpu.memory_space<vmem>>[vector<16xi32>], vector<16xi32>, vector<16xi1>
        %mul3A_210 = arith.constant 16 : i32
        %mul3A_211 = arith.muli %add3A_185, %mul3A_210 : i32
        %get3A_212 = arith.index_cast %mul3A_211 : i32 to index
        %get3A_213 = tpu.vector_load %arg14[%get3A_212] {strides = array<i32>} : memref<1024xf32, #tpu.memory_space<vmem>>, vector<16xf32>,
        %jit3A_214 = arith.constant 1.000000e+00 : f32
        %jit3A_215 = arith.constant 0.000000e+00 : f32
        %broadcast_in_dim3A_216 = vector.broadcast %jit3A_214 : f32 to vector<16xf32>
        %broadcast_in_dim3A_217 = vector.broadcast %jit3A_215 : f32 to vector<16xf32>
        %select_n3A_218 = arith.select %and3A_204, %broadcast_in_dim3A_216, %broadcast_in_dim3A_217 : vector<16xi1>, vector<16xf32>
        %add3A_219 = arith.addf %get3A_213, %select_n3A_218 : vector<16xf32>
        %swap3A = arith.index_cast %mul3A_211 : i32 to index
        %swap3A_220 = tpu.vector_load %arg14[%swap3A] {strides = array<i32>} : memref<1024xf32, #tpu.memory_space<vmem>>, vector<16xf32>,
        tpu.vector_store %arg14[%swap3A], %add3A_219 {strides = array<i32>} : memref<1024xf32, #tpu.memory_space<vmem>>, vector<16xf32>,
        %all_reduce_population_count3A = tpu.all_reduce %ge3A_190 {dim = 0 : i64, kind = #tpu.reduction_kind<sum>} : vector<16xi1> -> vector<16xi32>
        %add3A_221 = arith.addi %scan3A_181, %all_reduce_population_count3A : vector<16xi32>
        %mul3A_222 = arith.constant 8 : i32
        %mul3A_223 = arith.muli %scan3A_180, %mul3A_222 : i32
        %add3A_224 = arith.constant 1 : i32
        %add3A_225 = arith.addi %mul3A_223, %add3A_224 : i32
        %mul3A_226 = arith.constant 16 : i32
        %mul3A_227 = arith.muli %add3A_225, %mul3A_226 : i32
        %get3A_228 = arith.index_cast %mul3A_227 : i32 to index
        %get3A_229 = tpu.vector_load %arg7[%get3A_228] {strides = array<i32>} : memref<1024xf32, #tpu.memory_space<vmem>>, vector<16xf32>,
        %ge3A_230 = arith.constant 0.000000e+00 : f32
        %ge3A_231 = vector.broadcast %ge3A_230 : f32 to vector<16xf32>
        %ge3A_232 = arith.cmpf oge, %get3A_229, %ge3A_231 : vector<16xf32>
        %jit3A_233 = arith.constant 1 : i32
        %jit3A_234 = arith.constant 0 : i32
        %broadcast_in_dim3A_235 = vector.broadcast %jit3A_233 : i32 to vector<16xi32>
        %broadcast_in_dim3A_236 = vector.broadcast %jit3A_234 : i32 to vector<16xi32>
        %select_n3A_237 = arith.select %ge3A_232, %broadcast_in_dim3A_235, %broadcast_in_dim3A_236 : vector<16xi1>, vector<16xi32>
        %broadcast_in_dim3A_238 = arith.constant true
        %broadcast_in_dim3A_239 = vector.broadcast %broadcast_in_dim3A_238 : i1 to vector<16xi1>
        %masked_cumsum3A_240 = tpu.scan <sum>, %select_n3A_237 masked %broadcast_in_dim3A_239 : vector<16xi32>, vector<16xi1> -> vector<16xi32>
        %sub3A_241 = arith.constant 1 : i32
        %sub3A_242 = vector.broadcast %sub3A_241 : i32 to vector<16xi32>
        %sub3A_243 = arith.subi %add3A_221, %sub3A_242 : vector<16xi32>
        %add3A_244 = arith.addi %masked_cumsum3A_240, %sub3A_243 : vector<16xi32>
        %lt3A_245 = arith.constant 32 : i32
        %lt3A_246 = vector.broadcast %lt3A_245 : i32 to vector<16xi32>
        %lt3A_247 = arith.cmpi slt, %add3A_244, %lt3A_246 : vector<16xi32>
        %and3A_248 = arith.andi %ge3A_232, %lt3A_247 : vector<16xi1>
        %mul3A_249 = arith.constant 16 : i32
        %mul3A_250 = arith.muli %add3A_225, %mul3A_249 : i32
        %add3A_251 = arith.addi %mul3A_250, %mul3A_20 : i32
        %add3A_252 = vector.broadcast %add3A_251 : i32 to vector<16xi32>
        %add3A_253 = arith.addi %iota3A, %add3A_252 : vector<16xi32>
        tpu.vector_store_idx %arg9[%add3A_244], %add3A_253 masked %and3A_248 : memref<32xi32, #tpu.memory_space<vmem>>[vector<16xi32>], vector<16xi32>, vector<16xi1>
        %mul3A_254 = arith.constant 16 : i32
        %mul3A_255 = arith.muli %add3A_225, %mul3A_254 : i32
        %get3A_256 = arith.index_cast %mul3A_255 : i32 to index
        %get3A_257 = tpu.vector_load %arg14[%get3A_256] {strides = array<i32>} : memref<1024xf32, #tpu.memory_space<vmem>>, vector<16xf32>,
        %jit3A_258 = arith.constant 1.000000e+00 : f32
        %jit3A_259 = arith.constant 0.000000e+00 : f32
        %broadcast_in_dim3A_260 = vector.broadcast %jit3A_258 : f32 to vector<16xf32>
        %broadcast_in_dim3A_261 = vector.broadcast %jit3A_259 : f32 to vector<16xf32>
        %select_n3A_262 = arith.select %and3A_248, %broadcast_in_dim3A_260, %broadcast_in_dim3A_261 : vector<16xi1>, vector<16xf32>
        %add3A_263 = arith.addf %get3A_257, %select_n3A_262 : vector<16xf32>
        %swap3A_264 = arith.index_cast %mul3A_255 : i32 to index
        %swap3A_265 = tpu.vector_load %arg14[%swap3A_264] {strides = array<i32>} : memref<1024xf32, #tpu.memory_space<vmem>>, vector<16xf32>,
        tpu.vector_store %arg14[%swap3A_264], %add3A_263 {strides = array<i32>} : memref<1024xf32, #tpu.memory_space<vmem>>, vector<16xf32>,
        %all_reduce_population_count3A_266 = tpu.all_reduce %ge3A_232 {dim = 0 : i64, kind = #tpu.reduction_kind<sum>} : vector<16xi1> -> vector<16xi32>
        %add3A_267 = arith.addi %add3A_221, %all_reduce_population_count3A_266 : vector<16xi32>
        %mul3A_268 = arith.constant 8 : i32
        %mul3A_269 = arith.muli %scan3A_180, %mul3A_268 : i32
        %add3A_270 = arith.constant 2 : i32
        %add3A_271 = arith.addi %mul3A_269, %add3A_270 : i32
        %mul3A_272 = arith.constant 16 : i32
        %mul3A_273 = arith.muli %add3A_271, %mul3A_272 : i32
        %get3A_274 = arith.index_cast %mul3A_273 : i32 to index
        %get3A_275 = tpu.vector_load %arg7[%get3A_274] {strides = array<i32>} : memref<1024xf32, #tpu.memory_space<vmem>>, vector<16xf32>,
        %ge3A_276 = arith.constant 0.000000e+00 : f32
        %ge3A_277 = vector.broadcast %ge3A_276 : f32 to vector<16xf32>
        %ge3A_278 = arith.cmpf oge, %get3A_275, %ge3A_277 : vector<16xf32>
        %jit3A_279 = arith.constant 1 : i32
        %jit3A_280 = arith.constant 0 : i32
        %broadcast_in_dim3A_281 = vector.broadcast %jit3A_279 : i32 to vector<16xi32>
        %broadcast_in_dim3A_282 = vector.broadcast %jit3A_280 : i32 to vector<16xi32>
        %select_n3A_283 = arith.select %ge3A_278, %broadcast_in_dim3A_281, %broadcast_in_dim3A_282 : vector<16xi1>, vector<16xi32>
        %broadcast_in_dim3A_284 = arith.constant true
        %broadcast_in_dim3A_285 = vector.broadcast %broadcast_in_dim3A_284 : i1 to vector<16xi1>
        %masked_cumsum3A_286 = tpu.scan <sum>, %select_n3A_283 masked %broadcast_in_dim3A_285 : vector<16xi32>, vector<16xi1> -> vector<16xi32>
        %sub3A_287 = arith.constant 1 : i32
        %sub3A_288 = vector.broadcast %sub3A_287 : i32 to vector<16xi32>
        %sub3A_289 = arith.subi %add3A_267, %sub3A_288 : vector<16xi32>
        %add3A_290 = arith.addi %masked_cumsum3A_286, %sub3A_289 : vector<16xi32>
        %lt3A_291 = arith.constant 32 : i32
        %lt3A_292 = vector.broadcast %lt3A_291 : i32 to vector<16xi32>
        %lt3A_293 = arith.cmpi slt, %add3A_290, %lt3A_292 : vector<16xi32>
        %and3A_294 = arith.andi %ge3A_278, %lt3A_293 : vector<16xi1>
        %mul3A_295 = arith.constant 16 : i32
        %mul3A_296 = arith.muli %add3A_271, %mul3A_295 : i32
        %add3A_297 = arith.addi %mul3A_296, %mul3A_20 : i32
        %add3A_298 = vector.broadcast %add3A_297 : i32 to vector<16xi32>
        %add3A_299 = arith.addi %iota3A, %add3A_298 : vector<16xi32>
        tpu.vector_store_idx %arg9[%add3A_290], %add3A_299 masked %and3A_294 : memref<32xi32, #tpu.memory_space<vmem>>[vector<16xi32>], vector<16xi32>, vector<16xi1>
        %mul3A_300 = arith.constant 16 : i32
        %mul3A_301 = arith.muli %add3A_271, %mul3A_300 : i32
        %get3A_302 = arith.index_cast %mul3A_301 : i32 to index
        %get3A_303 = tpu.vector_load %arg14[%get3A_302] {strides = array<i32>} : memref<1024xf32, #tpu.memory_space<vmem>>, vector<16xf32>,
        %jit3A_304 = arith.constant 1.000000e+00 : f32
        %jit3A_305 = arith.constant 0.000000e+00 : f32
        %broadcast_in_dim3A_306 = vector.broadcast %jit3A_304 : f32 to vector<16xf32>
        %broadcast_in_dim3A_307 = vector.broadcast %jit3A_305 : f32 to vector<16xf32>
        %select_n3A_308 = arith.select %and3A_294, %broadcast_in_dim3A_306, %broadcast_in_dim3A_307 : vector<16xi1>, vector<16xf32>
        %add3A_309 = arith.addf %get3A_303, %select_n3A_308 : vector<16xf32>
        %swap3A_310 = arith.index_cast %mul3A_301 : i32 to index
        %swap3A_311 = tpu.vector_load %arg14[%swap3A_310] {strides = array<i32>} : memref<1024xf32, #tpu.memory_space<vmem>>, vector<16xf32>,
        tpu.vector_store %arg14[%swap3A_310], %add3A_309 {strides = array<i32>} : memref<1024xf32, #tpu.memory_space<vmem>>, vector<16xf32>,
        %all_reduce_population_count3A_312 = tpu.all_reduce %ge3A_278 {dim = 0 : i64, kind = #tpu.reduction_kind<sum>} : vector<16xi1> -> vector<16xi32>
        %add3A_313 = arith.addi %add3A_267, %all_reduce_population_count3A_312 : vector<16xi32>
        %mul3A_314 = arith.constant 8 : i32
        %mul3A_315 = arith.muli %scan3A_180, %mul3A_314 : i32
        %add3A_316 = arith.constant 3 : i32
        %add3A_317 = arith.addi %mul3A_315, %add3A_316 : i32
        %mul3A_318 = arith.constant 16 : i32
        %mul3A_319 = arith.muli %add3A_317, %mul3A_318 : i32
        %get3A_320 = arith.index_cast %mul3A_319 : i32 to index
        %get3A_321 = tpu.vector_load %arg7[%get3A_320] {strides = array<i32>} : memref<1024xf32, #tpu.memory_space<vmem>>, vector<16xf32>,
        %ge3A_322 = arith.constant 0.000000e+00 : f32
        %ge3A_323 = vector.broadcast %ge3A_322 : f32 to vector<16xf32>
        %ge3A_324 = arith.cmpf oge, %get3A_321, %ge3A_323 : vector<16xf32>
        %jit3A_325 = arith.constant 1 : i32
        %jit3A_326 = arith.constant 0 : i32
        %broadcast_in_dim3A_327 = vector.broadcast %jit3A_325 : i32 to vector<16xi32>
        %broadcast_in_dim3A_328 = vector.broadcast %jit3A_326 : i32 to vector<16xi32>
        %select_n3A_329 = arith.select %ge3A_324, %broadcast_in_dim3A_327, %broadcast_in_dim3A_328 : vector<16xi1>, vector<16xi32>
        %broadcast_in_dim3A_330 = arith.constant true
        %broadcast_in_dim3A_331 = vector.broadcast %broadcast_in_dim3A_330 : i1 to vector<16xi1>
        %masked_cumsum3A_332 = tpu.scan <sum>, %select_n3A_329 masked %broadcast_in_dim3A_331 : vector<16xi32>, vector<16xi1> -> vector<16xi32>
        %sub3A_333 = arith.constant 1 : i32
        %sub3A_334 = vector.broadcast %sub3A_333 : i32 to vector<16xi32>
        %sub3A_335 = arith.subi %add3A_313, %sub3A_334 : vector<16xi32>
        %add3A_336 = arith.addi %masked_cumsum3A_332, %sub3A_335 : vector<16xi32>
        %lt3A_337 = arith.constant 32 : i32
        %lt3A_338 = vector.broadcast %lt3A_337 : i32 to vector<16xi32>
        %lt3A_339 = arith.cmpi slt, %add3A_336, %lt3A_338 : vector<16xi32>
        %and3A_340 = arith.andi %ge3A_324, %lt3A_339 : vector<16xi1>
        %mul3A_341 = arith.constant 16 : i32
        %mul3A_342 = arith.muli %add3A_317, %mul3A_341 : i32
        %add3A_343 = arith.addi %mul3A_342, %mul3A_20 : i32
        %add3A_344 = vector.broadcast %add3A_343 : i32 to vector<16xi32>
        %add3A_345 = arith.addi %iota3A, %add3A_344 : vector<16xi32>
        tpu.vector_store_idx %arg9[%add3A_336], %add3A_345 masked %and3A_340 : memref<32xi32, #tpu.memory_space<vmem>>[vector<16xi32>], vector<16xi32>, vector<16xi1>
        %mul3A_346 = arith.constant 16 : i32
        %mul3A_347 = arith.muli %add3A_317, %mul3A_346 : i32
        %get3A_348 = arith.index_cast %mul3A_347 : i32 to index
        %get3A_349 = tpu.vector_load %arg14[%get3A_348] {strides = array<i32>} : memref<1024xf32, #tpu.memory_space<vmem>>, vector<16xf32>,
        %jit3A_350 = arith.constant 1.000000e+00 : f32
        %jit3A_351 = arith.constant 0.000000e+00 : f32
        %broadcast_in_dim3A_352 = vector.broadcast %jit3A_350 : f32 to vector<16xf32>
        %broadcast_in_dim3A_353 = vector.broadcast %jit3A_351 : f32 to vector<16xf32>
        %select_n3A_354 = arith.select %and3A_340, %broadcast_in_dim3A_352, %broadcast_in_dim3A_353 : vector<16xi1>, vector<16xf32>
        %add3A_355 = arith.addf %get3A_349, %select_n3A_354 : vector<16xf32>
        %swap3A_356 = arith.index_cast %mul3A_347 : i32 to index
        %swap3A_357 = tpu.vector_load %arg14[%swap3A_356] {strides = array<i32>} : memref<1024xf32, #tpu.memory_space<vmem>>, vector<16xf32>,
        tpu.vector_store %arg14[%swap3A_356], %add3A_355 {strides = array<i32>} : memref<1024xf32, #tpu.memory_space<vmem>>, vector<16xf32>,
        %all_reduce_population_count3A_358 = tpu.all_reduce %ge3A_324 {dim = 0 : i64, kind = #tpu.reduction_kind<sum>} : vector<16xi1> -> vector<16xi32>
        %add3A_359 = arith.addi %add3A_313, %all_reduce_population_count3A_358 : vector<16xi32>
        %mul3A_360 = arith.constant 8 : i32
        %mul3A_361 = arith.muli %scan3A_180, %mul3A_360 : i32
        %add3A_362 = arith.constant 4 : i32
        %add3A_363 = arith.addi %mul3A_361, %add3A_362 : i32
        %mul3A_364 = arith.constant 16 : i32
        %mul3A_365 = arith.muli %add3A_363, %mul3A_364 : i32
        %get3A_366 = arith.index_cast %mul3A_365 : i32 to index
        %get3A_367 = tpu.vector_load %arg7[%get3A_366] {strides = array<i32>} : memref<1024xf32, #tpu.memory_space<vmem>>, vector<16xf32>,
        %ge3A_368 = arith.constant 0.000000e+00 : f32
        %ge3A_369 = vector.broadcast %ge3A_368 : f32 to vector<16xf32>
        %ge3A_370 = arith.cmpf oge, %get3A_367, %ge3A_369 : vector<16xf32>
        %jit3A_371 = arith.constant 1 : i32
        %jit3A_372 = arith.constant 0 : i32
        %broadcast_in_dim3A_373 = vector.broadcast %jit3A_371 : i32 to vector<16xi32>
        %broadcast_in_dim3A_374 = vector.broadcast %jit3A_372 : i32 to vector<16xi32>
        %select_n3A_375 = arith.select %ge3A_370, %broadcast_in_dim3A_373, %broadcast_in_dim3A_374 : vector<16xi1>, vector<16xi32>
        %broadcast_in_dim3A_376 = arith.constant true
        %broadcast_in_dim3A_377 = vector.broadcast %broadcast_in_dim3A_376 : i1 to vector<16xi1>
        %masked_cumsum3A_378 = tpu.scan <sum>, %select_n3A_375 masked %broadcast_in_dim3A_377 : vector<16xi32>, vector<16xi1> -> vector<16xi32>
        %sub3A_379 = arith.constant 1 : i32
        %sub3A_380 = vector.broadcast %sub3A_379 : i32 to vector<16xi32>
        %sub3A_381 = arith.subi %add3A_359, %sub3A_380 : vector<16xi32>
        %add3A_382 = arith.addi %masked_cumsum3A_378, %sub3A_381 : vector<16xi32>
        %lt3A_383 = arith.constant 32 : i32
        %lt3A_384 = vector.broadcast %lt3A_383 : i32 to vector<16xi32>
        %lt3A_385 = arith.cmpi slt, %add3A_382, %lt3A_384 : vector<16xi32>
        %and3A_386 = arith.andi %ge3A_370, %lt3A_385 : vector<16xi1>
        %mul3A_387 = arith.constant 16 : i32
        %mul3A_388 = arith.muli %add3A_363, %mul3A_387 : i32
        %add3A_389 = arith.addi %mul3A_388, %mul3A_20 : i32
        %add3A_390 = vector.broadcast %add3A_389 : i32 to vector<16xi32>
        %add3A_391 = arith.addi %iota3A, %add3A_390 : vector<16xi32>
        tpu.vector_store_idx %arg9[%add3A_382], %add3A_391 masked %and3A_386 : memref<32xi32, #tpu.memory_space<vmem>>[vector<16xi32>], vector<16xi32>, vector<16xi1>
        %mul3A_392 = arith.constant 16 : i32
        %mul3A_393 = arith.muli %add3A_363, %mul3A_392 : i32
        %get3A_394 = arith.index_cast %mul3A_393 : i32 to index
        %get3A_395 = tpu.vector_load %arg14[%get3A_394] {strides = array<i32>} : memref<1024xf32, #tpu.memory_space<vmem>>, vector<16xf32>,
        %jit3A_396 = arith.constant 1.000000e+00 : f32
        %jit3A_397 = arith.constant 0.000000e+00 : f32
        %broadcast_in_dim3A_398 = vector.broadcast %jit3A_396 : f32 to vector<16xf32>
        %broadcast_in_dim3A_399 = vector.broadcast %jit3A_397 : f32 to vector<16xf32>
        %select_n3A_400 = arith.select %and3A_386, %broadcast_in_dim3A_398, %broadcast_in_dim3A_399 : vector<16xi1>, vector<16xf32>
        %add3A_401 = arith.addf %get3A_395, %select_n3A_400 : vector<16xf32>
        %swap3A_402 = arith.index_cast %mul3A_393 : i32 to index
        %swap3A_403 = tpu.vector_load %arg14[%swap3A_402] {strides = array<i32>} : memref<1024xf32, #tpu.memory_space<vmem>>, vector<16xf32>,
        tpu.vector_store %arg14[%swap3A_402], %add3A_401 {strides = array<i32>} : memref<1024xf32, #tpu.memory_space<vmem>>, vector<16xf32>,
        %all_reduce_population_count3A_404 = tpu.all_reduce %ge3A_370 {dim = 0 : i64, kind = #tpu.reduction_kind<sum>} : vector<16xi1> -> vector<16xi32>
        %add3A_405 = arith.addi %add3A_359, %all_reduce_population_count3A_404 : vector<16xi32>
        %mul3A_406 = arith.constant 8 : i32
        %mul3A_407 = arith.muli %scan3A_180, %mul3A_406 : i32
        %add3A_408 = arith.constant 5 : i32
        %add3A_409 = arith.addi %mul3A_407, %add3A_408 : i32
        %mul3A_410 = arith.constant 16 : i32
        %mul3A_411 = arith.muli %add3A_409, %mul3A_410 : i32
        %get3A_412 = arith.index_cast %mul3A_411 : i32 to index
        %get3A_413 = tpu.vector_load %arg7[%get3A_412] {strides = array<i32>} : memref<1024xf32, #tpu.memory_space<vmem>>, vector<16xf32>,
        %ge3A_414 = arith.constant 0.000000e+00 : f32
        %ge3A_415 = vector.broadcast %ge3A_414 : f32 to vector<16xf32>
        %ge3A_416 = arith.cmpf oge, %get3A_413, %ge3A_415 : vector<16xf32>
        %jit3A_417 = arith.constant 1 : i32
        %jit3A_418 = arith.constant 0 : i32
        %broadcast_in_dim3A_419 = vector.broadcast %jit3A_417 : i32 to vector<16xi32>
        %broadcast_in_dim3A_420 = vector.broadcast %jit3A_418 : i32 to vector<16xi32>
        %select_n3A_421 = arith.select %ge3A_416, %broadcast_in_dim3A_419, %broadcast_in_dim3A_420 : vector<16xi1>, vector<16xi32>
        %broadcast_in_dim3A_422 = arith.constant true
        %broadcast_in_dim3A_423 = vector.broadcast %broadcast_in_dim3A_422 : i1 to vector<16xi1>
        %masked_cumsum3A_424 = tpu.scan <sum>, %select_n3A_421 masked %broadcast_in_dim3A_423 : vector<16xi32>, vector<16xi1> -> vector<16xi32>
        %sub3A_425 = arith.constant 1 : i32
        %sub3A_426 = vector.broadcast %sub3A_425 : i32 to vector<16xi32>
        %sub3A_427 = arith.subi %add3A_405, %sub3A_426 : vector<16xi32>
        %add3A_428 = arith.addi %masked_cumsum3A_424, %sub3A_427 : vector<16xi32>
        %lt3A_429 = arith.constant 32 : i32
        %lt3A_430 = vector.broadcast %lt3A_429 : i32 to vector<16xi32>
        %lt3A_431 = arith.cmpi slt, %add3A_428, %lt3A_430 : vector<16xi32>
        %and3A_432 = arith.andi %ge3A_416, %lt3A_431 : vector<16xi1>
        %mul3A_433 = arith.constant 16 : i32
        %mul3A_434 = arith.muli %add3A_409, %mul3A_433 : i32
        %add3A_435 = arith.addi %mul3A_434, %mul3A_20 : i32
        %add3A_436 = vector.broadcast %add3A_435 : i32 to vector<16xi32>
        %add3A_437 = arith.addi %iota3A, %add3A_436 : vector<16xi32>
        tpu.vector_store_idx %arg9[%add3A_428], %add3A_437 masked %and3A_432 : memref<32xi32, #tpu.memory_space<vmem>>[vector<16xi32>], vector<16xi32>, vector<16xi1>
        %mul3A_438 = arith.constant 16 : i32
        %mul3A_439 = arith.muli %add3A_409, %mul3A_438 : i32
        %get3A_440 = arith.index_cast %mul3A_439 : i32 to index
        %get3A_441 = tpu.vector_load %arg14[%get3A_440] {strides = array<i32>} : memref<1024xf32, #tpu.memory_space<vmem>>, vector<16xf32>,
        %jit3A_442 = arith.constant 1.000000e+00 : f32
        %jit3A_443 = arith.constant 0.000000e+00 : f32
        %broadcast_in_dim3A_444 = vector.broadcast %jit3A_442 : f32 to vector<16xf32>
        %broadcast_in_dim3A_445 = vector.broadcast %jit3A_443 : f32 to vector<16xf32>
        %select_n3A_446 = arith.select %and3A_432, %broadcast_in_dim3A_444, %broadcast_in_dim3A_445 : vector<16xi1>, vector<16xf32>
        %add3A_447 = arith.addf %get3A_441, %select_n3A_446 : vector<16xf32>
        %swap3A_448 = arith.index_cast %mul3A_439 : i32 to index
        %swap3A_449 = tpu.vector_load %arg14[%swap3A_448] {strides = array<i32>} : memref<1024xf32, #tpu.memory_space<vmem>>, vector<16xf32>,
        tpu.vector_store %arg14[%swap3A_448], %add3A_447 {strides = array<i32>} : memref<1024xf32, #tpu.memory_space<vmem>>, vector<16xf32>,
        %all_reduce_population_count3A_450 = tpu.all_reduce %ge3A_416 {dim = 0 : i64, kind = #tpu.reduction_kind<sum>} : vector<16xi1> -> vector<16xi32>
        %add3A_451 = arith.addi %add3A_405, %all_reduce_population_count3A_450 : vector<16xi32>
        %mul3A_452 = arith.constant 8 : i32
        %mul3A_453 = arith.muli %scan3A_180, %mul3A_452 : i32
        %add3A_454 = arith.constant 6 : i32
        %add3A_455 = arith.addi %mul3A_453, %add3A_454 : i32
        %mul3A_456 = arith.constant 16 : i32
        %mul3A_457 = arith.muli %add3A_455, %mul3A_456 : i32
        %get3A_458 = arith.index_cast %mul3A_457 : i32 to index
        %get3A_459 = tpu.vector_load %arg7[%get3A_458] {strides = array<i32>} : memref<1024xf32, #tpu.memory_space<vmem>>, vector<16xf32>,
        %ge3A_460 = arith.constant 0.000000e+00 : f32
        %ge3A_461 = vector.broadcast %ge3A_460 : f32 to vector<16xf32>
        %ge3A_462 = arith.cmpf oge, %get3A_459, %ge3A_461 : vector<16xf32>
        %jit3A_463 = arith.constant 1 : i32
        %jit3A_464 = arith.constant 0 : i32
        %broadcast_in_dim3A_465 = vector.broadcast %jit3A_463 : i32 to vector<16xi32>
        %broadcast_in_dim3A_466 = vector.broadcast %jit3A_464 : i32 to vector<16xi32>
        %select_n3A_467 = arith.select %ge3A_462, %broadcast_in_dim3A_465, %broadcast_in_dim3A_466 : vector<16xi1>, vector<16xi32>
        %broadcast_in_dim3A_468 = arith.constant true
        %broadcast_in_dim3A_469 = vector.broadcast %broadcast_in_dim3A_468 : i1 to vector<16xi1>
        %masked_cumsum3A_470 = tpu.scan <sum>, %select_n3A_467 masked %broadcast_in_dim3A_469 : vector<16xi32>, vector<16xi1> -> vector<16xi32>
        %sub3A_471 = arith.constant 1 : i32
        %sub3A_472 = vector.broadcast %sub3A_471 : i32 to vector<16xi32>
        %sub3A_473 = arith.subi %add3A_451, %sub3A_472 : vector<16xi32>
        %add3A_474 = arith.addi %masked_cumsum3A_470, %sub3A_473 : vector<16xi32>
        %lt3A_475 = arith.constant 32 : i32
        %lt3A_476 = vector.broadcast %lt3A_475 : i32 to vector<16xi32>
        %lt3A_477 = arith.cmpi slt, %add3A_474, %lt3A_476 : vector<16xi32>
        %and3A_478 = arith.andi %ge3A_462, %lt3A_477 : vector<16xi1>
        %mul3A_479 = arith.constant 16 : i32
        %mul3A_480 = arith.muli %add3A_455, %mul3A_479 : i32
        %add3A_481 = arith.addi %mul3A_480, %mul3A_20 : i32
        %add3A_482 = vector.broadcast %add3A_481 : i32 to vector<16xi32>
        %add3A_483 = arith.addi %iota3A, %add3A_482 : vector<16xi32>
        tpu.vector_store_idx %arg9[%add3A_474], %add3A_483 masked %and3A_478 : memref<32xi32, #tpu.memory_space<vmem>>[vector<16xi32>], vector<16xi32>, vector<16xi1>
        %mul3A_484 = arith.constant 16 : i32
        %mul3A_485 = arith.muli %add3A_455, %mul3A_484 : i32
        %get3A_486 = arith.index_cast %mul3A_485 : i32 to index
        %get3A_487 = tpu.vector_load %arg14[%get3A_486] {strides = array<i32>} : memref<1024xf32, #tpu.memory_space<vmem>>, vector<16xf32>,
        %jit3A_488 = arith.constant 1.000000e+00 : f32
        %jit3A_489 = arith.constant 0.000000e+00 : f32
        %broadcast_in_dim3A_490 = vector.broadcast %jit3A_488 : f32 to vector<16xf32>
        %broadcast_in_dim3A_491 = vector.broadcast %jit3A_489 : f32 to vector<16xf32>
        %select_n3A_492 = arith.select %and3A_478, %broadcast_in_dim3A_490, %broadcast_in_dim3A_491 : vector<16xi1>, vector<16xf32>
        %add3A_493 = arith.addf %get3A_487, %select_n3A_492 : vector<16xf32>
        %swap3A_494 = arith.index_cast %mul3A_485 : i32 to index
        %swap3A_495 = tpu.vector_load %arg14[%swap3A_494] {strides = array<i32>} : memref<1024xf32, #tpu.memory_space<vmem>>, vector<16xf32>,
        tpu.vector_store %arg14[%swap3A_494], %add3A_493 {strides = array<i32>} : memref<1024xf32, #tpu.memory_space<vmem>>, vector<16xf32>,
        %all_reduce_population_count3A_496 = tpu.all_reduce %ge3A_462 {dim = 0 : i64, kind = #tpu.reduction_kind<sum>} : vector<16xi1> -> vector<16xi32>
        %add3A_497 = arith.addi %add3A_451, %all_reduce_population_count3A_496 : vector<16xi32>
        %mul3A_498 = arith.constant 8 : i32
        %mul3A_499 = arith.muli %scan3A_180, %mul3A_498 : i32
        %add3A_500 = arith.constant 7 : i32
        %add3A_501 = arith.addi %mul3A_499, %add3A_500 : i32
        %mul3A_502 = arith.constant 16 : i32
        %mul3A_503 = arith.muli %add3A_501, %mul3A_502 : i32
        %get3A_504 = arith.index_cast %mul3A_503 : i32 to index
        %get3A_505 = tpu.vector_load %arg7[%get3A_504] {strides = array<i32>} : memref<1024xf32, #tpu.memory_space<vmem>>, vector<16xf32>,
        %ge3A_506 = arith.constant 0.000000e+00 : f32
        %ge3A_507 = vector.broadcast %ge3A_506 : f32 to vector<16xf32>
        %ge3A_508 = arith.cmpf oge, %get3A_505, %ge3A_507 : vector<16xf32>
        %jit3A_509 = arith.constant 1 : i32
        %jit3A_510 = arith.constant 0 : i32
        %broadcast_in_dim3A_511 = vector.broadcast %jit3A_509 : i32 to vector<16xi32>
        %broadcast_in_dim3A_512 = vector.broadcast %jit3A_510 : i32 to vector<16xi32>
        %select_n3A_513 = arith.select %ge3A_508, %broadcast_in_dim3A_511, %broadcast_in_dim3A_512 : vector<16xi1>, vector<16xi32>
        %broadcast_in_dim3A_514 = arith.constant true
        %broadcast_in_dim3A_515 = vector.broadcast %broadcast_in_dim3A_514 : i1 to vector<16xi1>
        %masked_cumsum3A_516 = tpu.scan <sum>, %select_n3A_513 masked %broadcast_in_dim3A_515 : vector<16xi32>, vector<16xi1> -> vector<16xi32>
        %sub3A_517 = arith.constant 1 : i32
        %sub3A_518 = vector.broadcast %sub3A_517 : i32 to vector<16xi32>
        %sub3A_519 = arith.subi %add3A_497, %sub3A_518 : vector<16xi32>
        %add3A_520 = arith.addi %masked_cumsum3A_516, %sub3A_519 : vector<16xi32>
        %lt3A_521 = arith.constant 32 : i32
        %lt3A_522 = vector.broadcast %lt3A_521 : i32 to vector<16xi32>
        %lt3A_523 = arith.cmpi slt, %add3A_520, %lt3A_522 : vector<16xi32>
        %and3A_524 = arith.andi %ge3A_508, %lt3A_523 : vector<16xi1>
        %mul3A_525 = arith.constant 16 : i32
        %mul3A_526 = arith.muli %add3A_501, %mul3A_525 : i32
        %add3A_527 = arith.addi %mul3A_526, %mul3A_20 : i32
        %add3A_528 = vector.broadcast %add3A_527 : i32 to vector<16xi32>
        %add3A_529 = arith.addi %iota3A, %add3A_528 : vector<16xi32>
        tpu.vector_store_idx %arg9[%add3A_520], %add3A_529 masked %and3A_524 : memref<32xi32, #tpu.memory_space<vmem>>[vector<16xi32>], vector<16xi32>, vector<16xi1>
        %mul3A_530 = arith.constant 16 : i32
        %mul3A_531 = arith.muli %add3A_501, %mul3A_530 : i32
        %get3A_532 = arith.index_cast %mul3A_531 : i32 to index
        %get3A_533 = tpu.vector_load %arg14[%get3A_532] {strides = array<i32>} : memref<1024xf32, #tpu.memory_space<vmem>>, vector<16xf32>,
        %jit3A_534 = arith.constant 1.000000e+00 : f32
        %jit3A_535 = arith.constant 0.000000e+00 : f32
        %broadcast_in_dim3A_536 = vector.broadcast %jit3A_534 : f32 to vector<16xf32>
        %broadcast_in_dim3A_537 = vector.broadcast %jit3A_535 : f32 to vector<16xf32>
        %select_n3A_538 = arith.select %and3A_524, %broadcast_in_dim3A_536, %broadcast_in_dim3A_537 : vector<16xi1>, vector<16xf32>
        %add3A_539 = arith.addf %get3A_533, %select_n3A_538 : vector<16xf32>
        %swap3A_540 = arith.index_cast %mul3A_531 : i32 to index
        %swap3A_541 = tpu.vector_load %arg14[%swap3A_540] {strides = array<i32>} : memref<1024xf32, #tpu.memory_space<vmem>>, vector<16xf32>,
        tpu.vector_store %arg14[%swap3A_540], %add3A_539 {strides = array<i32>} : memref<1024xf32, #tpu.memory_space<vmem>>, vector<16xf32>,
        %all_reduce_population_count3A_542 = tpu.all_reduce %ge3A_508 {dim = 0 : i64, kind = #tpu.reduction_kind<sum>} : vector<16xi1> -> vector<16xi32>
        %add3A_543 = arith.addi %add3A_497, %all_reduce_population_count3A_542 : vector<16xi32>
        scf.yield %add3A_543 : vector<16xi32>
      }
      %scan3A_119 = arith.constant 8 : i32
      %dma_start3A_120 = arith.constant 0 : i32
      %dma_start3A_121 = arith.constant 0 : i32
      %dma_start3A_122 = tpu.memref_slice %arg3[%dma_start3A_120, %dma_start3A_121] : memref<4096x256xf32, #tpu.memory_space<hbm>> -> memref<4096x256xf32, #tpu.memory_space<hbm>>
      tpu.enqueue_indirect_dma source(%dma_start3A_122 : memref<4096x256xf32, #tpu.memory_space<hbm>>) target(%arg11 : memref<32x256xf32, #tpu.memory_space<vmem>>) offsets(%arg9 : memref<32xi32, #tpu.memory_space<vmem>>) semaphore(%arg18 : memref<!tpu.dma_semaphore, #tpu.memory_space<semaphore_mem>>)
      %add3A_123 = arith.constant 2 : i32
      %add3A_124 = arith.addi %add3A_79, %add3A_123 : i32
      %min3A_125 = arith.constant 127 : i32
      %min3A_126 = arith.minsi %add3A_124, %min3A_125 : i32
      %add3A_127 = arith.addi %mul3A_2, %min3A_126 : i32
      %dma_start3A_128 = arith.constant 0 : i32
      %dma_start3A_129 = tpu.memref_slice %arg2[%add3A_127, %dma_start3A_128] : memref<4096x1024xf32, #tpu.memory_space<hbm>> -> memref<1x1024xf32, #tpu.memory_space<hbm>>
      %dma_start3A_130 = tpu.memref_squeeze %dma_start3A_129 : memref<1x1024xf32, #tpu.memory_space<hbm>> -> memref<1024xf32, #tpu.memory_space<hbm>>
      %dma_start3A_131 = arith.constant 0 : i32
      %dma_start3A_132 = tpu.memref_slice %arg2[%add3A_127, %dma_start3A_131] : memref<4096x1024xf32, #tpu.memory_space<hbm>> -> memref<1x1024xf32, #tpu.memory_space<hbm>>
      %dma_start3A_133 = tpu.memref_squeeze %dma_start3A_132 : memref<1x1024xf32, #tpu.memory_space<hbm>> -> memref<1024xf32, #tpu.memory_space<hbm>>
      tpu.enqueue_dma source(%dma_start3A_133 : memref<1024xf32, #tpu.memory_space<hbm>>) target(%arg7 : memref<1024xf32, #tpu.memory_space<vmem>>) target_semaphore(%arg16 : memref<!tpu.dma_semaphore, #tpu.memory_space<semaphore_mem>>)
      %dma_wait3A_134 = arith.constant 0 : i32
      %dma_wait3A_135 = arith.constant 0 : i32
      %dma_wait3A_136 = tpu.memref_slice %arg3[%dma_wait3A_134, %dma_wait3A_135] : memref<4096x256xf32, #tpu.memory_space<hbm>> -> memref<4096x256xf32, #tpu.memory_space<hbm>>
      tpu.wait_indirect_dma semaphore(%arg17 : memref<!tpu.dma_semaphore, #tpu.memory_space<semaphore_mem>>) src(%dma_wait3A_136 : memref<4096x256xf32, #tpu.memory_space<hbm>>) dst(%arg10 : memref<32x256xf32, #tpu.memory_space<vmem>>)
      %gt3A = arith.constant 0 : i32
      %gt3A_137 = arith.cmpi sgt, %scan3A_74, %gt3A : i32
      %convert_element_type3A = arith.extui %gt3A_137 : i1 to i32
      %cond3A = arith.constant 0 : i32
      %cond3A_138 = arith.cmpi ne, %convert_element_type3A, %cond3A : i32
      scf.if %cond3A_138 {
        %dma_wait3A_180 = arith.constant 0 : i32
        %dma_wait3A_181 = arith.constant 0 : i32
        %dma_wait3A_182 = tpu.memref_slice %arg4[%mul3A_2, %dma_wait3A_180, %dma_wait3A_181] : memref<4096x2x256xf32, #tpu.memory_space<hbm>> -> memref<1x2x256xf32, #tpu.memory_space<hbm>>
        %dma_wait3A_183 = tpu.memref_squeeze %dma_wait3A_182 : memref<1x2x256xf32, #tpu.memory_space<hbm>> -> memref<2x256xf32, #tpu.memory_space<hbm>>
        %dma_wait3A_184 = arith.constant 0 : i32
        %dma_wait3A_185 = arith.constant 0 : i32
        %dma_wait3A_186 = tpu.memref_slice %arg4[%mul3A_2, %dma_wait3A_184, %dma_wait3A_185] : memref<4096x2x256xf32, #tpu.memory_space<hbm>> -> memref<1x2x256xf32, #tpu.memory_space<hbm>>
        %dma_wait3A_187 = tpu.memref_squeeze %dma_wait3A_186 : memref<1x2x256xf32, #tpu.memory_space<hbm>> -> memref<2x256xf32, #tpu.memory_space<hbm>>
        tpu.wait_dma2 semaphore(%arg19 : memref<!tpu.dma_semaphore, #tpu.memory_space<semaphore_mem>>) src(%arg12 : memref<2x256xf32, #tpu.memory_space<vmem>>) dst(%dma_wait3A_187 : memref<2x256xf32, #tpu.memory_space<hbm>>)
      } else {
      }
      %scan3A_139 = arith.constant 0 : i32
      %scan3A_140 = arith.constant 0 : i32
      %scan3A_141 = arith.constant 16 : i32
      %scan3A_142 = arith.addi %scan3A_140, %scan3A_141 : i32
      %scan3A_143 = arith.constant 1 : i32
      %scan3A_144 = scf.for %scan3A_180 = %scan3A_140 to %scan3A_142 step %scan3A_143 iter_args(%scan3A_181 = %scan3A_139) -> (i32)  : i32 {
        %mul3A_182 = arith.constant 16 : i32
        %mul3A_183 = arith.muli %scan3A_180, %mul3A_182 : i32
        %get3A = arith.constant 0 : i32
        %get3A_184 = arith.index_cast %get3A : i32 to index
        %get3A_185 = arith.index_cast %mul3A_183 : i32 to index
        %get3A_186 = tpu.vector_load %arg10[%get3A_184, %get3A_185] {strides = array<i32>} : memref<32x256xf32, #tpu.memory_space<vmem>>, vector<16xf32>,
        %mul3A_187 = arith.constant 16 : i32
        %mul3A_188 = arith.muli %scan3A_180, %mul3A_187 : i32
        %get3A_189 = arith.constant 1 : i32
        %get3A_190 = arith.index_cast %get3A_189 : i32 to index
        %get3A_191 = arith.index_cast %mul3A_188 : i32 to index
        %get3A_192 = tpu.vector_load %arg10[%get3A_190, %get3A_191] {strides = array<i32>} : memref<32x256xf32, #tpu.memory_space<vmem>>, vector<16xf32>,
        %mul3A_193 = arith.constant 16 : i32
        %mul3A_194 = arith.muli %scan3A_180, %mul3A_193 : i32
        %get3A_195 = arith.constant 2 : i32
        %get3A_196 = arith.index_cast %get3A_195 : i32 to index
        %get3A_197 = arith.index_cast %mul3A_194 : i32 to index
        %get3A_198 = tpu.vector_load %arg10[%get3A_196, %get3A_197] {strides = array<i32>} : memref<32x256xf32, #tpu.memory_space<vmem>>, vector<16xf32>,
        %mul3A_199 = arith.constant 16 : i32
        %mul3A_200 = arith.muli %scan3A_180, %mul3A_199 : i32
        %get3A_201 = arith.constant 3 : i32
        %get3A_202 = arith.index_cast %get3A_201 : i32 to index
        %get3A_203 = arith.index_cast %mul3A_200 : i32 to index
        %get3A_204 = tpu.vector_load %arg10[%get3A_202, %get3A_203] {strides = array<i32>} : memref<32x256xf32, #tpu.memory_space<vmem>>, vector<16xf32>,
        %mul3A_205 = arith.constant 16 : i32
        %mul3A_206 = arith.muli %scan3A_180, %mul3A_205 : i32
        %get3A_207 = arith.constant 4 : i32
        %get3A_208 = arith.index_cast %get3A_207 : i32 to index
        %get3A_209 = arith.index_cast %mul3A_206 : i32 to index
        %get3A_210 = tpu.vector_load %arg10[%get3A_208, %get3A_209] {strides = array<i32>} : memref<32x256xf32, #tpu.memory_space<vmem>>, vector<16xf32>,
        %mul3A_211 = arith.constant 16 : i32
        %mul3A_212 = arith.muli %scan3A_180, %mul3A_211 : i32
        %get3A_213 = arith.constant 5 : i32
        %get3A_214 = arith.index_cast %get3A_213 : i32 to index
        %get3A_215 = arith.index_cast %mul3A_212 : i32 to index
        %get3A_216 = tpu.vector_load %arg10[%get3A_214, %get3A_215] {strides = array<i32>} : memref<32x256xf32, #tpu.memory_space<vmem>>, vector<16xf32>,
        %mul3A_217 = arith.constant 16 : i32
        %mul3A_218 = arith.muli %scan3A_180, %mul3A_217 : i32
        %get3A_219 = arith.constant 6 : i32
        %get3A_220 = arith.index_cast %get3A_219 : i32 to index
        %get3A_221 = arith.index_cast %mul3A_218 : i32 to index
        %get3A_222 = tpu.vector_load %arg10[%get3A_220, %get3A_221] {strides = array<i32>} : memref<32x256xf32, #tpu.memory_space<vmem>>, vector<16xf32>,
        %mul3A_223 = arith.constant 16 : i32
        %mul3A_224 = arith.muli %scan3A_180, %mul3A_223 : i32
        %get3A_225 = arith.constant 7 : i32
        %get3A_226 = arith.index_cast %get3A_225 : i32 to index
        %get3A_227 = arith.index_cast %mul3A_224 : i32 to index
        %get3A_228 = tpu.vector_load %arg10[%get3A_226, %get3A_227] {strides = array<i32>} : memref<32x256xf32, #tpu.memory_space<vmem>>, vector<16xf32>,
        %mul3A_229 = arith.constant 16 : i32
        %mul3A_230 = arith.muli %scan3A_180, %mul3A_229 : i32
        %get3A_231 = arith.constant 8 : i32
        %get3A_232 = arith.index_cast %get3A_231 : i32 to index
        %get3A_233 = arith.index_cast %mul3A_230 : i32 to index
        %get3A_234 = tpu.vector_load %arg10[%get3A_232, %get3A_233] {strides = array<i32>} : memref<32x256xf32, #tpu.memory_space<vmem>>, vector<16xf32>,
        %mul3A_235 = arith.constant 16 : i32
        %mul3A_236 = arith.muli %scan3A_180, %mul3A_235 : i32
        %get3A_237 = arith.constant 9 : i32
        %get3A_238 = arith.index_cast %get3A_237 : i32 to index
        %get3A_239 = arith.index_cast %mul3A_236 : i32 to index
        %get3A_240 = tpu.vector_load %arg10[%get3A_238, %get3A_239] {strides = array<i32>} : memref<32x256xf32, #tpu.memory_space<vmem>>, vector<16xf32>,
        %mul3A_241 = arith.constant 16 : i32
        %mul3A_242 = arith.muli %scan3A_180, %mul3A_241 : i32
        %get3A_243 = arith.constant 10 : i32
        %get3A_244 = arith.index_cast %get3A_243 : i32 to index
        %get3A_245 = arith.index_cast %mul3A_242 : i32 to index
        %get3A_246 = tpu.vector_load %arg10[%get3A_244, %get3A_245] {strides = array<i32>} : memref<32x256xf32, #tpu.memory_space<vmem>>, vector<16xf32>,
        %mul3A_247 = arith.constant 16 : i32
        %mul3A_248 = arith.muli %scan3A_180, %mul3A_247 : i32
        %get3A_249 = arith.constant 11 : i32
        %get3A_250 = arith.index_cast %get3A_249 : i32 to index
        %get3A_251 = arith.index_cast %mul3A_248 : i32 to index
        %get3A_252 = tpu.vector_load %arg10[%get3A_250, %get3A_251] {strides = array<i32>} : memref<32x256xf32, #tpu.memory_space<vmem>>, vector<16xf32>,
        %mul3A_253 = arith.constant 16 : i32
        %mul3A_254 = arith.muli %scan3A_180, %mul3A_253 : i32
        %get3A_255 = arith.constant 12 : i32
        %get3A_256 = arith.index_cast %get3A_255 : i32 to index
        %get3A_257 = arith.index_cast %mul3A_254 : i32 to index
        %get3A_258 = tpu.vector_load %arg10[%get3A_256, %get3A_257] {strides = array<i32>} : memref<32x256xf32, #tpu.memory_space<vmem>>, vector<16xf32>,
        %mul3A_259 = arith.constant 16 : i32
        %mul3A_260 = arith.muli %scan3A_180, %mul3A_259 : i32
        %get3A_261 = arith.constant 13 : i32
        %get3A_262 = arith.index_cast %get3A_261 : i32 to index
        %get3A_263 = arith.index_cast %mul3A_260 : i32 to index
        %get3A_264 = tpu.vector_load %arg10[%get3A_262, %get3A_263] {strides = array<i32>} : memref<32x256xf32, #tpu.memory_space<vmem>>, vector<16xf32>,
        %mul3A_265 = arith.constant 16 : i32
        %mul3A_266 = arith.muli %scan3A_180, %mul3A_265 : i32
        %get3A_267 = arith.constant 14 : i32
        %get3A_268 = arith.index_cast %get3A_267 : i32 to index
        %get3A_269 = arith.index_cast %mul3A_266 : i32 to index
        %get3A_270 = tpu.vector_load %arg10[%get3A_268, %get3A_269] {strides = array<i32>} : memref<32x256xf32, #tpu.memory_space<vmem>>, vector<16xf32>,
        %mul3A_271 = arith.constant 16 : i32
        %mul3A_272 = arith.muli %scan3A_180, %mul3A_271 : i32
        %get3A_273 = arith.constant 15 : i32
        %get3A_274 = arith.index_cast %get3A_273 : i32 to index
        %get3A_275 = arith.index_cast %mul3A_272 : i32 to index
        %get3A_276 = tpu.vector_load %arg10[%get3A_274, %get3A_275] {strides = array<i32>} : memref<32x256xf32, #tpu.memory_space<vmem>>, vector<16xf32>,
        %mul3A_277 = arith.constant 16 : i32
        %mul3A_278 = arith.muli %scan3A_180, %mul3A_277 : i32
        %get3A_279 = arith.constant 16 : i32
        %get3A_280 = arith.index_cast %get3A_279 : i32 to index
        %get3A_281 = arith.index_cast %mul3A_278 : i32 to index
        %get3A_282 = tpu.vector_load %arg10[%get3A_280, %get3A_281] {strides = array<i32>} : memref<32x256xf32, #tpu.memory_space<vmem>>, vector<16xf32>,
        %mul3A_283 = arith.constant 16 : i32
        %mul3A_284 = arith.muli %scan3A_180, %mul3A_283 : i32
        %get3A_285 = arith.constant 17 : i32
        %get3A_286 = arith.index_cast %get3A_285 : i32 to index
        %get3A_287 = arith.index_cast %mul3A_284 : i32 to index
        %get3A_288 = tpu.vector_load %arg10[%get3A_286, %get3A_287] {strides = array<i32>} : memref<32x256xf32, #tpu.memory_space<vmem>>, vector<16xf32>,
        %mul3A_289 = arith.constant 16 : i32
        %mul3A_290 = arith.muli %scan3A_180, %mul3A_289 : i32
        %get3A_291 = arith.constant 18 : i32
        %get3A_292 = arith.index_cast %get3A_291 : i32 to index
        %get3A_293 = arith.index_cast %mul3A_290 : i32 to index
        %get3A_294 = tpu.vector_load %arg10[%get3A_292, %get3A_293] {strides = array<i32>} : memref<32x256xf32, #tpu.memory_space<vmem>>, vector<16xf32>,
        %mul3A_295 = arith.constant 16 : i32
        %mul3A_296 = arith.muli %scan3A_180, %mul3A_295 : i32
        %get3A_297 = arith.constant 19 : i32
        %get3A_298 = arith.index_cast %get3A_297 : i32 to index
        %get3A_299 = arith.index_cast %mul3A_296 : i32 to index
        %get3A_300 = tpu.vector_load %arg10[%get3A_298, %get3A_299] {strides = array<i32>} : memref<32x256xf32, #tpu.memory_space<vmem>>, vector<16xf32>,
        %mul3A_301 = arith.constant 16 : i32
        %mul3A_302 = arith.muli %scan3A_180, %mul3A_301 : i32
        %get3A_303 = arith.constant 20 : i32
        %get3A_304 = arith.index_cast %get3A_303 : i32 to index
        %get3A_305 = arith.index_cast %mul3A_302 : i32 to index
        %get3A_306 = tpu.vector_load %arg10[%get3A_304, %get3A_305] {strides = array<i32>} : memref<32x256xf32, #tpu.memory_space<vmem>>, vector<16xf32>,
        %mul3A_307 = arith.constant 16 : i32
        %mul3A_308 = arith.muli %scan3A_180, %mul3A_307 : i32
        %get3A_309 = arith.constant 21 : i32
        %get3A_310 = arith.index_cast %get3A_309 : i32 to index
        %get3A_311 = arith.index_cast %mul3A_308 : i32 to index
        %get3A_312 = tpu.vector_load %arg10[%get3A_310, %get3A_311] {strides = array<i32>} : memref<32x256xf32, #tpu.memory_space<vmem>>, vector<16xf32>,
        %mul3A_313 = arith.constant 16 : i32
        %mul3A_314 = arith.muli %scan3A_180, %mul3A_313 : i32
        %get3A_315 = arith.constant 22 : i32
        %get3A_316 = arith.index_cast %get3A_315 : i32 to index
        %get3A_317 = arith.index_cast %mul3A_314 : i32 to index
        %get3A_318 = tpu.vector_load %arg10[%get3A_316, %get3A_317] {strides = array<i32>} : memref<32x256xf32, #tpu.memory_space<vmem>>, vector<16xf32>,
        %mul3A_319 = arith.constant 16 : i32
        %mul3A_320 = arith.muli %scan3A_180, %mul3A_319 : i32
        %get3A_321 = arith.constant 23 : i32
        %get3A_322 = arith.index_cast %get3A_321 : i32 to index
        %get3A_323 = arith.index_cast %mul3A_320 : i32 to index
        %get3A_324 = tpu.vector_load %arg10[%get3A_322, %get3A_323] {strides = array<i32>} : memref<32x256xf32, #tpu.memory_space<vmem>>, vector<16xf32>,
        %mul3A_325 = arith.constant 16 : i32
        %mul3A_326 = arith.muli %scan3A_180, %mul3A_325 : i32
        %get3A_327 = arith.constant 24 : i32
        %get3A_328 = arith.index_cast %get3A_327 : i32 to index
        %get3A_329 = arith.index_cast %mul3A_326 : i32 to index
        %get3A_330 = tpu.vector_load %arg10[%get3A_328, %get3A_329] {strides = array<i32>} : memref<32x256xf32, #tpu.memory_space<vmem>>, vector<16xf32>,
        %mul3A_331 = arith.constant 16 : i32
        %mul3A_332 = arith.muli %scan3A_180, %mul3A_331 : i32
        %get3A_333 = arith.constant 25 : i32
        %get3A_334 = arith.index_cast %get3A_333 : i32 to index
        %get3A_335 = arith.index_cast %mul3A_332 : i32 to index
        %get3A_336 = tpu.vector_load %arg10[%get3A_334, %get3A_335] {strides = array<i32>} : memref<32x256xf32, #tpu.memory_space<vmem>>, vector<16xf32>,
        %mul3A_337 = arith.constant 16 : i32
        %mul3A_338 = arith.muli %scan3A_180, %mul3A_337 : i32
        %get3A_339 = arith.constant 26 : i32
        %get3A_340 = arith.index_cast %get3A_339 : i32 to index
        %get3A_341 = arith.index_cast %mul3A_338 : i32 to index
        %get3A_342 = tpu.vector_load %arg10[%get3A_340, %get3A_341] {strides = array<i32>} : memref<32x256xf32, #tpu.memory_space<vmem>>, vector<16xf32>,
        %mul3A_343 = arith.constant 16 : i32
        %mul3A_344 = arith.muli %scan3A_180, %mul3A_343 : i32
        %get3A_345 = arith.constant 27 : i32
        %get3A_346 = arith.index_cast %get3A_345 : i32 to index
        %get3A_347 = arith.index_cast %mul3A_344 : i32 to index
        %get3A_348 = tpu.vector_load %arg10[%get3A_346, %get3A_347] {strides = array<i32>} : memref<32x256xf32, #tpu.memory_space<vmem>>, vector<16xf32>,
        %mul3A_349 = arith.constant 16 : i32
        %mul3A_350 = arith.muli %scan3A_180, %mul3A_349 : i32
        %get3A_351 = arith.constant 28 : i32
        %get3A_352 = arith.index_cast %get3A_351 : i32 to index
        %get3A_353 = arith.index_cast %mul3A_350 : i32 to index
        %get3A_354 = tpu.vector_load %arg10[%get3A_352, %get3A_353] {strides = array<i32>} : memref<32x256xf32, #tpu.memory_space<vmem>>, vector<16xf32>,
        %mul3A_355 = arith.constant 16 : i32
        %mul3A_356 = arith.muli %scan3A_180, %mul3A_355 : i32
        %get3A_357 = arith.constant 29 : i32
        %get3A_358 = arith.index_cast %get3A_357 : i32 to index
        %get3A_359 = arith.index_cast %mul3A_356 : i32 to index
        %get3A_360 = tpu.vector_load %arg10[%get3A_358, %get3A_359] {strides = array<i32>} : memref<32x256xf32, #tpu.memory_space<vmem>>, vector<16xf32>,
        %mul3A_361 = arith.constant 16 : i32
        %mul3A_362 = arith.muli %scan3A_180, %mul3A_361 : i32
        %get3A_363 = arith.constant 30 : i32
        %get3A_364 = arith.index_cast %get3A_363 : i32 to index
        %get3A_365 = arith.index_cast %mul3A_362 : i32 to index
        %get3A_366 = tpu.vector_load %arg10[%get3A_364, %get3A_365] {strides = array<i32>} : memref<32x256xf32, #tpu.memory_space<vmem>>, vector<16xf32>,
        %mul3A_367 = arith.constant 16 : i32
        %mul3A_368 = arith.muli %scan3A_180, %mul3A_367 : i32
        %get3A_369 = arith.constant 31 : i32
        %get3A_370 = arith.index_cast %get3A_369 : i32 to index
        %get3A_371 = arith.index_cast %mul3A_368 : i32 to index
        %get3A_372 = tpu.vector_load %arg10[%get3A_370, %get3A_371] {strides = array<i32>} : memref<32x256xf32, #tpu.memory_space<vmem>>, vector<16xf32>,
        %max3A = arith.maximumf %get3A_186, %get3A_198 : vector<16xf32>
        %add3A_373 = arith.addf %get3A_186, %get3A_198 : vector<16xf32>
        %max3A_374 = arith.maximumf %get3A_192, %get3A_204 : vector<16xf32>
        %add3A_375 = arith.addf %get3A_192, %get3A_204 : vector<16xf32>
        %max3A_376 = arith.maximumf %max3A, %get3A_210 : vector<16xf32>
        %add3A_377 = arith.addf %add3A_373, %get3A_210 : vector<16xf32>
        %max3A_378 = arith.maximumf %max3A_374, %get3A_216 : vector<16xf32>
        %add3A_379 = arith.addf %add3A_375, %get3A_216 : vector<16xf32>
        %max3A_380 = arith.maximumf %max3A_376, %get3A_222 : vector<16xf32>
        %add3A_381 = arith.addf %add3A_377, %get3A_222 : vector<16xf32>
        %max3A_382 = arith.maximumf %max3A_378, %get3A_228 : vector<16xf32>
        %add3A_383 = arith.addf %add3A_379, %get3A_228 : vector<16xf32>
        %max3A_384 = arith.maximumf %max3A_380, %get3A_234 : vector<16xf32>
        %add3A_385 = arith.addf %add3A_381, %get3A_234 : vector<16xf32>
        %max3A_386 = arith.maximumf %max3A_382, %get3A_240 : vector<16xf32>
        %add3A_387 = arith.addf %add3A_383, %get3A_240 : vector<16xf32>
        %max3A_388 = arith.maximumf %max3A_384, %get3A_246 : vector<16xf32>
        %add3A_389 = arith.addf %add3A_385, %get3A_246 : vector<16xf32>
        %max3A_390 = arith.maximumf %max3A_386, %get3A_252 : vector<16xf32>
        %add3A_391 = arith.addf %add3A_387, %get3A_252 : vector<16xf32>
        %max3A_392 = arith.maximumf %max3A_388, %get3A_258 : vector<16xf32>
        %add3A_393 = arith.addf %add3A_389, %get3A_258 : vector<16xf32>
        %max3A_394 = arith.maximumf %max3A_390, %get3A_264 : vector<16xf32>
        %add3A_395 = arith.addf %add3A_391, %get3A_264 : vector<16xf32>
        %max3A_396 = arith.maximumf %max3A_392, %get3A_270 : vector<16xf32>
        %add3A_397 = arith.addf %add3A_393, %get3A_270 : vector<16xf32>
        %max3A_398 = arith.maximumf %max3A_394, %get3A_276 : vector<16xf32>
        %add3A_399 = arith.addf %add3A_395, %get3A_276 : vector<16xf32>
        %max3A_400 = arith.maximumf %max3A_396, %get3A_282 : vector<16xf32>
        %add3A_401 = arith.addf %add3A_397, %get3A_282 : vector<16xf32>
        %max3A_402 = arith.maximumf %max3A_398, %get3A_288 : vector<16xf32>
        %add3A_403 = arith.addf %add3A_399, %get3A_288 : vector<16xf32>
        %max3A_404 = arith.maximumf %max3A_400, %get3A_294 : vector<16xf32>
        %add3A_405 = arith.addf %add3A_401, %get3A_294 : vector<16xf32>
        %max3A_406 = arith.maximumf %max3A_402, %get3A_300 : vector<16xf32>
        %add3A_407 = arith.addf %add3A_403, %get3A_300 : vector<16xf32>
        %max3A_408 = arith.maximumf %max3A_404, %get3A_306 : vector<16xf32>
        %add3A_409 = arith.addf %add3A_405, %get3A_306 : vector<16xf32>
        %max3A_410 = arith.maximumf %max3A_406, %get3A_312 : vector<16xf32>
        %add3A_411 = arith.addf %add3A_407, %get3A_312 : vector<16xf32>
        %max3A_412 = arith.maximumf %max3A_408, %get3A_318 : vector<16xf32>
        %add3A_413 = arith.addf %add3A_409, %get3A_318 : vector<16xf32>
        %max3A_414 = arith.maximumf %max3A_410, %get3A_324 : vector<16xf32>
        %add3A_415 = arith.addf %add3A_411, %get3A_324 : vector<16xf32>
        %max3A_416 = arith.maximumf %max3A_412, %get3A_330 : vector<16xf32>
        %add3A_417 = arith.addf %add3A_413, %get3A_330 : vector<16xf32>
        %max3A_418 = arith.maximumf %max3A_414, %get3A_336 : vector<16xf32>
        %add3A_419 = arith.addf %add3A_415, %get3A_336 : vector<16xf32>
        %max3A_420 = arith.maximumf %max3A_416, %get3A_342 : vector<16xf32>
        %add3A_421 = arith.addf %add3A_417, %get3A_342 : vector<16xf32>
        %max3A_422 = arith.maximumf %max3A_418, %get3A_348 : vector<16xf32>
        %add3A_423 = arith.addf %add3A_419, %get3A_348 : vector<16xf32>
        %max3A_424 = arith.maximumf %max3A_420, %get3A_354 : vector<16xf32>
        %add3A_425 = arith.addf %add3A_421, %get3A_354 : vector<16xf32>
        %max3A_426 = arith.maximumf %max3A_422, %get3A_360 : vector<16xf32>
        %add3A_427 = arith.addf %add3A_423, %get3A_360 : vector<16xf32>
        %max3A_428 = arith.maximumf %max3A_424, %get3A_366 : vector<16xf32>
        %add3A_429 = arith.addf %add3A_425, %get3A_366 : vector<16xf32>
        %max3A_430 = arith.maximumf %max3A_426, %get3A_372 : vector<16xf32>
        %add3A_431 = arith.addf %add3A_427, %get3A_372 : vector<16xf32>
        %max3A_432 = arith.maximumf %max3A_428, %max3A_430 : vector<16xf32>
        %mul3A_433 = arith.constant 16 : i32
        %mul3A_434 = arith.muli %scan3A_180, %mul3A_433 : i32
        %swap3A = arith.constant 0 : i32
        %swap3A_435 = arith.index_cast %swap3A : i32 to index
        %swap3A_436 = arith.index_cast %mul3A_434 : i32 to index
        %swap3A_437 = tpu.vector_load %arg12[%swap3A_435, %swap3A_436] {strides = array<i32>} : memref<2x256xf32, #tpu.memory_space<vmem>>, vector<16xf32>,
        tpu.vector_store %arg12[%swap3A_435, %swap3A_436], %max3A_432 {strides = array<i32>} : memref<2x256xf32, #tpu.memory_space<vmem>>, vector<16xf32>,
        %add3A_438 = arith.addf %add3A_429, %add3A_431 : vector<16xf32>
        %mul3A_439 = arith.constant 16 : i32
        %mul3A_440 = arith.muli %scan3A_180, %mul3A_439 : i32
        %swap3A_441 = arith.constant 1 : i32
        %swap3A_442 = arith.index_cast %swap3A_441 : i32 to index
        %swap3A_443 = arith.index_cast %mul3A_440 : i32 to index
        %swap3A_444 = tpu.vector_load %arg12[%swap3A_442, %swap3A_443] {strides = array<i32>} : memref<2x256xf32, #tpu.memory_space<vmem>>, vector<16xf32>,
        tpu.vector_store %arg12[%swap3A_442, %swap3A_443], %add3A_438 {strides = array<i32>} : memref<2x256xf32, #tpu.memory_space<vmem>>, vector<16xf32>,
        %scan3A_445 = arith.constant 0 : i32
        scf.yield %scan3A_445 : i32
      }
      %scan3A_145 = arith.constant 16 : i32
      %add3A_146 = arith.addi %mul3A_2, %mul3A_77 : i32
      %dma_start3A_147 = arith.constant 0 : i32
      %dma_start3A_148 = arith.constant 0 : i32
      %dma_start3A_149 = tpu.memref_slice %arg4[%add3A_146, %dma_start3A_147, %dma_start3A_148] : memref<4096x2x256xf32, #tpu.memory_space<hbm>> -> memref<1x2x256xf32, #tpu.memory_space<hbm>>
      %dma_start3A_150 = tpu.memref_squeeze %dma_start3A_149 : memref<1x2x256xf32, #tpu.memory_space<hbm>> -> memref<2x256xf32, #tpu.memory_space<hbm>>
      %dma_start3A_151 = arith.constant 0 : i32
      %dma_start3A_152 = arith.constant 0 : i32
      %dma_start3A_153 = tpu.memref_slice %arg4[%add3A_146, %dma_start3A_151, %dma_start3A_152] : memref<4096x2x256xf32, #tpu.memory_space<hbm>> -> memref<1x2x256xf32, #tpu.memory_space<hbm>>
      %dma_start3A_154 = tpu.memref_squeeze %dma_start3A_153 : memref<1x2x256xf32, #tpu.memory_space<hbm>> -> memref<2x256xf32, #tpu.memory_space<hbm>>
      tpu.enqueue_dma source(%arg12 : memref<2x256xf32, #tpu.memory_space<vmem>>) target(%dma_start3A_154 : memref<2x256xf32, #tpu.memory_space<hbm>>) target_semaphore(%arg19 : memref<!tpu.dma_semaphore, #tpu.memory_space<semaphore_mem>>)
      %dma_wait3A_155 = arith.constant 0 : i32
      %dma_wait3A_156 = arith.constant 0 : i32
      %dma_wait3A_157 = tpu.memref_slice %arg3[%dma_wait3A_155, %dma_wait3A_156] : memref<4096x256xf32, #tpu.memory_space<hbm>> -> memref<4096x256xf32, #tpu.memory_space<hbm>>
      tpu.wait_indirect_dma semaphore(%arg18 : memref<!tpu.dma_semaphore, #tpu.memory_space<semaphore_mem>>) src(%dma_wait3A_157 : memref<4096x256xf32, #tpu.memory_space<hbm>>) dst(%arg11 : memref<32x256xf32, #tpu.memory_space<vmem>>)
      %gt3A_158 = arith.constant 0 : i32
      %gt3A_159 = arith.cmpi sgt, %scan3A_74, %gt3A_158 : i32
      %convert_element_type3A_160 = arith.extui %gt3A_159 : i1 to i32
      %cond3A_161 = arith.constant 0 : i32
      %cond3A_162 = arith.cmpi ne, %convert_element_type3A_160, %cond3A_161 : i32
      scf.if %cond3A_162 {
        %dma_wait3A_180 = arith.constant 0 : i32
        %dma_wait3A_181 = arith.constant 0 : i32
        %dma_wait3A_182 = tpu.memref_slice %arg4[%mul3A_2, %dma_wait3A_180, %dma_wait3A_181] : memref<4096x2x256xf32, #tpu.memory_space<hbm>> -> memref<1x2x256xf32, #tpu.memory_space<hbm>>
        %dma_wait3A_183 = tpu.memref_squeeze %dma_wait3A_182 : memref<1x2x256xf32, #tpu.memory_space<hbm>> -> memref<2x256xf32, #tpu.memory_space<hbm>>
        %dma_wait3A_184 = arith.constant 0 : i32
        %dma_wait3A_185 = arith.constant 0 : i32
        %dma_wait3A_186 = tpu.memref_slice %arg4[%mul3A_2, %dma_wait3A_184, %dma_wait3A_185] : memref<4096x2x256xf32, #tpu.memory_space<hbm>> -> memref<1x2x256xf32, #tpu.memory_space<hbm>>
        %dma_wait3A_187 = tpu.memref_squeeze %dma_wait3A_186 : memref<1x2x256xf32, #tpu.memory_space<hbm>> -> memref<2x256xf32, #tpu.memory_space<hbm>>
        tpu.wait_dma2 semaphore(%arg20 : memref<!tpu.dma_semaphore, #tpu.memory_space<semaphore_mem>>) src(%arg13 : memref<2x256xf32, #tpu.memory_space<vmem>>) dst(%dma_wait3A_187 : memref<2x256xf32, #tpu.memory_space<hbm>>)
      } else {
      }
      %scan3A_163 = arith.constant 0 : i32
      %scan3A_164 = arith.constant 0 : i32
      %scan3A_165 = arith.constant 16 : i32
      %scan3A_166 = arith.addi %scan3A_164, %scan3A_165 : i32
      %scan3A_167 = arith.constant 1 : i32
      %scan3A_168 = scf.for %scan3A_180 = %scan3A_164 to %scan3A_166 step %scan3A_167 iter_args(%scan3A_181 = %scan3A_163) -> (i32)  : i32 {
        %mul3A_182 = arith.constant 16 : i32
        %mul3A_183 = arith.muli %scan3A_180, %mul3A_182 : i32
        %get3A = arith.constant 0 : i32
        %get3A_184 = arith.index_cast %get3A : i32 to index
        %get3A_185 = arith.index_cast %mul3A_183 : i32 to index
        %get3A_186 = tpu.vector_load %arg11[%get3A_184, %get3A_185] {strides = array<i32>} : memref<32x256xf32, #tpu.memory_space<vmem>>, vector<16xf32>,
        %mul3A_187 = arith.constant 16 : i32
        %mul3A_188 = arith.muli %scan3A_180, %mul3A_187 : i32
        %get3A_189 = arith.constant 1 : i32
        %get3A_190 = arith.index_cast %get3A_189 : i32 to index
        %get3A_191 = arith.index_cast %mul3A_188 : i32 to index
        %get3A_192 = tpu.vector_load %arg11[%get3A_190, %get3A_191] {strides = array<i32>} : memref<32x256xf32, #tpu.memory_space<vmem>>, vector<16xf32>,
        %mul3A_193 = arith.constant 16 : i32
        %mul3A_194 = arith.muli %scan3A_180, %mul3A_193 : i32
        %get3A_195 = arith.constant 2 : i32
        %get3A_196 = arith.index_cast %get3A_195 : i32 to index
        %get3A_197 = arith.index_cast %mul3A_194 : i32 to index
        %get3A_198 = tpu.vector_load %arg11[%get3A_196, %get3A_197] {strides = array<i32>} : memref<32x256xf32, #tpu.memory_space<vmem>>, vector<16xf32>,
        %mul3A_199 = arith.constant 16 : i32
        %mul3A_200 = arith.muli %scan3A_180, %mul3A_199 : i32
        %get3A_201 = arith.constant 3 : i32
        %get3A_202 = arith.index_cast %get3A_201 : i32 to index
        %get3A_203 = arith.index_cast %mul3A_200 : i32 to index
        %get3A_204 = tpu.vector_load %arg11[%get3A_202, %get3A_203] {strides = array<i32>} : memref<32x256xf32, #tpu.memory_space<vmem>>, vector<16xf32>,
        %mul3A_205 = arith.constant 16 : i32
        %mul3A_206 = arith.muli %scan3A_180, %mul3A_205 : i32
        %get3A_207 = arith.constant 4 : i32
        %get3A_208 = arith.index_cast %get3A_207 : i32 to index
        %get3A_209 = arith.index_cast %mul3A_206 : i32 to index
        %get3A_210 = tpu.vector_load %arg11[%get3A_208, %get3A_209] {strides = array<i32>} : memref<32x256xf32, #tpu.memory_space<vmem>>, vector<16xf32>,
        %mul3A_211 = arith.constant 16 : i32
        %mul3A_212 = arith.muli %scan3A_180, %mul3A_211 : i32
        %get3A_213 = arith.constant 5 : i32
        %get3A_214 = arith.index_cast %get3A_213 : i32 to index
        %get3A_215 = arith.index_cast %mul3A_212 : i32 to index
        %get3A_216 = tpu.vector_load %arg11[%get3A_214, %get3A_215] {strides = array<i32>} : memref<32x256xf32, #tpu.memory_space<vmem>>, vector<16xf32>,
        %mul3A_217 = arith.constant 16 : i32
        %mul3A_218 = arith.muli %scan3A_180, %mul3A_217 : i32
        %get3A_219 = arith.constant 6 : i32
        %get3A_220 = arith.index_cast %get3A_219 : i32 to index
        %get3A_221 = arith.index_cast %mul3A_218 : i32 to index
        %get3A_222 = tpu.vector_load %arg11[%get3A_220, %get3A_221] {strides = array<i32>} : memref<32x256xf32, #tpu.memory_space<vmem>>, vector<16xf32>,
        %mul3A_223 = arith.constant 16 : i32
        %mul3A_224 = arith.muli %scan3A_180, %mul3A_223 : i32
        %get3A_225 = arith.constant 7 : i32
        %get3A_226 = arith.index_cast %get3A_225 : i32 to index
        %get3A_227 = arith.index_cast %mul3A_224 : i32 to index
        %get3A_228 = tpu.vector_load %arg11[%get3A_226, %get3A_227] {strides = array<i32>} : memref<32x256xf32, #tpu.memory_space<vmem>>, vector<16xf32>,
        %mul3A_229 = arith.constant 16 : i32
        %mul3A_230 = arith.muli %scan3A_180, %mul3A_229 : i32
        %get3A_231 = arith.constant 8 : i32
        %get3A_232 = arith.index_cast %get3A_231 : i32 to index
        %get3A_233 = arith.index_cast %mul3A_230 : i32 to index
        %get3A_234 = tpu.vector_load %arg11[%get3A_232, %get3A_233] {strides = array<i32>} : memref<32x256xf32, #tpu.memory_space<vmem>>, vector<16xf32>,
        %mul3A_235 = arith.constant 16 : i32
        %mul3A_236 = arith.muli %scan3A_180, %mul3A_235 : i32
        %get3A_237 = arith.constant 9 : i32
        %get3A_238 = arith.index_cast %get3A_237 : i32 to index
        %get3A_239 = arith.index_cast %mul3A_236 : i32 to index
        %get3A_240 = tpu.vector_load %arg11[%get3A_238, %get3A_239] {strides = array<i32>} : memref<32x256xf32, #tpu.memory_space<vmem>>, vector<16xf32>,
        %mul3A_241 = arith.constant 16 : i32
        %mul3A_242 = arith.muli %scan3A_180, %mul3A_241 : i32
        %get3A_243 = arith.constant 10 : i32
        %get3A_244 = arith.index_cast %get3A_243 : i32 to index
        %get3A_245 = arith.index_cast %mul3A_242 : i32 to index
        %get3A_246 = tpu.vector_load %arg11[%get3A_244, %get3A_245] {strides = array<i32>} : memref<32x256xf32, #tpu.memory_space<vmem>>, vector<16xf32>,
        %mul3A_247 = arith.constant 16 : i32
        %mul3A_248 = arith.muli %scan3A_180, %mul3A_247 : i32
        %get3A_249 = arith.constant 11 : i32
        %get3A_250 = arith.index_cast %get3A_249 : i32 to index
        %get3A_251 = arith.index_cast %mul3A_248 : i32 to index
        %get3A_252 = tpu.vector_load %arg11[%get3A_250, %get3A_251] {strides = array<i32>} : memref<32x256xf32, #tpu.memory_space<vmem>>, vector<16xf32>,
        %mul3A_253 = arith.constant 16 : i32
        %mul3A_254 = arith.muli %scan3A_180, %mul3A_253 : i32
        %get3A_255 = arith.constant 12 : i32
        %get3A_256 = arith.index_cast %get3A_255 : i32 to index
        %get3A_257 = arith.index_cast %mul3A_254 : i32 to index
        %get3A_258 = tpu.vector_load %arg11[%get3A_256, %get3A_257] {strides = array<i32>} : memref<32x256xf32, #tpu.memory_space<vmem>>, vector<16xf32>,
        %mul3A_259 = arith.constant 16 : i32
        %mul3A_260 = arith.muli %scan3A_180, %mul3A_259 : i32
        %get3A_261 = arith.constant 13 : i32
        %get3A_262 = arith.index_cast %get3A_261 : i32 to index
        %get3A_263 = arith.index_cast %mul3A_260 : i32 to index
        %get3A_264 = tpu.vector_load %arg11[%get3A_262, %get3A_263] {strides = array<i32>} : memref<32x256xf32, #tpu.memory_space<vmem>>, vector<16xf32>,
        %mul3A_265 = arith.constant 16 : i32
        %mul3A_266 = arith.muli %scan3A_180, %mul3A_265 : i32
        %get3A_267 = arith.constant 14 : i32
        %get3A_268 = arith.index_cast %get3A_267 : i32 to index
        %get3A_269 = arith.index_cast %mul3A_266 : i32 to index
        %get3A_270 = tpu.vector_load %arg11[%get3A_268, %get3A_269] {strides = array<i32>} : memref<32x256xf32, #tpu.memory_space<vmem>>, vector<16xf32>,
        %mul3A_271 = arith.constant 16 : i32
        %mul3A_272 = arith.muli %scan3A_180, %mul3A_271 : i32
        %get3A_273 = arith.constant 15 : i32
        %get3A_274 = arith.index_cast %get3A_273 : i32 to index
        %get3A_275 = arith.index_cast %mul3A_272 : i32 to index
        %get3A_276 = tpu.vector_load %arg11[%get3A_274, %get3A_275] {strides = array<i32>} : memref<32x256xf32, #tpu.memory_space<vmem>>, vector<16xf32>,
        %mul3A_277 = arith.constant 16 : i32
        %mul3A_278 = arith.muli %scan3A_180, %mul3A_277 : i32
        %get3A_279 = arith.constant 16 : i32
        %get3A_280 = arith.index_cast %get3A_279 : i32 to index
        %get3A_281 = arith.index_cast %mul3A_278 : i32 to index
        %get3A_282 = tpu.vector_load %arg11[%get3A_280, %get3A_281] {strides = array<i32>} : memref<32x256xf32, #tpu.memory_space<vmem>>, vector<16xf32>,
        %mul3A_283 = arith.constant 16 : i32
        %mul3A_284 = arith.muli %scan3A_180, %mul3A_283 : i32
        %get3A_285 = arith.constant 17 : i32
        %get3A_286 = arith.index_cast %get3A_285 : i32 to index
        %get3A_287 = arith.index_cast %mul3A_284 : i32 to index
        %get3A_288 = tpu.vector_load %arg11[%get3A_286, %get3A_287] {strides = array<i32>} : memref<32x256xf32, #tpu.memory_space<vmem>>, vector<16xf32>,
        %mul3A_289 = arith.constant 16 : i32
        %mul3A_290 = arith.muli %scan3A_180, %mul3A_289 : i32
        %get3A_291 = arith.constant 18 : i32
        %get3A_292 = arith.index_cast %get3A_291 : i32 to index
        %get3A_293 = arith.index_cast %mul3A_290 : i32 to index
        %get3A_294 = tpu.vector_load %arg11[%get3A_292, %get3A_293] {strides = array<i32>} : memref<32x256xf32, #tpu.memory_space<vmem>>, vector<16xf32>,
        %mul3A_295 = arith.constant 16 : i32
        %mul3A_296 = arith.muli %scan3A_180, %mul3A_295 : i32
        %get3A_297 = arith.constant 19 : i32
        %get3A_298 = arith.index_cast %get3A_297 : i32 to index
        %get3A_299 = arith.index_cast %mul3A_296 : i32 to index
        %get3A_300 = tpu.vector_load %arg11[%get3A_298, %get3A_299] {strides = array<i32>} : memref<32x256xf32, #tpu.memory_space<vmem>>, vector<16xf32>,
        %mul3A_301 = arith.constant 16 : i32
        %mul3A_302 = arith.muli %scan3A_180, %mul3A_301 : i32
        %get3A_303 = arith.constant 20 : i32
        %get3A_304 = arith.index_cast %get3A_303 : i32 to index
        %get3A_305 = arith.index_cast %mul3A_302 : i32 to index
        %get3A_306 = tpu.vector_load %arg11[%get3A_304, %get3A_305] {strides = array<i32>} : memref<32x256xf32, #tpu.memory_space<vmem>>, vector<16xf32>,
        %mul3A_307 = arith.constant 16 : i32
        %mul3A_308 = arith.muli %scan3A_180, %mul3A_307 : i32
        %get3A_309 = arith.constant 21 : i32
        %get3A_310 = arith.index_cast %get3A_309 : i32 to index
        %get3A_311 = arith.index_cast %mul3A_308 : i32 to index
        %get3A_312 = tpu.vector_load %arg11[%get3A_310, %get3A_311] {strides = array<i32>} : memref<32x256xf32, #tpu.memory_space<vmem>>, vector<16xf32>,
        %mul3A_313 = arith.constant 16 : i32
        %mul3A_314 = arith.muli %scan3A_180, %mul3A_313 : i32
        %get3A_315 = arith.constant 22 : i32
        %get3A_316 = arith.index_cast %get3A_315 : i32 to index
        %get3A_317 = arith.index_cast %mul3A_314 : i32 to index
        %get3A_318 = tpu.vector_load %arg11[%get3A_316, %get3A_317] {strides = array<i32>} : memref<32x256xf32, #tpu.memory_space<vmem>>, vector<16xf32>,
        %mul3A_319 = arith.constant 16 : i32
        %mul3A_320 = arith.muli %scan3A_180, %mul3A_319 : i32
        %get3A_321 = arith.constant 23 : i32
        %get3A_322 = arith.index_cast %get3A_321 : i32 to index
        %get3A_323 = arith.index_cast %mul3A_320 : i32 to index
        %get3A_324 = tpu.vector_load %arg11[%get3A_322, %get3A_323] {strides = array<i32>} : memref<32x256xf32, #tpu.memory_space<vmem>>, vector<16xf32>,
        %mul3A_325 = arith.constant 16 : i32
        %mul3A_326 = arith.muli %scan3A_180, %mul3A_325 : i32
        %get3A_327 = arith.constant 24 : i32
        %get3A_328 = arith.index_cast %get3A_327 : i32 to index
        %get3A_329 = arith.index_cast %mul3A_326 : i32 to index
        %get3A_330 = tpu.vector_load %arg11[%get3A_328, %get3A_329] {strides = array<i32>} : memref<32x256xf32, #tpu.memory_space<vmem>>, vector<16xf32>,
        %mul3A_331 = arith.constant 16 : i32
        %mul3A_332 = arith.muli %scan3A_180, %mul3A_331 : i32
        %get3A_333 = arith.constant 25 : i32
        %get3A_334 = arith.index_cast %get3A_333 : i32 to index
        %get3A_335 = arith.index_cast %mul3A_332 : i32 to index
        %get3A_336 = tpu.vector_load %arg11[%get3A_334, %get3A_335] {strides = array<i32>} : memref<32x256xf32, #tpu.memory_space<vmem>>, vector<16xf32>,
        %mul3A_337 = arith.constant 16 : i32
        %mul3A_338 = arith.muli %scan3A_180, %mul3A_337 : i32
        %get3A_339 = arith.constant 26 : i32
        %get3A_340 = arith.index_cast %get3A_339 : i32 to index
        %get3A_341 = arith.index_cast %mul3A_338 : i32 to index
        %get3A_342 = tpu.vector_load %arg11[%get3A_340, %get3A_341] {strides = array<i32>} : memref<32x256xf32, #tpu.memory_space<vmem>>, vector<16xf32>,
        %mul3A_343 = arith.constant 16 : i32
        %mul3A_344 = arith.muli %scan3A_180, %mul3A_343 : i32
        %get3A_345 = arith.constant 27 : i32
        %get3A_346 = arith.index_cast %get3A_345 : i32 to index
        %get3A_347 = arith.index_cast %mul3A_344 : i32 to index
        %get3A_348 = tpu.vector_load %arg11[%get3A_346, %get3A_347] {strides = array<i32>} : memref<32x256xf32, #tpu.memory_space<vmem>>, vector<16xf32>,
        %mul3A_349 = arith.constant 16 : i32
        %mul3A_350 = arith.muli %scan3A_180, %mul3A_349 : i32
        %get3A_351 = arith.constant 28 : i32
        %get3A_352 = arith.index_cast %get3A_351 : i32 to index
        %get3A_353 = arith.index_cast %mul3A_350 : i32 to index
        %get3A_354 = tpu.vector_load %arg11[%get3A_352, %get3A_353] {strides = array<i32>} : memref<32x256xf32, #tpu.memory_space<vmem>>, vector<16xf32>,
        %mul3A_355 = arith.constant 16 : i32
        %mul3A_356 = arith.muli %scan3A_180, %mul3A_355 : i32
        %get3A_357 = arith.constant 29 : i32
        %get3A_358 = arith.index_cast %get3A_357 : i32 to index
        %get3A_359 = arith.index_cast %mul3A_356 : i32 to index
        %get3A_360 = tpu.vector_load %arg11[%get3A_358, %get3A_359] {strides = array<i32>} : memref<32x256xf32, #tpu.memory_space<vmem>>, vector<16xf32>,
        %mul3A_361 = arith.constant 16 : i32
        %mul3A_362 = arith.muli %scan3A_180, %mul3A_361 : i32
        %get3A_363 = arith.constant 30 : i32
        %get3A_364 = arith.index_cast %get3A_363 : i32 to index
        %get3A_365 = arith.index_cast %mul3A_362 : i32 to index
        %get3A_366 = tpu.vector_load %arg11[%get3A_364, %get3A_365] {strides = array<i32>} : memref<32x256xf32, #tpu.memory_space<vmem>>, vector<16xf32>,
        %mul3A_367 = arith.constant 16 : i32
        %mul3A_368 = arith.muli %scan3A_180, %mul3A_367 : i32
        %get3A_369 = arith.constant 31 : i32
        %get3A_370 = arith.index_cast %get3A_369 : i32 to index
        %get3A_371 = arith.index_cast %mul3A_368 : i32 to index
        %get3A_372 = tpu.vector_load %arg11[%get3A_370, %get3A_371] {strides = array<i32>} : memref<32x256xf32, #tpu.memory_space<vmem>>, vector<16xf32>,
        %max3A = arith.maximumf %get3A_186, %get3A_198 : vector<16xf32>
        %add3A_373 = arith.addf %get3A_186, %get3A_198 : vector<16xf32>
        %max3A_374 = arith.maximumf %get3A_192, %get3A_204 : vector<16xf32>
        %add3A_375 = arith.addf %get3A_192, %get3A_204 : vector<16xf32>
        %max3A_376 = arith.maximumf %max3A, %get3A_210 : vector<16xf32>
        %add3A_377 = arith.addf %add3A_373, %get3A_210 : vector<16xf32>
        %max3A_378 = arith.maximumf %max3A_374, %get3A_216 : vector<16xf32>
        %add3A_379 = arith.addf %add3A_375, %get3A_216 : vector<16xf32>
        %max3A_380 = arith.maximumf %max3A_376, %get3A_222 : vector<16xf32>
        %add3A_381 = arith.addf %add3A_377, %get3A_222 : vector<16xf32>
        %max3A_382 = arith.maximumf %max3A_378, %get3A_228 : vector<16xf32>
        %add3A_383 = arith.addf %add3A_379, %get3A_228 : vector<16xf32>
        %max3A_384 = arith.maximumf %max3A_380, %get3A_234 : vector<16xf32>
        %add3A_385 = arith.addf %add3A_381, %get3A_234 : vector<16xf32>
        %max3A_386 = arith.maximumf %max3A_382, %get3A_240 : vector<16xf32>
        %add3A_387 = arith.addf %add3A_383, %get3A_240 : vector<16xf32>
        %max3A_388 = arith.maximumf %max3A_384, %get3A_246 : vector<16xf32>
        %add3A_389 = arith.addf %add3A_385, %get3A_246 : vector<16xf32>
        %max3A_390 = arith.maximumf %max3A_386, %get3A_252 : vector<16xf32>
        %add3A_391 = arith.addf %add3A_387, %get3A_252 : vector<16xf32>
        %max3A_392 = arith.maximumf %max3A_388, %get3A_258 : vector<16xf32>
        %add3A_393 = arith.addf %add3A_389, %get3A_258 : vector<16xf32>
        %max3A_394 = arith.maximumf %max3A_390, %get3A_264 : vector<16xf32>
        %add3A_395 = arith.addf %add3A_391, %get3A_264 : vector<16xf32>
        %max3A_396 = arith.maximumf %max3A_392, %get3A_270 : vector<16xf32>
        %add3A_397 = arith.addf %add3A_393, %get3A_270 : vector<16xf32>
        %max3A_398 = arith.maximumf %max3A_394, %get3A_276 : vector<16xf32>
        %add3A_399 = arith.addf %add3A_395, %get3A_276 : vector<16xf32>
        %max3A_400 = arith.maximumf %max3A_396, %get3A_282 : vector<16xf32>
        %add3A_401 = arith.addf %add3A_397, %get3A_282 : vector<16xf32>
        %max3A_402 = arith.maximumf %max3A_398, %get3A_288 : vector<16xf32>
        %add3A_403 = arith.addf %add3A_399, %get3A_288 : vector<16xf32>
        %max3A_404 = arith.maximumf %max3A_400, %get3A_294 : vector<16xf32>
        %add3A_405 = arith.addf %add3A_401, %get3A_294 : vector<16xf32>
        %max3A_406 = arith.maximumf %max3A_402, %get3A_300 : vector<16xf32>
        %add3A_407 = arith.addf %add3A_403, %get3A_300 : vector<16xf32>
        %max3A_408 = arith.maximumf %max3A_404, %get3A_306 : vector<16xf32>
        %add3A_409 = arith.addf %add3A_405, %get3A_306 : vector<16xf32>
        %max3A_410 = arith.maximumf %max3A_406, %get3A_312 : vector<16xf32>
        %add3A_411 = arith.addf %add3A_407, %get3A_312 : vector<16xf32>
        %max3A_412 = arith.maximumf %max3A_408, %get3A_318 : vector<16xf32>
        %add3A_413 = arith.addf %add3A_409, %get3A_318 : vector<16xf32>
        %max3A_414 = arith.maximumf %max3A_410, %get3A_324 : vector<16xf32>
        %add3A_415 = arith.addf %add3A_411, %get3A_324 : vector<16xf32>
        %max3A_416 = arith.maximumf %max3A_412, %get3A_330 : vector<16xf32>
        %add3A_417 = arith.addf %add3A_413, %get3A_330 : vector<16xf32>
        %max3A_418 = arith.maximumf %max3A_414, %get3A_336 : vector<16xf32>
        %add3A_419 = arith.addf %add3A_415, %get3A_336 : vector<16xf32>
        %max3A_420 = arith.maximumf %max3A_416, %get3A_342 : vector<16xf32>
        %add3A_421 = arith.addf %add3A_417, %get3A_342 : vector<16xf32>
        %max3A_422 = arith.maximumf %max3A_418, %get3A_348 : vector<16xf32>
        %add3A_423 = arith.addf %add3A_419, %get3A_348 : vector<16xf32>
        %max3A_424 = arith.maximumf %max3A_420, %get3A_354 : vector<16xf32>
        %add3A_425 = arith.addf %add3A_421, %get3A_354 : vector<16xf32>
        %max3A_426 = arith.maximumf %max3A_422, %get3A_360 : vector<16xf32>
        %add3A_427 = arith.addf %add3A_423, %get3A_360 : vector<16xf32>
        %max3A_428 = arith.maximumf %max3A_424, %get3A_366 : vector<16xf32>
        %add3A_429 = arith.addf %add3A_425, %get3A_366 : vector<16xf32>
        %max3A_430 = arith.maximumf %max3A_426, %get3A_372 : vector<16xf32>
        %add3A_431 = arith.addf %add3A_427, %get3A_372 : vector<16xf32>
        %max3A_432 = arith.maximumf %max3A_428, %max3A_430 : vector<16xf32>
        %mul3A_433 = arith.constant 16 : i32
        %mul3A_434 = arith.muli %scan3A_180, %mul3A_433 : i32
        %swap3A = arith.constant 0 : i32
        %swap3A_435 = arith.index_cast %swap3A : i32 to index
        %swap3A_436 = arith.index_cast %mul3A_434 : i32 to index
        %swap3A_437 = tpu.vector_load %arg13[%swap3A_435, %swap3A_436] {strides = array<i32>} : memref<2x256xf32, #tpu.memory_space<vmem>>, vector<16xf32>,
        tpu.vector_store %arg13[%swap3A_435, %swap3A_436], %max3A_432 {strides = array<i32>} : memref<2x256xf32, #tpu.memory_space<vmem>>, vector<16xf32>,
        %add3A_438 = arith.addf %add3A_429, %add3A_431 : vector<16xf32>
        %mul3A_439 = arith.constant 16 : i32
        %mul3A_440 = arith.muli %scan3A_180, %mul3A_439 : i32
        %swap3A_441 = arith.constant 1 : i32
        %swap3A_442 = arith.index_cast %swap3A_441 : i32 to index
        %swap3A_443 = arith.index_cast %mul3A_440 : i32 to index
        %swap3A_444 = tpu.vector_load %arg13[%swap3A_442, %swap3A_443] {strides = array<i32>} : memref<2x256xf32, #tpu.memory_space<vmem>>, vector<16xf32>,
        tpu.vector_store %arg13[%swap3A_442, %swap3A_443], %add3A_438 {strides = array<i32>} : memref<2x256xf32, #tpu.memory_space<vmem>>, vector<16xf32>,
        %scan3A_445 = arith.constant 0 : i32
        scf.yield %scan3A_445 : i32
      }
      %scan3A_169 = arith.constant 16 : i32
      %add3A_170 = arith.addi %mul3A_2, %add3A_79 : i32
      %dma_start3A_171 = arith.constant 0 : i32
      %dma_start3A_172 = arith.constant 0 : i32
      %dma_start3A_173 = tpu.memref_slice %arg4[%add3A_170, %dma_start3A_171, %dma_start3A_172] : memref<4096x2x256xf32, #tpu.memory_space<hbm>> -> memref<1x2x256xf32, #tpu.memory_space<hbm>>
      %dma_start3A_174 = tpu.memref_squeeze %dma_start3A_173 : memref<1x2x256xf32, #tpu.memory_space<hbm>> -> memref<2x256xf32, #tpu.memory_space<hbm>>
      %dma_start3A_175 = arith.constant 0 : i32
      %dma_start3A_176 = arith.constant 0 : i32
      %dma_start3A_177 = tpu.memref_slice %arg4[%add3A_170, %dma_start3A_175, %dma_start3A_176] : memref<4096x2x256xf32, #tpu.memory_space<hbm>> -> memref<1x2x256xf32, #tpu.memory_space<hbm>>
      %dma_start3A_178 = tpu.memref_squeeze %dma_start3A_177 : memref<1x2x256xf32, #tpu.memory_space<hbm>> -> memref<2x256xf32, #tpu.memory_space<hbm>>
      tpu.enqueue_dma source(%arg13 : memref<2x256xf32, #tpu.memory_space<vmem>>) target(%dma_start3A_178 : memref<2x256xf32, #tpu.memory_space<hbm>>) target_semaphore(%arg20 : memref<!tpu.dma_semaphore, #tpu.memory_space<semaphore_mem>>)
      %scan3A_179 = arith.constant 0 : i32
      scf.yield %scan3A_179 : i32
    }
    %scan3A_46 = arith.constant 64 : i32
    %dma_wait3A = arith.constant 0 : i32
    %dma_wait3A_47 = arith.constant 0 : i32
    %dma_wait3A_48 = tpu.memref_slice %arg4[%mul3A_2, %dma_wait3A, %dma_wait3A_47] : memref<4096x2x256xf32, #tpu.memory_space<hbm>> -> memref<1x2x256xf32, #tpu.memory_space<hbm>>
    %dma_wait3A_49 = tpu.memref_squeeze %dma_wait3A_48 : memref<1x2x256xf32, #tpu.memory_space<hbm>> -> memref<2x256xf32, #tpu.memory_space<hbm>>
    %dma_wait3A_50 = arith.constant 0 : i32
    %dma_wait3A_51 = arith.constant 0 : i32
    %dma_wait3A_52 = tpu.memref_slice %arg4[%mul3A_2, %dma_wait3A_50, %dma_wait3A_51] : memref<4096x2x256xf32, #tpu.memory_space<hbm>> -> memref<1x2x256xf32, #tpu.memory_space<hbm>>
    %dma_wait3A_53 = tpu.memref_squeeze %dma_wait3A_52 : memref<1x2x256xf32, #tpu.memory_space<hbm>> -> memref<2x256xf32, #tpu.memory_space<hbm>>
    tpu.wait_dma2 semaphore(%arg19 : memref<!tpu.dma_semaphore, #tpu.memory_space<semaphore_mem>>) src(%arg12 : memref<2x256xf32, #tpu.memory_space<vmem>>) dst(%dma_wait3A_53 : memref<2x256xf32, #tpu.memory_space<hbm>>)
    %dma_wait3A_54 = arith.constant 0 : i32
    %dma_wait3A_55 = arith.constant 0 : i32
    %dma_wait3A_56 = tpu.memref_slice %arg4[%mul3A_2, %dma_wait3A_54, %dma_wait3A_55] : memref<4096x2x256xf32, #tpu.memory_space<hbm>> -> memref<1x2x256xf32, #tpu.memory_space<hbm>>
    %dma_wait3A_57 = tpu.memref_squeeze %dma_wait3A_56 : memref<1x2x256xf32, #tpu.memory_space<hbm>> -> memref<2x256xf32, #tpu.memory_space<hbm>>
    %dma_wait3A_58 = arith.constant 0 : i32
    %dma_wait3A_59 = arith.constant 0 : i32
    %dma_wait3A_60 = tpu.memref_slice %arg4[%mul3A_2, %dma_wait3A_58, %dma_wait3A_59] : memref<4096x2x256xf32, #tpu.memory_space<hbm>> -> memref<1x2x256xf32, #tpu.memory_space<hbm>>
    %dma_wait3A_61 = tpu.memref_squeeze %dma_wait3A_60 : memref<1x2x256xf32, #tpu.memory_space<hbm>> -> memref<2x256xf32, #tpu.memory_space<hbm>>
    tpu.wait_dma2 semaphore(%arg20 : memref<!tpu.dma_semaphore, #tpu.memory_space<semaphore_mem>>) src(%arg13 : memref<2x256xf32, #tpu.memory_space<vmem>>) dst(%dma_wait3A_61 : memref<2x256xf32, #tpu.memory_space<hbm>>)
    %dma_wait3A_62 = arith.constant 0 : i32
    %dma_wait3A_63 = tpu.memref_slice %arg2[%mul3A_2, %dma_wait3A_62] : memref<4096x1024xf32, #tpu.memory_space<hbm>> -> memref<1x1024xf32, #tpu.memory_space<hbm>>
    %dma_wait3A_64 = tpu.memref_squeeze %dma_wait3A_63 : memref<1x1024xf32, #tpu.memory_space<hbm>> -> memref<1024xf32, #tpu.memory_space<hbm>>
    %dma_wait3A_65 = arith.constant 0 : i32
    %dma_wait3A_66 = tpu.memref_slice %arg2[%mul3A_2, %dma_wait3A_65] : memref<4096x1024xf32, #tpu.memory_space<hbm>> -> memref<1x1024xf32, #tpu.memory_space<hbm>>
    %dma_wait3A_67 = tpu.memref_squeeze %dma_wait3A_66 : memref<1x1024xf32, #tpu.memory_space<hbm>> -> memref<1024xf32, #tpu.memory_space<hbm>>
    tpu.wait_dma2 semaphore(%arg15 : memref<!tpu.dma_semaphore, #tpu.memory_space<semaphore_mem>>) src(%dma_wait3A_67 : memref<1024xf32, #tpu.memory_space<hbm>>) dst(%arg6 : memref<1024xf32, #tpu.memory_space<vmem>>)
    %dma_wait3A_68 = arith.constant 0 : i32
    %dma_wait3A_69 = tpu.memref_slice %arg2[%mul3A_2, %dma_wait3A_68] : memref<4096x1024xf32, #tpu.memory_space<hbm>> -> memref<1x1024xf32, #tpu.memory_space<hbm>>
    %dma_wait3A_70 = tpu.memref_squeeze %dma_wait3A_69 : memref<1x1024xf32, #tpu.memory_space<hbm>> -> memref<1024xf32, #tpu.memory_space<hbm>>
    %dma_wait3A_71 = arith.constant 0 : i32
    %dma_wait3A_72 = tpu.memref_slice %arg2[%mul3A_2, %dma_wait3A_71] : memref<4096x1024xf32, #tpu.memory_space<hbm>> -> memref<1x1024xf32, #tpu.memory_space<hbm>>
    %dma_wait3A_73 = tpu.memref_squeeze %dma_wait3A_72 : memref<1x1024xf32, #tpu.memory_space<hbm>> -> memref<1024xf32, #tpu.memory_space<hbm>>
    tpu.wait_dma2 semaphore(%arg16 : memref<!tpu.dma_semaphore, #tpu.memory_space<semaphore_mem>>) src(%dma_wait3A_73 : memref<1024xf32, #tpu.memory_space<hbm>>) dst(%arg7 : memref<1024xf32, #tpu.memory_space<vmem>>)
    "tpu.region"() ({
      %run_scoped3A = tpu.sem_alloc : memref<!tpu.dma_semaphore, #tpu.memory_space<semaphore_mem>>
      %dma_start3A_74 = arith.constant 0 : i32
      %dma_start3A_75 = tpu.memref_slice %arg5[%add3A, %dma_start3A_74] : memref<32x1024xf32, #tpu.memory_space<hbm>> -> memref<1x1024xf32, #tpu.memory_space<hbm>>
      %dma_start3A_76 = tpu.memref_squeeze %dma_start3A_75 : memref<1x1024xf32, #tpu.memory_space<hbm>> -> memref<1024xf32, #tpu.memory_space<hbm>>
      %dma_start3A_77 = arith.constant 0 : i32
      %dma_start3A_78 = tpu.memref_slice %arg5[%add3A, %dma_start3A_77] : memref<32x1024xf32, #tpu.memory_space<hbm>> -> memref<1x1024xf32, #tpu.memory_space<hbm>>
      %dma_start3A_79 = tpu.memref_squeeze %dma_start3A_78 : memref<1x1024xf32, #tpu.memory_space<hbm>> -> memref<1024xf32, #tpu.memory_space<hbm>>
      tpu.enqueue_dma source(%arg14 : memref<1024xf32, #tpu.memory_space<vmem>>) target(%dma_start3A_79 : memref<1024xf32, #tpu.memory_space<hbm>>) target_semaphore(%run_scoped3A : memref<!tpu.dma_semaphore, #tpu.memory_space<semaphore_mem>>)
      %dma_wait3A_80 = arith.constant 0 : i32
      %dma_wait3A_81 = tpu.memref_slice %arg5[%add3A, %dma_wait3A_80] : memref<32x1024xf32, #tpu.memory_space<hbm>> -> memref<1x1024xf32, #tpu.memory_space<hbm>>
      %dma_wait3A_82 = tpu.memref_squeeze %dma_wait3A_81 : memref<1x1024xf32, #tpu.memory_space<hbm>> -> memref<1024xf32, #tpu.memory_space<hbm>>
      %dma_wait3A_83 = arith.constant 0 : i32
      %dma_wait3A_84 = tpu.memref_slice %arg5[%add3A, %dma_wait3A_83] : memref<32x1024xf32, #tpu.memory_space<hbm>> -> memref<1x1024xf32, #tpu.memory_space<hbm>>
      %dma_wait3A_85 = tpu.memref_squeeze %dma_wait3A_84 : memref<1x1024xf32, #tpu.memory_space<hbm>> -> memref<1024xf32, #tpu.memory_space<hbm>>
      tpu.wait_dma2 semaphore(%run_scoped3A : memref<!tpu.dma_semaphore, #tpu.memory_space<semaphore_mem>>) src(%arg14 : memref<1024xf32, #tpu.memory_space<vmem>>) dst(%dma_wait3A_85 : memref<1024xf32, #tpu.memory_space<hbm>>)
      tpu.yield
    }) : () -> ()
    return
  }
}

module attributes {stable_mosaic.version = 14 : i64} {
  func.func @_mean_proj_body(%arg0: i32, %arg1: memref<1x128x16x1024xf32, #tpu.memory_space<vmem>>, %arg2: memref<256x256xf32, #tpu.memory_space<vmem>>, %arg3: memref<1x128x1024xf32, #tpu.memory_space<vmem>>, %arg4: memref<1x1024x256xf32, #tpu.memory_space<vmem>>, %arg5: memref<1x1024x256xf32, #tpu.memory_space<vmem>>) attributes {dimension_semantics = [#tpu.dimension_semantics<arbitrary>], iteration_bounds = array<i64: 8>, scalar_prefetch = 0 : i64, scratch_operands = 0 : i64, tpu.core_type = #tpu.core_type<tc>, window_params = [{transform_indices = @transform_0, window_bounds = array<i64: 1, 128, 16, 1024>}, {pipeline_mode = #tpu.pipeline_mode<synchronous>, transform_indices = @transform_1, window_bounds = array<i64: 256, 256>}, {transform_indices = @transform_2, window_bounds = array<i64: 1, 128, 1024>}, {transform_indices = @transform_3, window_bounds = array<i64: 1, 1024, 256>}, {transform_indices = @transform_4, window_bounds = array<i64: 1, 1024, 256>}]} {
    %get3A = arith.constant 0 : index
    %get3A_0 = arith.constant 0 : index
    %get3A_1 = arith.constant 0 : index
    %get3A_2 = arith.constant 0 : index
    %get3A_3 = vector.load %arg1[%get3A, %get3A_0, %get3A_1, %get3A_2] : memref<1x128x16x1024xf32, #tpu.memory_space<vmem>>, vector<1x128x16x1024xf32>
    %get3A_4 = vector.shape_cast %get3A_3 : vector<1x128x16x1024xf32> to vector<128x16x1024xf32>
    %reduce_sum3A = arith.constant dense<0.000000e+00> : vector<128x1024xf32>
    %reduce_sum3A_5 = vector.multi_reduction <add>, %get3A_4, %reduce_sum3A [1] : vector<128x16x1024xf32> to vector<128x1024xf32>
    %mul3A = arith.constant 6.250000e-02 : f32
    %mul3A_6 = vector.broadcast %mul3A : f32 to vector<128x1024xf32>
    %mul3A_7 = arith.mulf %reduce_sum3A_5, %mul3A_6 : vector<128x1024xf32>
    %swap3A = arith.constant 0 : index
    %swap3A_8 = arith.constant 0 : index
    %swap3A_9 = arith.constant 0 : index
    %swap3A_10 = vector.load %arg3[%swap3A, %swap3A_8, %swap3A_9] : memref<1x128x1024xf32, #tpu.memory_space<vmem>>, vector<1x128x1024xf32>
    %swap3A_11 = vector.shape_cast %swap3A_10 : vector<1x128x1024xf32> to vector<128x1024xf32>
    %swap3A_12 = vector.shape_cast %mul3A_7 : vector<128x1024xf32> to vector<1x128x1024xf32>
    tpu.vector_store %arg3[%swap3A, %swap3A_8, %swap3A_9], %swap3A_12 {strides = array<i32>} : memref<1x128x1024xf32, #tpu.memory_space<vmem>>, vector<1x128x1024xf32>,
    %get3A_13 = arith.constant 0 : index
    %get3A_14 = arith.constant 0 : index
    %get3A_15 = vector.load %arg2[%get3A_13, %get3A_14] : memref<256x256xf32, #tpu.memory_space<vmem>>, vector<256x128xf32>
    %get3A_16 = arith.constant 0 : index
    %get3A_17 = arith.constant 128 : index
    %get3A_18 = vector.load %arg2[%get3A_16, %get3A_17] : memref<256x256xf32, #tpu.memory_space<vmem>>, vector<256x128xf32>
    %sub3A = arith.subf %get3A_18, %get3A_15 : vector<256x128xf32>
    %dot_general3A = arith.constant dense<0.000000e+00> : vector<1024x256xf32>
    %dot_general3A_19 = tpu.matmul %mul3A_7, %get3A_15, %dot_general3A {dimension_numbers = #tpu.dot_dimension_numbers<[0], [1], [1], [0], [0, 1, 1, 0], [], []>, precision = #tpu.contract_precision<fp32>, transpose_lhs_hint = false} : vector<128x1024xf32>, vector<256x128xf32>, vector<1024x256xf32> -> vector<1024x256xf32>
    %swap3A_20 = arith.constant 0 : index
    %swap3A_21 = arith.constant 0 : index
    %swap3A_22 = arith.constant 0 : index
    %swap3A_23 = vector.load %arg4[%swap3A_20, %swap3A_21, %swap3A_22] : memref<1x1024x256xf32, #tpu.memory_space<vmem>>, vector<1x1024x256xf32>
    %swap3A_24 = vector.shape_cast %swap3A_23 : vector<1x1024x256xf32> to vector<1024x256xf32>
    %swap3A_25 = vector.shape_cast %dot_general3A_19 : vector<1024x256xf32> to vector<1x1024x256xf32>
    tpu.vector_store %arg4[%swap3A_20, %swap3A_21, %swap3A_22], %swap3A_25 {strides = array<i32>} : memref<1x1024x256xf32, #tpu.memory_space<vmem>>, vector<1x1024x256xf32>,
    %dot_general3A_26 = arith.constant dense<0.000000e+00> : vector<1024x256xf32>
    %dot_general3A_27 = tpu.matmul %mul3A_7, %sub3A, %dot_general3A_26 {dimension_numbers = #tpu.dot_dimension_numbers<[0], [1], [1], [0], [0, 1, 1, 0], [], []>, precision = #tpu.contract_precision<fp32>, transpose_lhs_hint = false} : vector<128x1024xf32>, vector<256x128xf32>, vector<1024x256xf32> -> vector<1024x256xf32>
    %swap3A_28 = arith.constant 0 : index
    %swap3A_29 = arith.constant 0 : index
    %swap3A_30 = arith.constant 0 : index
    %swap3A_31 = vector.load %arg5[%swap3A_28, %swap3A_29, %swap3A_30] : memref<1x1024x256xf32, #tpu.memory_space<vmem>>, vector<1x1024x256xf32>
    %swap3A_32 = vector.shape_cast %swap3A_31 : vector<1x1024x256xf32> to vector<1024x256xf32>
    %swap3A_33 = vector.shape_cast %dot_general3A_27 : vector<1024x256xf32> to vector<1x1024x256xf32>
    tpu.vector_store %arg5[%swap3A_28, %swap3A_29, %swap3A_30], %swap3A_33 {strides = array<i32>} : memref<1x1024x256xf32, #tpu.memory_space<vmem>>, vector<1x1024x256xf32>,
    return
  }
  func.func @transform_0(%arg0: i32) -> (i32, i32, i32, i32) {
    %c0_i32 = arith.constant 0 : i32
    %c0_i32_0 = arith.constant 0 : i32
    %c0_i32_1 = arith.constant 0 : i32
    %c0_i32_2 = arith.constant 0 : i32
    return %arg0, %c0_i32, %c0_i32_0, %c0_i32_1 : i32, i32, i32, i32
  }
  func.func @transform_1(%arg0: i32) -> (i32, i32) {
    %c0_i32 = arith.constant 0 : i32
    %c0_i32_0 = arith.constant 0 : i32
    %c0_i32_1 = arith.constant 0 : i32
    return %c0_i32, %c0_i32_0 : i32, i32
  }
  func.func @transform_2(%arg0: i32) -> (i32, i32, i32) {
    %c0_i32 = arith.constant 0 : i32
    %c0_i32_0 = arith.constant 0 : i32
    %c0_i32_1 = arith.constant 0 : i32
    return %arg0, %c0_i32, %c0_i32_0 : i32, i32, i32
  }
  func.func @transform_3(%arg0: i32) -> (i32, i32, i32) {
    %c0_i32 = arith.constant 0 : i32
    %c0_i32_0 = arith.constant 0 : i32
    %c0_i32_1 = arith.constant 0 : i32
    return %arg0, %c0_i32, %c0_i32_0 : i32, i32, i32
  }
  func.func @transform_4(%arg0: i32) -> (i32, i32, i32) {
    %c0_i32 = arith.constant 0 : i32
    %c0_i32_0 = arith.constant 0 : i32
    %c0_i32_1 = arith.constant 0 : i32
    return %arg0, %c0_i32, %c0_i32_0 : i32, i32, i32
  }
}

module attributes {stable_mosaic.version = 14 : i64} {
  func.func @_score_body(%arg0: i32, %arg1: i32, %arg2: memref<1x128x256xf32, #tpu.memory_space<vmem>>, %arg3: memref<1x128x1024xf32, #tpu.memory_space<vmem>>, %arg4: memref<1x256x1024xf32, #tpu.memory_space<vmem>>) attributes {dimension_semantics = [#tpu.dimension_semantics<arbitrary>, #tpu.dimension_semantics<arbitrary>], iteration_bounds = array<i64: 4, 4>, scalar_prefetch = 0 : i64, scratch_operands = 0 : i64, tpu.core_type = #tpu.core_type<tc>, window_params = [{transform_indices = @transform_0, window_bounds = array<i64: 1, 128, 256>}, {transform_indices = @transform_1, window_bounds = array<i64: 1, 128, 1024>}, {transform_indices = @transform_2, window_bounds = array<i64: 1, 256, 1024>}]} {
    %get3A = arith.constant 0 : index
    %get3A_0 = arith.constant 0 : index
    %get3A_1 = arith.constant 0 : index
    %get3A_2 = vector.load %arg2[%get3A, %get3A_0, %get3A_1] : memref<1x128x256xf32, #tpu.memory_space<vmem>>, vector<1x128x256xf32>
    %get3A_3 = vector.shape_cast %get3A_2 : vector<1x128x256xf32> to vector<128x256xf32>
    %get3A_4 = arith.constant 0 : index
    %get3A_5 = arith.constant 0 : index
    %get3A_6 = arith.constant 0 : index
    %get3A_7 = vector.load %arg3[%get3A_4, %get3A_5, %get3A_6] : memref<1x128x1024xf32, #tpu.memory_space<vmem>>, vector<1x128x1024xf32>
    %get3A_8 = vector.shape_cast %get3A_7 : vector<1x128x1024xf32> to vector<128x1024xf32>
    %dot_general3A = arith.constant dense<0.000000e+00> : vector<256x1024xf32>
    %dot_general3A_9 = tpu.matmul %get3A_3, %get3A_8, %dot_general3A {dimension_numbers = #tpu.dot_dimension_numbers<[0], [0], [1], [1], [0, 1, 1, 1], [], []>, transpose_lhs_hint = false} : vector<128x256xf32>, vector<128x1024xf32>, vector<256x1024xf32> -> vector<256x1024xf32>
    %mul3A = arith.constant -2.000000e+00 : f32
    %mul3A_10 = vector.broadcast %mul3A : f32 to vector<256x1024xf32>
    %mul3A_11 = arith.mulf %mul3A_10, %dot_general3A_9 : vector<256x1024xf32>
    %mul3A_12 = arith.mulf %get3A_8, %get3A_8 : vector<128x1024xf32>
    %reduce_sum3A = arith.constant dense<0.000000e+00> : vector<1024xf32>
    %reduce_sum3A_13 = vector.multi_reduction <add>, %mul3A_12, %reduce_sum3A [0] : vector<128x1024xf32> to vector<1024xf32>
    %broadcast_in_dim3A = vector.shape_cast %reduce_sum3A_13 : vector<1024xf32> to vector<1x1024xf32>
    %broadcast_in_dim3A_14 = arith.constant 1.000000e+00 : f32
    %broadcast_in_dim3A_15 = vector.broadcast %broadcast_in_dim3A_14 : f32 to vector<128x1xf32>
    %mul3A_16 = arith.mulf %get3A_3, %get3A_3 : vector<128x256xf32>
    %dot_general3A_17 = arith.constant dense<0.000000e+00> : vector<256x1xf32>
    %dot_general3A_18 = tpu.matmul %mul3A_16, %broadcast_in_dim3A_15, %dot_general3A_17 {dimension_numbers = #tpu.dot_dimension_numbers<[0], [0], [1], [1], [0, 1, 1, 1], [], []>, precision = #tpu.contract_precision<fp32>, transpose_lhs_hint = false} : vector<128x256xf32>, vector<128x1xf32>, vector<256x1xf32> -> vector<256x1xf32>
    %neg3A = arith.constant 0.000000e+00 : f32
    %neg3A_19 = vector.broadcast %neg3A : f32 to vector<256x1xf32>
    %neg3A_20 = arith.subf %neg3A_19, %dot_general3A_18 : vector<256x1xf32>
    %sub3A = vector.broadcast %neg3A_20 : vector<256x1xf32> to vector<256x1024xf32>
    %sub3A_21 = arith.subf %sub3A, %mul3A_11 : vector<256x1024xf32>
    %sub3A_22 = vector.broadcast %broadcast_in_dim3A : vector<1x1024xf32> to vector<256x1024xf32>
    %sub3A_23 = arith.subf %sub3A_21, %sub3A_22 : vector<256x1024xf32>
    %bitcast_convert_type3A = tpu.bitcast %sub3A_23 : vector<256x1024xf32> -> vector<256x1024xi32>
    %ge3A = arith.constant 0 : i32
    %ge3A_24 = vector.broadcast %ge3A : i32 to vector<256x1024xi32>
    %ge3A_25 = arith.cmpi sge, %bitcast_convert_type3A, %ge3A_24 : vector<256x1024xi32>
    %xor3A = arith.constant 2147483647 : i32
    %xor3A_26 = vector.broadcast %xor3A : i32 to vector<256x1024xi32>
    %xor3A_27 = arith.xori %bitcast_convert_type3A, %xor3A_26 : vector<256x1024xi32>
    %select_n3A = arith.select %ge3A_25, %bitcast_convert_type3A, %xor3A_27 : vector<256x1024xi1>, vector<256x1024xi32>
    %broadcast_in_dim3A_28 = arith.constant -2147483648 : i32
    %broadcast_in_dim3A_29 = vector.broadcast %broadcast_in_dim3A_28 : i32 to vector<256x1xi32>
    %broadcast_in_dim3A_30 = arith.constant 0 : i32
    %broadcast_in_dim3A_31 = vector.broadcast %broadcast_in_dim3A_30 : i32 to vector<256x1xi32>
    %while3A = arith.constant 0 : i32
    %while3A_32:3 = scf.while (%while3A_48 = %while3A, %while3A_49 = %broadcast_in_dim3A_29, %while3A_50 = %broadcast_in_dim3A_31) : (i32, vector<256x1xi32>, vector<256x1xi32>) -> (i32, vector<256x1xi32>, vector<256x1xi32>) {
      %lt3A = arith.constant 32 : i32
      %lt3A_51 = arith.cmpi slt, %while3A_48, %lt3A : i32
      %reduce_min3A = vector.shape_cast %while3A_50 : vector<256x1xi32> to vector<1x256x1xi32>
      %reduce_min3A_52 = arith.constant dense<2147483647> : vector<1xi32>
      %reduce_min3A_53 = vector.multi_reduction <minsi>, %reduce_min3A, %reduce_min3A_52 [1, 2] : vector<1x256x1xi32> to vector<1xi32>
      %reduce_min3A_54 = vector.shape_cast %reduce_min3A_53 : vector<1xi32> to vector<1x1x1xi32>
      %reduce_min3A_55 = vector.extract %reduce_min3A_54[0, 0, 0] : i32 from vector<1x1x1xi32>
      %lt3A_56 = arith.constant 1 : i32
      %lt3A_57 = arith.cmpi slt, %reduce_min3A_55, %lt3A_56 : i32
      %and3A = arith.andi %lt3A_51, %lt3A_57 : i1
      scf.condition(%and3A) %while3A_48, %while3A_49, %while3A_50 : i32, vector<256x1xi32>, vector<256x1xi32>
    } do {
    ^bb0(%while3A_48: i32, %while3A_49: vector<256x1xi32>, %while3A_50: vector<256x1xi32>):
      %sub3A_51 = arith.constant 31 : i32
      %sub3A_52 = arith.subi %sub3A_51, %while3A_48 : i32
      %shift_left3A = arith.constant 1 : i32
      %shift_left3A_53 = arith.shli %shift_left3A, %sub3A_52 : i32
      %xor3A_54 = vector.broadcast %shift_left3A_53 : i32 to vector<256x1xi32>
      %xor3A_55 = arith.xori %while3A_49, %xor3A_54 : vector<256x1xi32>
      %ge3A_56 = vector.broadcast %xor3A_55 : vector<256x1xi32> to vector<256x1024xi32>
      %ge3A_57 = arith.cmpi sge, %select_n3A, %ge3A_56 : vector<256x1024xi32>
      %convert_element_type3A = arith.extui %ge3A_57 : vector<256x1024xi1> to vector<256x1024xi32>
      %reduce_sum3A_58 = arith.constant dense<0> : vector<256xi32>
      %reduce_sum3A_59 = vector.multi_reduction <add>, %convert_element_type3A, %reduce_sum3A_58 [1] : vector<256x1024xi32> to vector<256xi32>
      %broadcast_in_dim3A_60 = vector.shape_cast %reduce_sum3A_59 : vector<256xi32> to vector<256x1xi32>
      %ge3A_61 = arith.constant 32 : i32
      %ge3A_62 = vector.broadcast %ge3A_61 : i32 to vector<256x1xi32>
      %ge3A_63 = arith.cmpi sge, %broadcast_in_dim3A_60, %ge3A_62 : vector<256x1xi32>
      %select_n3A_64 = arith.select %ge3A_63, %xor3A_55, %while3A_49 : vector<256x1xi1>, vector<256x1xi32>
      %add3A = arith.constant 1 : i32
      %add3A_65 = arith.addi %while3A_48, %add3A : i32
      %eq3A = arith.constant 32 : i32
      %eq3A_66 = vector.broadcast %eq3A : i32 to vector<256x1xi32>
      %eq3A_67 = arith.cmpi eq, %broadcast_in_dim3A_60, %eq3A_66 : vector<256x1xi32>
      %convert_element_type3A_68 = arith.extui %eq3A_67 : vector<256x1xi1> to vector<256x1xi32>
      %or3A = arith.ori %while3A_50, %convert_element_type3A_68 : vector<256x1xi32>
      scf.yield %add3A_65, %select_n3A_64, %or3A : i32, vector<256x1xi32>, vector<256x1xi32>
    }
    %ge3A_33 = arith.constant 0 : i32
    %ge3A_34 = vector.broadcast %ge3A_33 : i32 to vector<256x1xi32>
    %ge3A_35 = arith.cmpi sge, %while3A_32#1, %ge3A_34 : vector<256x1xi32>
    %xor3A_36 = arith.constant 2147483647 : i32
    %xor3A_37 = vector.broadcast %xor3A_36 : i32 to vector<256x1xi32>
    %xor3A_38 = arith.xori %while3A_32#1, %xor3A_37 : vector<256x1xi32>
    %select_n3A_39 = arith.select %ge3A_35, %while3A_32#1, %xor3A_38 : vector<256x1xi1>, vector<256x1xi32>
    %bitcast_convert_type3A_40 = tpu.bitcast %select_n3A_39 : vector<256x1xi32> -> vector<256x1xf32>
    %sub3A_41 = vector.broadcast %bitcast_convert_type3A_40 : vector<256x1xf32> to vector<256x1024xf32>
    %sub3A_42 = arith.subf %sub3A_23, %sub3A_41 : vector<256x1024xf32>
    %swap3A = arith.constant 0 : index
    %swap3A_43 = arith.constant 0 : index
    %swap3A_44 = arith.constant 0 : index
    %swap3A_45 = vector.load %arg4[%swap3A, %swap3A_43, %swap3A_44] : memref<1x256x1024xf32, #tpu.memory_space<vmem>>, vector<1x256x1024xf32>
    %swap3A_46 = vector.shape_cast %swap3A_45 : vector<1x256x1024xf32> to vector<256x1024xf32>
    %swap3A_47 = vector.shape_cast %sub3A_42 : vector<256x1024xf32> to vector<1x256x1024xf32>
    tpu.vector_store %arg4[%swap3A, %swap3A_43, %swap3A_44], %swap3A_47 {strides = array<i32>} : memref<1x256x1024xf32, #tpu.memory_space<vmem>>, vector<1x256x1024xf32>,
    return
  }
  func.func @transform_0(%arg0: i32, %arg1: i32) -> (i32, i32, i32) {
    %c0_i32 = arith.constant 0 : i32
    %c0_i32_0 = arith.constant 0 : i32
    return %arg0, %c0_i32, %arg1 : i32, i32, i32
  }
  func.func @transform_1(%arg0: i32, %arg1: i32) -> (i32, i32, i32) {
    %c0_i32 = arith.constant 0 : i32
    %c0_i32_0 = arith.constant 0 : i32
    %c0_i32_1 = arith.constant 0 : i32
    return %arg0, %c0_i32, %c0_i32_0 : i32, i32, i32
  }
  func.func @transform_2(%arg0: i32, %arg1: i32) -> (i32, i32, i32) {
    %c0_i32 = arith.constant 0 : i32
    %c0_i32_0 = arith.constant 0 : i32
    return %arg0, %arg1, %c0_i32 : i32, i32, i32
  }
}

module attributes {stable_mosaic.version = 14 : i64} {
  func.func @_stats_body(%arg0: i32, %arg1: memref<1024x2x256xf32, #tpu.memory_space<vmem>>, %arg2: memref<1024x256xf32, #tpu.memory_space<vmem>>, %arg3: memref<1024x256xf32, #tpu.memory_space<vmem>>, %arg4: memref<1x8x1024xf32, #tpu.memory_space<vmem>>, %arg5: memref<5x8x256xf32, #tpu.memory_space<vmem>>) attributes {dimension_semantics = [#tpu.dimension_semantics<arbitrary>], iteration_bounds = array<i64: 4>, scalar_prefetch = 0 : i64, scratch_operands = 0 : i64, tpu.core_type = #tpu.core_type<tc>, window_params = [{transform_indices = @transform_0, window_bounds = array<i64: 1024, 2, 256>}, {transform_indices = @transform_1, window_bounds = array<i64: 1024, 256>}, {transform_indices = @transform_2, window_bounds = array<i64: 1024, 256>}, {transform_indices = @transform_3, window_bounds = array<i64: 1, 8, 1024>}, {pipeline_mode = #tpu.pipeline_mode<synchronous>, transform_indices = @transform_4, window_bounds = array<i64: 5, 8, 256>}]} {
    %get3A = arith.constant 0 : index
    %get3A_0 = arith.constant 1 : index
    %get3A_1 = arith.constant 0 : index
    %get3A_2 = vector.load %arg1[%get3A, %get3A_0, %get3A_1] : memref<1024x2x256xf32, #tpu.memory_space<vmem>>, vector<1024x1x256xf32>
    %get3A_3 = vector.shape_cast %get3A_2 : vector<1024x1x256xf32> to vector<1024x256xf32>
    %get3A_4 = arith.constant 0 : index
    %get3A_5 = arith.constant 0 : index
    %get3A_6 = vector.load %arg2[%get3A_4, %get3A_5] : memref<1024x256xf32, #tpu.memory_space<vmem>>, vector<1024x256xf32>
    %get3A_7 = arith.constant 0 : index
    %get3A_8 = arith.constant 0 : index
    %get3A_9 = vector.load %arg3[%get3A_7, %get3A_8] : memref<1024x256xf32, #tpu.memory_space<vmem>>, vector<1024x256xf32>
    %get3A_10 = arith.constant 0 : index
    %get3A_11 = arith.constant 0 : index
    %get3A_12 = arith.constant 0 : index
    %get3A_13 = vector.load %arg4[%get3A_10, %get3A_11, %get3A_12] : memref<1x8x1024xf32, #tpu.memory_space<vmem>>, vector<1x8x1024xf32>
    %get3A_14 = vector.shape_cast %get3A_13 : vector<1x8x1024xf32> to vector<8x1024xf32>
    %reduce_sum3A = arith.constant dense<0.000000e+00> : vector<1024xf32>
    %reduce_sum3A_15 = vector.multi_reduction <add>, %get3A_14, %reduce_sum3A [0] : vector<8x1024xf32> to vector<1024xf32>
    %broadcast_in_dim3A = vector.shape_cast %reduce_sum3A_15 : vector<1024xf32> to vector<1x1024xf32>
    %mul3A = arith.mulf %get3A_9, %get3A_9 : vector<1024x256xf32>
    %dot_general3A = arith.constant dense<0.000000e+00> : vector<1x256xf32>
    %dot_general3A_16 = tpu.matmul %broadcast_in_dim3A, %mul3A, %dot_general3A {dimension_numbers = #tpu.dot_dimension_numbers<[1], [0], [0], [1], [0, 0, 1, 1], [], []>, precision = #tpu.contract_precision<fp32>, transpose_lhs_hint = false} : vector<1x1024xf32>, vector<1024x256xf32>, vector<1x256xf32> -> vector<1x256xf32>
    %reduce_sum3A_17 = arith.constant dense<0.000000e+00> : vector<256xf32>
    %reduce_sum3A_18 = vector.multi_reduction <add>, %get3A_3, %reduce_sum3A_17 [0] : vector<1024x256xf32> to vector<256xf32>
    %broadcast_in_dim3A_19 = vector.shape_cast %reduce_sum3A_18 : vector<256xf32> to vector<1x256xf32>
    %mul3A_20 = arith.mulf %get3A_3, %get3A_6 : vector<1024x256xf32>
    %reduce_sum3A_21 = arith.constant dense<0.000000e+00> : vector<256xf32>
    %reduce_sum3A_22 = vector.multi_reduction <add>, %mul3A_20, %reduce_sum3A_21 [0] : vector<1024x256xf32> to vector<256xf32>
    %broadcast_in_dim3A_23 = vector.shape_cast %reduce_sum3A_22 : vector<256xf32> to vector<1x256xf32>
    %reduce_sum3A_24 = arith.constant dense<0.000000e+00> : vector<256xf32>
    %reduce_sum3A_25 = vector.multi_reduction <add>, %get3A_6, %reduce_sum3A_24 [0] : vector<1024x256xf32> to vector<256xf32>
    %broadcast_in_dim3A_26 = vector.shape_cast %reduce_sum3A_25 : vector<256xf32> to vector<1x256xf32>
    %mul3A_27 = arith.mulf %get3A_6, %get3A_6 : vector<1024x256xf32>
    %reduce_sum3A_28 = arith.constant dense<0.000000e+00> : vector<256xf32>
    %reduce_sum3A_29 = vector.multi_reduction <add>, %mul3A_27, %reduce_sum3A_28 [0] : vector<1024x256xf32> to vector<256xf32>
    %broadcast_in_dim3A_30 = vector.shape_cast %reduce_sum3A_29 : vector<256xf32> to vector<1x256xf32>
    %concatenate3A = tpu.concatenate %broadcast_in_dim3A_19, %dot_general3A_16, %broadcast_in_dim3A_23, %broadcast_in_dim3A_26, %broadcast_in_dim3A_30 in 0 : vector<1x256xf32>, vector<1x256xf32>, vector<1x256xf32>, vector<1x256xf32>, vector<1x256xf32> -> vector<5x256xf32>
    %broadcast_in_dim3A_31 = vector.shape_cast %concatenate3A : vector<5x256xf32> to vector<5x1x256xf32>
    %broadcast_in_dim3A_32 = vector.shape_cast %broadcast_in_dim3A_31 : vector<5x1x256xf32> to vector<5x1x256xf32>
    %broadcast_in_dim3A_33 = vector.broadcast %broadcast_in_dim3A_32 : vector<5x1x256xf32> to vector<5x8x256xf32>
    %eq3A = arith.constant 0 : i32
    %eq3A_34 = arith.cmpi eq, %arg0, %eq3A : i32
    %convert_element_type3A = arith.extui %eq3A_34 : i1 to i32
    %cond3A = arith.constant 0 : i32
    %cond3A_35 = arith.cmpi ne, %convert_element_type3A, %cond3A : i32
    scf.if %cond3A_35 {
      %broadcast_in_dim3A_43 = arith.constant 0.000000e+00 : f32
      %broadcast_in_dim3A_44 = vector.broadcast %broadcast_in_dim3A_43 : f32 to vector<5x8x256xf32>
      %swap3A_45 = arith.constant 0 : index
      %swap3A_46 = arith.constant 0 : index
      %swap3A_47 = arith.constant 0 : index
      %swap3A_48 = vector.load %arg5[%swap3A_45, %swap3A_46, %swap3A_47] : memref<5x8x256xf32, #tpu.memory_space<vmem>>, vector<5x8x256xf32>
      tpu.vector_store %arg5[%swap3A_45, %swap3A_46, %swap3A_47], %broadcast_in_dim3A_44 {strides = array<i32>} : memref<5x8x256xf32, #tpu.memory_space<vmem>>, vector<5x8x256xf32>,
    } else {
    }
    %get3A_36 = arith.constant 0 : index
    %get3A_37 = arith.constant 0 : index
    %get3A_38 = arith.constant 0 : index
    %get3A_39 = vector.load %arg5[%get3A_36, %get3A_37, %get3A_38] : memref<5x8x256xf32, #tpu.memory_space<vmem>>, vector<5x8x256xf32>
    %add3A = arith.addf %get3A_39, %broadcast_in_dim3A_33 : vector<5x8x256xf32>
    %swap3A = arith.constant 0 : index
    %swap3A_40 = arith.constant 0 : index
    %swap3A_41 = arith.constant 0 : index
    %swap3A_42 = vector.load %arg5[%swap3A, %swap3A_40, %swap3A_41] : memref<5x8x256xf32, #tpu.memory_space<vmem>>, vector<5x8x256xf32>
    tpu.vector_store %arg5[%swap3A, %swap3A_40, %swap3A_41], %add3A {strides = array<i32>} : memref<5x8x256xf32, #tpu.memory_space<vmem>>, vector<5x8x256xf32>,
    return
  }
  func.func @transform_0(%arg0: i32) -> (i32, i32, i32) {
    %c0_i32 = arith.constant 0 : i32
    %c0_i32_0 = arith.constant 0 : i32
    %c0_i32_1 = arith.constant 0 : i32
    return %arg0, %c0_i32, %c0_i32_0 : i32, i32, i32
  }
  func.func @transform_1(%arg0: i32) -> (i32, i32) {
    %c0_i32 = arith.constant 0 : i32
    %c0_i32_0 = arith.constant 0 : i32
    return %arg0, %c0_i32 : i32, i32
  }
  func.func @transform_2(%arg0: i32) -> (i32, i32) {
    %c0_i32 = arith.constant 0 : i32
    %c0_i32_0 = arith.constant 0 : i32
    return %arg0, %c0_i32 : i32, i32
  }
  func.func @transform_3(%arg0: i32) -> (i32, i32, i32) {
    %c0_i32 = arith.constant 0 : i32
    %c0_i32_0 = arith.constant 0 : i32
    %c0_i32_1 = arith.constant 0 : i32
    return %arg0, %c0_i32, %c0_i32_0 : i32, i32, i32
  }
  func.func @transform_4(%arg0: i32) -> (i32, i32, i32) {
    %c0_i32 = arith.constant 0 : i32
    %c0_i32_0 = arith.constant 0 : i32
    %c0_i32_1 = arith.constant 0 : i32
    %c0_i32_2 = arith.constant 0 : i32
    return %c0_i32, %c0_i32_0, %c0_i32_1 : i32, i32, i32
  }
}

module attributes {stable_mosaic.version = 14 : i64} {
  func.func @_final_body(%arg0: i32, %arg1: i32, %arg2: memref<128x2x256xf32, #tpu.memory_space<vmem>>, %arg3: memref<128x256xf32, #tpu.memory_space<vmem>>, %arg4: memref<5x8x256xf32, #tpu.memory_space<vmem>>, %arg5: memref<5x8x256xf32, #tpu.memory_space<vmem>>, %arg6: memref<1x256xf32, #tpu.memory_space<vmem>>, %arg7: memref<1x256xf32, #tpu.memory_space<vmem>>, %arg8: memref<1x256x16x128xf32, #tpu.memory_space<vmem>>) attributes {dimension_semantics = [#tpu.dimension_semantics<arbitrary>, #tpu.dimension_semantics<arbitrary>], iteration_bounds = array<i64: 8, 8>, scalar_prefetch = 0 : i64, scratch_operands = 0 : i64, tpu.core_type = #tpu.core_type<tc>, window_params = [{transform_indices = @transform_0, window_bounds = array<i64: 128, 2, 256>}, {transform_indices = @transform_1, window_bounds = array<i64: 128, 256>}, {pipeline_mode = #tpu.pipeline_mode<synchronous>, transform_indices = @transform_2, window_bounds = array<i64: 5, 8, 256>}, {pipeline_mode = #tpu.pipeline_mode<synchronous>, transform_indices = @transform_3, window_bounds = array<i64: 5, 8, 256>}, {pipeline_mode = #tpu.pipeline_mode<synchronous>, transform_indices = @transform_4, window_bounds = array<i64: 1, 256>}, {pipeline_mode = #tpu.pipeline_mode<synchronous>, transform_indices = @transform_5, window_bounds = array<i64: 1, 256>}, {transform_indices = @transform_6, window_bounds = array<i64: 1, 256, 16, 128>}]} {
    %get3A = arith.constant 0 : index
    %get3A_0 = arith.constant 0 : index
    %get3A_1 = arith.constant 0 : index
    %get3A_2 = vector.load %arg4[%get3A, %get3A_0, %get3A_1] : memref<5x8x256xf32, #tpu.memory_space<vmem>>, vector<5x1x256xf32>
    %get3A_3 = vector.shape_cast %get3A_2 : vector<5x1x256xf32> to vector<5x256xf32>
    %get3A_4 = arith.constant 0 : index
    %get3A_5 = arith.constant 0 : index
    %get3A_6 = arith.constant 0 : index
    %get3A_7 = vector.load %arg5[%get3A_4, %get3A_5, %get3A_6] : memref<5x8x256xf32, #tpu.memory_space<vmem>>, vector<5x1x256xf32>
    %get3A_8 = vector.shape_cast %get3A_7 : vector<5x1x256xf32> to vector<5x256xf32>
    %add3A = arith.addf %get3A_3, %get3A_8 : vector<5x256xf32>
    %slice3A = vector.extract_strided_slice %add3A {offsets = [0, 0], sizes = [1, 256], strides = [1, 1]} : vector<5x256xf32> to vector<1x256xf32>
    %slice3A_9 = vector.extract_strided_slice %add3A {offsets = [3, 0], sizes = [1, 256], strides = [1, 1]} : vector<5x256xf32> to vector<1x256xf32>
    %mul3A = arith.constant 3.200000e+01 : f32
    %mul3A_10 = vector.broadcast %mul3A : f32 to vector<1x256xf32>
    %mul3A_11 = arith.mulf %mul3A_10, %slice3A_9 : vector<1x256xf32>
    %add3A_12 = arith.addf %slice3A, %mul3A_11 : vector<1x256xf32>
    %mul3A_13 = arith.constant 3.81469727E-6 : f32
    %mul3A_14 = vector.broadcast %mul3A_13 : f32 to vector<1x256xf32>
    %mul3A_15 = arith.mulf %add3A_12, %mul3A_14 : vector<1x256xf32>
    %slice3A_16 = vector.extract_strided_slice %add3A {offsets = [1, 0], sizes = [1, 256], strides = [1, 1]} : vector<5x256xf32> to vector<1x256xf32>
    %slice3A_17 = vector.extract_strided_slice %add3A {offsets = [2, 0], sizes = [1, 256], strides = [1, 1]} : vector<5x256xf32> to vector<1x256xf32>
    %mul3A_18 = arith.constant 2.000000e+00 : f32
    %mul3A_19 = vector.broadcast %mul3A_18 : f32 to vector<1x256xf32>
    %mul3A_20 = arith.mulf %mul3A_19, %slice3A_17 : vector<1x256xf32>
    %add3A_21 = arith.addf %slice3A_16, %mul3A_20 : vector<1x256xf32>
    %slice3A_22 = vector.extract_strided_slice %add3A {offsets = [4, 0], sizes = [1, 256], strides = [1, 1]} : vector<5x256xf32> to vector<1x256xf32>
    %mul3A_23 = arith.constant 3.200000e+01 : f32
    %mul3A_24 = vector.broadcast %mul3A_23 : f32 to vector<1x256xf32>
    %mul3A_25 = arith.mulf %mul3A_24, %slice3A_22 : vector<1x256xf32>
    %add3A_26 = arith.addf %add3A_21, %mul3A_25 : vector<1x256xf32>
    %mul3A_27 = arith.constant 3.81469727E-6 : f32
    %mul3A_28 = vector.broadcast %mul3A_27 : f32 to vector<1x256xf32>
    %mul3A_29 = arith.mulf %add3A_26, %mul3A_28 : vector<1x256xf32>
    %mul3A_30 = arith.mulf %mul3A_15, %mul3A_15 : vector<1x256xf32>
    %sub3A = arith.subf %mul3A_29, %mul3A_30 : vector<1x256xf32>
    %add3A_31 = arith.constant 9.99999974E-6 : f32
    %add3A_32 = vector.broadcast %add3A_31 : f32 to vector<1x256xf32>
    %add3A_33 = arith.addf %sub3A, %add3A_32 : vector<1x256xf32>
    %rsqrt3A = math.rsqrt %add3A_33 : vector<1x256xf32>
    %get3A_34 = arith.constant 0 : index
    %get3A_35 = arith.constant 0 : index
    %get3A_36 = vector.load %arg6[%get3A_34, %get3A_35] : memref<1x256xf32, #tpu.memory_space<vmem>>, vector<1x256xf32>
    %mul3A_37 = arith.mulf %get3A_36, %rsqrt3A : vector<1x256xf32>
    %get3A_38 = arith.constant 0 : index
    %get3A_39 = arith.constant 0 : index
    %get3A_40 = vector.load %arg7[%get3A_38, %get3A_39] : memref<1x256xf32, #tpu.memory_space<vmem>>, vector<1x256xf32>
    %mul3A_41 = arith.mulf %mul3A_15, %mul3A_37 : vector<1x256xf32>
    %sub3A_42 = arith.subf %get3A_40, %mul3A_41 : vector<1x256xf32>
    %get3A_43 = arith.constant 0 : index
    %get3A_44 = arith.constant 0 : index
    %get3A_45 = arith.constant 0 : index
    %get3A_46 = vector.load %arg2[%get3A_43, %get3A_44, %get3A_45] : memref<128x2x256xf32, #tpu.memory_space<vmem>>, vector<128x1x256xf32>
    %get3A_47 = vector.shape_cast %get3A_46 : vector<128x1x256xf32> to vector<128x256xf32>
    %get3A_48 = arith.constant 0 : index
    %get3A_49 = arith.constant 0 : index
    %get3A_50 = vector.load %arg3[%get3A_48, %get3A_49] : memref<128x256xf32, #tpu.memory_space<vmem>>, vector<128x256xf32>
    %add3A_51 = arith.addf %get3A_47, %get3A_50 : vector<128x256xf32>
    %mul3A_52 = vector.broadcast %mul3A_37 : vector<1x256xf32> to vector<128x256xf32>
    %mul3A_53 = arith.mulf %add3A_51, %mul3A_52 : vector<128x256xf32>
    %add3A_54 = vector.broadcast %sub3A_42 : vector<1x256xf32> to vector<128x256xf32>
    %add3A_55 = arith.addf %mul3A_53, %add3A_54 : vector<128x256xf32>
    %ge3A = arith.constant 0.000000e+00 : f32
    %ge3A_56 = vector.broadcast %ge3A : f32 to vector<128x256xf32>
    %ge3A_57 = arith.cmpf oge, %add3A_55, %ge3A_56 : vector<128x256xf32>
    %mul3A_58 = arith.constant 2.000000e-01 : f32
    %mul3A_59 = vector.broadcast %mul3A_58 : f32 to vector<128x256xf32>
    %mul3A_60 = arith.mulf %mul3A_59, %add3A_55 : vector<128x256xf32>
    %select_n3A = arith.select %ge3A_57, %add3A_55, %mul3A_60 : vector<128x256xi1>, vector<128x256xf32>
    %iota3A = tpu.iota {dimensions = array<i32: 0>} : vector<128x128xi32>
    %iota3A_61 = tpu.iota {dimensions = array<i32: 1>} : vector<128x128xi32>
    %eq3A = arith.cmpi eq, %iota3A, %iota3A_61 : vector<128x128xi32>
    %convert_element_type3A = arith.extui %eq3A : vector<128x128xi1> to vector<128x128xi32>
    %convert_element_type3A_62 = arith.sitofp %convert_element_type3A : vector<128x128xi32> to vector<128x128xf32>
    %dot_general3A = arith.constant dense<0.000000e+00> : vector<256x128xf32>
    %dot_general3A_63 = tpu.matmul %select_n3A, %convert_element_type3A_62, %dot_general3A {dimension_numbers = #tpu.dot_dimension_numbers<[0], [0], [1], [1], [0, 1, 1, 1], [], []>, precision = #tpu.contract_precision<fp32>, transpose_lhs_hint = false} : vector<128x256xf32>, vector<128x128xf32>, vector<256x128xf32> -> vector<256x128xf32>
    %broadcast_in_dim3A = vector.shape_cast %dot_general3A_63 : vector<256x128xf32> to vector<256x1x128xf32>
    %broadcast_in_dim3A_64 = vector.shape_cast %broadcast_in_dim3A : vector<256x1x128xf32> to vector<256x1x128xf32>
    %broadcast_in_dim3A_65 = vector.broadcast %broadcast_in_dim3A_64 : vector<256x1x128xf32> to vector<256x16x128xf32>
    %swap3A = arith.constant 0 : index
    %swap3A_66 = arith.constant 0 : index
    %swap3A_67 = arith.constant 0 : index
    %swap3A_68 = arith.constant 0 : index
    %swap3A_69 = vector.load %arg8[%swap3A, %swap3A_66, %swap3A_67, %swap3A_68] : memref<1x256x16x128xf32, #tpu.memory_space<vmem>>, vector<1x256x16x128xf32>
    %swap3A_70 = vector.shape_cast %swap3A_69 : vector<1x256x16x128xf32> to vector<256x16x128xf32>
    %swap3A_71 = vector.shape_cast %broadcast_in_dim3A_65 : vector<256x16x128xf32> to vector<1x256x16x128xf32>
    tpu.vector_store %arg8[%swap3A, %swap3A_66, %swap3A_67, %swap3A_68], %swap3A_71 {strides = array<i32>} : memref<1x256x16x128xf32, #tpu.memory_space<vmem>>, vector<1x256x16x128xf32>,
    return
  }
  func.func @transform_0(%arg0: i32, %arg1: i32) -> (i32, i32, i32) {
    %mul3A = arith.constant 8 : i32
    %mul3A_0 = arith.muli %arg0, %mul3A : i32
    %add3A = arith.addi %mul3A_0, %arg1 : i32
    %c0_i32 = arith.constant 0 : i32
    %c0_i32_1 = arith.constant 0 : i32
    %c0_i32_2 = arith.constant 0 : i32
    return %add3A, %c0_i32, %c0_i32_1 : i32, i32, i32
  }
  func.func @transform_1(%arg0: i32, %arg1: i32) -> (i32, i32) {
    %mul3A = arith.constant 8 : i32
    %mul3A_0 = arith.muli %arg0, %mul3A : i32
    %add3A = arith.addi %mul3A_0, %arg1 : i32
    %c0_i32 = arith.constant 0 : i32
    %c0_i32_1 = arith.constant 0 : i32
    return %add3A, %c0_i32 : i32, i32
  }
  func.func @transform_2(%arg0: i32, %arg1: i32) -> (i32, i32, i32) {
    %c0_i32 = arith.constant 0 : i32
    %c0_i32_0 = arith.constant 0 : i32
    %c0_i32_1 = arith.constant 0 : i32
    %c0_i32_2 = arith.constant 0 : i32
    return %c0_i32, %c0_i32_0, %c0_i32_1 : i32, i32, i32
  }
  func.func @transform_3(%arg0: i32, %arg1: i32) -> (i32, i32, i32) {
    %c0_i32 = arith.constant 0 : i32
    %c0_i32_0 = arith.constant 0 : i32
    %c0_i32_1 = arith.constant 0 : i32
    %c0_i32_2 = arith.constant 0 : i32
    return %c0_i32, %c0_i32_0, %c0_i32_1 : i32, i32, i32
  }
  func.func @transform_4(%arg0: i32, %arg1: i32) -> (i32, i32) {
    %c0_i32 = arith.constant 0 : i32
    %c0_i32_0 = arith.constant 0 : i32
    %c0_i32_1 = arith.constant 0 : i32
    return %c0_i32, %c0_i32_0 : i32, i32
  }
  func.func @transform_5(%arg0: i32, %arg1: i32) -> (i32, i32) {
    %c0_i32 = arith.constant 0 : i32
    %c0_i32_0 = arith.constant 0 : i32
    %c0_i32_1 = arith.constant 0 : i32
    return %c0_i32, %c0_i32_0 : i32, i32
  }
  func.func @transform_6(%arg0: i32, %arg1: i32) -> (i32, i32, i32, i32) {
    %c0_i32 = arith.constant 0 : i32
    %c0_i32_0 = arith.constant 0 : i32
    %c0_i32_1 = arith.constant 0 : i32
    return %arg0, %c0_i32, %c0_i32_0, %arg1 : i32, i32, i32, i32
  }
}

</mosaic_0001>

<sc_bundles>
// kernel: kernel.10.cloned.1.call-start
scs
__scs_entry_jumppad:
0x0: {  	(pc) =	sbr.rel $0x88, $3  }
0x1: {  	(tag) =	ssettag $0x0;
	lr =	simm.s32 $0x1  }
0x2: {  	[smem:$0x3F9D] =	sst lr;
	_ =	strace $0xD0000000  }
0x3: {  	_ = 	snop  }
0x4: {  	_ = 	snop  }
0x5: {  	_ = 	snop  }
0x6: {  	_ = 	snop  }
0x7: {  	_ = 	snop  }
__scs_overlays_trampoline_lowered:
0x8: {  	[smem:$0x3FAC] =	sst s0  }
0x9: {  	[smem:$0x3FAD] =	sst s1  }
0xa: {  	[smem:$0x3FAE] =	sst s2  }
0xb: {  	[smem:$0x3FAF] =	sst s3  }
0xc: {  	[smem:$0x3FB0] =	sst s4  }
0xd: {  	[smem:$0x3FB1] =	sst s5  }
0xe: {  	[smem:$0x3FB2] =	sst s6  }
0xf: {  	[smem:$0x3FB3] =	sst s7  }
0x10: {  	[smem:$0x3FB4] =	sst s8  }
0x11: {  	[smem:$0x3FB5] =	sst s9;
	s0 =	simm.s32 @!p0 $0x0  }
0x12: {  	s1 =	sld [smem:$0x3F9B];
	s0 =	simm.s32 @p0 $0x1  }
0x13: {  	[smem:$0x3FB6] =	sst s0;
	s0 =	simm.s32 @!p1 $0x0  }
0x14: {  	s2 =	sld [smem:$0x3F9A];
	s0 =	simm.s32 @p1 $0x1  }
0x15: {  	[smem:$0x3FB7] =	sst s0;
	s0 =	simm.s32 @!p2 $0x0  }
0x16: {  	s3 =	sld [smem:$0x3FDB];
	s0 =	simm.s32 @p2 $0x1  }
0x17: {  	s4 =	simm.s32 $0x1BF5;
	[smem:$0x3FB9] =	sst s0  }
0x18: {  	s0 =	sld [smem:$0x3F9C];
	_ =	swait.ge [sflag:s4], $0x0  }
0x19: {  	s7 =	sld [smem:$0x3F9D]  }
0x1a: {  	s8 =	sadd.s32 $0xFFFFE003, lr  }
0x1b: {  	s9 =	sadd.s32 $0xFFFFFEF7, lr;
	s5 =	simm.s32 $0xFFFFFFFF;
	p2 =	slt.u32 s8, $0xFFFFF086  }
0x1c: {  	p1 =	slt.u32 s9, $0xF7A;
	s5 =	simm.s32 @!p2 $0x0  }
0x1d: {  	s5 =	simm.s32 @p1 $0x1;
	p0 =	seq.s32 s7, s2  }
0x1e: {  	s7 =	smul.u32 @!p0 $0xF7A, s2;
	p2 =	seq.s32 @!p0 s5, $0x0  }
0x1f: {  	s9 =	smul.u32 $0xF7A, s1;
	s8 =	simm.s32 @!p0 $0x1BF5;
	p2 =	por !p2, p0  }
0x20: {  	[sflag:s8] =	ssyncset.s32 @!p0 $0xFFFFF086;
	s6 =	sadd.s32 @!p0 s3, s7;
	s7 =	simm.s32 @!p0 $0x108  }
0x21: {  	s3 =	sadd.s32 s3, s9;
	s6 =	sadd.s32 @!p0 $0x88, s6;
	s7 =	simm.s32 @p2 $0x1082  }
0x22: {  	[simem:s7], [sflag:s8] =	dma.local @!p0 [hbm:s6], $0xF7A  }
0x23: {  	s9 =	sor.u32 $0xD0000000, s2;
	s6 =	simm.s32 $0x108;
	_ =	swait.ge @!p0 [sflag:s8], $0x0  }
0x24: {  	s3 =	sadd.s32 $0x88, s3;
	s6 =	simm.s32 @!p1 $0x1082;
	[sflag:s4] =	ssyncset.s32 $0xFFFFF086  }
0x25: {  	[simem:s6], [sflag:s4] =	dma.local [hbm:s3], $0xF7A  }
0x26: {  	[smem:$0x3F9D] =	sst s1;
	(tag) =	ssettag s2;
	_ =	strace s9  }
0x27: {  	s1 =	sld [smem:$0x3FAD]  }
0x28: {  	s2 =	sld [smem:$0x3FAE]  }
0x29: {  	s4 =	sld [smem:$0x3FB0]  }
0x2a: {  	p0 =	seq.s32 s5, $0x0;
	s5 =	sld [smem:$0x3FB1]  }
0x2b: {  	s6 =	sld [smem:$0x3FB2]  }
0x2c: {  	s7 =	sld [smem:$0x3FB3]  }
0x2d: {  	s3 =	simm.s32 $0x108;
	s8 =	sld [smem:$0x3FB4]  }
0x2e: {  	s3 =	simm.s32 @!p0 $0x1082;
	s9 =	sld [smem:$0x3FB5]  }
0x2f: {  	lr =	sadd.s32 s0, s3;
	s0 =	sld [smem:$0x3FAC]  }
0x30: {  	s3 =	sld [smem:$0x3FAF]  }
0x31: {  	[smem:$0x3FB8] =	sst s10  }
0x32: {  	s10 =	sld [smem:$0x3FB6];
	_ =	sdelay $0x3  }
0x33: {  	p0 =	seq.s32 s10, $0x1;
	s10 =	sld [smem:$0x3FB8];
	_ =	sdelay $0x3  }
0x34: {  	[smem:$0x3FB8] =	sst s10  }
0x35: {  	s10 =	sld [smem:$0x3FB7];
	_ =	sdelay $0x3  }
0x36: {  	p1 =	seq.s32 s10, $0x1;
	s10 =	sld [smem:$0x3FB8];
	_ =	sdelay $0x3  }
0x37: {  	[smem:$0x3FB8] =	sst s10  }
0x38: {  	s10 =	sld [smem:$0x3FB9]  }
0x39: {  	_ = 	snop;
	(pc) =	sbr.ind lr, $3  }
0x3a: {  	_ = 	snop  }
0x3b: {  	_ = 	snop  }
0x3c: {  	p2 =	seq.s32 s10, $0x1;
	s10 =	sld [smem:$0x3FB8]  }
0x3d: {  	_ =	shalt  }
0x3e: {  	_ =	shalt  }
0x3f: {  	_ =	shalt  }
0x40: {  	_ =	shalt  }
0x41: {  	_ =	shalt  }
0x42: {  	_ =	shalt  }
0x43: {  	_ =	shalt  }
0x44: {  	_ =	shalt  }
0x45: {  	_ =	shalt  }
0x46: {  	_ =	shalt  }
0x47: {  	_ =	shalt  }
0x48: {  	_ =	shalt  }
0x49: {  	_ =	shalt  }
0x4a: {  	_ =	shalt  }
0x4b: {  	_ =	shalt  }
0x4c: {  	_ =	shalt  }
0x4d: {  	_ =	shalt  }
0x4e: {  	_ =	shalt  }
0x4f: {  	_ =	shalt  }
0x50: {  	_ =	shalt  }
0x51: {  	_ =	shalt  }
0x52: {  	_ =	shalt  }
0x53: {  	_ =	shalt  }
0x54: {  	_ =	shalt  }
0x55: {  	_ =	shalt  }
0x56: {  	_ =	shalt  }
0x57: {  	_ =	shalt  }
0x58: {  	_ =	shalt  }
0x59: {  	_ =	shalt  }
0x5a: {  	_ =	shalt  }
0x5b: {  	_ =	shalt  }
0x5c: {  	_ =	shalt  }
0x5d: {  	_ =	shalt  }
0x5e: {  	_ =	shalt  }
0x5f: {  	_ =	shalt  }
0x60: {  	_ =	shalt  }
0x61: {  	_ =	shalt  }
0x62: {  	_ =	shalt  }
0x63: {  	_ =	shalt  }
0x64: {  	_ =	shalt  }
0x65: {  	_ =	shalt  }
0x66: {  	_ =	shalt  }
0x67: {  	_ =	shalt  }
0x68: {  	_ =	shalt  }
0x69: {  	_ =	shalt  }
0x6a: {  	_ =	shalt  }
0x6b: {  	_ =	shalt  }
0x6c: {  	_ =	shalt  }
0x6d: {  	_ =	shalt  }
0x6e: {  	_ =	shalt  }
0x6f: {  	_ =	shalt  }
0x70: {  	_ =	shalt  }
0x71: {  	_ =	shalt  }
0x72: {  	_ =	shalt  }
0x73: {  	_ =	shalt  }
0x74: {  	_ =	shalt  }
0x75: {  	_ =	shalt  }
0x76: {  	_ =	shalt  }
0x77: {  	_ =	shalt  }
0x78: {  	_ =	shalt  }
0x79: {  	_ =	shalt  }
0x7a: {  	_ =	shalt  }
0x7b: {  	_ =	shalt  }
0x7c: {  	_ =	shalt  }
0x7d: {  	_ =	shalt  }
0x7e: {  	_ =	shalt  }
0x7f: {  	_ =	shalt  }
0x80: {  	_ =	shalt  }
0x81: {  	_ =	shalt  }
0x82: {  	_ =	shalt  }
0x83: {  	_ =	shalt  }
0x84: {  	_ =	shalt  }
0x85: {  	_ =	shalt  }
0x86: {  	_ =	shalt  }
0x87: {  	_ =	shalt  }
.Lfunc_end0:
.L_simem_size_0:
called_computation_lowered:
.L_overlay_start_0:
0x88: {  	s2 =	sld [smem:$0x3FD9]  }
0x89: {  	s3 =	sld [smem:$0x3FFE];
	_ =	sdelay $0x1  }
0x8a: {  	s1 =	srdreg.scid  }
0x8b: {  	s0 =	sand.u32 $0x1, s1  }
0x8c: {  	s17 =	sshll.u32 s0, $0xA;
	s2 =	sadd.s32 s3, s2  }
0x8d: {  	s2 =	sadd.s32 s2, s17  }
0x8e: {  	[smem:$0x3FC4] =	sst s2  }
0x8f: {  	_ = 	snop  }
0x90: {  	(tm) =	ssettm $0x1  }
0x91: {  	s18 =	sld [smem:$0x3FFB];
	_ =	sdelay $0x3  }
0x92: {  	_ =	strace s18  }
0x93: {  	s2 =	sld [smem:$0x3FFC];
	_ =	sdelay $0x3  }
0x94: {  	_ =	strace s2  }
0x95: {  	s2 =	sld [smem:$0x3FFD];
	_ =	sdelay $0x3  }
0x96: {  	_ =	strace s2  }
0x97: {  	_ =	strace $0x8FFFFFFF  }
0x98: {  	s19 =	sld [smem:$0x3FDB];
	_ =	sdelay $0x1  }
0x99: {  	s20 =	simm.s32 $_scs_section_size  }
0x9a: {  	s4 =	simm.s32 $_size__tile_overlayer_lowered;
	s5 =	simm.s32 $_tile_overlayer_lowered  }
0x9b: {  	s6 =	simm.s32 $0x1BFF;
	s21 =	sshll.u32 s5, $0x1;
	s3 =	sadd.s32 s20, s19  }
0x9c: {  	s22 =	simm.s32 $0x0;
	s4 =	sshll.u32 s4, $0x1;
	s5 =	sadd.s32 s21, s3  }
0x9d: {  	[timem:s22], [sflag:s6] =	dma.local [hbm:s5], s4  }
0x9e: {  	_ =	swait.ge [sflag:s6], s4  }
0x9f: {  	s4 =	ssub.s32 $0x0, s4;
	[sflag:s6] =	ssyncset.done $0x0  }
0xa0: {  	[sflag:s6] =	ssyncadd.s32 s4;
	_ =	sdelay $0x1  }
0xa1: {  	s23 =	simm.s32 $0x1B8B  }
0xa2: {  	_ =	swait.ge [sflag:s23], $0x1  }
0xa3: {  	[sflag:s23] =	ssyncset.done $0x0  }
0xa4: {  	[sflag:s23] =	ssyncadd.s32 $0xFFFFFFFF  }
0xa5: {  	s4 =	sld [smem:$0x0]  }
0xa6: {  	s5 =	sand.u32 $0xFFFFFFFE, s1  }
0xa7: {  	p0 =	sne.s32 s1, s5  }
0xa8: {  	s5 =	sshll.u32 @p0 s5, $0xE  }
0xa9: {  	s5 =	sadd.s32 @p0 $0x11B8D, s5;
	s6 =	sshll.u32 @p0 s4, $0x11  }
0xaa: {  	s5 =	sor.u32 @p0 s6, s5  }
0xab: {  	[sflag:s5] =	ssyncadd.remote.s32 @p0 $0x1;
	_ =	sdelay $0x1  }
0xac: {  	s5 =	simm.s32 @p0 $0x1B8D  }
0xad: {  	_ =	swait.eq @p0 [sflag:s5], $0x1  }
0xae: {  	[sflag:s5] =	ssyncadd.s32 @p0 $0xFFFFFFFF  }
0xaf: {  	s6 =	sshll.u32 @!p0 s1, $0xE  }
0xb0: {  	s6 =	sor.u32 @!p0 $0x4000, s6;
	s5 =	simm.s32 @!p0 $0x1B8D  }
0xb1: {  	s4 =	sshll.u32 @!p0 s4, $0x11;
	s6 =	sadd.s32 @!p0 $0x11B8D, s6;
	_ =	swait.eq @!p0 [sflag:s5], $0x1  }
0xb2: {  	s4 =	sor.u32 @!p0 s4, s6;
	[sflag:s5] =	ssyncadd.s32 @!p0 $0xFFFFFFFF  }
0xb3: {  	s25 =	simm.s32 $0x1B8E;
	s24 =	sld [smem:$0x3FFE];
	[sflag:s4] =	ssyncadd.remote.s32 @!p0 $0x1  }
0xb4: {  	s26 =	simm.s32 $execute0_lowered;
	[smem:$0x3FD2] =	sst s25  }
0xb5: {  	s5 =	sshll.u32 s26, $0x1;
	_ =	strace $0x80000049;
	[dreg:$0x1] =	wrdreg $0xFFFFFFFF  }
0xb6: {  	s28 =	simm.s32 $_size_execute0_lowered;
	s3 =	sadd.s32 s3, s5;
	[dreg:$0x0] =	wrdreg $0x0  }
0xb7: {  	s5 =	sshll.u32 s28, $0x1;
	[dreg:$0x2] =	wrdreg s3  }
0xb8: {  	[dreg:$0x3] =	wrdreg s5  }
0xb9: {  	[dreg:$0x4] =	wrdreg $0xC0  }
0xba: {  	_ =	task [dreg:s22], $0x5FFFF  }
0xbb: {  	[dreg:$0x1] =	wrdreg $0xFFFFFFFF  }
0xbc: {  	[dreg:$0x0] =	wrdreg $0x60  }
0xbd: {  	[dreg:$0x2] =	wrdreg s24  }
0xbe: {  	[dreg:$0x3] =	wrdreg $0x9  }
0xbf: {  	_ =	task.clear_ibuf [dreg:s22], $0x4FFFF;
	_ =	strace $0x90000049  }
0xc0: {  	s29 =	simm.s32 $0x9;
	_ =	strace $0x8000004B  }
0xc1: {  	_ =	swait.ge [sflag:s29], $0x1  }
0xc2: {  	[sflag:s29] =	ssyncadd.s32 $0xFFFFFFFF  }
0xc3: {  	_ =	strace $0x9000004B  }
0xc4: {  	_ =	sfence  }
0xc5: {  	s30 =	sld [smem:$0x0];
	_ =	sdelay $0x2  }
0xc6: {  	s31 =	sshll.u32 s1, $0xD;
	s1 =	sshrl.u32 s1, $0x2  }
0xc7: {  	s4 =	sand.u32 $0x4000, s31;
	s1 =	sadd.s32 s1, s30  }
0xc8: {  	s0 =	sor.u32 s4, s0;
	s1 =	sshll.u32 s1, $0x11  }
0xc9: {  	s0 =	sor.u32 s1, s0  }
0xca: {  	s0 =	sadd.s32 $0x8F2B, s0  }
0xcb: {  	[sflag:s0] =	ssyncadd.remote.s32 $0x1  }
0xcc: {  	_ =	sfence.sel $0xFFFF  }
0xcd: {  	[dreg:$0x0] =	wrdreg $0xFFFFFFFF;
	(pc) =	sbr.abs _section_cstart, $3  }
0xce: {  	[dreg:$0x1] =	wrdreg $0xFFFFFFFF  }
0xcf: {  	_ =	task.clear_ibuf [dreg:s22], $0x2FFFF;
	_ =	strace $0x9FFFFFFF  }
0xd0: {  	(tm) =	ssettm $0x7FFFFFFF  }
0xd1: {  	_ =	shalt  }
tec
execute0_lowered:
.L_overlay_start_1:
0x0: {  	(tag) =	ssettag $0x1  }
0x1: {  	s0 =	srdreg.scid;
	s9 =	stileid.u32  }
0x2: {  	s1 =	rddreg [dreg:$0x0];
	s2 =	simm.s32 $0x0;
	s12 =	simm.s32 $0x80  }
0x3: {  	s13 =	simm.s32 $0x400;
	s14 =	simm.s32 $0x1;
	s15 =	simm.s32 $0x800  }
0x4: {  	s20 =	simm.s32 $0x2;
	s21 =	simm.s32 $0x880;
	s22 =	simm.s32 $0x2900  }
0x5: {  	s23 =	simm.s32 $0x3100;
	s24 =	simm.s32 $0x3900;
	s25 =	simm.s32 $0x4100  }
0x6: {  	s28 =	simm.s32 $0x4900;
	s29 =	simm.s32 $0x4;
	s30 =	simm.s32 $0x4B00  }
0x7: {  	s0 =	sand.u32 $0x1, s0;
	s3 =	sshll.u32 s9, $0x1;
	[smem:$0x7FF] =	sst s2  }
0x8: {  	s4 =	sshll.u32 s9, $0xB;
	s5 =	sadd.s32 $0xC3600, s1;
	s31 =	sshll.u32 s9, $0x8  }
0x9: {  	s7 =	sor.u32 s0, s3;
	_ =	strace $0x8000004A;
	s0 =	ssub.s32 $0x2, s0  }
0xa: {  	s3 =	sshll.u32 s7, $0x7;
	s26 =	sshrl.u32 s0, $0x1;
	s7 =	sshll.u32 s7, $0xE  }
0xb: {  	s6 =	sor.u32 s4, s3;
	s4 =	sadd.s32 $0x104600, s1;
	s0 =	ssub.s32 s0, s26  }
0xc: {  	s8 =	sand.u32 $0x6380, s6;
	s6 =	sadd.s32 $0x184600, s1;
	s7 =	sadd.s32 s4, s7  }
0xd: {  	s0 =	smax.u32 s0, $0x1;
	s8 =	sshrl.u32 s8, $0x3;
	[dreg:$0x2] =	wrdreg s7  }
0xe: {  	v0 =	vimm.f32 $0.0e+00;
	v1 =	vlaneseq.u32;
	s7 =	sadd.s32 $0x10, s7;
	[dreg:$0x5] =	wrdreg s0;
	s1 =	sadd.s32 s8, s1  }
0xf: {  	v2 =	vimm.s32 $0x0;
	vm0 =	vmmov $0xffff;
	v4 =	vshrl.u32 v1, $0x3;
	s26 =	simm.s32 $0x3;
	[dreg:$0x3] =	wrdreg s7;
	s1 =	sadd.s32 $0x1C4600, s1  }
0x10: {  	v3 =	vand.u32 $0x7, v1;
	v5 =	vor.u32 $0x8, v1;
	v4 =	vmul.u32 $0x8, v4;
	s8 =	sand.u32 $0xC00, s31;
	s7 =	simm.s32 $0x0;
	[dreg:$0x4] =	wrdreg s1  }
.LBB2_1:
0x11: {  	[dreg:$0x6] =	wrdreg s7;
	s0 =	simm.s32 $0x40;
	s1 =	simm.s32 $0x0  }
.LBB2_2:
0x12: {  	p0 =	sne.s32 s0, $0xFC0;
	[tilespmem:s1+$0x4D00] =	vst v0;
	s1 =	smov.u32 s0;
	s0 =	sadd.s32 $0x40, s0  }
.Ltmp0:
0x13: {  	(pc) =	sbr.rel @p0 .LBB2_2-.Ltmp0, $2  }
0x14: {  	_ =	sdelay $0x2  }
0x15: {  	s1 =	sshra.s32 s1, $0x2  }
0x16: {  	[tilespmem:s1+$0x4D00] =	vst v0;
	s10 =	simm.s32 $0x0;
	s0 =	rddreg [dreg:$0x2]  }
0x17: {  	[tilespmem:s10], [sflag:$0x1] =	stream.strided.gather [hbm4b:s0+s12], $0x400, s13, s12, $0x38;
	[tilespmem:$0x5100] =	vst v63  }
0x18: {  	s31 =	rddreg [dreg:$0x3]  }
0x19: {  	[tilespmem:s13], [sflag:$0x2] =	stream.strided.gather [hbm4b:s31+s12], $0x400, s13, s12, $0x38;
	[tilespmem:$0x5100] =	vst v63  }
.LBB2_4:
0x1a: {  	_ =	swait.ge [sflag:s14], $0x400  }
0x1b: {  	s0 =	simm.s32 $0x40;
	[sflag:s14] =	ssyncset.done $0x0  }
0x1c: {  	v6 =	vimm.s32 $0x0;
	s1 =	simm.s32 $0x4D40;
	s7 =	simm.s32 $0x0;
	[sflag:s14] =	ssyncadd.s32 $0xFFFFFC00  }
.LBB2_5:
0x1d: {  	v7 =	vld [tilespmem:s0+$0xFFFFFFC0];
	_ =	sdelay $0x4  }
0x1e: {  	vm1 =	vge.f32 v7, $0.0e+00  }
0x1f: {  	v7 =	vsel vm1, $0x1, v2  }
0x20: {  	(xrf0) =	vadd.scan.msk.s32 $0xffff, v7;
	_ =	sdelay $0x5  }
0x21: {  	v7, _, _ =	vpop (xrf0)  }
0x22: {  	v7 =	vadd.s32 v7, v6  }
0x23: {  	v7 =	vadd.s32 $0xFFFFFFFF, v7  }
0x24: {  	vm2 =	vlt.s32 v7, $0x20  }
0x25: {  	vm2 =	vmand vm1, vm2;
	_ =	sdelay $0x3  }
0x26: {  	s9 =	sadd.s32 s7, s8  }
0x27: {  	v8 =	vor.u32 s9, v1  }
0x28: {  	[tilespmem:v7+s15+$0x0] =	vst.idx.msk vm2, v8  }
0x29: {  	v7 =	vld [tilespmem:s1+$0xFFFFFFC0];
	_ =	sdelay $0x3  }
0x2a: {  	v8 =	vsel vm2, $0x3F800000, v0  }
0x2b: {  	v7 =	vadd.f32 v8, v7;
	_ =	sdelay $0x1  }
0x2c: {  	[tilespmem:s1+$0xFFFFFFC0] =	vst v7  }
0x2d: {  	v7 =	vld [tilespmem:s0+$0xFFFFFFD0];
	_ =	sdelay $0x4  }
0x2e: {  	vm2 =	vge.f32 v7, $0.0e+00  }
0x2f: {  	v7 =	vsel vm2, $0x1, v2  }
0x30: {  	(xrf0) =	vadd.scan.msk.s32 $0xffff, v7;
	_ =	sdelay $0x1  }
0x31: {  	v7 =	vmpcnt.ones.xlane vm1;
	_ =	sdelay $0x3  }
0x32: {  	v6 =	vadd.s32 v6, v7;
	v7, _, _ =	vpop (xrf0)  }
0x33: {  	v7 =	vadd.s32 v7, v6  }
0x34: {  	v7 =	vadd.s32 $0xFFFFFFFF, v7  }
0x35: {  	vm1 =	vlt.s32 v7, $0x20  }
0x36: {  	vm1 =	vmand vm2, vm1;
	_ =	sdelay $0x3  }
0x37: {  	s11 =	sadd.s32 $0x10, s9  }
0x38: {  	v8 =	vor.u32 s11, v1  }
0x39: {  	[tilespmem:v7+s15+$0x0] =	vst.idx.msk vm1, v8  }
0x3a: {  	v7 =	vld [tilespmem:s1+$0xFFFFFFD0];
	_ =	sdelay $0x3  }
0x3b: {  	v8 =	vsel vm1, $0x3F800000, v0  }
0x3c: {  	v7 =	vadd.f32 v8, v7;
	_ =	sdelay $0x1  }
0x3d: {  	[tilespmem:s1+$0xFFFFFFD0] =	vst v7  }
0x3e: {  	v7 =	vld [tilespmem:s0+$0xFFFFFFE0];
	_ =	sdelay $0x4  }
0x3f: {  	vm1 =	vge.f32 v7, $0.0e+00  }
0x40: {  	v7 =	vsel vm1, $0x1, v2  }
0x41: {  	(xrf0) =	vadd.scan.msk.s32 $0xffff, v7;
	_ =	sdelay $0x1  }
0x42: {  	v7 =	vmpcnt.ones.xlane vm2;
	_ =	sdelay $0x3  }
0x43: {  	v6 =	vadd.s32 v6, v7;
	v7, _, _ =	vpop (xrf0)  }
0x44: {  	v7 =	vadd.s32 v7, v6  }
0x45: {  	v7 =	vadd.s32 $0xFFFFFFFF, v7  }
0x46: {  	vm2 =	vlt.s32 v7, $0x20  }
0x47: {  	vm2 =	vmand vm1, vm2;
	_ =	sdelay $0x3  }
0x48: {  	s16 =	sadd.s32 $0x20, s9  }
0x49: {  	v8 =	vor.u32 s16, v1  }
0x4a: {  	[tilespmem:v7+s15+$0x0] =	vst.idx.msk vm2, v8  }
0x4b: {  	v7 =	vld [tilespmem:s1+$0xFFFFFFE0];
	_ =	sdelay $0x3  }
0x4c: {  	v8 =	vsel vm2, $0x3F800000, v0  }
0x4d: {  	v7 =	vadd.f32 v8, v7;
	_ =	sdelay $0x1  }
0x4e: {  	[tilespmem:s1+$0xFFFFFFE0] =	vst v7  }
0x4f: {  	v7 =	vld [tilespmem:s0+$0xFFFFFFF0];
	_ =	sdelay $0x4  }
0x50: {  	vm2 =	vge.f32 v7, $0.0e+00  }
0x51: {  	v7 =	vsel vm2, $0x1, v2  }
0x52: {  	(xrf0) =	vadd.scan.msk.s32 $0xffff, v7;
	_ =	sdelay $0x1  }
0x53: {  	v7 =	vmpcnt.ones.xlane vm1;
	_ =	sdelay $0x3  }
0x54: {  	v6 =	vadd.s32 v6, v7;
	v7, _, _ =	vpop (xrf0)  }
0x55: {  	v7 =	vadd.s32 v7, v6  }
0x56: {  	v7 =	vadd.s32 $0xFFFFFFFF, v7  }
0x57: {  	vm1 =	vlt.s32 v7, $0x20  }
0x58: {  	vm1 =	vmand vm2, vm1;
	_ =	sdelay $0x3  }
0x59: {  	s17 =	sadd.s32 $0x30, s9  }
0x5a: {  	v8 =	vor.u32 s17, v1  }
0x5b: {  	[tilespmem:v7+s15+$0x0] =	vst.idx.msk vm1, v8  }
0x5c: {  	v7 =	vld [tilespmem:s1+$0xFFFFFFF0];
	_ =	sdelay $0x3  }
0x5d: {  	v8 =	vsel vm1, $0x3F800000, v0  }
0x5e: {  	v7 =	vadd.f32 v8, v7;
	_ =	sdelay $0x1  }
0x5f: {  	[tilespmem:s1+$0xFFFFFFF0] =	vst v7  }
0x60: {  	v7 =	vld [tilespmem:s0+$0x0];
	_ =	sdelay $0x4  }
0x61: {  	vm1 =	vge.f32 v7, $0.0e+00  }
0x62: {  	v7 =	vsel vm1, $0x1, v2  }
0x63: {  	(xrf0) =	vadd.scan.msk.s32 $0xffff, v7;
	_ =	sdelay $0x1  }
0x64: {  	v7 =	vmpcnt.ones.xlane vm2;
	_ =	sdelay $0x3  }
0x65: {  	v6 =	vadd.s32 v6, v7;
	v7, _, _ =	vpop (xrf0)  }
0x66: {  	v7 =	vadd.s32 v7, v6  }
0x67: {  	v7 =	vadd.s32 $0xFFFFFFFF, v7  }
0x68: {  	vm2 =	vlt.s32 v7, $0x20  }
0x69: {  	vm2 =	vmand vm1, vm2;
	_ =	sdelay $0x3  }
0x6a: {  	s18 =	sadd.s32 $0x40, s9  }
0x6b: {  	v8 =	vor.u32 s18, v1  }
0x6c: {  	[tilespmem:v7+s15+$0x0] =	vst.idx.msk vm2, v8  }
0x6d: {  	v7 =	vld [tilespmem:s1+$0x0];
	_ =	sdelay $0x3  }
0x6e: {  	v8 =	vsel vm2, $0x3F800000, v0  }
0x6f: {  	v7 =	vadd.f32 v8, v7;
	_ =	sdelay $0x1  }
0x70: {  	[tilespmem:s1+$0x0] =	vst v7  }
0x71: {  	v7 =	vld [tilespmem:s0+$0x10];
	_ =	sdelay $0x4  }
0x72: {  	vm2 =	vge.f32 v7, $0.0e+00  }
0x73: {  	v7 =	vsel vm2, $0x1, v2  }
0x74: {  	(xrf0) =	vadd.scan.msk.s32 $0xffff, v7;
	_ =	sdelay $0x1  }
0x75: {  	v7 =	vmpcnt.ones.xlane vm1;
	_ =	sdelay $0x3  }
0x76: {  	v6 =	vadd.s32 v6, v7;
	v7, _, _ =	vpop (xrf0)  }
0x77: {  	v7 =	vadd.s32 v7, v6  }
0x78: {  	v7 =	vadd.s32 $0xFFFFFFFF, v7  }
0x79: {  	vm1 =	vlt.s32 v7, $0x20  }
0x7a: {  	vm1 =	vmand vm2, vm1;
	_ =	sdelay $0x3  }
0x7b: {  	s19 =	sadd.s32 $0x50, s9  }
0x7c: {  	v8 =	vor.u32 s19, v1  }
0x7d: {  	[tilespmem:v7+s15+$0x0] =	vst.idx.msk vm1, v8  }
0x7e: {  	v7 =	vld [tilespmem:s1+$0x10];
	_ =	sdelay $0x3  }
0x7f: {  	v8 =	vsel vm1, $0x3F800000, v0  }
0x80: {  	v7 =	vadd.f32 v8, v7;
	_ =	sdelay $0x1  }
0x81: {  	[tilespmem:s1+$0x10] =	vst v7  }
0x82: {  	v7 =	vld [tilespmem:s0+$0x20];
	_ =	sdelay $0x4  }
0x83: {  	vm1 =	vge.f32 v7, $0.0e+00  }
0x84: {  	v7 =	vsel vm1, $0x1, v2  }
0x85: {  	(xrf0) =	vadd.scan.msk.s32 $0xffff, v7;
	_ =	sdelay $0x1  }
0x86: {  	v7 =	vmpcnt.ones.xlane vm2;
	_ =	sdelay $0x3  }
0x87: {  	v6 =	vadd.s32 v6, v7;
	v7, _, _ =	vpop (xrf0)  }
0x88: {  	v7 =	vadd.s32 v7, v6  }
0x89: {  	v7 =	vadd.s32 $0xFFFFFFFF, v7  }
0x8a: {  	vm2 =	vlt.s32 v7, $0x20  }
0x8b: {  	vm2 =	vmand vm1, vm2;
	_ =	sdelay $0x3  }
0x8c: {  	s31 =	sadd.s32 $0x60, s9  }
0x8d: {  	v8 =	vor.u32 s31, v1  }
0x8e: {  	[tilespmem:v7+s15+$0x0] =	vst.idx.msk vm2, v8  }
0x8f: {  	v7 =	vld [tilespmem:s1+$0x20];
	_ =	sdelay $0x3  }
0x90: {  	v8 =	vsel vm2, $0x3F800000, v0  }
0x91: {  	v7 =	vadd.f32 v8, v7;
	_ =	sdelay $0x1  }
0x92: {  	[tilespmem:s1+$0x20] =	vst v7  }
0x93: {  	v7 =	vld [tilespmem:s0+$0x30];
	_ =	sdelay $0x4  }
0x94: {  	vm2 =	vge.f32 v7, $0.0e+00  }
0x95: {  	v7 =	vsel vm2, $0x1, v2  }
0x96: {  	(xrf0) =	vadd.scan.msk.s32 $0xffff, v7;
	_ =	sdelay $0x1  }
0x97: {  	v7 =	vmpcnt.ones.xlane vm1;
	_ =	sdelay $0x3  }
0x98: {  	v6 =	vadd.s32 v6, v7;
	v7, _, _ =	vpop (xrf0)  }
0x99: {  	v7 =	vadd.s32 v7, v6  }
0x9a: {  	v7 =	vadd.s32 $0xFFFFFFFF, v7  }
0x9b: {  	vm1 =	vlt.s32 v7, $0x20  }
0x9c: {  	vm1 =	vmand vm2, vm1;
	_ =	sdelay $0x3  }
0x9d: {  	s9 =	sadd.s32 $0x70, s9  }
0x9e: {  	v8 =	vor.u32 s9, v1  }
0x9f: {  	[tilespmem:v7+s15+$0x0] =	vst.idx.msk vm1, v8  }
0xa0: {  	v7 =	vld [tilespmem:s1+$0x30];
	_ =	sdelay $0x1  }
0xa1: {  	p0 =	sne.s32 s7, $0x380  }
.Ltmp1:
0xa2: {  	_ = 	snop;
	(pc) =	sbr.rel @p0 .LBB2_5-.Ltmp1, $3  }
0xa3: {  	v8 =	vsel vm1, $0x3F800000, v0  }
0xa4: {  	v7 =	vadd.f32 v8, v7;
	v8 =	vmpcnt.ones.xlane vm2;
	_ =	sdelay $0x1  }
0xa5: {  	s7 =	sadd.s32 $0x80, s7;
	s0 =	sadd.s32 $0x80, s0;
	[tilespmem:s1+$0x30] =	vst v7;
	v6 =	vadd.s32 v6, v8;
	s1 =	sadd.s32 $0x80, s1  }
0xa6: {  	v6 =	vld [tilespmem:$0x800];
	_ =	sdelay $0x4  }
0xa7: {  	v7 =	vshll.u32 v6, $0x1  }
0xa8: {  	v6 =	vand.u32 $0x7, v6;
	v7 =	vand.u32 $0xFFFFFFF0, v7  }
0xa9: {  	v6 =	vor.u32 v6, v7  }
0xaa: {  	v7 =	vperm.xlane v6, v3;
	_ =	sdelay $0x1  }
0xab: {  	v6 =	vperm.xlane v6, v5;
	v7 =	vadd.s32 v4, v7;
	_ =	sdelay $0x1  }
0xac: {  	v6 =	vadd.s32 v4, v6;
	_ =	sdelay $0x1  }
0xad: {  	s0 =	simm.s32 $0x0;
	s1 =	simm.s32 $0x900  }
0xae: {  	[tilespmem:s1], [sflag:$0x3] =	stream.indirect_vreg.gather [hbm4b:s5+s0], $0x80, v7, vm0, $0xb8;
	[tilespmem:$0x5100] =	vst v63  }
0xaf: {  	s17 =	simm.s32 $0x1100  }
0xb0: {  	[tilespmem:s17], [sflag:$0x3] =	stream.indirect_vreg.gather [hbm4b:s5+s0], $0x80, v6, vm0, $0xb8;
	[tilespmem:$0x5100] =	vst v63  }
0xb1: {  	v6 =	vld [tilespmem:$0x810];
	_ =	sdelay $0x4  }
0xb2: {  	v7 =	vshll.u32 v6, $0x1  }
0xb3: {  	v6 =	vand.u32 $0x7, v6;
	v7 =	vand.u32 $0xFFFFFFF0, v7  }
0xb4: {  	v6 =	vor.u32 v6, v7  }
0xb5: {  	v7 =	vperm.xlane v6, v3;
	_ =	sdelay $0x1  }
0xb6: {  	s7 =	sshll.u32 s10, $0x1;
	v6 =	vperm.xlane v6, v5;
	v7 =	vadd.s32 v4, v7  }
0xb7: {  	s31 =	smin.u32 s7, $0x7D  }
0xb8: {  	s1 =	sadd.s32 $0x2, s31;
	v6 =	vadd.s32 v4, v6  }
0xb9: {  	s9 =	sadd.s32 s3, s1;
	s1 =	sshll.u32 s1, $0x4  }
0xba: {  	s18 =	simm.s32 $0x1900;
	s9 =	sshll.u32 s9, $0x7;
	s1 =	sand.u32 $0x70, s1  }
0xbb: {  	[tilespmem:s18], [sflag:$0x3] =	stream.indirect_vreg.gather [hbm4b:s5+s0], $0x80, v7, vm0, $0xb8;
	[tilespmem:$0x5100] =	vst v63  }
0xbc: {  	s19 =	simm.s32 $0x2100;
	s9 =	sand.u32 $0xFFC00, s9;
	s1 =	sadd.s32 s4, s1  }
0xbd: {  	[tilespmem:s19], [sflag:$0x3] =	stream.indirect_vreg.gather [hbm4b:s5+s0], $0x80, v6, vm0, $0xb8;
	[tilespmem:$0x5100] =	vst v63  }
0xbe: {  	s1 =	sadd.s32 s9, s1  }
0xbf: {  	[tilespmem:s0], [sflag:$0x1] =	stream.strided.gather [hbm4b:s1+s12], $0x400, s13, s12, $0x38;
	[tilespmem:$0x5100] =	vst v63  }
0xc0: {  	_ =	swait.ge [sflag:s20], $0x400  }
0xc1: {  	[sflag:s20] =	ssyncset.done $0x0  }
0xc2: {  	s9 =	simm.s32 $0x4D40;
	v6 =	vimm.s32 $0x0;
	s1 =	simm.s32 $0x440;
	[sflag:s20] =	ssyncadd.s32 $0xFFFFFC00  }
.LBB2_7:
0xc3: {  	v7 =	vld [tilespmem:s1+$0xFFFFFFC0];
	_ =	sdelay $0x4  }
0xc4: {  	vm1 =	vge.f32 v7, $0.0e+00  }
0xc5: {  	v7 =	vsel vm1, $0x1, v2  }
0xc6: {  	(xrf0) =	vadd.scan.msk.s32 $0xffff, v7;
	_ =	sdelay $0x5  }
0xc7: {  	v7, _, _ =	vpop (xrf0)  }
0xc8: {  	v7 =	vadd.s32 v7, v6  }
0xc9: {  	v7 =	vadd.s32 $0xFFFFFFFF, v7  }
0xca: {  	vm2 =	vlt.s32 v7, $0x20  }
0xcb: {  	vm2 =	vmand vm1, vm2;
	_ =	sdelay $0x3  }
0xcc: {  	s11 =	sadd.s32 s0, s8  }
0xcd: {  	v8 =	vor.u32 s11, v1  }
0xce: {  	[tilespmem:v7+s21+$0x0] =	vst.idx.msk vm2, v8  }
0xcf: {  	v7 =	vld [tilespmem:s9+$0xFFFFFFC0];
	_ =	sdelay $0x3  }
0xd0: {  	v8 =	vsel vm2, $0x3F800000, v0  }
0xd1: {  	v7 =	vadd.f32 v8, v7;
	_ =	sdelay $0x1  }
0xd2: {  	[tilespmem:s9+$0xFFFFFFC0] =	vst v7  }
0xd3: {  	v7 =	vld [tilespmem:s1+$0xFFFFFFD0];
	_ =	sdelay $0x4  }
0xd4: {  	vm2 =	vge.f32 v7, $0.0e+00  }
0xd5: {  	v7 =	vsel vm2, $0x1, v2  }
0xd6: {  	(xrf0) =	vadd.scan.msk.s32 $0xffff, v7;
	_ =	sdelay $0x1  }
0xd7: {  	v7 =	vmpcnt.ones.xlane vm1;
	_ =	sdelay $0x3  }
0xd8: {  	v6 =	vadd.s32 v6, v7;
	v7, _, _ =	vpop (xrf0)  }
0xd9: {  	v7 =	vadd.s32 v7, v6  }
0xda: {  	v7 =	vadd.s32 $0xFFFFFFFF, v7  }
0xdb: {  	vm1 =	vlt.s32 v7, $0x20  }
0xdc: {  	vm1 =	vmand vm2, vm1;
	_ =	sdelay $0x3  }
0xdd: {  	s16 =	sadd.s32 $0x10, s11  }
0xde: {  	v8 =	vor.u32 s16, v1  }
0xdf: {  	[tilespmem:v7+s21+$0x0] =	vst.idx.msk vm1, v8  }
0xe0: {  	v7 =	vld [tilespmem:s9+$0xFFFFFFD0];
	_ =	sdelay $0x3  }
0xe1: {  	v8 =	vsel vm1, $0x3F800000, v0  }
0xe2: {  	v7 =	vadd.f32 v8, v7;
	_ =	sdelay $0x1  }
0xe3: {  	[tilespmem:s9+$0xFFFFFFD0] =	vst v7  }
0xe4: {  	v7 =	vld [tilespmem:s1+$0xFFFFFFE0];
	_ =	sdelay $0x4  }
0xe5: {  	vm1 =	vge.f32 v7, $0.0e+00  }
0xe6: {  	v7 =	vsel vm1, $0x1, v2  }
0xe7: {  	(xrf0) =	vadd.scan.msk.s32 $0xffff, v7;
	_ =	sdelay $0x1  }
0xe8: {  	v7 =	vmpcnt.ones.xlane vm2;
	_ =	sdelay $0x3  }
0xe9: {  	v6 =	vadd.s32 v6, v7;
	v7, _, _ =	vpop (xrf0)  }
0xea: {  	v7 =	vadd.s32 v7, v6  }
0xeb: {  	v7 =	vadd.s32 $0xFFFFFFFF, v7  }
0xec: {  	vm2 =	vlt.s32 v7, $0x20  }
0xed: {  	vm2 =	vmand vm1, vm2;
	_ =	sdelay $0x3  }
0xee: {  	s31 =	sadd.s32 $0x20, s11  }
0xef: {  	v8 =	vor.u32 s31, v1  }
0xf0: {  	[tilespmem:v7+s21+$0x0] =	vst.idx.msk vm2, v8  }
0xf1: {  	v7 =	vld [tilespmem:s9+$0xFFFFFFE0];
	_ =	sdelay $0x3  }
0xf2: {  	v8 =	vsel vm2, $0x3F800000, v0  }
0xf3: {  	v7 =	vadd.f32 v8, v7;
	_ =	sdelay $0x1  }
0xf4: {  	[tilespmem:s9+$0xFFFFFFE0] =	vst v7  }
0xf5: {  	v7 =	vld [tilespmem:s1+$0xFFFFFFF0];
	_ =	sdelay $0x4  }
0xf6: {  	vm2 =	vge.f32 v7, $0.0e+00  }
0xf7: {  	v7 =	vsel vm2, $0x1, v2  }
0xf8: {  	(xrf0) =	vadd.scan.msk.s32 $0xffff, v7;
	_ =	sdelay $0x1  }
0xf9: {  	v7 =	vmpcnt.ones.xlane vm1;
	_ =	sdelay $0x3  }
0xfa: {  	v6 =	vadd.s32 v6, v7;
	v7, _, _ =	vpop (xrf0)  }
0xfb: {  	v7 =	vadd.s32 v7, v6  }
0xfc: {  	v7 =	vadd.s32 $0xFFFFFFFF, v7  }
0xfd: {  	vm1 =	vlt.s32 v7, $0x20  }
0xfe: {  	vm1 =	vmand vm2, vm1;
	_ =	sdelay $0x3  }
0xff: {  	s17 =	sadd.s32 $0x30, s11  }
0x100: {  	v8 =	vor.u32 s17, v1  }
0x101: {  	[tilespmem:v7+s21+$0x0] =	vst.idx.msk vm1, v8  }
0x102: {  	v7 =	vld [tilespmem:s9+$0xFFFFFFF0];
	_ =	sdelay $0x3  }
0x103: {  	v8 =	vsel vm1, $0x3F800000, v0  }
0x104: {  	v7 =	vadd.f32 v8, v7;
	_ =	sdelay $0x1  }
0x105: {  	[tilespmem:s9+$0xFFFFFFF0] =	vst v7  }
0x106: {  	v7 =	vld [tilespmem:s1+$0x0];
	_ =	sdelay $0x4  }
0x107: {  	vm1 =	vge.f32 v7, $0.0e+00  }
0x108: {  	v7 =	vsel vm1, $0x1, v2  }
0x109: {  	(xrf0) =	vadd.scan.msk.s32 $0xffff, v7;
	_ =	sdelay $0x1  }
0x10a: {  	v7 =	vmpcnt.ones.xlane vm2;
	_ =	sdelay $0x3  }
0x10b: {  	v6 =	vadd.s32 v6, v7;
	v7, _, _ =	vpop (xrf0)  }
0x10c: {  	v7 =	vadd.s32 v7, v6  }
0x10d: {  	v7 =	vadd.s32 $0xFFFFFFFF, v7  }
0x10e: {  	vm2 =	vlt.s32 v7, $0x20  }
0x10f: {  	vm2 =	vmand vm1, vm2;
	_ =	sdelay $0x3  }
0x110: {  	s18 =	sadd.s32 $0x40, s11  }
0x111: {  	v8 =	vor.u32 s18, v1  }
0x112: {  	[tilespmem:v7+s21+$0x0] =	vst.idx.msk vm2, v8  }
0x113: {  	v7 =	vld [tilespmem:s9+$0x0];
	_ =	sdelay $0x3  }
0x114: {  	v8 =	vsel vm2, $0x3F800000, v0  }
0x115: {  	v7 =	vadd.f32 v8, v7;
	_ =	sdelay $0x1  }
0x116: {  	[tilespmem:s9+$0x0] =	vst v7  }
0x117: {  	v7 =	vld [tilespmem:s1+$0x10];
	_ =	sdelay $0x4  }
0x118: {  	vm2 =	vge.f32 v7, $0.0e+00  }
0x119: {  	v7 =	vsel vm2, $0x1, v2  }
0x11a: {  	(xrf0) =	vadd.scan.msk.s32 $0xffff, v7;
	_ =	sdelay $0x1  }
0x11b: {  	v7 =	vmpcnt.ones.xlane vm1;
	_ =	sdelay $0x3  }
0x11c: {  	v6 =	vadd.s32 v6, v7;
	v7, _, _ =	vpop (xrf0)  }
0x11d: {  	v7 =	vadd.s32 v7, v6  }
0x11e: {  	v7 =	vadd.s32 $0xFFFFFFFF, v7  }
0x11f: {  	vm1 =	vlt.s32 v7, $0x20  }
0x120: {  	vm1 =	vmand vm2, vm1;
	_ =	sdelay $0x3  }
0x121: {  	s19 =	sadd.s32 $0x50, s11  }
0x122: {  	v8 =	vor.u32 s19, v1  }
0x123: {  	[tilespmem:v7+s21+$0x0] =	vst.idx.msk vm1, v8  }
0x124: {  	v7 =	vld [tilespmem:s9+$0x10];
	_ =	sdelay $0x3  }
0x125: {  	v8 =	vsel vm1, $0x3F800000, v0  }
0x126: {  	v7 =	vadd.f32 v8, v7;
	_ =	sdelay $0x1  }
0x127: {  	[tilespmem:s9+$0x10] =	vst v7  }
0x128: {  	v7 =	vld [tilespmem:s1+$0x20];
	_ =	sdelay $0x4  }
0x129: {  	vm1 =	vge.f32 v7, $0.0e+00  }
0x12a: {  	v7 =	vsel vm1, $0x1, v2  }
0x12b: {  	(xrf0) =	vadd.scan.msk.s32 $0xffff, v7;
	_ =	sdelay $0x1  }
0x12c: {  	v7 =	vmpcnt.ones.xlane vm2;
	_ =	sdelay $0x3  }
0x12d: {  	v6 =	vadd.s32 v6, v7;
	v7, _, _ =	vpop (xrf0)  }
0x12e: {  	v7 =	vadd.s32 v7, v6  }
0x12f: {  	v7 =	vadd.s32 $0xFFFFFFFF, v7  }
0x130: {  	vm2 =	vlt.s32 v7, $0x20  }
0x131: {  	vm2 =	vmand vm1, vm2;
	_ =	sdelay $0x3  }
0x132: {  	s31 =	sadd.s32 $0x60, s11  }
0x133: {  	v8 =	vor.u32 s31, v1  }
0x134: {  	[tilespmem:v7+s21+$0x0] =	vst.idx.msk vm2, v8  }
0x135: {  	v7 =	vld [tilespmem:s9+$0x20];
	_ =	sdelay $0x3  }
0x136: {  	v8 =	vsel vm2, $0x3F800000, v0  }
0x137: {  	v7 =	vadd.f32 v8, v7;
	_ =	sdelay $0x1  }
0x138: {  	[tilespmem:s9+$0x20] =	vst v7  }
0x139: {  	v7 =	vld [tilespmem:s1+$0x30];
	_ =	sdelay $0x4  }
0x13a: {  	vm2 =	vge.f32 v7, $0.0e+00  }
0x13b: {  	v7 =	vsel vm2, $0x1, v2  }
0x13c: {  	(xrf0) =	vadd.scan.msk.s32 $0xffff, v7;
	_ =	sdelay $0x1  }
0x13d: {  	v7 =	vmpcnt.ones.xlane vm1;
	_ =	sdelay $0x3  }
0x13e: {  	v6 =	vadd.s32 v6, v7;
	v7, _, _ =	vpop (xrf0)  }
0x13f: {  	v7 =	vadd.s32 v7, v6  }
0x140: {  	v7 =	vadd.s32 $0xFFFFFFFF, v7  }
0x141: {  	vm1 =	vlt.s32 v7, $0x20  }
0x142: {  	vm1 =	vmand vm2, vm1;
	_ =	sdelay $0x3  }
0x143: {  	s11 =	sadd.s32 $0x70, s11  }
0x144: {  	v8 =	vor.u32 s11, v1  }
0x145: {  	[tilespmem:v7+s21+$0x0] =	vst.idx.msk vm1, v8  }
0x146: {  	v7 =	vld [tilespmem:s9+$0x30];
	_ =	sdelay $0x1  }
0x147: {  	p0 =	sne.s32 s0, $0x380  }
.Ltmp2:
0x148: {  	_ = 	snop;
	(pc) =	sbr.rel @p0 .LBB2_7-.Ltmp2, $3  }
0x149: {  	v8 =	vsel vm1, $0x3F800000, v0  }
0x14a: {  	v7 =	vadd.f32 v8, v7;
	v8 =	vmpcnt.ones.xlane vm2;
	_ =	sdelay $0x1  }
0x14b: {  	s0 =	sadd.s32 $0x80, s0;
	s1 =	sadd.s32 $0x80, s1;
	[tilespmem:s9+$0x30] =	vst v7;
	v6 =	vadd.s32 v6, v8;
	s9 =	sadd.s32 $0x80, s9  }
0x14c: {  	v6 =	vld [tilespmem:$0x880];
	_ =	sdelay $0x4  }
0x14d: {  	v7 =	vshll.u32 v6, $0x1  }
0x14e: {  	v6 =	vand.u32 $0x7, v6;
	v7 =	vand.u32 $0xFFFFFFF0, v7  }
0x14f: {  	v6 =	vor.u32 v6, v7  }
0x150: {  	v7 =	vperm.xlane v6, v3;
	_ =	sdelay $0x1  }
0x151: {  	v6 =	vperm.xlane v6, v5;
	v7 =	vadd.s32 v4, v7;
	_ =	sdelay $0x1  }
0x152: {  	v6 =	vadd.s32 v4, v6;
	_ =	sdelay $0x2  }
0x153: {  	[tilespmem:s22], [sflag:$0x4] =	stream.indirect_vreg.gather [hbm4b:s5+s2], $0x80, v7, vm0, $0xb8;
	[tilespmem:$0x5100] =	vst v63  }
0x154: {  	_ = 	snop  }
0x155: {  	[tilespmem:s23], [sflag:$0x4] =	stream.indirect_vreg.gather [hbm4b:s5+s2], $0x80, v6, vm0, $0xb8;
	[tilespmem:$0x5100] =	vst v63  }
0x156: {  	v6 =	vld [tilespmem:$0x890];
	_ =	sdelay $0x4  }
0x157: {  	v7 =	vshll.u32 v6, $0x1  }
0x158: {  	v6 =	vand.u32 $0x7, v6;
	v7 =	vand.u32 $0xFFFFFFF0, v7  }
0x159: {  	v6 =	vor.u32 v6, v7  }
0x15a: {  	v7 =	vperm.xlane v6, v3;
	_ =	sdelay $0x1  }
0x15b: {  	v6 =	vperm.xlane v6, v5;
	v7 =	vadd.s32 v4, v7  }
0x15c: {  	s0 =	smin.u32 s7, $0x7C  }
0x15d: {  	s0 =	sadd.s32 $0x3, s0;
	v6 =	vadd.s32 v4, v6  }
0x15e: {  	s1 =	sadd.s32 s3, s0;
	s0 =	sshll.u32 s0, $0x4  }
0x15f: {  	s1 =	sshll.u32 s1, $0x7;
	s0 =	sand.u32 $0x70, s0  }
0x160: {  	[tilespmem:s24], [sflag:$0x4] =	stream.indirect_vreg.gather [hbm4b:s5+s2], $0x80, v7, vm0, $0xb8;
	[tilespmem:$0x5100] =	vst v63  }
0x161: {  	s1 =	sand.u32 $0xFFC00, s1;
	s0 =	sadd.s32 s4, s0  }
0x162: {  	[tilespmem:s25], [sflag:$0x4] =	stream.indirect_vreg.gather [hbm4b:s5+s2], $0x80, v6, vm0, $0xb8;
	[tilespmem:$0x5100] =	vst v63  }
0x163: {  	s0 =	sadd.s32 s1, s0  }
0x164: {  	[tilespmem:s13], [sflag:$0x2] =	stream.strided.gather [hbm4b:s0+s12], $0x400, s13, s12, $0x38;
	[tilespmem:$0x5100] =	vst v63  }
0x165: {  	_ =	swait.ge [sflag:s26], $0x2000  }
0x166: {  	p0 =	seq.s32 s10, $0x0;
	[sflag:s26] =	ssyncset.done $0x0  }
0x167: {  	s0 =	simm.s32 @!p0 $0x5;
	[sflag:s26] =	ssyncadd.s32 $0xFFFFE000  }
0x168: {  	s9 =	simm.s32 $0x0;
	s19 =	simm.s32 $0x0;
	_ =	swait.ge @!p0 [sflag:s0], $0x200  }
0x169: {  	s31 =	sand.u32 $0x70, s9;
	s1 =	sand.u32 $0x3FFFFC00, s19;
	[sflag:s0] =	ssyncset.done @!p0 $0x0  }
0x16a: {  	s1 =	sor.u32 s31, s1;
	[sflag:s0] =	ssyncadd.s32 @!p0 $0xFFFFFE00  }
0x16b: {  	v14 =	vld [tilespmem:s1+$0x1100]  }
0x16c: {  	v15 =	vld [tilespmem:s1+$0xC00]  }
0x16d: {  	v6 =	vld [tilespmem:s1+$0xC80]  }
0x16e: {  	v16 =	vld [tilespmem:s1+$0xB00]  }
0x16f: {  	v9 =	vld [tilespmem:s1+$0xB80]  }
0x170: {  	v17 =	vld [tilespmem:s1+$0xA80]  }
0x171: {  	v7 =	vld [tilespmem:s1+$0xA00]  }
0x172: {  	v13 =	vld [tilespmem:s1+$0x900]  }
0x173: {  	v19 =	vld [tilespmem:s1+$0x980]  }
0x174: {  	v12 =	vld [tilespmem:s1+$0x1900]  }
0x175: {  	v10 =	vld [tilespmem:s1+$0x1180]  }
0x176: {  	v8 =	vld [tilespmem:s1+$0x1280]  }
0x177: {  	v11 =	vld [tilespmem:s1+$0x1B00];
	v20 =	vmax.f32 v13, v7;
	v18 =	vadd.f32 v7, v13  }
0x178: {  	s11 =	sor.u32 $0x1, s7;
	s16 =	simm.s32 $0x1;
	s0 =	simm.s32 $0x0;
	v7 =	vld [tilespmem:s1+$0x1480];
	v13 =	vmax.f32 v19, v17;
	v19 =	vadd.f32 v17, v19;
	v17 =	vmax.f32 v20, v16  }
.LBB2_9:
0x179: {  	p1 =	sne.s32 s16, $0xF  }
0x17a: {  	v20 =	vld [tilespmem:s1+$0x1400];
	v16 =	vadd.f32 v16, v18;
	s9 =	sadd.s32 $0x10, s9;
	s17 =	smov.u32 s16;
	s16 =	sadd.s32 $0x1, s16  }
0x17b: {  	v18 =	vld [tilespmem:s1+$0x1200];
	v19 =	vadd.f32 v9, v19  }
0x17c: {  	v21 =	vld [tilespmem:s1+$0x1300];
	v16 =	vadd.f32 v15, v16  }
0x17d: {  	v22 =	vld [tilespmem:s1+$0x1380];
	v19 =	vadd.f32 v6, v19  }
0x17e: {  	v15 =	vmax.f32 v17, v15;
	v23 =	vld [tilespmem:s1+$0x2200];
	v16 =	vadd.f32 v14, v16  }
0x17f: {  	v14 =	vmax.f32 v15, v14;
	v17 =	vld [tilespmem:s1+$0x1A00];
	v15 =	vadd.f32 v10, v19  }
0x180: {  	s19 =	sshll.u32 s17, $0x7;
	v19 =	vld [tilespmem:s1+$0x1C00];
	v14 =	vmax.f32 v14, v18;
	v16 =	vadd.f32 v18, v16  }
0x181: {  	s18 =	sand.u32 $0x70, s9;
	s19 =	sand.u32 $0x3FFFFC00, s19;
	v18 =	vld [tilespmem:s1+$0x1980];
	v15 =	vadd.f32 v8, v15;
	v14 =	vmax.f32 v14, v21  }
0x182: {  	s19 =	sor.u32 s18, s19;
	v24 =	vld [tilespmem:s1+$0x2100];
	v16 =	vadd.f32 v21, v16;
	v14 =	vmax.f32 v14, v20  }
0x183: {  	v21 =	vld [tilespmem:s1+$0x1A80];
	v15 =	vadd.f32 v22, v15;
	v14 =	vmax.f32 v14, v12  }
0x184: {  	v25 =	vld [tilespmem:s1+$0x2300];
	v16 =	vadd.f32 v20, v16;
	v14 =	vmax.f32 v14, v17  }
0x185: {  	v20 =	vld [tilespmem:s1+$0x1B80];
	v15 =	vadd.f32 v7, v15;
	v14 =	vmax.f32 v14, v11  }
0x186: {  	v12 =	vadd.f32 v12, v16;
	v14 =	vmax.f32 v14, v19  }
0x187: {  	v16 =	vld [tilespmem:s1+$0x1C80];
	v15 =	vadd.f32 v18, v15;
	v14 =	vmax.f32 v14, v24  }
0x188: {  	v12 =	vadd.f32 v17, v12;
	v14 =	vmax.f32 v14, v23  }
0x189: {  	v9 =	vmax.f32 v13, v9;
	v17 =	vld [tilespmem:s1+$0x2180];
	v13 =	vadd.f32 v21, v15;
	v14 =	vmax.f32 v14, v25  }
0x18a: {  	v6 =	vmax.f32 v9, v6;
	v9 =	vadd.f32 v11, v12  }
0x18b: {  	v6 =	vmax.f32 v6, v10;
	v11 =	vld [tilespmem:s1+$0x2280];
	v10 =	vadd.f32 v20, v13  }
0x18c: {  	v6 =	vmax.f32 v6, v8;
	v8 =	vadd.f32 v19, v9  }
0x18d: {  	v6 =	vmax.f32 v6, v22;
	v9 =	vld [tilespmem:s1+$0x2380];
	v10 =	vadd.f32 v16, v10  }
0x18e: {  	v6 =	vmax.f32 v6, v7;
	v12 =	vld [tilespmem:s1+$0x2480];
	v7 =	vadd.f32 v24, v8  }
0x18f: {  	v6 =	vmax.f32 v6, v18;
	v8 =	vld [tilespmem:s1+$0x2400];
	v10 =	vadd.f32 v17, v10;
	s1 =	smov.u32 s19  }
0x190: {  	v6 =	vmax.f32 v6, v21;
	v7 =	vadd.f32 v23, v7  }
0x191: {  	v6 =	vmax.f32 v6, v20;
	v10 =	vadd.f32 v11, v10  }
0x192: {  	v6 =	vmax.f32 v6, v16;
	v7 =	vadd.f32 v25, v7  }
0x193: {  	v6 =	vmax.f32 v6, v17;
	v10 =	vadd.f32 v9, v10  }
0x194: {  	v6 =	vmax.f32 v6, v11;
	v7 =	vadd.f32 v8, v7  }
0x195: {  	s19 =	sshll.u32 s0, $0x5;
	s0 =	smov.u32 s17;
	v6 =	vmax.f32 v6, v9;
	v9 =	vadd.f32 v12, v10  }
0x196: {  	s17 =	sand.u32 $0x3FFFFF00, s19;
	v6 =	vmax.f32 v6, v12;
	v8 =	vmax.f32 v14, v8  }
0x197: {  	s17 =	sor.u32 s31, s17;
	s31 =	smov.u32 s18;
	v6 =	vmax.f32 v8, v6;
	v7 =	vadd.f32 v9, v7  }
0x198: {  	[tilespmem:s17+$0x4900] =	vst v6  }
0x199: {  	[tilespmem:s17+$0x4980] =	vst v7  }
0x19a: {  	v14 =	vld [tilespmem:s1+$0x1100]  }
0x19b: {  	v15 =	vld [tilespmem:s1+$0xC00]  }
0x19c: {  	v6 =	vld [tilespmem:s1+$0xC80]  }
0x19d: {  	v16 =	vld [tilespmem:s1+$0xB00]  }
0x19e: {  	v9 =	vld [tilespmem:s1+$0xB80]  }
0x19f: {  	v17 =	vld [tilespmem:s1+$0xA80]  }
0x1a0: {  	v7 =	vld [tilespmem:s1+$0xA00]  }
0x1a1: {  	v13 =	vld [tilespmem:s1+$0x900]  }
0x1a2: {  	v19 =	vld [tilespmem:s1+$0x980]  }
.Ltmp3:
0x1a3: {  	v12 =	vld [tilespmem:s1+$0x1900];
	(pc) =	sbr.rel @p1 .LBB2_9-.Ltmp3, $4  }
0x1a4: {  	v10 =	vld [tilespmem:s1+$0x1180]  }
0x1a5: {  	v8 =	vld [tilespmem:s1+$0x1280]  }
0x1a6: {  	v11 =	vld [tilespmem:s1+$0x1B00];
	v20 =	vmax.f32 v13, v7;
	v18 =	vadd.f32 v7, v13  }
0x1a7: {  	v7 =	vld [tilespmem:s1+$0x1480];
	v13 =	vmax.f32 v19, v17;
	v19 =	vadd.f32 v17, v19;
	v17 =	vmax.f32 v20, v16  }
0x1a8: {  	_ = 	snop  }
0x1a9: {  	v16 =	vadd.f32 v16, v18;
	v18 =	vadd.f32 v9, v19  }
0x1aa: {  	v19 =	vld [tilespmem:s1+$0x1200]  }
0x1ab: {  	v20 =	vld [tilespmem:s1+$0x1300];
	v16 =	vadd.f32 v15, v16;
	v18 =	vadd.f32 v6, v18  }
0x1ac: {  	v21 =	vld [tilespmem:s1+$0x1380]  }
0x1ad: {  	v16 =	vadd.f32 v14, v16;
	v18 =	vadd.f32 v10, v18  }
0x1ae: {  	v22 =	vld [tilespmem:s1+$0x1400]  }
0x1af: {  	v16 =	vadd.f32 v19, v16;
	v18 =	vadd.f32 v8, v18  }
0x1b0: {  	v23 =	vld [tilespmem:s1+$0x1980]  }
0x1b1: {  	v15 =	vmax.f32 v17, v15;
	v17 =	vld [tilespmem:s1+$0x1A00];
	v16 =	vadd.f32 v20, v16;
	v18 =	vadd.f32 v21, v18  }
0x1b2: {  	v14 =	vmax.f32 v15, v14;
	v15 =	vld [tilespmem:s1+$0x1A80]  }
0x1b3: {  	v14 =	vmax.f32 v14, v19;
	v16 =	vadd.f32 v22, v16;
	v18 =	vadd.f32 v7, v18  }
0x1b4: {  	v9 =	vmax.f32 v13, v9;
	v19 =	vld [tilespmem:s1+$0x1B80];
	v14 =	vmax.f32 v14, v20  }
0x1b5: {  	v20 =	vld [tilespmem:s1+$0x1C00];
	v14 =	vmax.f32 v14, v22;
	v16 =	vadd.f32 v12, v16;
	v18 =	vadd.f32 v23, v18  }
0x1b6: {  	v6 =	vmax.f32 v9, v6;
	v12 =	vmax.f32 v14, v12;
	v14 =	vld [tilespmem:s1+$0x1C80]  }
0x1b7: {  	v63 =	vld [tilespmem:s1+$0x2100];
	v6 =	vmax.f32 v6, v10;
	v16 =	vadd.f32 v17, v16;
	v13 =	vadd.f32 v15, v18  }
0x1b8: {  	v6 =	vmax.f32 v6, v8;
	v12 =	vmax.f32 v12, v17;
	v17 =	vld [tilespmem:s1+$0x2180]  }
0x1b9: {  	v9 =	vld [tilespmem:s1+$0x2200];
	v6 =	vmax.f32 v6, v21;
	v16 =	vadd.f32 v11, v16;
	v10 =	vadd.f32 v19, v13  }
0x1ba: {  	v6 =	vmax.f32 v6, v7;
	v11 =	vmax.f32 v12, v11;
	v12 =	vld [tilespmem:s1+$0x2280]  }
0x1bb: {  	v8 =	vld [tilespmem:s1+$0x2300];
	v6 =	vmax.f32 v6, v23;
	v13 =	vadd.f32 v20, v16;
	v10 =	vadd.f32 v14, v10  }
0x1bc: {  	v6 =	vmax.f32 v6, v15;
	v16 =	vld [tilespmem:s1+$0x2380]  }
0x1bd: {  	v7 =	vld [tilespmem:s1+$0x2480];
	v6 =	vmax.f32 v6, v19;
	v13 =	vadd.f32 v63, v13;
	v10 =	vadd.f32 v17, v10  }
0x1be: {  	v18 =	vld [tilespmem:s1+$0x2400];
	v11 =	vmax.f32 v11, v20;
	v6 =	vmax.f32 v6, v14  }
0x1bf: {  	v6 =	vmax.f32 v6, v17;
	v13 =	vadd.f32 v9, v13;
	v10 =	vadd.f32 v12, v10  }
0x1c0: {  	v11 =	vmax.f32 v11, v63;
	v6 =	vmax.f32 v6, v12  }
0x1c1: {  	v9 =	vmax.f32 v11, v9;
	v11 =	vadd.f32 v8, v13;
	v10 =	vadd.f32 v16, v10  }
0x1c2: {  	v6 =	vmax.f32 v6, v16  }
0x1c3: {  	s0 =	sshll.u32 s0, $0x5;
	v8 =	vmax.f32 v9, v8;
	v9 =	vadd.f32 v18, v11;
	v10 =	vadd.f32 v7, v10  }
0x1c4: {  	s0 =	sand.u32 $0x3FFFFF00, s0;
	v6 =	vmax.f32 v6, v7;
	v8 =	vmax.f32 v8, v18  }
0x1c5: {  	s18 =	sadd.s32 s3, s7;
	s0 =	sor.u32 s31, s0;
	v6 =	vmax.f32 v8, v6;
	v7 =	vadd.f32 v10, v9  }
0x1c6: {  	s1 =	sshll.u32 s18, $0x6;
	[tilespmem:s0+$0x4900] =	vst v6  }
0x1c7: {  	s19 =	sadd.s32 s6, s1;
	[tilespmem:s0+$0x4980] =	vst v7  }
0x1c8: {  	[hbm4b:s19+s2] =	stream.linear.scatter [tilespmem:s28], [sflag:$0x5], $0x200, $0x38;
	[tilespmem:$0x5100] =	vst v63  }
0x1c9: {  	_ =	swait.ge [sflag:s29], $0x2000  }
0x1ca: {  	[sflag:s29] =	ssyncset.done $0x0  }
0x1cb: {  	s0 =	simm.s32 @!p0 $0x6;
	[sflag:s29] =	ssyncadd.s32 $0xFFFFE000  }
0x1cc: {  	s9 =	simm.s32 $0x0;
	s31 =	simm.s32 $0x0;
	_ =	swait.ge @!p0 [sflag:s0], $0x200  }
0x1cd: {  	s7 =	sand.u32 $0x70, s9;
	s1 =	sand.u32 $0x3FFFFC00, s31;
	[sflag:s0] =	ssyncset.done @!p0 $0x0  }
0x1ce: {  	s1 =	sor.u32 s7, s1;
	[sflag:s0] =	ssyncadd.s32 @!p0 $0xFFFFFE00  }
0x1cf: {  	v14 =	vld [tilespmem:s1+$0x3100]  }
0x1d0: {  	v15 =	vld [tilespmem:s1+$0x2C00]  }
0x1d1: {  	v6 =	vld [tilespmem:s1+$0x2C80]  }
0x1d2: {  	v16 =	vld [tilespmem:s1+$0x2B00]  }
0x1d3: {  	v9 =	vld [tilespmem:s1+$0x2B80]  }
0x1d4: {  	v17 =	vld [tilespmem:s1+$0x2A80]  }
0x1d5: {  	v7 =	vld [tilespmem:s1+$0x2A00]  }
0x1d6: {  	v13 =	vld [tilespmem:s1+$0x2900]  }
0x1d7: {  	v19 =	vld [tilespmem:s1+$0x2980]  }
0x1d8: {  	v12 =	vld [tilespmem:s1+$0x3900]  }
0x1d9: {  	v10 =	vld [tilespmem:s1+$0x3180]  }
0x1da: {  	v8 =	vld [tilespmem:s1+$0x3280]  }
0x1db: {  	v11 =	vld [tilespmem:s1+$0x3B00];
	v20 =	vmax.f32 v13, v7;
	v18 =	vadd.f32 v7, v13  }
0x1dc: {  	s16 =	simm.s32 $0x1;
	s0 =	simm.s32 $0x0;
	v7 =	vld [tilespmem:s1+$0x3480];
	v13 =	vmax.f32 v19, v17;
	v19 =	vadd.f32 v17, v19;
	v17 =	vmax.f32 v20, v16  }
.LBB2_11:
0x1dd: {  	p0 =	sne.s32 s16, $0xF  }
0x1de: {  	v20 =	vld [tilespmem:s1+$0x3400];
	v16 =	vadd.f32 v16, v18;
	s9 =	sadd.s32 $0x10, s9;
	s17 =	smov.u32 s16;
	s16 =	sadd.s32 $0x1, s16  }
0x1df: {  	v18 =	vld [tilespmem:s1+$0x3200];
	v19 =	vadd.f32 v9, v19  }
0x1e0: {  	v21 =	vld [tilespmem:s1+$0x3300];
	v16 =	vadd.f32 v15, v16  }
0x1e1: {  	v22 =	vld [tilespmem:s1+$0x3380];
	v19 =	vadd.f32 v6, v19  }
0x1e2: {  	v15 =	vmax.f32 v17, v15;
	v23 =	vld [tilespmem:s1+$0x4200];
	v16 =	vadd.f32 v14, v16  }
0x1e3: {  	v14 =	vmax.f32 v15, v14;
	v17 =	vld [tilespmem:s1+$0x3A00];
	v15 =	vadd.f32 v10, v19  }
0x1e4: {  	s19 =	sshll.u32 s17, $0x7;
	v19 =	vld [tilespmem:s1+$0x3C00];
	v14 =	vmax.f32 v14, v18;
	v16 =	vadd.f32 v18, v16  }
0x1e5: {  	s18 =	sand.u32 $0x70, s9;
	s19 =	sand.u32 $0x3FFFFC00, s19;
	v18 =	vld [tilespmem:s1+$0x3980];
	v15 =	vadd.f32 v8, v15;
	v14 =	vmax.f32 v14, v21  }
0x1e6: {  	s19 =	sor.u32 s18, s19;
	v24 =	vld [tilespmem:s1+$0x4100];
	v16 =	vadd.f32 v21, v16;
	v14 =	vmax.f32 v14, v20  }
0x1e7: {  	v21 =	vld [tilespmem:s1+$0x3A80];
	v15 =	vadd.f32 v22, v15;
	v14 =	vmax.f32 v14, v12  }
0x1e8: {  	v25 =	vld [tilespmem:s1+$0x4300];
	v16 =	vadd.f32 v20, v16;
	v14 =	vmax.f32 v14, v17  }
0x1e9: {  	v20 =	vld [tilespmem:s1+$0x3B80];
	v15 =	vadd.f32 v7, v15;
	v14 =	vmax.f32 v14, v11  }
0x1ea: {  	v12 =	vadd.f32 v12, v16;
	v14 =	vmax.f32 v14, v19  }
0x1eb: {  	v16 =	vld [tilespmem:s1+$0x3C80];
	v15 =	vadd.f32 v18, v15;
	v14 =	vmax.f32 v14, v24  }
0x1ec: {  	v12 =	vadd.f32 v17, v12;
	v14 =	vmax.f32 v14, v23  }
0x1ed: {  	v9 =	vmax.f32 v13, v9;
	v17 =	vld [tilespmem:s1+$0x4180];
	v13 =	vadd.f32 v21, v15;
	v14 =	vmax.f32 v14, v25  }
0x1ee: {  	v6 =	vmax.f32 v9, v6;
	v9 =	vadd.f32 v11, v12  }
0x1ef: {  	v6 =	vmax.f32 v6, v10;
	v11 =	vld [tilespmem:s1+$0x4280];
	v10 =	vadd.f32 v20, v13  }
0x1f0: {  	v6 =	vmax.f32 v6, v8;
	v8 =	vadd.f32 v19, v9  }
0x1f1: {  	v6 =	vmax.f32 v6, v22;
	v9 =	vld [tilespmem:s1+$0x4380];
	v10 =	vadd.f32 v16, v10  }
0x1f2: {  	v6 =	vmax.f32 v6, v7;
	v12 =	vld [tilespmem:s1+$0x4480];
	v7 =	vadd.f32 v24, v8  }
0x1f3: {  	v6 =	vmax.f32 v6, v18;
	v8 =	vld [tilespmem:s1+$0x4400];
	v10 =	vadd.f32 v17, v10;
	s1 =	smov.u32 s19  }
0x1f4: {  	v6 =	vmax.f32 v6, v21;
	v7 =	vadd.f32 v23, v7  }
0x1f5: {  	v6 =	vmax.f32 v6, v20;
	v10 =	vadd.f32 v11, v10  }
0x1f6: {  	v6 =	vmax.f32 v6, v16;
	v7 =	vadd.f32 v25, v7  }
0x1f7: {  	v6 =	vmax.f32 v6, v17;
	v10 =	vadd.f32 v9, v10  }
0x1f8: {  	v6 =	vmax.f32 v6, v11;
	v7 =	vadd.f32 v8, v7  }
0x1f9: {  	s19 =	sshll.u32 s0, $0x5;
	s0 =	smov.u32 s17;
	v6 =	vmax.f32 v6, v9;
	v9 =	vadd.f32 v12, v10  }
0x1fa: {  	s17 =	sand.u32 $0x3FFFFF00, s19;
	v6 =	vmax.f32 v6, v12;
	v8 =	vmax.f32 v14, v8  }
0x1fb: {  	s17 =	sor.u32 s7, s17;
	s7 =	smov.u32 s18;
	v6 =	vmax.f32 v8, v6;
	v7 =	vadd.f32 v9, v7  }
0x1fc: {  	[tilespmem:s17+$0x4B00] =	vst v6  }
0x1fd: {  	[tilespmem:s17+$0x4B80] =	vst v7  }
0x1fe: {  	v14 =	vld [tilespmem:s1+$0x3100]  }
0x1ff: {  	v15 =	vld [tilespmem:s1+$0x2C00]  }
0x200: {  	v6 =	vld [tilespmem:s1+$0x2C80]  }
0x201: {  	v16 =	vld [tilespmem:s1+$0x2B00]  }
0x202: {  	v9 =	vld [tilespmem:s1+$0x2B80]  }
0x203: {  	v17 =	vld [tilespmem:s1+$0x2A80]  }
0x204: {  	v7 =	vld [tilespmem:s1+$0x2A00]  }
0x205: {  	v13 =	vld [tilespmem:s1+$0x2900]  }
0x206: {  	v19 =	vld [tilespmem:s1+$0x2980]  }
.Ltmp4:
0x207: {  	v12 =	vld [tilespmem:s1+$0x3900];
	(pc) =	sbr.rel @p0 .LBB2_11-.Ltmp4, $4  }
0x208: {  	v10 =	vld [tilespmem:s1+$0x3180]  }
0x209: {  	v8 =	vld [tilespmem:s1+$0x3280]  }
0x20a: {  	v11 =	vld [tilespmem:s1+$0x3B00];
	v20 =	vmax.f32 v13, v7;
	v18 =	vadd.f32 v7, v13  }
0x20b: {  	v7 =	vld [tilespmem:s1+$0x3480];
	v13 =	vmax.f32 v19, v17;
	v19 =	vadd.f32 v17, v19;
	v17 =	vmax.f32 v20, v16  }
0x20c: {  	_ = 	snop  }
0x20d: {  	v16 =	vadd.f32 v16, v18;
	v40 =	vadd.f32 v9, v19  }
0x20e: {  	v41 =	vld [tilespmem:s1+$0x3200]  }
0x20f: {  	v20 =	vld [tilespmem:s1+$0x3300];
	v16 =	vadd.f32 v15, v16;
	v18 =	vadd.f32 v6, v40  }
0x210: {  	v21 =	vld [tilespmem:s1+$0x3380]  }
0x211: {  	v16 =	vadd.f32 v14, v16;
	v18 =	vadd.f32 v10, v18  }
0x212: {  	v22 =	vld [tilespmem:s1+$0x3400]  }
0x213: {  	v16 =	vadd.f32 v41, v16;
	v18 =	vadd.f32 v8, v18  }
0x214: {  	v23 =	vld [tilespmem:s1+$0x3980]  }
0x215: {  	v43 =	vld [tilespmem:s1+$0x3A00];
	v16 =	vadd.f32 v20, v16;
	v18 =	vadd.f32 v21, v18  }
0x216: {  	v45 =	vld [tilespmem:s1+$0x3A80]  }
0x217: {  	v42 =	vmax.f32 v17, v15;
	v16 =	vadd.f32 v22, v16;
	v18 =	vadd.f32 v7, v18  }
0x218: {  	v46 =	vld [tilespmem:s1+$0x3B80];
	v51 =	vmax.f32 v13, v9;
	v44 =	vmax.f32 v42, v14  }
0x219: {  	v47 =	vld [tilespmem:s1+$0x3C00];
	v6 =	vmax.f32 v51, v6;
	v16 =	vadd.f32 v12, v16;
	v18 =	vadd.f32 v23, v18  }
0x21a: {  	v49 =	vld [tilespmem:s1+$0x3C80];
	v6 =	vmax.f32 v6, v10;
	v14 =	vmax.f32 v44, v41  }
0x21b: {  	v50 =	vld [tilespmem:s1+$0x4100];
	v6 =	vmax.f32 v6, v8;
	v16 =	vadd.f32 v43, v16;
	v52 =	vadd.f32 v45, v18  }
0x21c: {  	v53 =	vld [tilespmem:s1+$0x4180];
	v14 =	vmax.f32 v14, v20;
	v6 =	vmax.f32 v6, v21  }
0x21d: {  	v54 =	vld [tilespmem:s1+$0x4200];
	v6 =	vmax.f32 v6, v7;
	v16 =	vadd.f32 v11, v16;
	v55 =	vadd.f32 v46, v52  }
0x21e: {  	v57 =	vld [tilespmem:s1+$0x4280];
	v14 =	vmax.f32 v14, v22;
	v6 =	vmax.f32 v6, v23  }
0x21f: {  	v58 =	vld [tilespmem:s1+$0x4300];
	v6 =	vmax.f32 v6, v45;
	v59 =	vadd.f32 v47, v16;
	v10 =	vadd.f32 v49, v55  }
0x220: {  	v60 =	vld [tilespmem:s1+$0x4380];
	v48 =	vmax.f32 v14, v12;
	v6 =	vmax.f32 v6, v46  }
0x221: {  	v61 =	vld [tilespmem:s1+$0x4400];
	v6 =	vmax.f32 v6, v49;
	v13 =	vadd.f32 v50, v59;
	v10 =	vadd.f32 v53, v10  }
0x222: {  	v7 =	vld [tilespmem:s1+$0x4480];
	v12 =	vmax.f32 v48, v43;
	v6 =	vmax.f32 v6, v53  }
0x223: {  	v56 =	vmax.f32 v12, v11;
	v13 =	vadd.f32 v54, v13;
	v10 =	vadd.f32 v57, v10  }
0x224: {  	v6 =	vmax.f32 v6, v57;
	v11 =	vmax.f32 v56, v47  }
0x225: {  	v11 =	vmax.f32 v11, v50;
	v62 =	vadd.f32 v58, v13;
	v10 =	vadd.f32 v60, v10  }
0x226: {  	s10 =	sadd.s32 $0x1, s10;
	v6 =	vmax.f32 v6, v60;
	v9 =	vmax.f32 v11, v54  }
0x227: {  	s0 =	sshll.u32 s0, $0x5;
	p0 =	sne.s32 s10, $0x40;
	v8 =	vmax.f32 v9, v58;
	v63 =	vadd.f32 v61, v62;
	v10 =	vadd.f32 v7, v10  }
.Ltmp5:
0x228: {  	s19 =	sadd.s32 s3, s11;
	s0 =	sand.u32 $0x3FFFFF00, s0;
	v6 =	vmax.f32 v6, v7;
	v8 =	vmax.f32 v8, v61;
	(pc) =	sbr.rel @p0 .LBB2_4-.Ltmp5, $4  }
0x229: {  	s0 =	sor.u32 s7, s0;
	s1 =	sshll.u32 s19, $0x6;
	v6 =	vmax.f32 v8, v6;
	v7 =	vadd.f32 v10, v63  }
0x22a: {  	s1 =	sand.u32 $0x1FFFFFC0, s1;
	[tilespmem:s0+$0x4B00] =	vst v6  }
0x22b: {  	s31 =	sadd.s32 s6, s1;
	[tilespmem:s0+$0x4B80] =	vst v7  }
0x22c: {  	[hbm4b:s31+s2] =	stream.linear.scatter [tilespmem:s30], [sflag:$0x6], $0x200, $0x38;
	[tilespmem:$0x5100] =	vst v63  }
0x22d: {  	s0 =	simm.s32 $0x5  }
0x22e: {  	_ =	swait.ge [sflag:s0], $0x200  }
0x22f: {  	[sflag:s0] =	ssyncset.done $0x0  }
0x230: {  	s17 =	simm.s32 $0x6;
	[sflag:s0] =	ssyncadd.s32 $0xFFFFFE00  }
0x231: {  	_ =	swait.ge [sflag:s17], $0x200  }
0x232: {  	[sflag:s17] =	ssyncset.done $0x0  }
0x233: {  	[sflag:s17] =	ssyncadd.s32 $0xFFFFFE00  }
0x234: {  	_ =	swait.ge [sflag:s14], $0x400  }
0x235: {  	[sflag:s14] =	ssyncset.done $0x0  }
0x236: {  	[sflag:s14] =	ssyncadd.s32 $0xFFFFFC00  }
0x237: {  	_ =	swait.ge [sflag:s20], $0x400  }
0x238: {  	s1 =	simm.s32 $0x4D00;
	[sflag:s20] =	ssyncset.done $0x0  }
0x239: {  	s19 =	simm.s32 $0x7;
	s18 =	rddreg [dreg:$0x4];
	[sflag:s20] =	ssyncadd.s32 $0xFFFFFC00  }
0x23a: {  	[hbm4b:s18+s12] =	stream.strided.scatter [tilespmem:s1], [sflag:$0x7], $0x400, s13, s12, $0x38;
	[tilespmem:$0x5100] =	vst v63  }
0x23b: {  	_ =	swait.ge [sflag:s19], $0x400  }
0x23c: {  	s7 =	rddreg [dreg:$0x6]  }
0x23d: {  	s31 =	rddreg [dreg:$0x5];
	s7 =	sadd.s32 $0x1, s7  }
0x23e: {  	p0 =	sne.s32 s7, s31  }
.Ltmp6:
0x23f: {  	_ = 	snop;
	(pc) =	sbr.rel @p0 .LBB2_1-.Ltmp6, $3  }
0x240: {  	_ =	sdelay $0x1  }
0x241: {  	[sflag:s19] =	ssyncset.done $0x0  }
0x242: {  	[sflag:s19] =	ssyncadd.s32 $0xFFFFFC00  }
0x243: {  	_ =	sfence.sel $0x180000  }
0x244: {  	[bflag:$0x0] =	sbarrier.arrive $0xFFFF  }
0x245: {  	_ =	strace $0x9000004A  }
0x246: {  	s0 =	stileid.u32;
	[bflag:$0x2] =	sbarrier.arrive $0xFFFF  }
0x247: {  	p0 =	sne.s32 s0, $0x0;
	s0 =	rddreg [dreg:$0x1]  }
0x248: {  	s0 =	sadd.s32 @!p0 $0x100000, s0  }
0x249: {  	[sflag:s0] =	ssyncadd.tile.s32 @!p0 $0x1;
	_ =	shalt  }
.Lfunc_end2:
_tile_overlayer_lowered:
.L_overlay_start_2:
0x24a: {  	(tag) =	ssettag $0x2  }
0x24b: {  	s0 =	rddreg [dreg:$0x0];
	s2 =	stileid.u32  }
0x24c: {  	s1 =	rddreg [dreg:$0x1];
	p0 =	sne.s32 s2, $0x0  }
0x24d: {  	s3 =	rddreg [dreg:$0x2];
	[bflag:$0x3] =	sbarrier.arrive $0xFFFF;
	s2 =	simm.s32 @!p0 $0x1C07  }
0x24e: {  	[timem:s3], [sflag:s2] =	dma.local @!p0 [hbm:s0], s1  }
0x24f: {  	s0 =	simm.s32 @!p0 $0x7  }
0x250: {  	_ =	swait.ge @!p0 [sflag:s0], s1  }
0x251: {  	s1 =	ssub.s32 @!p0 $0x0, s1;
	[sflag:s0] =	ssyncset.done @!p0 $0x0  }
0x252: {  	[sflag:s0] =	ssyncadd.s32 @!p0 s1  }
0x253: {  	[bflag:$0x3] =	sbarrier.arrive $0xFFFF  }
0x254: {  	_ =	shalt  }

// kernel: kernel.13.cloned.1.call-start
scs
__scs_entry_jumppad:
0x0: {  	(pc) =	sbr.rel $0x88, $3  }
0x1: {  	(tag) =	ssettag $0x0;
	lr =	simm.s32 $0x1  }
0x2: {  	[smem:$0x3F9D] =	sst lr;
	_ =	strace $0xD0000000  }
0x3: {  	_ = 	snop  }
0x4: {  	_ = 	snop  }
0x5: {  	_ = 	snop  }
0x6: {  	_ = 	snop  }
0x7: {  	_ = 	snop  }
__scs_overlays_trampoline_lowered:
0x8: {  	[smem:$0x3FAC] =	sst s0  }
0x9: {  	[smem:$0x3FAD] =	sst s1  }
0xa: {  	[smem:$0x3FAE] =	sst s2  }
0xb: {  	[smem:$0x3FAF] =	sst s3  }
0xc: {  	[smem:$0x3FB0] =	sst s4  }
0xd: {  	[smem:$0x3FB1] =	sst s5  }
0xe: {  	[smem:$0x3FB2] =	sst s6  }
0xf: {  	[smem:$0x3FB3] =	sst s7  }
0x10: {  	[smem:$0x3FB4] =	sst s8  }
0x11: {  	[smem:$0x3FB5] =	sst s9;
	s0 =	simm.s32 @!p0 $0x0  }
0x12: {  	s1 =	sld [smem:$0x3F9B];
	s0 =	simm.s32 @p0 $0x1  }
0x13: {  	[smem:$0x3FB6] =	sst s0;
	s0 =	simm.s32 @!p1 $0x0  }
0x14: {  	s2 =	sld [smem:$0x3F9A];
	s0 =	simm.s32 @p1 $0x1  }
0x15: {  	[smem:$0x3FB7] =	sst s0;
	s0 =	simm.s32 @!p2 $0x0  }
0x16: {  	s3 =	sld [smem:$0x3FDB];
	s0 =	simm.s32 @p2 $0x1  }
0x17: {  	s4 =	simm.s32 $0x1BF5;
	[smem:$0x3FB9] =	sst s0  }
0x18: {  	s0 =	sld [smem:$0x3F9C];
	_ =	swait.ge [sflag:s4], $0x0  }
0x19: {  	s7 =	sld [smem:$0x3F9D]  }
0x1a: {  	s8 =	sadd.s32 $0xFFFFE003, lr  }
0x1b: {  	s9 =	sadd.s32 $0xFFFFFEF7, lr;
	s5 =	simm.s32 $0xFFFFFFFF;
	p2 =	slt.u32 s8, $0xFFFFF086  }
0x1c: {  	p1 =	slt.u32 s9, $0xF7A;
	s5 =	simm.s32 @!p2 $0x0  }
0x1d: {  	s5 =	simm.s32 @p1 $0x1;
	p0 =	seq.s32 s7, s2  }
0x1e: {  	s7 =	smul.u32 @!p0 $0xF7A, s2;
	p2 =	seq.s32 @!p0 s5, $0x0  }
0x1f: {  	s9 =	smul.u32 $0xF7A, s1;
	s8 =	simm.s32 @!p0 $0x1BF5;
	p2 =	por !p2, p0  }
0x20: {  	[sflag:s8] =	ssyncset.s32 @!p0 $0xFFFFF086;
	s6 =	sadd.s32 @!p0 s3, s7;
	s7 =	simm.s32 @!p0 $0x108  }
0x21: {  	s3 =	sadd.s32 s3, s9;
	s6 =	sadd.s32 @!p0 $0x88, s6;
	s7 =	simm.s32 @p2 $0x1082  }
0x22: {  	[simem:s7], [sflag:s8] =	dma.local @!p0 [hbm:s6], $0xF7A  }
0x23: {  	s9 =	sor.u32 $0xD0000000, s2;
	s6 =	simm.s32 $0x108;
	_ =	swait.ge @!p0 [sflag:s8], $0x0  }
0x24: {  	s3 =	sadd.s32 $0x88, s3;
	s6 =	simm.s32 @!p1 $0x1082;
	[sflag:s4] =	ssyncset.s32 $0xFFFFF086  }
0x25: {  	[simem:s6], [sflag:s4] =	dma.local [hbm:s3], $0xF7A  }
0x26: {  	[smem:$0x3F9D] =	sst s1;
	(tag) =	ssettag s2;
	_ =	strace s9  }
0x27: {  	s1 =	sld [smem:$0x3FAD]  }
0x28: {  	s2 =	sld [smem:$0x3FAE]  }
0x29: {  	s4 =	sld [smem:$0x3FB0]  }
0x2a: {  	p0 =	seq.s32 s5, $0x0;
	s5 =	sld [smem:$0x3FB1]  }
0x2b: {  	s6 =	sld [smem:$0x3FB2]  }
0x2c: {  	s7 =	sld [smem:$0x3FB3]  }
0x2d: {  	s3 =	simm.s32 $0x108;
	s8 =	sld [smem:$0x3FB4]  }
0x2e: {  	s3 =	simm.s32 @!p0 $0x1082;
	s9 =	sld [smem:$0x3FB5]  }
0x2f: {  	lr =	sadd.s32 s0, s3;
	s0 =	sld [smem:$0x3FAC]  }
0x30: {  	s3 =	sld [smem:$0x3FAF]  }
0x31: {  	[smem:$0x3FB8] =	sst s10  }
0x32: {  	s10 =	sld [smem:$0x3FB6];
	_ =	sdelay $0x3  }
0x33: {  	p0 =	seq.s32 s10, $0x1;
	s10 =	sld [smem:$0x3FB8];
	_ =	sdelay $0x3  }
0x34: {  	[smem:$0x3FB8] =	sst s10  }
0x35: {  	s10 =	sld [smem:$0x3FB7];
	_ =	sdelay $0x3  }
0x36: {  	p1 =	seq.s32 s10, $0x1;
	s10 =	sld [smem:$0x3FB8];
	_ =	sdelay $0x3  }
0x37: {  	[smem:$0x3FB8] =	sst s10  }
0x38: {  	s10 =	sld [smem:$0x3FB9]  }
0x39: {  	_ = 	snop;
	(pc) =	sbr.ind lr, $3  }
0x3a: {  	_ = 	snop  }
0x3b: {  	_ = 	snop  }
0x3c: {  	p2 =	seq.s32 s10, $0x1;
	s10 =	sld [smem:$0x3FB8]  }
0x3d: {  	_ =	shalt  }
0x3e: {  	_ =	shalt  }
0x3f: {  	_ =	shalt  }
0x40: {  	_ =	shalt  }
0x41: {  	_ =	shalt  }
0x42: {  	_ =	shalt  }
0x43: {  	_ =	shalt  }
0x44: {  	_ =	shalt  }
0x45: {  	_ =	shalt  }
0x46: {  	_ =	shalt  }
0x47: {  	_ =	shalt  }
0x48: {  	_ =	shalt  }
0x49: {  	_ =	shalt  }
0x4a: {  	_ =	shalt  }
0x4b: {  	_ =	shalt  }
0x4c: {  	_ =	shalt  }
0x4d: {  	_ =	shalt  }
0x4e: {  	_ =	shalt  }
0x4f: {  	_ =	shalt  }
0x50: {  	_ =	shalt  }
0x51: {  	_ =	shalt  }
0x52: {  	_ =	shalt  }
0x53: {  	_ =	shalt  }
0x54: {  	_ =	shalt  }
0x55: {  	_ =	shalt  }
0x56: {  	_ =	shalt  }
0x57: {  	_ =	shalt  }
0x58: {  	_ =	shalt  }
0x59: {  	_ =	shalt  }
0x5a: {  	_ =	shalt  }
0x5b: {  	_ =	shalt  }
0x5c: {  	_ =	shalt  }
0x5d: {  	_ =	shalt  }
0x5e: {  	_ =	shalt  }
0x5f: {  	_ =	shalt  }
0x60: {  	_ =	shalt  }
0x61: {  	_ =	shalt  }
0x62: {  	_ =	shalt  }
0x63: {  	_ =	shalt  }
0x64: {  	_ =	shalt  }
0x65: {  	_ =	shalt  }
0x66: {  	_ =	shalt  }
0x67: {  	_ =	shalt  }
0x68: {  	_ =	shalt  }
0x69: {  	_ =	shalt  }
0x6a: {  	_ =	shalt  }
0x6b: {  	_ =	shalt  }
0x6c: {  	_ =	shalt  }
0x6d: {  	_ =	shalt  }
0x6e: {  	_ =	shalt  }
0x6f: {  	_ =	shalt  }
0x70: {  	_ =	shalt  }
0x71: {  	_ =	shalt  }
0x72: {  	_ =	shalt  }
0x73: {  	_ =	shalt  }
0x74: {  	_ =	shalt  }
0x75: {  	_ =	shalt  }
0x76: {  	_ =	shalt  }
0x77: {  	_ =	shalt  }
0x78: {  	_ =	shalt  }
0x79: {  	_ =	shalt  }
0x7a: {  	_ =	shalt  }
0x7b: {  	_ =	shalt  }
0x7c: {  	_ =	shalt  }
0x7d: {  	_ =	shalt  }
0x7e: {  	_ =	shalt  }
0x7f: {  	_ =	shalt  }
0x80: {  	_ =	shalt  }
0x81: {  	_ =	shalt  }
0x82: {  	_ =	shalt  }
0x83: {  	_ =	shalt  }
0x84: {  	_ =	shalt  }
0x85: {  	_ =	shalt  }
0x86: {  	_ =	shalt  }
0x87: {  	_ =	shalt  }
.Lfunc_end0:
.L_simem_size_0:
called_computation.1_lowered:
.L_overlay_start_0:
0x88: {  	s2 =	sld [smem:$0x3FD9]  }
0x89: {  	s3 =	sld [smem:$0x3FFE];
	_ =	sdelay $0x1  }
0x8a: {  	s1 =	srdreg.scid  }
0x8b: {  	s0 =	sand.u32 $0x1, s1  }
0x8c: {  	s17 =	sshll.u32 s0, $0xA;
	s2 =	sadd.s32 s3, s2  }
0x8d: {  	s2 =	sadd.s32 s2, s17  }
0x8e: {  	[smem:$0x3FC4] =	sst s2  }
0x8f: {  	_ = 	snop  }
0x90: {  	s2 =	sld [smem:$0x3FD0];
	(tm) =	ssettm $0x1  }
0x91: {  	s18 =	sld [smem:$0x3FFB];
	_ =	sdelay $0x3  }
0x92: {  	_ =	strace s18  }
0x93: {  	s3 =	sld [smem:$0x3FFC];
	_ =	sdelay $0x3  }
0x94: {  	_ =	strace s3  }
0x95: {  	s3 =	sld [smem:$0x3FFD];
	_ =	sdelay $0x3  }
0x96: {  	_ =	strace s3  }
0x97: {  	_ =	strace $0x8FFFFFFF  }
0x98: {  	s19 =	sld [smem:$0x3FDB];
	_ =	sdelay $0x1  }
0x99: {  	s4 =	simm.s32 $_scs_section_size  }
0x9a: {  	s5 =	simm.s32 $_size__tile_overlayer_lowered;
	s6 =	simm.s32 $_tile_overlayer_lowered  }
0x9b: {  	s22 =	simm.s32 $0x1BFF;
	s21 =	sshll.u32 s6, $0x1;
	s3 =	sadd.s32 s4, s19  }
0x9c: {  	s7 =	simm.s32 $0x0;
	s20 =	sshll.u32 s5, $0x1;
	s5 =	sadd.s32 s21, s3  }
0x9d: {  	[timem:s7], [sflag:s22] =	dma.local [hbm:s5], s20  }
0x9e: {  	_ =	swait.ge [sflag:s22], s20  }
0x9f: {  	s4 =	ssub.s32 $0x0, s20;
	[sflag:s22] =	ssyncset.done $0x0  }
0xa0: {  	[sflag:s22] =	ssyncadd.s32 s4;
	_ =	sdelay $0x1  }
0xa1: {  	s23 =	simm.s32 $0x1B8B  }
0xa2: {  	_ =	swait.ge [sflag:s23], $0x1  }
0xa3: {  	[sflag:s23] =	ssyncset.done $0x0  }
0xa4: {  	s25 =	simm.s32 $0x1B8E;
	s24 =	sld [smem:$0x3FFE];
	[sflag:s23] =	ssyncadd.s32 $0xFFFFFFFF  }
0xa5: {  	s26 =	simm.s32 $execute0_lowered;
	[smem:$0x3FD2] =	sst s25  }
0xa6: {  	s5 =	sshll.u32 s26, $0x1;
	_ =	strace $0x80000046;
	[dreg:$0x1] =	wrdreg $0xFFFFFFFF  }
0xa7: {  	s28 =	simm.s32 $_size_execute0_lowered;
	s3 =	sadd.s32 s3, s5;
	[dreg:$0x0] =	wrdreg $0x0  }
0xa8: {  	s5 =	sshll.u32 s28, $0x1;
	[dreg:$0x2] =	wrdreg s3  }
0xa9: {  	[dreg:$0x3] =	wrdreg s5  }
0xaa: {  	[dreg:$0x4] =	wrdreg $0xC0  }
0xab: {  	_ =	task [dreg:s7], $0x5FFFF  }
0xac: {  	[dreg:$0x1] =	wrdreg $0xFFFFFFFF  }
0xad: {  	[dreg:$0x0] =	wrdreg $0x60  }
0xae: {  	[dreg:$0x2] =	wrdreg s2  }
0xaf: {  	[dreg:$0x3] =	wrdreg s24  }
0xb0: {  	[dreg:$0x4] =	wrdreg $0xA  }
0xb1: {  	_ =	task.clear_ibuf [dreg:s7], $0x5FFFF;
	_ =	strace $0x90000046  }
0xb2: {  	s29 =	simm.s32 $0xA;
	_ =	strace $0x80000048  }
0xb3: {  	_ =	swait.ge [sflag:s29], $0x1  }
0xb4: {  	[sflag:s29] =	ssyncadd.s32 $0xFFFFFFFF  }
0xb5: {  	_ =	strace $0x90000048  }
0xb6: {  	_ =	sfence  }
0xb7: {  	s30 =	sld [smem:$0x0];
	_ =	sdelay $0x2  }
0xb8: {  	s31 =	sshll.u32 s1, $0xD;
	s1 =	sshrl.u32 s1, $0x2  }
0xb9: {  	s3 =	sand.u32 $0x4000, s31;
	s1 =	sadd.s32 s1, s30  }
0xba: {  	s0 =	sor.u32 s3, s0;
	s1 =	sshll.u32 s1, $0x11  }
0xbb: {  	s0 =	sor.u32 s1, s0  }
0xbc: {  	s0 =	sadd.s32 $0x8F2B, s0  }
0xbd: {  	[sflag:s0] =	ssyncadd.remote.s32 $0x1  }
0xbe: {  	_ =	sfence.sel $0xFFFF  }
0xbf: {  	[dreg:$0x0] =	wrdreg $0xFFFFFFFF;
	(pc) =	sbr.abs _section_cstart, $3  }
0xc0: {  	[dreg:$0x1] =	wrdreg $0xFFFFFFFF  }
0xc1: {  	_ =	task.clear_ibuf [dreg:s7], $0x2FFFF;
	_ =	strace $0x9FFFFFFF  }
0xc2: {  	(tm) =	ssettm $0x7FFFFFFF  }
0xc3: {  	_ =	shalt  }
tec
execute0_lowered:
.L_overlay_start_1:
0x0: {  	(tag) =	ssettag $0x1  }
0x1: {  	s2 =	rddreg [dreg:$0x0];
	s0 =	srdreg.scid  }
0x2: {  	s9 =	stileid.u32;
	s1 =	rddreg [dreg:$0x1];
	s12 =	simm.s32 $0x80  }
0x3: {  	s13 =	simm.s32 $0x400;
	s14 =	simm.s32 $0x1;
	s15 =	simm.s32 $0x800  }
0x4: {  	s20 =	simm.s32 $0x2;
	s21 =	simm.s32 $0x880;
	s22 =	simm.s32 $0x2900  }
0x5: {  	s23 =	simm.s32 $0x3100;
	s24 =	simm.s32 $0x3900;
	s25 =	simm.s32 $0x4100  }
0x6: {  	s28 =	simm.s32 $0x4900;
	s29 =	simm.s32 $0x4;
	s30 =	simm.s32 $0x4B00  }
0x7: {  	s0 =	sand.u32 $0x1, s0;
	s3 =	sshll.u32 s9, $0x1;
	s5 =	sshll.u32 s9, $0xB  }
0x8: {  	s31 =	sshll.u32 s9, $0x8;
	s7 =	sor.u32 s0, s3;
	s3 =	simm.s32 $0x0  }
0x9: {  	s0 =	ssub.s32 $0x2, s0;
	s4 =	sshll.u32 s7, $0x7;
	[smem:$0x7FF] =	sst s3  }
0xa: {  	s26 =	sshrl.u32 s0, $0x1;
	s7 =	sshll.u32 s7, $0xE;
	s6 =	sor.u32 s5, s4  }
0xb: {  	_ =	strace $0x80000047;
	s5 =	sadd.s32 $0x83600, s1;
	s0 =	ssub.s32 s0, s26  }
0xc: {  	s7 =	sadd.s32 s2, s7;
	s8 =	sand.u32 $0x6380, s6;
	s6 =	sadd.s32 $0x3600, s1  }
0xd: {  	[dreg:$0x3] =	wrdreg s7;
	s7 =	sadd.s32 $0x10, s7;
	s8 =	sshrl.u32 s8, $0x3  }
0xe: {  	v0 =	vimm.f32 $0.0e+00;
	v1 =	vlaneseq.u32;
	s0 =	smax.u32 s0, $0x1;
	[dreg:$0x4] =	wrdreg s7;
	s1 =	sadd.s32 s8, s1  }
0xf: {  	v2 =	vimm.s32 $0x0;
	vm0 =	vmmov $0xffff;
	v4 =	vshrl.u32 v1, $0x3;
	s26 =	simm.s32 $0x3;
	[dreg:$0x6] =	wrdreg s0;
	s1 =	sadd.s32 $0x103600, s1  }
0x10: {  	v3 =	vand.u32 $0x7, v1;
	v5 =	vor.u32 $0x8, v1;
	v4 =	vmul.u32 $0x8, v4;
	s7 =	simm.s32 $0x0;
	s8 =	sand.u32 $0xC00, s31;
	[dreg:$0x5] =	wrdreg s1  }
.LBB2_1:
0x11: {  	[dreg:$0x7] =	wrdreg s7;
	s0 =	simm.s32 $0x40;
	s1 =	simm.s32 $0x0  }
.LBB2_2:
0x12: {  	p0 =	sne.s32 s0, $0xFC0;
	[tilespmem:s1+$0x4D00] =	vst v0;
	s1 =	smov.u32 s0;
	s0 =	sadd.s32 $0x40, s0  }
.Ltmp0:
0x13: {  	(pc) =	sbr.rel @p0 .LBB2_2-.Ltmp0, $2  }
0x14: {  	_ =	sdelay $0x2  }
0x15: {  	s1 =	sshra.s32 s1, $0x2  }
0x16: {  	[tilespmem:s1+$0x4D00] =	vst v0;
	s10 =	simm.s32 $0x0;
	s0 =	rddreg [dreg:$0x3]  }
0x17: {  	[tilespmem:s10], [sflag:$0x1] =	stream.strided.gather [hbm4b:s0+s12], $0x400, s13, s12, $0x38;
	[tilespmem:$0x5100] =	vst v63  }
0x18: {  	s31 =	rddreg [dreg:$0x4]  }
0x19: {  	[tilespmem:s13], [sflag:$0x2] =	stream.strided.gather [hbm4b:s31+s12], $0x400, s13, s12, $0x38;
	[tilespmem:$0x5100] =	vst v63  }
.LBB2_4:
0x1a: {  	_ =	swait.ge [sflag:s14], $0x400  }
0x1b: {  	s0 =	simm.s32 $0x40;
	[sflag:s14] =	ssyncset.done $0x0  }
0x1c: {  	v6 =	vimm.s32 $0x0;
	s1 =	simm.s32 $0x4D40;
	s7 =	simm.s32 $0x0;
	[sflag:s14] =	ssyncadd.s32 $0xFFFFFC00  }
.LBB2_5:
0x1d: {  	v7 =	vld [tilespmem:s0+$0xFFFFFFC0];
	_ =	sdelay $0x4  }
0x1e: {  	vm1 =	vge.f32 v7, $0.0e+00  }
0x1f: {  	v7 =	vsel vm1, $0x1, v2  }
0x20: {  	(xrf0) =	vadd.scan.msk.s32 $0xffff, v7;
	_ =	sdelay $0x5  }
0x21: {  	v7, _, _ =	vpop (xrf0)  }
0x22: {  	v7 =	vadd.s32 v7, v6  }
0x23: {  	v7 =	vadd.s32 $0xFFFFFFFF, v7  }
0x24: {  	vm2 =	vlt.s32 v7, $0x20  }
0x25: {  	vm2 =	vmand vm1, vm2;
	_ =	sdelay $0x3  }
0x26: {  	s9 =	sadd.s32 s7, s8  }
0x27: {  	v8 =	vor.u32 s9, v1  }
0x28: {  	[tilespmem:v7+s15+$0x0] =	vst.idx.msk vm2, v8  }
0x29: {  	v7 =	vld [tilespmem:s1+$0xFFFFFFC0];
	_ =	sdelay $0x3  }
0x2a: {  	v8 =	vsel vm2, $0x3F800000, v0  }
0x2b: {  	v7 =	vadd.f32 v8, v7;
	_ =	sdelay $0x1  }
0x2c: {  	[tilespmem:s1+$0xFFFFFFC0] =	vst v7  }
0x2d: {  	v7 =	vld [tilespmem:s0+$0xFFFFFFD0];
	_ =	sdelay $0x4  }
0x2e: {  	vm2 =	vge.f32 v7, $0.0e+00  }
0x2f: {  	v7 =	vsel vm2, $0x1, v2  }
0x30: {  	(xrf0) =	vadd.scan.msk.s32 $0xffff, v7;
	_ =	sdelay $0x1  }
0x31: {  	v7 =	vmpcnt.ones.xlane vm1;
	_ =	sdelay $0x3  }
0x32: {  	v6 =	vadd.s32 v6, v7;
	v7, _, _ =	vpop (xrf0)  }
0x33: {  	v7 =	vadd.s32 v7, v6  }
0x34: {  	v7 =	vadd.s32 $0xFFFFFFFF, v7  }
0x35: {  	vm1 =	vlt.s32 v7, $0x20  }
0x36: {  	vm1 =	vmand vm2, vm1;
	_ =	sdelay $0x3  }
0x37: {  	s11 =	sadd.s32 $0x10, s9  }
0x38: {  	v8 =	vor.u32 s11, v1  }
0x39: {  	[tilespmem:v7+s15+$0x0] =	vst.idx.msk vm1, v8  }
0x3a: {  	v7 =	vld [tilespmem:s1+$0xFFFFFFD0];
	_ =	sdelay $0x3  }
0x3b: {  	v8 =	vsel vm1, $0x3F800000, v0  }
0x3c: {  	v7 =	vadd.f32 v8, v7;
	_ =	sdelay $0x1  }
0x3d: {  	[tilespmem:s1+$0xFFFFFFD0] =	vst v7  }
0x3e: {  	v7 =	vld [tilespmem:s0+$0xFFFFFFE0];
	_ =	sdelay $0x4  }
0x3f: {  	vm1 =	vge.f32 v7, $0.0e+00  }
0x40: {  	v7 =	vsel vm1, $0x1, v2  }
0x41: {  	(xrf0) =	vadd.scan.msk.s32 $0xffff, v7;
	_ =	sdelay $0x1  }
0x42: {  	v7 =	vmpcnt.ones.xlane vm2;
	_ =	sdelay $0x3  }
0x43: {  	v6 =	vadd.s32 v6, v7;
	v7, _, _ =	vpop (xrf0)  }
0x44: {  	v7 =	vadd.s32 v7, v6  }
0x45: {  	v7 =	vadd.s32 $0xFFFFFFFF, v7  }
0x46: {  	vm2 =	vlt.s32 v7, $0x20  }
0x47: {  	vm2 =	vmand vm1, vm2;
	_ =	sdelay $0x3  }
0x48: {  	s16 =	sadd.s32 $0x20, s9  }
0x49: {  	v8 =	vor.u32 s16, v1  }
0x4a: {  	[tilespmem:v7+s15+$0x0] =	vst.idx.msk vm2, v8  }
0x4b: {  	v7 =	vld [tilespmem:s1+$0xFFFFFFE0];
	_ =	sdelay $0x3  }
0x4c: {  	v8 =	vsel vm2, $0x3F800000, v0  }
0x4d: {  	v7 =	vadd.f32 v8, v7;
	_ =	sdelay $0x1  }
0x4e: {  	[tilespmem:s1+$0xFFFFFFE0] =	vst v7  }
0x4f: {  	v7 =	vld [tilespmem:s0+$0xFFFFFFF0];
	_ =	sdelay $0x4  }
0x50: {  	vm2 =	vge.f32 v7, $0.0e+00  }
0x51: {  	v7 =	vsel vm2, $0x1, v2  }
0x52: {  	(xrf0) =	vadd.scan.msk.s32 $0xffff, v7;
	_ =	sdelay $0x1  }
0x53: {  	v7 =	vmpcnt.ones.xlane vm1;
	_ =	sdelay $0x3  }
0x54: {  	v6 =	vadd.s32 v6, v7;
	v7, _, _ =	vpop (xrf0)  }
0x55: {  	v7 =	vadd.s32 v7, v6  }
0x56: {  	v7 =	vadd.s32 $0xFFFFFFFF, v7  }
0x57: {  	vm1 =	vlt.s32 v7, $0x20  }
0x58: {  	vm1 =	vmand vm2, vm1;
	_ =	sdelay $0x3  }
0x59: {  	s17 =	sadd.s32 $0x30, s9  }
0x5a: {  	v8 =	vor.u32 s17, v1  }
0x5b: {  	[tilespmem:v7+s15+$0x0] =	vst.idx.msk vm1, v8  }
0x5c: {  	v7 =	vld [tilespmem:s1+$0xFFFFFFF0];
	_ =	sdelay $0x3  }
0x5d: {  	v8 =	vsel vm1, $0x3F800000, v0  }
0x5e: {  	v7 =	vadd.f32 v8, v7;
	_ =	sdelay $0x1  }
0x5f: {  	[tilespmem:s1+$0xFFFFFFF0] =	vst v7  }
0x60: {  	v7 =	vld [tilespmem:s0+$0x0];
	_ =	sdelay $0x4  }
0x61: {  	vm1 =	vge.f32 v7, $0.0e+00  }
0x62: {  	v7 =	vsel vm1, $0x1, v2  }
0x63: {  	(xrf0) =	vadd.scan.msk.s32 $0xffff, v7;
	_ =	sdelay $0x1  }
0x64: {  	v7 =	vmpcnt.ones.xlane vm2;
	_ =	sdelay $0x3  }
0x65: {  	v6 =	vadd.s32 v6, v7;
	v7, _, _ =	vpop (xrf0)  }
0x66: {  	v7 =	vadd.s32 v7, v6  }
0x67: {  	v7 =	vadd.s32 $0xFFFFFFFF, v7  }
0x68: {  	vm2 =	vlt.s32 v7, $0x20  }
0x69: {  	vm2 =	vmand vm1, vm2;
	_ =	sdelay $0x3  }
0x6a: {  	s18 =	sadd.s32 $0x40, s9  }
0x6b: {  	v8 =	vor.u32 s18, v1  }
0x6c: {  	[tilespmem:v7+s15+$0x0] =	vst.idx.msk vm2, v8  }
0x6d: {  	v7 =	vld [tilespmem:s1+$0x0];
	_ =	sdelay $0x3  }
0x6e: {  	v8 =	vsel vm2, $0x3F800000, v0  }
0x6f: {  	v7 =	vadd.f32 v8, v7;
	_ =	sdelay $0x1  }
0x70: {  	[tilespmem:s1+$0x0] =	vst v7  }
0x71: {  	v7 =	vld [tilespmem:s0+$0x10];
	_ =	sdelay $0x4  }
0x72: {  	vm2 =	vge.f32 v7, $0.0e+00  }
0x73: {  	v7 =	vsel vm2, $0x1, v2  }
0x74: {  	(xrf0) =	vadd.scan.msk.s32 $0xffff, v7;
	_ =	sdelay $0x1  }
0x75: {  	v7 =	vmpcnt.ones.xlane vm1;
	_ =	sdelay $0x3  }
0x76: {  	v6 =	vadd.s32 v6, v7;
	v7, _, _ =	vpop (xrf0)  }
0x77: {  	v7 =	vadd.s32 v7, v6  }
0x78: {  	v7 =	vadd.s32 $0xFFFFFFFF, v7  }
0x79: {  	vm1 =	vlt.s32 v7, $0x20  }
0x7a: {  	vm1 =	vmand vm2, vm1;
	_ =	sdelay $0x3  }
0x7b: {  	s19 =	sadd.s32 $0x50, s9  }
0x7c: {  	v8 =	vor.u32 s19, v1  }
0x7d: {  	[tilespmem:v7+s15+$0x0] =	vst.idx.msk vm1, v8  }
0x7e: {  	v7 =	vld [tilespmem:s1+$0x10];
	_ =	sdelay $0x3  }
0x7f: {  	v8 =	vsel vm1, $0x3F800000, v0  }
0x80: {  	v7 =	vadd.f32 v8, v7;
	_ =	sdelay $0x1  }
0x81: {  	[tilespmem:s1+$0x10] =	vst v7  }
0x82: {  	v7 =	vld [tilespmem:s0+$0x20];
	_ =	sdelay $0x4  }
0x83: {  	vm1 =	vge.f32 v7, $0.0e+00  }
0x84: {  	v7 =	vsel vm1, $0x1, v2  }
0x85: {  	(xrf0) =	vadd.scan.msk.s32 $0xffff, v7;
	_ =	sdelay $0x1  }
0x86: {  	v7 =	vmpcnt.ones.xlane vm2;
	_ =	sdelay $0x3  }
0x87: {  	v6 =	vadd.s32 v6, v7;
	v7, _, _ =	vpop (xrf0)  }
0x88: {  	v7 =	vadd.s32 v7, v6  }
0x89: {  	v7 =	vadd.s32 $0xFFFFFFFF, v7  }
0x8a: {  	vm2 =	vlt.s32 v7, $0x20  }
0x8b: {  	vm2 =	vmand vm1, vm2;
	_ =	sdelay $0x3  }
0x8c: {  	s31 =	sadd.s32 $0x60, s9  }
0x8d: {  	v8 =	vor.u32 s31, v1  }
0x8e: {  	[tilespmem:v7+s15+$0x0] =	vst.idx.msk vm2, v8  }
0x8f: {  	v7 =	vld [tilespmem:s1+$0x20];
	_ =	sdelay $0x3  }
0x90: {  	v8 =	vsel vm2, $0x3F800000, v0  }
0x91: {  	v7 =	vadd.f32 v8, v7;
	_ =	sdelay $0x1  }
0x92: {  	[tilespmem:s1+$0x20] =	vst v7  }
0x93: {  	v7 =	vld [tilespmem:s0+$0x30];
	_ =	sdelay $0x4  }
0x94: {  	vm2 =	vge.f32 v7, $0.0e+00  }
0x95: {  	v7 =	vsel vm2, $0x1, v2  }
0x96: {  	(xrf0) =	vadd.scan.msk.s32 $0xffff, v7;
	_ =	sdelay $0x1  }
0x97: {  	v7 =	vmpcnt.ones.xlane vm1;
	_ =	sdelay $0x3  }
0x98: {  	v6 =	vadd.s32 v6, v7;
	v7, _, _ =	vpop (xrf0)  }
0x99: {  	v7 =	vadd.s32 v7, v6  }
0x9a: {  	v7 =	vadd.s32 $0xFFFFFFFF, v7  }
0x9b: {  	vm1 =	vlt.s32 v7, $0x20  }
0x9c: {  	vm1 =	vmand vm2, vm1;
	_ =	sdelay $0x3  }
0x9d: {  	s9 =	sadd.s32 $0x70, s9  }
0x9e: {  	v8 =	vor.u32 s9, v1  }
0x9f: {  	[tilespmem:v7+s15+$0x0] =	vst.idx.msk vm1, v8  }
0xa0: {  	v7 =	vld [tilespmem:s1+$0x30];
	_ =	sdelay $0x1  }
0xa1: {  	p0 =	sne.s32 s7, $0x380  }
.Ltmp1:
0xa2: {  	_ = 	snop;
	(pc) =	sbr.rel @p0 .LBB2_5-.Ltmp1, $3  }
0xa3: {  	v8 =	vsel vm1, $0x3F800000, v0  }
0xa4: {  	v7 =	vadd.f32 v8, v7;
	v8 =	vmpcnt.ones.xlane vm2;
	_ =	sdelay $0x1  }
0xa5: {  	s7 =	sadd.s32 $0x80, s7;
	s0 =	sadd.s32 $0x80, s0;
	[tilespmem:s1+$0x30] =	vst v7;
	v6 =	vadd.s32 v6, v8;
	s1 =	sadd.s32 $0x80, s1  }
0xa6: {  	v6 =	vld [tilespmem:$0x800];
	_ =	sdelay $0x4  }
0xa7: {  	v7 =	vshll.u32 v6, $0x1  }
0xa8: {  	v6 =	vand.u32 $0x7, v6;
	v7 =	vand.u32 $0xFFFFFFF0, v7  }
0xa9: {  	v6 =	vor.u32 v6, v7  }
0xaa: {  	v7 =	vperm.xlane v6, v3;
	_ =	sdelay $0x1  }
0xab: {  	v6 =	vperm.xlane v6, v5;
	v7 =	vadd.s32 v4, v7;
	_ =	sdelay $0x1  }
0xac: {  	v6 =	vadd.s32 v4, v6;
	_ =	sdelay $0x1  }
0xad: {  	s0 =	simm.s32 $0x0;
	s1 =	simm.s32 $0x900  }
0xae: {  	[tilespmem:s1], [sflag:$0x3] =	stream.indirect_vreg.gather [hbm4b:s5+s0], $0x80, v7, vm0, $0xb8;
	[tilespmem:$0x5100] =	vst v63  }
0xaf: {  	s17 =	simm.s32 $0x1100  }
0xb0: {  	[tilespmem:s17], [sflag:$0x3] =	stream.indirect_vreg.gather [hbm4b:s5+s0], $0x80, v6, vm0, $0xb8;
	[tilespmem:$0x5100] =	vst v63  }
0xb1: {  	v6 =	vld [tilespmem:$0x810];
	_ =	sdelay $0x4  }
0xb2: {  	v7 =	vshll.u32 v6, $0x1  }
0xb3: {  	v6 =	vand.u32 $0x7, v6;
	v7 =	vand.u32 $0xFFFFFFF0, v7  }
0xb4: {  	v6 =	vor.u32 v6, v7  }
0xb5: {  	v7 =	vperm.xlane v6, v3;
	_ =	sdelay $0x1  }
0xb6: {  	s7 =	sshll.u32 s10, $0x1;
	v6 =	vperm.xlane v6, v5;
	v7 =	vadd.s32 v4, v7  }
0xb7: {  	s31 =	smin.u32 s7, $0x7D  }
0xb8: {  	s1 =	sadd.s32 $0x2, s31;
	v6 =	vadd.s32 v4, v6  }
0xb9: {  	s9 =	sadd.s32 s4, s1;
	s1 =	sshll.u32 s1, $0x4  }
0xba: {  	s18 =	simm.s32 $0x1900;
	s9 =	sshll.u32 s9, $0x7;
	s1 =	sand.u32 $0x70, s1  }
0xbb: {  	[tilespmem:s18], [sflag:$0x3] =	stream.indirect_vreg.gather [hbm4b:s5+s0], $0x80, v7, vm0, $0xb8;
	[tilespmem:$0x5100] =	vst v63  }
0xbc: {  	s19 =	simm.s32 $0x2100;
	s9 =	sand.u32 $0xFFC00, s9;
	s1 =	sadd.s32 s2, s1  }
0xbd: {  	[tilespmem:s19], [sflag:$0x3] =	stream.indirect_vreg.gather [hbm4b:s5+s0], $0x80, v6, vm0, $0xb8;
	[tilespmem:$0x5100] =	vst v63  }
0xbe: {  	s1 =	sadd.s32 s9, s1  }
0xbf: {  	[tilespmem:s0], [sflag:$0x1] =	stream.strided.gather [hbm4b:s1+s12], $0x400, s13, s12, $0x38;
	[tilespmem:$0x5100] =	vst v63  }
0xc0: {  	_ =	swait.ge [sflag:s20], $0x400  }
0xc1: {  	[sflag:s20] =	ssyncset.done $0x0  }
0xc2: {  	s9 =	simm.s32 $0x4D40;
	v6 =	vimm.s32 $0x0;
	s1 =	simm.s32 $0x440;
	[sflag:s20] =	ssyncadd.s32 $0xFFFFFC00  }
.LBB2_7:
0xc3: {  	v7 =	vld [tilespmem:s1+$0xFFFFFFC0];
	_ =	sdelay $0x4  }
0xc4: {  	vm1 =	vge.f32 v7, $0.0e+00  }
0xc5: {  	v7 =	vsel vm1, $0x1, v2  }
0xc6: {  	(xrf0) =	vadd.scan.msk.s32 $0xffff, v7;
	_ =	sdelay $0x5  }
0xc7: {  	v7, _, _ =	vpop (xrf0)  }
0xc8: {  	v7 =	vadd.s32 v7, v6  }
0xc9: {  	v7 =	vadd.s32 $0xFFFFFFFF, v7  }
0xca: {  	vm2 =	vlt.s32 v7, $0x20  }
0xcb: {  	vm2 =	vmand vm1, vm2;
	_ =	sdelay $0x3  }
0xcc: {  	s11 =	sadd.s32 s0, s8  }
0xcd: {  	v8 =	vor.u32 s11, v1  }
0xce: {  	[tilespmem:v7+s21+$0x0] =	vst.idx.msk vm2, v8  }
0xcf: {  	v7 =	vld [tilespmem:s9+$0xFFFFFFC0];
	_ =	sdelay $0x3  }
0xd0: {  	v8 =	vsel vm2, $0x3F800000, v0  }
0xd1: {  	v7 =	vadd.f32 v8, v7;
	_ =	sdelay $0x1  }
0xd2: {  	[tilespmem:s9+$0xFFFFFFC0] =	vst v7  }
0xd3: {  	v7 =	vld [tilespmem:s1+$0xFFFFFFD0];
	_ =	sdelay $0x4  }
0xd4: {  	vm2 =	vge.f32 v7, $0.0e+00  }
0xd5: {  	v7 =	vsel vm2, $0x1, v2  }
0xd6: {  	(xrf0) =	vadd.scan.msk.s32 $0xffff, v7;
	_ =	sdelay $0x1  }
0xd7: {  	v7 =	vmpcnt.ones.xlane vm1;
	_ =	sdelay $0x3  }
0xd8: {  	v6 =	vadd.s32 v6, v7;
	v7, _, _ =	vpop (xrf0)  }
0xd9: {  	v7 =	vadd.s32 v7, v6  }
0xda: {  	v7 =	vadd.s32 $0xFFFFFFFF, v7  }
0xdb: {  	vm1 =	vlt.s32 v7, $0x20  }
0xdc: {  	vm1 =	vmand vm2, vm1;
	_ =	sdelay $0x3  }
0xdd: {  	s16 =	sadd.s32 $0x10, s11  }
0xde: {  	v8 =	vor.u32 s16, v1  }
0xdf: {  	[tilespmem:v7+s21+$0x0] =	vst.idx.msk vm1, v8  }
0xe0: {  	v7 =	vld [tilespmem:s9+$0xFFFFFFD0];
	_ =	sdelay $0x3  }
0xe1: {  	v8 =	vsel vm1, $0x3F800000, v0  }
0xe2: {  	v7 =	vadd.f32 v8, v7;
	_ =	sdelay $0x1  }
0xe3: {  	[tilespmem:s9+$0xFFFFFFD0] =	vst v7  }
0xe4: {  	v7 =	vld [tilespmem:s1+$0xFFFFFFE0];
	_ =	sdelay $0x4  }
0xe5: {  	vm1 =	vge.f32 v7, $0.0e+00  }
0xe6: {  	v7 =	vsel vm1, $0x1, v2  }
0xe7: {  	(xrf0) =	vadd.scan.msk.s32 $0xffff, v7;
	_ =	sdelay $0x1  }
0xe8: {  	v7 =	vmpcnt.ones.xlane vm2;
	_ =	sdelay $0x3  }
0xe9: {  	v6 =	vadd.s32 v6, v7;
	v7, _, _ =	vpop (xrf0)  }
0xea: {  	v7 =	vadd.s32 v7, v6  }
0xeb: {  	v7 =	vadd.s32 $0xFFFFFFFF, v7  }
0xec: {  	vm2 =	vlt.s32 v7, $0x20  }
0xed: {  	vm2 =	vmand vm1, vm2;
	_ =	sdelay $0x3  }
0xee: {  	s31 =	sadd.s32 $0x20, s11  }
0xef: {  	v8 =	vor.u32 s31, v1  }
0xf0: {  	[tilespmem:v7+s21+$0x0] =	vst.idx.msk vm2, v8  }
0xf1: {  	v7 =	vld [tilespmem:s9+$0xFFFFFFE0];
	_ =	sdelay $0x3  }
0xf2: {  	v8 =	vsel vm2, $0x3F800000, v0  }
0xf3: {  	v7 =	vadd.f32 v8, v7;
	_ =	sdelay $0x1  }
0xf4: {  	[tilespmem:s9+$0xFFFFFFE0] =	vst v7  }
0xf5: {  	v7 =	vld [tilespmem:s1+$0xFFFFFFF0];
	_ =	sdelay $0x4  }
0xf6: {  	vm2 =	vge.f32 v7, $0.0e+00  }
0xf7: {  	v7 =	vsel vm2, $0x1, v2  }
0xf8: {  	(xrf0) =	vadd.scan.msk.s32 $0xffff, v7;
	_ =	sdelay $0x1  }
0xf9: {  	v7 =	vmpcnt.ones.xlane vm1;
	_ =	sdelay $0x3  }
0xfa: {  	v6 =	vadd.s32 v6, v7;
	v7, _, _ =	vpop (xrf0)  }
0xfb: {  	v7 =	vadd.s32 v7, v6  }
0xfc: {  	v7 =	vadd.s32 $0xFFFFFFFF, v7  }
0xfd: {  	vm1 =	vlt.s32 v7, $0x20  }
0xfe: {  	vm1 =	vmand vm2, vm1;
	_ =	sdelay $0x3  }
0xff: {  	s17 =	sadd.s32 $0x30, s11  }
0x100: {  	v8 =	vor.u32 s17, v1  }
0x101: {  	[tilespmem:v7+s21+$0x0] =	vst.idx.msk vm1, v8  }
0x102: {  	v7 =	vld [tilespmem:s9+$0xFFFFFFF0];
	_ =	sdelay $0x3  }
0x103: {  	v8 =	vsel vm1, $0x3F800000, v0  }
0x104: {  	v7 =	vadd.f32 v8, v7;
	_ =	sdelay $0x1  }
0x105: {  	[tilespmem:s9+$0xFFFFFFF0] =	vst v7  }
0x106: {  	v7 =	vld [tilespmem:s1+$0x0];
	_ =	sdelay $0x4  }
0x107: {  	vm1 =	vge.f32 v7, $0.0e+00  }
0x108: {  	v7 =	vsel vm1, $0x1, v2  }
0x109: {  	(xrf0) =	vadd.scan.msk.s32 $0xffff, v7;
	_ =	sdelay $0x1  }
0x10a: {  	v7 =	vmpcnt.ones.xlane vm2;
	_ =	sdelay $0x3  }
0x10b: {  	v6 =	vadd.s32 v6, v7;
	v7, _, _ =	vpop (xrf0)  }
0x10c: {  	v7 =	vadd.s32 v7, v6  }
0x10d: {  	v7 =	vadd.s32 $0xFFFFFFFF, v7  }
0x10e: {  	vm2 =	vlt.s32 v7, $0x20  }
0x10f: {  	vm2 =	vmand vm1, vm2;
	_ =	sdelay $0x3  }
0x110: {  	s18 =	sadd.s32 $0x40, s11  }
0x111: {  	v8 =	vor.u32 s18, v1  }
0x112: {  	[tilespmem:v7+s21+$0x0] =	vst.idx.msk vm2, v8  }
0x113: {  	v7 =	vld [tilespmem:s9+$0x0];
	_ =	sdelay $0x3  }
0x114: {  	v8 =	vsel vm2, $0x3F800000, v0  }
0x115: {  	v7 =	vadd.f32 v8, v7;
	_ =	sdelay $0x1  }
0x116: {  	[tilespmem:s9+$0x0] =	vst v7  }
0x117: {  	v7 =	vld [tilespmem:s1+$0x10];
	_ =	sdelay $0x4  }
0x118: {  	vm2 =	vge.f32 v7, $0.0e+00  }
0x119: {  	v7 =	vsel vm2, $0x1, v2  }
0x11a: {  	(xrf0) =	vadd.scan.msk.s32 $0xffff, v7;
	_ =	sdelay $0x1  }
0x11b: {  	v7 =	vmpcnt.ones.xlane vm1;
	_ =	sdelay $0x3  }
0x11c: {  	v6 =	vadd.s32 v6, v7;
	v7, _, _ =	vpop (xrf0)  }
0x11d: {  	v7 =	vadd.s32 v7, v6  }
0x11e: {  	v7 =	vadd.s32 $0xFFFFFFFF, v7  }
0x11f: {  	vm1 =	vlt.s32 v7, $0x20  }
0x120: {  	vm1 =	vmand vm2, vm1;
	_ =	sdelay $0x3  }
0x121: {  	s19 =	sadd.s32 $0x50, s11  }
0x122: {  	v8 =	vor.u32 s19, v1  }
0x123: {  	[tilespmem:v7+s21+$0x0] =	vst.idx.msk vm1, v8  }
0x124: {  	v7 =	vld [tilespmem:s9+$0x10];
	_ =	sdelay $0x3  }
0x125: {  	v8 =	vsel vm1, $0x3F800000, v0  }
0x126: {  	v7 =	vadd.f32 v8, v7;
	_ =	sdelay $0x1  }
0x127: {  	[tilespmem:s9+$0x10] =	vst v7  }
0x128: {  	v7 =	vld [tilespmem:s1+$0x20];
	_ =	sdelay $0x4  }
0x129: {  	vm1 =	vge.f32 v7, $0.0e+00  }
0x12a: {  	v7 =	vsel vm1, $0x1, v2  }
0x12b: {  	(xrf0) =	vadd.scan.msk.s32 $0xffff, v7;
	_ =	sdelay $0x1  }
0x12c: {  	v7 =	vmpcnt.ones.xlane vm2;
	_ =	sdelay $0x3  }
0x12d: {  	v6 =	vadd.s32 v6, v7;
	v7, _, _ =	vpop (xrf0)  }
0x12e: {  	v7 =	vadd.s32 v7, v6  }
0x12f: {  	v7 =	vadd.s32 $0xFFFFFFFF, v7  }
0x130: {  	vm2 =	vlt.s32 v7, $0x20  }
0x131: {  	vm2 =	vmand vm1, vm2;
	_ =	sdelay $0x3  }
0x132: {  	s31 =	sadd.s32 $0x60, s11  }
0x133: {  	v8 =	vor.u32 s31, v1  }
0x134: {  	[tilespmem:v7+s21+$0x0] =	vst.idx.msk vm2, v8  }
0x135: {  	v7 =	vld [tilespmem:s9+$0x20];
	_ =	sdelay $0x3  }
0x136: {  	v8 =	vsel vm2, $0x3F800000, v0  }
0x137: {  	v7 =	vadd.f32 v8, v7;
	_ =	sdelay $0x1  }
0x138: {  	[tilespmem:s9+$0x20] =	vst v7  }
0x139: {  	v7 =	vld [tilespmem:s1+$0x30];
	_ =	sdelay $0x4  }
0x13a: {  	vm2 =	vge.f32 v7, $0.0e+00  }
0x13b: {  	v7 =	vsel vm2, $0x1, v2  }
0x13c: {  	(xrf0) =	vadd.scan.msk.s32 $0xffff, v7;
	_ =	sdelay $0x1  }
0x13d: {  	v7 =	vmpcnt.ones.xlane vm1;
	_ =	sdelay $0x3  }
0x13e: {  	v6 =	vadd.s32 v6, v7;
	v7, _, _ =	vpop (xrf0)  }
0x13f: {  	v7 =	vadd.s32 v7, v6  }
0x140: {  	v7 =	vadd.s32 $0xFFFFFFFF, v7  }
0x141: {  	vm1 =	vlt.s32 v7, $0x20  }
0x142: {  	vm1 =	vmand vm2, vm1;
	_ =	sdelay $0x3  }
0x143: {  	s11 =	sadd.s32 $0x70, s11  }
0x144: {  	v8 =	vor.u32 s11, v1  }
0x145: {  	[tilespmem:v7+s21+$0x0] =	vst.idx.msk vm1, v8  }
0x146: {  	v7 =	vld [tilespmem:s9+$0x30];
	_ =	sdelay $0x1  }
0x147: {  	p0 =	sne.s32 s0, $0x380  }
.Ltmp2:
0x148: {  	_ = 	snop;
	(pc) =	sbr.rel @p0 .LBB2_7-.Ltmp2, $3  }
0x149: {  	v8 =	vsel vm1, $0x3F800000, v0  }
0x14a: {  	v7 =	vadd.f32 v8, v7;
	v8 =	vmpcnt.ones.xlane vm2;
	_ =	sdelay $0x1  }
0x14b: {  	s0 =	sadd.s32 $0x80, s0;
	s1 =	sadd.s32 $0x80, s1;
	[tilespmem:s9+$0x30] =	vst v7;
	v6 =	vadd.s32 v6, v8;
	s9 =	sadd.s32 $0x80, s9  }
0x14c: {  	v6 =	vld [tilespmem:$0x880];
	_ =	sdelay $0x4  }
0x14d: {  	v7 =	vshll.u32 v6, $0x1  }
0x14e: {  	v6 =	vand.u32 $0x7, v6;
	v7 =	vand.u32 $0xFFFFFFF0, v7  }
0x14f: {  	v6 =	vor.u32 v6, v7  }
0x150: {  	v7 =	vperm.xlane v6, v3;
	_ =	sdelay $0x1  }
0x151: {  	v6 =	vperm.xlane v6, v5;
	v7 =	vadd.s32 v4, v7;
	_ =	sdelay $0x1  }
0x152: {  	v6 =	vadd.s32 v4, v6;
	_ =	sdelay $0x2  }
0x153: {  	[tilespmem:s22], [sflag:$0x4] =	stream.indirect_vreg.gather [hbm4b:s5+s3], $0x80, v7, vm0, $0xb8;
	[tilespmem:$0x5100] =	vst v63  }
0x154: {  	_ = 	snop  }
0x155: {  	[tilespmem:s23], [sflag:$0x4] =	stream.indirect_vreg.gather [hbm4b:s5+s3], $0x80, v6, vm0, $0xb8;
	[tilespmem:$0x5100] =	vst v63  }
0x156: {  	v6 =	vld [tilespmem:$0x890];
	_ =	sdelay $0x4  }
0x157: {  	v7 =	vshll.u32 v6, $0x1  }
0x158: {  	v6 =	vand.u32 $0x7, v6;
	v7 =	vand.u32 $0xFFFFFFF0, v7  }
0x159: {  	v6 =	vor.u32 v6, v7  }
0x15a: {  	v7 =	vperm.xlane v6, v3;
	_ =	sdelay $0x1  }
0x15b: {  	v6 =	vperm.xlane v6, v5;
	v7 =	vadd.s32 v4, v7  }
0x15c: {  	s0 =	smin.u32 s7, $0x7C  }
0x15d: {  	s0 =	sadd.s32 $0x3, s0;
	v6 =	vadd.s32 v4, v6  }
0x15e: {  	s1 =	sadd.s32 s4, s0;
	s0 =	sshll.u32 s0, $0x4  }
0x15f: {  	s1 =	sshll.u32 s1, $0x7;
	s0 =	sand.u32 $0x70, s0  }
0x160: {  	[tilespmem:s24], [sflag:$0x4] =	stream.indirect_vreg.gather [hbm4b:s5+s3], $0x80, v7, vm0, $0xb8;
	[tilespmem:$0x5100] =	vst v63  }
0x161: {  	s1 =	sand.u32 $0xFFC00, s1;
	s0 =	sadd.s32 s2, s0  }
0x162: {  	[tilespmem:s25], [sflag:$0x4] =	stream.indirect_vreg.gather [hbm4b:s5+s3], $0x80, v6, vm0, $0xb8;
	[tilespmem:$0x5100] =	vst v63  }
0x163: {  	s0 =	sadd.s32 s1, s0  }
0x164: {  	[tilespmem:s13], [sflag:$0x2] =	stream.strided.gather [hbm4b:s0+s12], $0x400, s13, s12, $0x38;
	[tilespmem:$0x5100] =	vst v63  }
0x165: {  	_ =	swait.ge [sflag:s26], $0x2000  }
0x166: {  	p0 =	seq.s32 s10, $0x0;
	[sflag:s26] =	ssyncset.done $0x0  }
0x167: {  	s0 =	simm.s32 @!p0 $0x5;
	[sflag:s26] =	ssyncadd.s32 $0xFFFFE000  }
0x168: {  	s9 =	simm.s32 $0x0;
	s19 =	simm.s32 $0x0;
	_ =	swait.ge @!p0 [sflag:s0], $0x200  }
0x169: {  	s31 =	sand.u32 $0x70, s9;
	s1 =	sand.u32 $0x3FFFFC00, s19;
	[sflag:s0] =	ssyncset.done @!p0 $0x0  }
0x16a: {  	s1 =	sor.u32 s31, s1;
	[sflag:s0] =	ssyncadd.s32 @!p0 $0xFFFFFE00  }
0x16b: {  	v14 =	vld [tilespmem:s1+$0x1100]  }
0x16c: {  	v15 =	vld [tilespmem:s1+$0xC00]  }
0x16d: {  	v6 =	vld [tilespmem:s1+$0xC80]  }
0x16e: {  	v16 =	vld [tilespmem:s1+$0xB00]  }
0x16f: {  	v9 =	vld [tilespmem:s1+$0xB80]  }
0x170: {  	v17 =	vld [tilespmem:s1+$0xA80]  }
0x171: {  	v7 =	vld [tilespmem:s1+$0xA00]  }
0x172: {  	v13 =	vld [tilespmem:s1+$0x900]  }
0x173: {  	v19 =	vld [tilespmem:s1+$0x980]  }
0x174: {  	v12 =	vld [tilespmem:s1+$0x1900]  }
0x175: {  	v10 =	vld [tilespmem:s1+$0x1180]  }
0x176: {  	v8 =	vld [tilespmem:s1+$0x1280]  }
0x177: {  	v11 =	vld [tilespmem:s1+$0x1B00];
	v20 =	vmax.f32 v13, v7;
	v18 =	vadd.f32 v7, v13  }
0x178: {  	s11 =	sor.u32 $0x1, s7;
	s16 =	simm.s32 $0x1;
	s0 =	simm.s32 $0x0;
	v7 =	vld [tilespmem:s1+$0x1480];
	v13 =	vmax.f32 v19, v17;
	v19 =	vadd.f32 v17, v19;
	v17 =	vmax.f32 v20, v16  }
.LBB2_9:
0x179: {  	p1 =	sne.s32 s16, $0xF  }
0x17a: {  	v20 =	vld [tilespmem:s1+$0x1400];
	v16 =	vadd.f32 v16, v18;
	s9 =	sadd.s32 $0x10, s9;
	s17 =	smov.u32 s16;
	s16 =	sadd.s32 $0x1, s16  }
0x17b: {  	v18 =	vld [tilespmem:s1+$0x1200];
	v19 =	vadd.f32 v9, v19  }
0x17c: {  	v21 =	vld [tilespmem:s1+$0x1300];
	v16 =	vadd.f32 v15, v16  }
0x17d: {  	v22 =	vld [tilespmem:s1+$0x1380];
	v19 =	vadd.f32 v6, v19  }
0x17e: {  	v15 =	vmax.f32 v17, v15;
	v23 =	vld [tilespmem:s1+$0x2200];
	v16 =	vadd.f32 v14, v16  }
0x17f: {  	v14 =	vmax.f32 v15, v14;
	v17 =	vld [tilespmem:s1+$0x1A00];
	v15 =	vadd.f32 v10, v19  }
0x180: {  	s19 =	sshll.u32 s17, $0x7;
	v19 =	vld [tilespmem:s1+$0x1C00];
	v14 =	vmax.f32 v14, v18;
	v16 =	vadd.f32 v18, v16  }
0x181: {  	s18 =	sand.u32 $0x70, s9;
	s19 =	sand.u32 $0x3FFFFC00, s19;
	v18 =	vld [tilespmem:s1+$0x1980];
	v15 =	vadd.f32 v8, v15;
	v14 =	vmax.f32 v14, v21  }
0x182: {  	s19 =	sor.u32 s18, s19;
	v24 =	vld [tilespmem:s1+$0x2100];
	v16 =	vadd.f32 v21, v16;
	v14 =	vmax.f32 v14, v20  }
0x183: {  	v21 =	vld [tilespmem:s1+$0x1A80];
	v15 =	vadd.f32 v22, v15;
	v14 =	vmax.f32 v14, v12  }
0x184: {  	v25 =	vld [tilespmem:s1+$0x2300];
	v16 =	vadd.f32 v20, v16;
	v14 =	vmax.f32 v14, v17  }
0x185: {  	v20 =	vld [tilespmem:s1+$0x1B80];
	v15 =	vadd.f32 v7, v15;
	v14 =	vmax.f32 v14, v11  }
0x186: {  	v12 =	vadd.f32 v12, v16;
	v14 =	vmax.f32 v14, v19  }
0x187: {  	v16 =	vld [tilespmem:s1+$0x1C80];
	v15 =	vadd.f32 v18, v15;
	v14 =	vmax.f32 v14, v24  }
0x188: {  	v12 =	vadd.f32 v17, v12;
	v14 =	vmax.f32 v14, v23  }
0x189: {  	v9 =	vmax.f32 v13, v9;
	v17 =	vld [tilespmem:s1+$0x2180];
	v13 =	vadd.f32 v21, v15;
	v14 =	vmax.f32 v14, v25  }
0x18a: {  	v6 =	vmax.f32 v9, v6;
	v9 =	vadd.f32 v11, v12  }
0x18b: {  	v6 =	vmax.f32 v6, v10;
	v11 =	vld [tilespmem:s1+$0x2280];
	v10 =	vadd.f32 v20, v13  }
0x18c: {  	v6 =	vmax.f32 v6, v8;
	v8 =	vadd.f32 v19, v9  }
0x18d: {  	v6 =	vmax.f32 v6, v22;
	v9 =	vld [tilespmem:s1+$0x2380];
	v10 =	vadd.f32 v16, v10  }
0x18e: {  	v6 =	vmax.f32 v6, v7;
	v12 =	vld [tilespmem:s1+$0x2480];
	v7 =	vadd.f32 v24, v8  }
0x18f: {  	v6 =	vmax.f32 v6, v18;
	v8 =	vld [tilespmem:s1+$0x2400];
	v10 =	vadd.f32 v17, v10;
	s1 =	smov.u32 s19  }
0x190: {  	v6 =	vmax.f32 v6, v21;
	v7 =	vadd.f32 v23, v7  }
0x191: {  	v6 =	vmax.f32 v6, v20;
	v10 =	vadd.f32 v11, v10  }
0x192: {  	v6 =	vmax.f32 v6, v16;
	v7 =	vadd.f32 v25, v7  }
0x193: {  	v6 =	vmax.f32 v6, v17;
	v10 =	vadd.f32 v9, v10  }
0x194: {  	v6 =	vmax.f32 v6, v11;
	v7 =	vadd.f32 v8, v7  }
0x195: {  	s19 =	sshll.u32 s0, $0x5;
	s0 =	smov.u32 s17;
	v6 =	vmax.f32 v6, v9;
	v9 =	vadd.f32 v12, v10  }
0x196: {  	s17 =	sand.u32 $0x3FFFFF00, s19;
	v6 =	vmax.f32 v6, v12;
	v8 =	vmax.f32 v14, v8  }
0x197: {  	s17 =	sor.u32 s31, s17;
	s31 =	smov.u32 s18;
	v6 =	vmax.f32 v8, v6;
	v7 =	vadd.f32 v9, v7  }
0x198: {  	[tilespmem:s17+$0x4900] =	vst v6  }
0x199: {  	[tilespmem:s17+$0x4980] =	vst v7  }
0x19a: {  	v14 =	vld [tilespmem:s1+$0x1100]  }
0x19b: {  	v15 =	vld [tilespmem:s1+$0xC00]  }
0x19c: {  	v6 =	vld [tilespmem:s1+$0xC80]  }
0x19d: {  	v16 =	vld [tilespmem:s1+$0xB00]  }
0x19e: {  	v9 =	vld [tilespmem:s1+$0xB80]  }
0x19f: {  	v17 =	vld [tilespmem:s1+$0xA80]  }
0x1a0: {  	v7 =	vld [tilespmem:s1+$0xA00]  }
0x1a1: {  	v13 =	vld [tilespmem:s1+$0x900]  }
0x1a2: {  	v19 =	vld [tilespmem:s1+$0x980]  }
.Ltmp3:
0x1a3: {  	v12 =	vld [tilespmem:s1+$0x1900];
	(pc) =	sbr.rel @p1 .LBB2_9-.Ltmp3, $4  }
0x1a4: {  	v10 =	vld [tilespmem:s1+$0x1180]  }
0x1a5: {  	v8 =	vld [tilespmem:s1+$0x1280]  }
0x1a6: {  	v11 =	vld [tilespmem:s1+$0x1B00];
	v20 =	vmax.f32 v13, v7;
	v18 =	vadd.f32 v7, v13  }
0x1a7: {  	v7 =	vld [tilespmem:s1+$0x1480];
	v13 =	vmax.f32 v19, v17;
	v19 =	vadd.f32 v17, v19;
	v17 =	vmax.f32 v20, v16  }
0x1a8: {  	_ = 	snop  }
0x1a9: {  	v16 =	vadd.f32 v16, v18;
	v18 =	vadd.f32 v9, v19  }
0x1aa: {  	v19 =	vld [tilespmem:s1+$0x1200]  }
0x1ab: {  	v20 =	vld [tilespmem:s1+$0x1300];
	v16 =	vadd.f32 v15, v16;
	v18 =	vadd.f32 v6, v18  }
0x1ac: {  	v21 =	vld [tilespmem:s1+$0x1380]  }
0x1ad: {  	v16 =	vadd.f32 v14, v16;
	v18 =	vadd.f32 v10, v18  }
0x1ae: {  	v22 =	vld [tilespmem:s1+$0x1400]  }
0x1af: {  	v16 =	vadd.f32 v19, v16;
	v18 =	vadd.f32 v8, v18  }
0x1b0: {  	v23 =	vld [tilespmem:s1+$0x1980]  }
0x1b1: {  	v15 =	vmax.f32 v17, v15;
	v17 =	vld [tilespmem:s1+$0x1A00];
	v16 =	vadd.f32 v20, v16;
	v18 =	vadd.f32 v21, v18  }
0x1b2: {  	v14 =	vmax.f32 v15, v14;
	v15 =	vld [tilespmem:s1+$0x1A80]  }
0x1b3: {  	v14 =	vmax.f32 v14, v19;
	v16 =	vadd.f32 v22, v16;
	v18 =	vadd.f32 v7, v18  }
0x1b4: {  	v9 =	vmax.f32 v13, v9;
	v19 =	vld [tilespmem:s1+$0x1B80];
	v14 =	vmax.f32 v14, v20  }
0x1b5: {  	v20 =	vld [tilespmem:s1+$0x1C00];
	v14 =	vmax.f32 v14, v22;
	v16 =	vadd.f32 v12, v16;
	v18 =	vadd.f32 v23, v18  }
0x1b6: {  	v6 =	vmax.f32 v9, v6;
	v12 =	vmax.f32 v14, v12;
	v14 =	vld [tilespmem:s1+$0x1C80]  }
0x1b7: {  	v63 =	vld [tilespmem:s1+$0x2100];
	v6 =	vmax.f32 v6, v10;
	v16 =	vadd.f32 v17, v16;
	v13 =	vadd.f32 v15, v18  }
0x1b8: {  	v6 =	vmax.f32 v6, v8;
	v12 =	vmax.f32 v12, v17;
	v17 =	vld [tilespmem:s1+$0x2180]  }
0x1b9: {  	v9 =	vld [tilespmem:s1+$0x2200];
	v6 =	vmax.f32 v6, v21;
	v16 =	vadd.f32 v11, v16;
	v10 =	vadd.f32 v19, v13  }
0x1ba: {  	v6 =	vmax.f32 v6, v7;
	v11 =	vmax.f32 v12, v11;
	v12 =	vld [tilespmem:s1+$0x2280]  }
0x1bb: {  	v8 =	vld [tilespmem:s1+$0x2300];
	v6 =	vmax.f32 v6, v23;
	v13 =	vadd.f32 v20, v16;
	v10 =	vadd.f32 v14, v10  }
0x1bc: {  	v6 =	vmax.f32 v6, v15;
	v16 =	vld [tilespmem:s1+$0x2380]  }
0x1bd: {  	v7 =	vld [tilespmem:s1+$0x2480];
	v6 =	vmax.f32 v6, v19;
	v13 =	vadd.f32 v63, v13;
	v10 =	vadd.f32 v17, v10  }
0x1be: {  	v18 =	vld [tilespmem:s1+$0x2400];
	v11 =	vmax.f32 v11, v20;
	v6 =	vmax.f32 v6, v14  }
0x1bf: {  	v6 =	vmax.f32 v6, v17;
	v13 =	vadd.f32 v9, v13;
	v10 =	vadd.f32 v12, v10  }
0x1c0: {  	v11 =	vmax.f32 v11, v63;
	v6 =	vmax.f32 v6, v12  }
0x1c1: {  	v9 =	vmax.f32 v11, v9;
	v11 =	vadd.f32 v8, v13;
	v10 =	vadd.f32 v16, v10  }
0x1c2: {  	v6 =	vmax.f32 v6, v16  }
0x1c3: {  	s0 =	sshll.u32 s0, $0x5;
	v8 =	vmax.f32 v9, v8;
	v9 =	vadd.f32 v18, v11;
	v10 =	vadd.f32 v7, v10  }
0x1c4: {  	s0 =	sand.u32 $0x3FFFFF00, s0;
	v6 =	vmax.f32 v6, v7;
	v8 =	vmax.f32 v8, v18  }
0x1c5: {  	s18 =	sadd.s32 s4, s7;
	s0 =	sor.u32 s31, s0;
	v6 =	vmax.f32 v8, v6;
	v7 =	vadd.f32 v10, v9  }
0x1c6: {  	s1 =	sshll.u32 s18, $0x6;
	[tilespmem:s0+$0x4900] =	vst v6  }
0x1c7: {  	s19 =	sadd.s32 s6, s1;
	[tilespmem:s0+$0x4980] =	vst v7  }
0x1c8: {  	[hbm4b:s19+s3] =	stream.linear.scatter [tilespmem:s28], [sflag:$0x5], $0x200, $0x38;
	[tilespmem:$0x5100] =	vst v63  }
0x1c9: {  	_ =	swait.ge [sflag:s29], $0x2000  }
0x1ca: {  	[sflag:s29] =	ssyncset.done $0x0  }
0x1cb: {  	s0 =	simm.s32 @!p0 $0x6;
	[sflag:s29] =	ssyncadd.s32 $0xFFFFE000  }
0x1cc: {  	s9 =	simm.s32 $0x0;
	s31 =	simm.s32 $0x0;
	_ =	swait.ge @!p0 [sflag:s0], $0x200  }
0x1cd: {  	s7 =	sand.u32 $0x70, s9;
	s1 =	sand.u32 $0x3FFFFC00, s31;
	[sflag:s0] =	ssyncset.done @!p0 $0x0  }
0x1ce: {  	s1 =	sor.u32 s7, s1;
	[sflag:s0] =	ssyncadd.s32 @!p0 $0xFFFFFE00  }
0x1cf: {  	v14 =	vld [tilespmem:s1+$0x3100]  }
0x1d0: {  	v15 =	vld [tilespmem:s1+$0x2C00]  }
0x1d1: {  	v6 =	vld [tilespmem:s1+$0x2C80]  }
0x1d2: {  	v16 =	vld [tilespmem:s1+$0x2B00]  }
0x1d3: {  	v9 =	vld [tilespmem:s1+$0x2B80]  }
0x1d4: {  	v17 =	vld [tilespmem:s1+$0x2A80]  }
0x1d5: {  	v7 =	vld [tilespmem:s1+$0x2A00]  }
0x1d6: {  	v13 =	vld [tilespmem:s1+$0x2900]  }
0x1d7: {  	v19 =	vld [tilespmem:s1+$0x2980]  }
0x1d8: {  	v12 =	vld [tilespmem:s1+$0x3900]  }
0x1d9: {  	v10 =	vld [tilespmem:s1+$0x3180]  }
0x1da: {  	v8 =	vld [tilespmem:s1+$0x3280]  }
0x1db: {  	v11 =	vld [tilespmem:s1+$0x3B00];
	v20 =	vmax.f32 v13, v7;
	v18 =	vadd.f32 v7, v13  }
0x1dc: {  	s16 =	simm.s32 $0x1;
	s0 =	simm.s32 $0x0;
	v7 =	vld [tilespmem:s1+$0x3480];
	v13 =	vmax.f32 v19, v17;
	v19 =	vadd.f32 v17, v19;
	v17 =	vmax.f32 v20, v16  }
.LBB2_11:
0x1dd: {  	p0 =	sne.s32 s16, $0xF  }
0x1de: {  	v20 =	vld [tilespmem:s1+$0x3400];
	v16 =	vadd.f32 v16, v18;
	s9 =	sadd.s32 $0x10, s9;
	s17 =	smov.u32 s16;
	s16 =	sadd.s32 $0x1, s16  }
0x1df: {  	v18 =	vld [tilespmem:s1+$0x3200];
	v19 =	vadd.f32 v9, v19  }
0x1e0: {  	v21 =	vld [tilespmem:s1+$0x3300];
	v16 =	vadd.f32 v15, v16  }
0x1e1: {  	v22 =	vld [tilespmem:s1+$0x3380];
	v19 =	vadd.f32 v6, v19  }
0x1e2: {  	v15 =	vmax.f32 v17, v15;
	v23 =	vld [tilespmem:s1+$0x4200];
	v16 =	vadd.f32 v14, v16  }
0x1e3: {  	v14 =	vmax.f32 v15, v14;
	v17 =	vld [tilespmem:s1+$0x3A00];
	v15 =	vadd.f32 v10, v19  }
0x1e4: {  	s19 =	sshll.u32 s17, $0x7;
	v19 =	vld [tilespmem:s1+$0x3C00];
	v14 =	vmax.f32 v14, v18;
	v16 =	vadd.f32 v18, v16  }
0x1e5: {  	s18 =	sand.u32 $0x70, s9;
	s19 =	sand.u32 $0x3FFFFC00, s19;
	v18 =	vld [tilespmem:s1+$0x3980];
	v15 =	vadd.f32 v8, v15;
	v14 =	vmax.f32 v14, v21  }
0x1e6: {  	s19 =	sor.u32 s18, s19;
	v24 =	vld [tilespmem:s1+$0x4100];
	v16 =	vadd.f32 v21, v16;
	v14 =	vmax.f32 v14, v20  }
0x1e7: {  	v21 =	vld [tilespmem:s1+$0x3A80];
	v15 =	vadd.f32 v22, v15;
	v14 =	vmax.f32 v14, v12  }
0x1e8: {  	v25 =	vld [tilespmem:s1+$0x4300];
	v16 =	vadd.f32 v20, v16;
	v14 =	vmax.f32 v14, v17  }
0x1e9: {  	v20 =	vld [tilespmem:s1+$0x3B80];
	v15 =	vadd.f32 v7, v15;
	v14 =	vmax.f32 v14, v11  }
0x1ea: {  	v12 =	vadd.f32 v12, v16;
	v14 =	vmax.f32 v14, v19  }
0x1eb: {  	v16 =	vld [tilespmem:s1+$0x3C80];
	v15 =	vadd.f32 v18, v15;
	v14 =	vmax.f32 v14, v24  }
0x1ec: {  	v12 =	vadd.f32 v17, v12;
	v14 =	vmax.f32 v14, v23  }
0x1ed: {  	v9 =	vmax.f32 v13, v9;
	v17 =	vld [tilespmem:s1+$0x4180];
	v13 =	vadd.f32 v21, v15;
	v14 =	vmax.f32 v14, v25  }
0x1ee: {  	v6 =	vmax.f32 v9, v6;
	v9 =	vadd.f32 v11, v12  }
0x1ef: {  	v6 =	vmax.f32 v6, v10;
	v11 =	vld [tilespmem:s1+$0x4280];
	v10 =	vadd.f32 v20, v13  }
0x1f0: {  	v6 =	vmax.f32 v6, v8;
	v8 =	vadd.f32 v19, v9  }
0x1f1: {  	v6 =	vmax.f32 v6, v22;
	v9 =	vld [tilespmem:s1+$0x4380];
	v10 =	vadd.f32 v16, v10  }
0x1f2: {  	v6 =	vmax.f32 v6, v7;
	v12 =	vld [tilespmem:s1+$0x4480];
	v7 =	vadd.f32 v24, v8  }
0x1f3: {  	v6 =	vmax.f32 v6, v18;
	v8 =	vld [tilespmem:s1+$0x4400];
	v10 =	vadd.f32 v17, v10;
	s1 =	smov.u32 s19  }
0x1f4: {  	v6 =	vmax.f32 v6, v21;
	v7 =	vadd.f32 v23, v7  }
0x1f5: {  	v6 =	vmax.f32 v6, v20;
	v10 =	vadd.f32 v11, v10  }
0x1f6: {  	v6 =	vmax.f32 v6, v16;
	v7 =	vadd.f32 v25, v7  }
0x1f7: {  	v6 =	vmax.f32 v6, v17;
	v10 =	vadd.f32 v9, v10  }
0x1f8: {  	v6 =	vmax.f32 v6, v11;
	v7 =	vadd.f32 v8, v7  }
0x1f9: {  	s19 =	sshll.u32 s0, $0x5;
	s0 =	smov.u32 s17;
	v6 =	vmax.f32 v6, v9;
	v9 =	vadd.f32 v12, v10  }
0x1fa: {  	s17 =	sand.u32 $0x3FFFFF00, s19;
	v6 =	vmax.f32 v6, v12;
	v8 =	vmax.f32 v14, v8  }
0x1fb: {  	s17 =	sor.u32 s7, s17;
	s7 =	smov.u32 s18;
	v6 =	vmax.f32 v8, v6;
	v7 =	vadd.f32 v9, v7  }
0x1fc: {  	[tilespmem:s17+$0x4B00] =	vst v6  }
0x1fd: {  	[tilespmem:s17+$0x4B80] =	vst v7  }
0x1fe: {  	v14 =	vld [tilespmem:s1+$0x3100]  }
0x1ff: {  	v15 =	vld [tilespmem:s1+$0x2C00]  }
0x200: {  	v6 =	vld [tilespmem:s1+$0x2C80]  }
0x201: {  	v16 =	vld [tilespmem:s1+$0x2B00]  }
0x202: {  	v9 =	vld [tilespmem:s1+$0x2B80]  }
0x203: {  	v17 =	vld [tilespmem:s1+$0x2A80]  }
0x204: {  	v7 =	vld [tilespmem:s1+$0x2A00]  }
0x205: {  	v13 =	vld [tilespmem:s1+$0x2900]  }
0x206: {  	v19 =	vld [tilespmem:s1+$0x2980]  }
.Ltmp4:
0x207: {  	v12 =	vld [tilespmem:s1+$0x3900];
	(pc) =	sbr.rel @p0 .LBB2_11-.Ltmp4, $4  }
0x208: {  	v10 =	vld [tilespmem:s1+$0x3180]  }
0x209: {  	v8 =	vld [tilespmem:s1+$0x3280]  }
0x20a: {  	v11 =	vld [tilespmem:s1+$0x3B00];
	v20 =	vmax.f32 v13, v7;
	v18 =	vadd.f32 v7, v13  }
0x20b: {  	v7 =	vld [tilespmem:s1+$0x3480];
	v13 =	vmax.f32 v19, v17;
	v19 =	vadd.f32 v17, v19;
	v17 =	vmax.f32 v20, v16  }
0x20c: {  	_ = 	snop  }
0x20d: {  	v16 =	vadd.f32 v16, v18;
	v40 =	vadd.f32 v9, v19  }
0x20e: {  	v41 =	vld [tilespmem:s1+$0x3200]  }
0x20f: {  	v20 =	vld [tilespmem:s1+$0x3300];
	v16 =	vadd.f32 v15, v16;
	v18 =	vadd.f32 v6, v40  }
0x210: {  	v21 =	vld [tilespmem:s1+$0x3380]  }
0x211: {  	v16 =	vadd.f32 v14, v16;
	v18 =	vadd.f32 v10, v18  }
0x212: {  	v22 =	vld [tilespmem:s1+$0x3400]  }
0x213: {  	v16 =	vadd.f32 v41, v16;
	v18 =	vadd.f32 v8, v18  }
0x214: {  	v23 =	vld [tilespmem:s1+$0x3980]  }
0x215: {  	v43 =	vld [tilespmem:s1+$0x3A00];
	v16 =	vadd.f32 v20, v16;
	v18 =	vadd.f32 v21, v18  }
0x216: {  	v45 =	vld [tilespmem:s1+$0x3A80]  }
0x217: {  	v42 =	vmax.f32 v17, v15;
	v16 =	vadd.f32 v22, v16;
	v18 =	vadd.f32 v7, v18  }
0x218: {  	v46 =	vld [tilespmem:s1+$0x3B80];
	v51 =	vmax.f32 v13, v9;
	v44 =	vmax.f32 v42, v14  }
0x219: {  	v47 =	vld [tilespmem:s1+$0x3C00];
	v6 =	vmax.f32 v51, v6;
	v16 =	vadd.f32 v12, v16;
	v18 =	vadd.f32 v23, v18  }
0x21a: {  	v49 =	vld [tilespmem:s1+$0x3C80];
	v6 =	vmax.f32 v6, v10;
	v14 =	vmax.f32 v44, v41  }
0x21b: {  	v50 =	vld [tilespmem:s1+$0x4100];
	v6 =	vmax.f32 v6, v8;
	v16 =	vadd.f32 v43, v16;
	v52 =	vadd.f32 v45, v18  }
0x21c: {  	v53 =	vld [tilespmem:s1+$0x4180];
	v14 =	vmax.f32 v14, v20;
	v6 =	vmax.f32 v6, v21  }
0x21d: {  	v54 =	vld [tilespmem:s1+$0x4200];
	v6 =	vmax.f32 v6, v7;
	v16 =	vadd.f32 v11, v16;
	v55 =	vadd.f32 v46, v52  }
0x21e: {  	v57 =	vld [tilespmem:s1+$0x4280];
	v14 =	vmax.f32 v14, v22;
	v6 =	vmax.f32 v6, v23  }
0x21f: {  	v58 =	vld [tilespmem:s1+$0x4300];
	v6 =	vmax.f32 v6, v45;
	v59 =	vadd.f32 v47, v16;
	v10 =	vadd.f32 v49, v55  }
0x220: {  	v60 =	vld [tilespmem:s1+$0x4380];
	v48 =	vmax.f32 v14, v12;
	v6 =	vmax.f32 v6, v46  }
0x221: {  	v61 =	vld [tilespmem:s1+$0x4400];
	v6 =	vmax.f32 v6, v49;
	v13 =	vadd.f32 v50, v59;
	v10 =	vadd.f32 v53, v10  }
0x222: {  	v7 =	vld [tilespmem:s1+$0x4480];
	v12 =	vmax.f32 v48, v43;
	v6 =	vmax.f32 v6, v53  }
0x223: {  	v56 =	vmax.f32 v12, v11;
	v13 =	vadd.f32 v54, v13;
	v10 =	vadd.f32 v57, v10  }
0x224: {  	v6 =	vmax.f32 v6, v57;
	v11 =	vmax.f32 v56, v47  }
0x225: {  	v11 =	vmax.f32 v11, v50;
	v62 =	vadd.f32 v58, v13;
	v10 =	vadd.f32 v60, v10  }
0x226: {  	s10 =	sadd.s32 $0x1, s10;
	v6 =	vmax.f32 v6, v60;
	v9 =	vmax.f32 v11, v54  }
0x227: {  	s0 =	sshll.u32 s0, $0x5;
	p0 =	sne.s32 s10, $0x40;
	v8 =	vmax.f32 v9, v58;
	v63 =	vadd.f32 v61, v62;
	v10 =	vadd.f32 v7, v10  }
.Ltmp5:
0x228: {  	s19 =	sadd.s32 s4, s11;
	s0 =	sand.u32 $0x3FFFFF00, s0;
	v6 =	vmax.f32 v6, v7;
	v8 =	vmax.f32 v8, v61;
	(pc) =	sbr.rel @p0 .LBB2_4-.Ltmp5, $4  }
0x229: {  	s0 =	sor.u32 s7, s0;
	s1 =	sshll.u32 s19, $0x6;
	v6 =	vmax.f32 v8, v6;
	v7 =	vadd.f32 v10, v63  }
0x22a: {  	s1 =	sand.u32 $0x1FFFFFC0, s1;
	[tilespmem:s0+$0x4B00] =	vst v6  }
0x22b: {  	s31 =	sadd.s32 s6, s1;
	[tilespmem:s0+$0x4B80] =	vst v7  }
0x22c: {  	[hbm4b:s31+s3] =	stream.linear.scatter [tilespmem:s30], [sflag:$0x6], $0x200, $0x38;
	[tilespmem:$0x5100] =	vst v63  }
0x22d: {  	s0 =	simm.s32 $0x5  }
0x22e: {  	_ =	swait.ge [sflag:s0], $0x200  }
0x22f: {  	[sflag:s0] =	ssyncset.done $0x0  }
0x230: {  	s17 =	simm.s32 $0x6;
	[sflag:s0] =	ssyncadd.s32 $0xFFFFFE00  }
0x231: {  	_ =	swait.ge [sflag:s17], $0x200  }
0x232: {  	[sflag:s17] =	ssyncset.done $0x0  }
0x233: {  	[sflag:s17] =	ssyncadd.s32 $0xFFFFFE00  }
0x234: {  	_ =	swait.ge [sflag:s14], $0x400  }
0x235: {  	[sflag:s14] =	ssyncset.done $0x0  }
0x236: {  	[sflag:s14] =	ssyncadd.s32 $0xFFFFFC00  }
0x237: {  	_ =	swait.ge [sflag:s20], $0x400  }
0x238: {  	s1 =	simm.s32 $0x4D00;
	[sflag:s20] =	ssyncset.done $0x0  }
0x239: {  	s19 =	simm.s32 $0x7;
	s18 =	rddreg [dreg:$0x5];
	[sflag:s20] =	ssyncadd.s32 $0xFFFFFC00  }
0x23a: {  	[hbm4b:s18+s12] =	stream.strided.scatter [tilespmem:s1], [sflag:$0x7], $0x400, s13, s12, $0x38;
	[tilespmem:$0x5100] =	vst v63  }
0x23b: {  	_ =	swait.ge [sflag:s19], $0x400  }
0x23c: {  	s7 =	rddreg [dreg:$0x7]  }
0x23d: {  	s31 =	rddreg [dreg:$0x6];
	s7 =	sadd.s32 $0x1, s7  }
0x23e: {  	p0 =	sne.s32 s7, s31  }
.Ltmp6:
0x23f: {  	_ = 	snop;
	(pc) =	sbr.rel @p0 .LBB2_1-.Ltmp6, $3  }
0x240: {  	_ =	sdelay $0x1  }
0x241: {  	[sflag:s19] =	ssyncset.done $0x0  }
0x242: {  	[sflag:s19] =	ssyncadd.s32 $0xFFFFFC00  }
0x243: {  	_ =	sfence.sel $0x180000  }
0x244: {  	[bflag:$0x0] =	sbarrier.arrive $0xFFFF  }
0x245: {  	_ =	strace $0x90000047  }
0x246: {  	s0 =	stileid.u32;
	[bflag:$0x2] =	sbarrier.arrive $0xFFFF  }
0x247: {  	p0 =	sne.s32 s0, $0x0;
	s0 =	rddreg [dreg:$0x2]  }
0x248: {  	s0 =	sadd.s32 @!p0 $0x100000, s0  }
0x249: {  	[sflag:s0] =	ssyncadd.tile.s32 @!p0 $0x1;
	_ =	shalt  }
.Lfunc_end2:
_tile_overlayer_lowered:
.L_overlay_start_2:
0x24a: {  	(tag) =	ssettag $0x2  }
0x24b: {  	s0 =	rddreg [dreg:$0x0];
	s2 =	stileid.u32  }
0x24c: {  	s1 =	rddreg [dreg:$0x1];
	p0 =	sne.s32 s2, $0x0  }
0x24d: {  	s3 =	rddreg [dreg:$0x2];
	[bflag:$0x3] =	sbarrier.arrive $0xFFFF;
	s2 =	simm.s32 @!p0 $0x1C07  }
0x24e: {  	[timem:s3], [sflag:s2] =	dma.local @!p0 [hbm:s0], s1  }
0x24f: {  	s0 =	simm.s32 @!p0 $0x7  }
0x250: {  	_ =	swait.ge @!p0 [sflag:s0], s1  }
0x251: {  	s1 =	ssub.s32 @!p0 $0x0, s1;
	[sflag:s0] =	ssyncset.done @!p0 $0x0  }
0x252: {  	[sflag:s0] =	ssyncadd.s32 @!p0 s1  }
0x253: {  	[bflag:$0x3] =	sbarrier.arrive $0xFFFF  }
0x254: {  	_ =	shalt  }

</sc_bundles>
